<compile_context>
chip_gen: v7x
topology: tpu7x:2x2x1
jax: 0.10.2.dev20260603
libtpu: 0.0.44.dev20260713+nightly
codegen_flags: <defaults>
</compile_context>

<pallas_src>
import functools

import jax
import jax.numpy as jnp
from jax import lax
from jax.experimental import pallas as pl
from jax.experimental.pallas import tpu as pltpu
from jax.experimental.pallas import tpu_sc as plsc

K = 3
C = 21
NBIN = K * K
H = 128
W = 128
CPR = C * NBIN
ROWPAD = 128
NG = 3
CG = 3 * C

NC = 2
NS = 16
NW = NC * NS
LN = 16
RPD = 128


def _integral_body(x_ref, o_ref):
    x = x_ref[0]
    r = lax.broadcasted_iota(jnp.int32, (H, H), 0)
    c = lax.broadcasted_iota(jnp.int32, (H, H), 1)
    L = (c <= r).astype(jnp.float32)
    dims = (((1,), (2,)), ((), ()))
    A = lax.dot_general(L, x, dims, precision=lax.Precision.HIGHEST)
    I = lax.dot_general(L, A, dims, precision=lax.Precision.HIGHEST)
    o_ref[:, 0:CG] = I.reshape(H * W, CG)


def _integral_table(feature_map):
    B = feature_map.shape[0]
    return pl.pallas_call(
        _integral_body,
        grid=(B, NG),
        in_specs=[pl.BlockSpec((1, CG, H, W), lambda b, g: (b, g, 0, 0))],
        out_specs=pl.BlockSpec((H * W, ROWPAD), lambda b, g: (b * NG + g, 0)),
        out_shape=jax.ShapeDtypeStruct((B * NG * H * W, ROWPAD), jnp.float32),
    )(feature_map)


def _bcast_lane(v, jf):
    dn = lax.GatherDimensionNumbers(offset_dims=(), collapsed_slice_dims=(0,),
                                    start_index_map=(0,))
    return lax.gather(v, jf[:, None], dn, (1,),
                      mode=lax.GatherScatterMode.PROMISE_IN_BOUNDS)


def _ceil_i32(xf):
    t = xf.astype(jnp.int32)
    return t + (xf > t.astype(jnp.float32)).astype(jnp.int32)


def _sc_pool_body(npw, rois_hbm, table_hbm, out_hbm,
                  roi_v, idx_v, rows_v, out_v, sem):
    wid = lax.axis_index("s") * NC + lax.axis_index("c")
    base_roi = wid * npw
    pltpu.sync_copy(rois_hbm.at[pl.ds(base_roi * 5, npw * 5)], roi_v)
    lanes = lax.iota(jnp.int32, LN)
    ngrp = npw // LN
    nrows = NBIN * 4 * LN
    ndma = -(-nrows // RPD)

    for g in range(ngrp):
        rowsel = lanes + g * LN

        def rcol(k):
            return plsc.load_gather(roi_v, [rowsel * 5 + k])

        b = rcol(0).astype(jnp.int32)
        x1 = rcol(1)
        y1 = rcol(2)
        x2 = rcol(3)
        y2 = rcol(4)
        bw = jnp.maximum(x2 - x1, 1.0) * (1.0 / K)
        bh = jnp.maximum(y2 - y1, 1.0) * (1.0 / K)

        mscales = []
        for s in range(NBIN):
            br, bc = s // K, s % K
            ys = jnp.clip((y1 + br * bh).astype(jnp.int32), 0, H - 1)
            ye = jnp.clip(_ceil_i32(y1 + (br + 1) * bh), 1, H)
            xs = jnp.clip((x1 + bc * bw).astype(jnp.int32), 0, W - 1)
            xe = jnp.clip(_ceil_i32(x1 + (bc + 1) * bw), 1, W)
            m2 = (ys > 0).astype(jnp.float32)
            m3 = (xs > 0).astype(jnp.float32)
            ysm = jnp.maximum(ys - 1, 0)
            xsm = jnp.maximum(xs - 1, 0)
            rowbase = (b * NG + s // K) * (H * W)
            r0 = s * 4 * LN
            for corner, ids in enumerate([
                    rowbase + (ye - 1) * W + (xe - 1),
                    rowbase + ysm * W + (xe - 1),
                    rowbase + (ye - 1) * W + xsm,
                    rowbase + ysm * W + xsm]):
                rr = r0 + corner * LN
                plsc.store_scatter(
                    idx_v, [jnp.full((LN,), rr // RPD, jnp.int32),
                            lanes + rr % RPD], ids)
            cnt = ((ye - ys) * (xe - xs)).astype(jnp.float32)
            valid = (ye > ys) & (xe > xs)
            scale = jnp.where(valid, 1.0 / jnp.maximum(cnt, 1.0), 0.0)
            mscales.append((m2, m3, scale))

        copies = []
        for kd in range(ndma):
            nr = min(RPD, nrows - kd * RPD)
            copies.append(pltpu.async_copy(
                table_hbm.at[idx_v.at[kd, pl.ds(0, nr)]],
                rows_v.at[pl.ds(kd * RPD, nr)], sem))

        drained = 0
        for s in range(NBIN):
            need = (s * 4 * LN + 4 * LN - 1) // RPD + 1
            while drained < need:
                copies[drained].wait()
                drained += 1
            m2, m3, scale = mscales[s]
            m4 = m2 * m3
            lane0 = (s % K) * C
            r0 = s * 4 * LN

            def roi_body(j, carry):
                jf = jnp.full((LN,), j, jnp.int32)
                b2 = _bcast_lane(m2, jf)
                b3 = _bcast_lane(m3, jf)
                b4 = b2 * b3
                bs = _bcast_lane(scale, jf)
                obase = (g * LN + j) * CPR + s
                for chunk in range(2):
                    lo = lane0 + chunk * LN
                    t1 = rows_v[r0 + j, pl.ds(lo, LN)]
                    t2 = rows_v[r0 + LN + j, pl.ds(lo, LN)]
                    t3 = rows_v[r0 + 2 * LN + j, pl.ds(lo, LN)]
                    t4 = rows_v[r0 + 3 * LN + j, pl.ds(lo, LN)]
                    res = (t1 - b2 * t2 - b3 * t3 + b4 * t4) * bs
                    oidx = obase + (chunk * LN + lanes) * NBIN
                    if chunk == 0:
                        plsc.store_scatter(out_v, [oidx], res)
                    else:
                        plsc.store_scatter(out_v, [oidx], res,
                                           mask=lanes < C - LN)
                return carry

            lax.fori_loop(0, LN, roi_body, 0)

    pltpu.sync_copy(out_v, out_hbm.at[pl.ds(wid * npw * CPR, npw * CPR)])


@functools.partial(jax.jit, static_argnums=())
def kernel(feature_map, rois):
    n = rois.shape[0]
    npw = -(-n // NW)
    npw = -(-npw // 8) * 8
    npad = npw * NW

    table = _integral_table(feature_map)
    rois_p = jnp.zeros((npad, 5), jnp.float32).at[:n].set(rois).reshape(-1)

    mesh = plsc.VectorSubcoreMesh(core_axis_name="c", subcore_axis_name="s")
    sc_pool = functools.partial(
        pl.kernel,
        mesh=mesh,
        compiler_params=pltpu.CompilerParams(needs_layout_passes=False),
        out_type=jax.ShapeDtypeStruct((npad * CPR,), jnp.float32),
        scratch_types=[
            pltpu.VMEM((npw * 5,), jnp.float32),
            pltpu.VMEM((5, RPD), jnp.int32),
            pltpu.VMEM((NBIN * 4 * LN, ROWPAD), jnp.float32),
            pltpu.VMEM((npw * CPR,), jnp.float32),
            pltpu.SemaphoreType.DMA,
        ],
    )(functools.partial(_sc_pool_body, npw))

    flat = sc_pool(rois_p, table)
    return flat[:n * CPR].reshape(n, C, K, K)

# --- scband reference (transcript-rebuilt; emitter-appended) ---
"""Pipeline reference for scband-psro-ipooling-57251914056455 (READ-ONLY COPY).

The authoritative reference and input builder live on the scoring server;
editing this copy changes nothing except your own understanding.
"""

import jax, jax.numpy as jnp
import numpy as np
import math

K = 3
C = 21
B = 2
CH = K * K * C  # 189
H = 128
W = 128
N = 1000


def setup_inputs(seed: int = 0) -> dict:
    key = jax.random.key(seed)
    k1, k2, k3, k4, k5, k6 = jax.random.split(key, 6)
    feature_map = jax.random.normal(k1, (B, CH, H, W), dtype=jnp.float32)
    bidx = jax.random.randint(k2, (N,), 0, B).astype(jnp.float32)
    x1 = jax.random.uniform(k3, (N,), dtype=jnp.float32) * (W - 32)
    y1 = jax.random.uniform(k4, (N,), dtype=jnp.float32) * (H - 32)
    x2 = x1 + 1.0 + jax.random.uniform(k5, (N,), dtype=jnp.float32) * 30.0
    y2 = y1 + 1.0 + jax.random.uniform(k6, (N,), dtype=jnp.float32) * 30.0
    rois = jnp.stack([bidx, x1, y1, x2, y2], axis=1)
    return {"feature_map": feature_map, "rois": rois}


def _psroi(feature_map, rois):
    h, w = feature_map.shape[2], feature_map.shape[3]
    ygrid = jnp.arange(h, dtype=jnp.int32)
    xgrid = jnp.arange(w, dtype=jnp.int32)

    def per_roi(roi):
        b = roi[0].astype(jnp.int32)
        x1 = roi[1]; y1 = roi[2]
        x2 = roi[3]; y2 = roi[4]
        rw = jnp.maximum(x2 - x1, 1.0)
        rh = jnp.maximum(y2 - y1, 1.0)
        bin_w = rw / K
        bin_h = rh / K
        fmap = feature_map[b]
        bins = []
        for row in range(K):
            for col in range(K):
                idx = row * K + col
                sc = idx * C
                ec = sc + C
                ys = jnp.clip(jnp.floor(y1 + row * bin_h).astype(jnp.int32), 0, h - 1)
                ye = jnp.clip(jnp.ceil(y1 + (row + 1) * bin_h).astype(jnp.int32), 1, h)
                xs = jnp.clip(jnp.floor(x1 + col * bin_w).astype(jnp.int32), 0, w - 1)
                xe = jnp.clip(jnp.ceil(x1 + (col + 1) * bin_w).astype(jnp.int32), 1, w)
                ymask = (ygrid >= ys) & (ygrid < ye)
                xmask = (xgrid >= xs) & (xgrid < xe)
                mask = (ymask[:, None] & xmask[None, :]).astype(feature_map.dtype)
                cnt = jnp.sum(mask)
                s = jnp.sum(fmap[sc:ec] * mask[None, :, :], axis=(1, 2))
                valid = (ye > ys) & (xe > xs)
                mean = s / jnp.maximum(cnt, 1.0)
                bins.append(jnp.where(valid, mean, jnp.zeros((C,), dtype=feature_map.dtype)))
        roi_feat = jnp.stack(bins, axis=1).reshape(C, K, K)
        return roi_feat

    return jax.vmap(per_roi)(rois)


def reference(feature_map, rois):
    return _psroi(feature_map, rois)

if __name__ == "__main__":
    import jax
    _d = setup_inputs()
    print(jax.jit(kernel)(*tuple(_d.values())))

</pallas_src>

<mosaic_0001>
#map = affine_map<(d0, d1) -> (0)>
#map1 = affine_map<(d0, d1) -> (0, 0)>
module attributes {stable_mosaic.version = 14 : i64} {
  func.func @_sc_pool_body(%arg0: i32, %arg1: i32, %arg2: memref<5120xf32, #tpu.memory_space<hbm>>, %arg3: memref<98304x128xf32, #tpu.memory_space<hbm>>, %arg4: memref<193536xf32, #tpu.memory_space<hbm>>, %arg5: memref<160xf32, #tpu.memory_space<vmem>>, %arg6: memref<5x128xi32, #tpu.memory_space<vmem>>, %arg7: memref<576x128xf32, #tpu.memory_space<vmem>>, %arg8: memref<6048xf32, #tpu.memory_space<vmem>>, %arg9: memref<!tpu.dma_semaphore, #tpu.memory_space<semaphore_mem>>) attributes {dimension_semantics = [#tpu.dimension_semantics<core_parallel>, #tpu.dimension_semantics<subcore_parallel>], iteration_bounds = array<i64: 2, 16>, scalar_prefetch = 0 : i64, scratch_operands = 5 : i64, tpu.core_type = #tpu.core_type<sc_vector_subcore>, window_params = [{transform_indices = #map}, {transform_indices = #map1}, {transform_indices = #map}]} {
    %mul3A = arith.constant 2 : i32
    %mul3A_0 = arith.muli %arg1, %mul3A : i32
    %add3A = arith.addi %mul3A_0, %arg0 : i32
    %mul3A_1 = arith.constant 32 : i32
    %mul3A_2 = arith.muli %add3A, %mul3A_1 : i32
    %mul3A_3 = arith.constant 5 : i32
    %mul3A_4 = arith.muli %mul3A_2, %mul3A_3 : i32
    "tpu.region"() ({
      %run_scoped3A = tpu.sem_alloc : memref<!tpu.dma_semaphore, #tpu.memory_space<semaphore_mem>>
      %dma_start3A_3145 = tpu.memref_slice %arg2[%mul3A_4] : memref<5120xf32, #tpu.memory_space<hbm>> -> memref<160xf32, #tpu.memory_space<hbm>>
      %dma_start3A_3146 = tpu.memref_slice %arg2[%mul3A_4] : memref<5120xf32, #tpu.memory_space<hbm>> -> memref<160xf32, #tpu.memory_space<hbm>>
      tpu.enqueue_dma source(%dma_start3A_3146 : memref<160xf32, #tpu.memory_space<hbm>>) target(%arg5 : memref<160xf32, #tpu.memory_space<vmem>>) target_semaphore(%run_scoped3A : memref<!tpu.dma_semaphore, #tpu.memory_space<semaphore_mem>>)
      %dma_wait3A_3147 = tpu.memref_slice %arg2[%mul3A_4] : memref<5120xf32, #tpu.memory_space<hbm>> -> memref<160xf32, #tpu.memory_space<hbm>>
      %dma_wait3A_3148 = tpu.memref_slice %arg2[%mul3A_4] : memref<5120xf32, #tpu.memory_space<hbm>> -> memref<160xf32, #tpu.memory_space<hbm>>
      tpu.wait_dma2 semaphore(%run_scoped3A : memref<!tpu.dma_semaphore, #tpu.memory_space<semaphore_mem>>) src(%dma_wait3A_3148 : memref<160xf32, #tpu.memory_space<hbm>>) dst(%arg5 : memref<160xf32, #tpu.memory_space<vmem>>)
      tpu.yield
    }) : () -> ()
    %iota3A = tpu.iota {dimensions = array<i32: 0>} : vector<16xi32>
    %add3A_5 = arith.constant 0 : i32
    %add3A_6 = vector.broadcast %add3A_5 : i32 to vector<16xi32>
    %add3A_7 = arith.addi %iota3A, %add3A_6 : vector<16xi32>
    %mul3A_8 = arith.constant 5 : i32
    %mul3A_9 = vector.broadcast %mul3A_8 : i32 to vector<16xi32>
    %mul3A_10 = arith.muli %add3A_7, %mul3A_9 : vector<16xi32>
    %add3A_11 = arith.constant 0 : i32
    %add3A_12 = vector.broadcast %add3A_11 : i32 to vector<16xi32>
    %add3A_13 = arith.addi %mul3A_10, %add3A_12 : vector<16xi32>
    %gather3A = tpu.vector_load_idx %arg5[%add3A_13] : memref<160xf32, #tpu.memory_space<vmem>>[vector<16xi32>], vector<16xf32>,
    %convert_element_type3A = arith.fptosi %gather3A : vector<16xf32> to vector<16xi32>
    %mul3A_14 = arith.constant 5 : i32
    %mul3A_15 = vector.broadcast %mul3A_14 : i32 to vector<16xi32>
    %mul3A_16 = arith.muli %add3A_7, %mul3A_15 : vector<16xi32>
    %add3A_17 = arith.constant 1 : i32
    %add3A_18 = vector.broadcast %add3A_17 : i32 to vector<16xi32>
    %add3A_19 = arith.addi %mul3A_16, %add3A_18 : vector<16xi32>
    %gather3A_20 = tpu.vector_load_idx %arg5[%add3A_19] : memref<160xf32, #tpu.memory_space<vmem>>[vector<16xi32>], vector<16xf32>,
    %mul3A_21 = arith.constant 5 : i32
    %mul3A_22 = vector.broadcast %mul3A_21 : i32 to vector<16xi32>
    %mul3A_23 = arith.muli %add3A_7, %mul3A_22 : vector<16xi32>
    %add3A_24 = arith.constant 2 : i32
    %add3A_25 = vector.broadcast %add3A_24 : i32 to vector<16xi32>
    %add3A_26 = arith.addi %mul3A_23, %add3A_25 : vector<16xi32>
    %gather3A_27 = tpu.vector_load_idx %arg5[%add3A_26] : memref<160xf32, #tpu.memory_space<vmem>>[vector<16xi32>], vector<16xf32>,
    %mul3A_28 = arith.constant 5 : i32
    %mul3A_29 = vector.broadcast %mul3A_28 : i32 to vector<16xi32>
    %mul3A_30 = arith.muli %add3A_7, %mul3A_29 : vector<16xi32>
    %add3A_31 = arith.constant 3 : i32
    %add3A_32 = vector.broadcast %add3A_31 : i32 to vector<16xi32>
    %add3A_33 = arith.addi %mul3A_30, %add3A_32 : vector<16xi32>
    %gather3A_34 = tpu.vector_load_idx %arg5[%add3A_33] : memref<160xf32, #tpu.memory_space<vmem>>[vector<16xi32>], vector<16xf32>,
    %mul3A_35 = arith.constant 5 : i32
    %mul3A_36 = vector.broadcast %mul3A_35 : i32 to vector<16xi32>
    %mul3A_37 = arith.muli %add3A_7, %mul3A_36 : vector<16xi32>
    %add3A_38 = arith.constant 4 : i32
    %add3A_39 = vector.broadcast %add3A_38 : i32 to vector<16xi32>
    %add3A_40 = arith.addi %mul3A_37, %add3A_39 : vector<16xi32>
    %gather3A_41 = tpu.vector_load_idx %arg5[%add3A_40] : memref<160xf32, #tpu.memory_space<vmem>>[vector<16xi32>], vector<16xf32>,
    %sub3A = arith.subf %gather3A_34, %gather3A_20 : vector<16xf32>
    %max3A = arith.constant 1.000000e+00 : f32
    %max3A_42 = vector.broadcast %max3A : f32 to vector<16xf32>
    %max3A_43 = arith.maximumf %sub3A, %max3A_42 : vector<16xf32>
    %mul3A_44 = arith.constant 0.333333343 : f32
    %mul3A_45 = vector.broadcast %mul3A_44 : f32 to vector<16xf32>
    %mul3A_46 = arith.mulf %max3A_43, %mul3A_45 : vector<16xf32>
    %sub3A_47 = arith.subf %gather3A_41, %gather3A_27 : vector<16xf32>
    %max3A_48 = arith.constant 1.000000e+00 : f32
    %max3A_49 = vector.broadcast %max3A_48 : f32 to vector<16xf32>
    %max3A_50 = arith.maximumf %sub3A_47, %max3A_49 : vector<16xf32>
    %mul3A_51 = arith.constant 0.333333343 : f32
    %mul3A_52 = vector.broadcast %mul3A_51 : f32 to vector<16xf32>
    %mul3A_53 = arith.mulf %max3A_50, %mul3A_52 : vector<16xf32>
    %mul3A_54 = arith.constant 0.000000e+00 : f32
    %mul3A_55 = vector.broadcast %mul3A_54 : f32 to vector<16xf32>
    %mul3A_56 = arith.mulf %mul3A_55, %mul3A_53 : vector<16xf32>
    %add3A_57 = arith.addf %gather3A_27, %mul3A_56 : vector<16xf32>
    %convert_element_type3A_58 = arith.fptosi %add3A_57 : vector<16xf32> to vector<16xi32>
    %jit3A = arith.constant 0 : i32
    %jit3A_59 = arith.constant 127 : i32
    %max3A_60 = vector.broadcast %jit3A : i32 to vector<16xi32>
    %max3A_61 = arith.maxsi %max3A_60, %convert_element_type3A_58 : vector<16xi32>
    %min3A = vector.broadcast %jit3A_59 : i32 to vector<16xi32>
    %min3A_62 = arith.minsi %min3A, %max3A_61 : vector<16xi32>
    %mul3A_63 = arith.constant 1.000000e+00 : f32
    %mul3A_64 = vector.broadcast %mul3A_63 : f32 to vector<16xf32>
    %mul3A_65 = arith.mulf %mul3A_64, %mul3A_53 : vector<16xf32>
    %add3A_66 = arith.addf %gather3A_27, %mul3A_65 : vector<16xf32>
    %convert_element_type3A_67 = arith.fptosi %add3A_66 : vector<16xf32> to vector<16xi32>
    %convert_element_type3A_68 = arith.sitofp %convert_element_type3A_67 : vector<16xi32> to vector<16xf32>
    %gt3A = arith.cmpf ogt, %add3A_66, %convert_element_type3A_68 : vector<16xf32>
    %convert_element_type3A_69 = arith.extui %gt3A : vector<16xi1> to vector<16xi32>
    %add3A_70 = arith.addi %convert_element_type3A_67, %convert_element_type3A_69 : vector<16xi32>
    %jit3A_71 = arith.constant 1 : i32
    %jit3A_72 = arith.constant 128 : i32
    %max3A_73 = vector.broadcast %jit3A_71 : i32 to vector<16xi32>
    %max3A_74 = arith.maxsi %max3A_73, %add3A_70 : vector<16xi32>
    %min3A_75 = vector.broadcast %jit3A_72 : i32 to vector<16xi32>
    %min3A_76 = arith.minsi %min3A_75, %max3A_74 : vector<16xi32>
    %mul3A_77 = arith.constant 0.000000e+00 : f32
    %mul3A_78 = vector.broadcast %mul3A_77 : f32 to vector<16xf32>
    %mul3A_79 = arith.mulf %mul3A_78, %mul3A_46 : vector<16xf32>
    %add3A_80 = arith.addf %gather3A_20, %mul3A_79 : vector<16xf32>
    %convert_element_type3A_81 = arith.fptosi %add3A_80 : vector<16xf32> to vector<16xi32>
    %jit3A_82 = arith.constant 0 : i32
    %jit3A_83 = arith.constant 127 : i32
    %max3A_84 = vector.broadcast %jit3A_82 : i32 to vector<16xi32>
    %max3A_85 = arith.maxsi %max3A_84, %convert_element_type3A_81 : vector<16xi32>
    %min3A_86 = vector.broadcast %jit3A_83 : i32 to vector<16xi32>
    %min3A_87 = arith.minsi %min3A_86, %max3A_85 : vector<16xi32>
    %mul3A_88 = arith.constant 1.000000e+00 : f32
    %mul3A_89 = vector.broadcast %mul3A_88 : f32 to vector<16xf32>
    %mul3A_90 = arith.mulf %mul3A_89, %mul3A_46 : vector<16xf32>
    %add3A_91 = arith.addf %gather3A_20, %mul3A_90 : vector<16xf32>
    %convert_element_type3A_92 = arith.fptosi %add3A_91 : vector<16xf32> to vector<16xi32>
    %convert_element_type3A_93 = arith.sitofp %convert_element_type3A_92 : vector<16xi32> to vector<16xf32>
    %gt3A_94 = arith.cmpf ogt, %add3A_91, %convert_element_type3A_93 : vector<16xf32>
    %convert_element_type3A_95 = arith.extui %gt3A_94 : vector<16xi1> to vector<16xi32>
    %add3A_96 = arith.addi %convert_element_type3A_92, %convert_element_type3A_95 : vector<16xi32>
    %jit3A_97 = arith.constant 1 : i32
    %jit3A_98 = arith.constant 128 : i32
    %max3A_99 = vector.broadcast %jit3A_97 : i32 to vector<16xi32>
    %max3A_100 = arith.maxsi %max3A_99, %add3A_96 : vector<16xi32>
    %min3A_101 = vector.broadcast %jit3A_98 : i32 to vector<16xi32>
    %min3A_102 = arith.minsi %min3A_101, %max3A_100 : vector<16xi32>
    %gt3A_103 = arith.constant 0 : i32
    %gt3A_104 = vector.broadcast %gt3A_103 : i32 to vector<16xi32>
    %gt3A_105 = arith.cmpi sgt, %min3A_62, %gt3A_104 : vector<16xi32>
    %convert_element_type3A_106 = arith.extui %gt3A_105 : vector<16xi1> to vector<16xi32>
    %convert_element_type3A_107 = arith.sitofp %convert_element_type3A_106 : vector<16xi32> to vector<16xf32>
    %gt3A_108 = arith.constant 0 : i32
    %gt3A_109 = vector.broadcast %gt3A_108 : i32 to vector<16xi32>
    %gt3A_110 = arith.cmpi sgt, %min3A_87, %gt3A_109 : vector<16xi32>
    %convert_element_type3A_111 = arith.extui %gt3A_110 : vector<16xi1> to vector<16xi32>
    %convert_element_type3A_112 = arith.sitofp %convert_element_type3A_111 : vector<16xi32> to vector<16xf32>
    %sub3A_113 = arith.constant 1 : i32
    %sub3A_114 = vector.broadcast %sub3A_113 : i32 to vector<16xi32>
    %sub3A_115 = arith.subi %min3A_62, %sub3A_114 : vector<16xi32>
    %max3A_116 = arith.constant 0 : i32
    %max3A_117 = vector.broadcast %max3A_116 : i32 to vector<16xi32>
    %max3A_118 = arith.maxsi %sub3A_115, %max3A_117 : vector<16xi32>
    %sub3A_119 = arith.constant 1 : i32
    %sub3A_120 = vector.broadcast %sub3A_119 : i32 to vector<16xi32>
    %sub3A_121 = arith.subi %min3A_87, %sub3A_120 : vector<16xi32>
    %max3A_122 = arith.constant 0 : i32
    %max3A_123 = vector.broadcast %max3A_122 : i32 to vector<16xi32>
    %max3A_124 = arith.maxsi %sub3A_121, %max3A_123 : vector<16xi32>
    %mul3A_125 = arith.constant 3 : i32
    %mul3A_126 = vector.broadcast %mul3A_125 : i32 to vector<16xi32>
    %mul3A_127 = arith.muli %convert_element_type3A, %mul3A_126 : vector<16xi32>
    %add3A_128 = arith.constant 0 : i32
    %add3A_129 = vector.broadcast %add3A_128 : i32 to vector<16xi32>
    %add3A_130 = arith.addi %mul3A_127, %add3A_129 : vector<16xi32>
    %mul3A_131 = arith.constant 16384 : i32
    %mul3A_132 = vector.broadcast %mul3A_131 : i32 to vector<16xi32>
    %mul3A_133 = arith.muli %add3A_130, %mul3A_132 : vector<16xi32>
    %sub3A_134 = arith.constant 1 : i32
    %sub3A_135 = vector.broadcast %sub3A_134 : i32 to vector<16xi32>
    %sub3A_136 = arith.subi %min3A_76, %sub3A_135 : vector<16xi32>
    %mul3A_137 = arith.constant 128 : i32
    %mul3A_138 = vector.broadcast %mul3A_137 : i32 to vector<16xi32>
    %mul3A_139 = arith.muli %sub3A_136, %mul3A_138 : vector<16xi32>
    %add3A_140 = arith.addi %mul3A_133, %mul3A_139 : vector<16xi32>
    %sub3A_141 = arith.constant 1 : i32
    %sub3A_142 = vector.broadcast %sub3A_141 : i32 to vector<16xi32>
    %sub3A_143 = arith.subi %min3A_102, %sub3A_142 : vector<16xi32>
    %add3A_144 = arith.addi %add3A_140, %sub3A_143 : vector<16xi32>
    %mul3A_145 = arith.constant 128 : i32
    %mul3A_146 = vector.broadcast %mul3A_145 : i32 to vector<16xi32>
    %mul3A_147 = arith.muli %max3A_118, %mul3A_146 : vector<16xi32>
    %add3A_148 = arith.addi %mul3A_133, %mul3A_147 : vector<16xi32>
    %sub3A_149 = arith.constant 1 : i32
    %sub3A_150 = vector.broadcast %sub3A_149 : i32 to vector<16xi32>
    %sub3A_151 = arith.subi %min3A_102, %sub3A_150 : vector<16xi32>
    %add3A_152 = arith.addi %add3A_148, %sub3A_151 : vector<16xi32>
    %sub3A_153 = arith.constant 1 : i32
    %sub3A_154 = vector.broadcast %sub3A_153 : i32 to vector<16xi32>
    %sub3A_155 = arith.subi %min3A_76, %sub3A_154 : vector<16xi32>
    %mul3A_156 = arith.constant 128 : i32
    %mul3A_157 = vector.broadcast %mul3A_156 : i32 to vector<16xi32>
    %mul3A_158 = arith.muli %sub3A_155, %mul3A_157 : vector<16xi32>
    %add3A_159 = arith.addi %mul3A_133, %mul3A_158 : vector<16xi32>
    %add3A_160 = arith.addi %add3A_159, %max3A_124 : vector<16xi32>
    %mul3A_161 = arith.constant 128 : i32
    %mul3A_162 = vector.broadcast %mul3A_161 : i32 to vector<16xi32>
    %mul3A_163 = arith.muli %max3A_118, %mul3A_162 : vector<16xi32>
    %add3A_164 = arith.addi %mul3A_133, %mul3A_163 : vector<16xi32>
    %add3A_165 = arith.addi %add3A_164, %max3A_124 : vector<16xi32>
    %broadcast_in_dim3A = arith.constant 0 : i32
    %broadcast_in_dim3A_166 = vector.broadcast %broadcast_in_dim3A : i32 to vector<16xi32>
    %add3A_167 = arith.constant 0 : i32
    %add3A_168 = vector.broadcast %add3A_167 : i32 to vector<16xi32>
    %add3A_169 = arith.addi %iota3A, %add3A_168 : vector<16xi32>
    tpu.vector_store_idx %arg6[%broadcast_in_dim3A_166, %add3A_169], %add3A_144 : memref<5x128xi32, #tpu.memory_space<vmem>>[vector<16xi32>, vector<16xi32>], vector<16xi32>,
    %broadcast_in_dim3A_170 = arith.constant 0 : i32
    %broadcast_in_dim3A_171 = vector.broadcast %broadcast_in_dim3A_170 : i32 to vector<16xi32>
    %add3A_172 = arith.constant 16 : i32
    %add3A_173 = vector.broadcast %add3A_172 : i32 to vector<16xi32>
    %add3A_174 = arith.addi %iota3A, %add3A_173 : vector<16xi32>
    tpu.vector_store_idx %arg6[%broadcast_in_dim3A_171, %add3A_174], %add3A_152 : memref<5x128xi32, #tpu.memory_space<vmem>>[vector<16xi32>, vector<16xi32>], vector<16xi32>,
    %broadcast_in_dim3A_175 = arith.constant 0 : i32
    %broadcast_in_dim3A_176 = vector.broadcast %broadcast_in_dim3A_175 : i32 to vector<16xi32>
    %add3A_177 = arith.constant 32 : i32
    %add3A_178 = vector.broadcast %add3A_177 : i32 to vector<16xi32>
    %add3A_179 = arith.addi %iota3A, %add3A_178 : vector<16xi32>
    tpu.vector_store_idx %arg6[%broadcast_in_dim3A_176, %add3A_179], %add3A_160 : memref<5x128xi32, #tpu.memory_space<vmem>>[vector<16xi32>, vector<16xi32>], vector<16xi32>,
    %broadcast_in_dim3A_180 = arith.constant 0 : i32
    %broadcast_in_dim3A_181 = vector.broadcast %broadcast_in_dim3A_180 : i32 to vector<16xi32>
    %add3A_182 = arith.constant 48 : i32
    %add3A_183 = vector.broadcast %add3A_182 : i32 to vector<16xi32>
    %add3A_184 = arith.addi %iota3A, %add3A_183 : vector<16xi32>
    tpu.vector_store_idx %arg6[%broadcast_in_dim3A_181, %add3A_184], %add3A_165 : memref<5x128xi32, #tpu.memory_space<vmem>>[vector<16xi32>, vector<16xi32>], vector<16xi32>,
    %sub3A_185 = arith.subi %min3A_76, %min3A_62 : vector<16xi32>
    %sub3A_186 = arith.subi %min3A_102, %min3A_87 : vector<16xi32>
    %mul3A_187 = arith.muli %sub3A_185, %sub3A_186 : vector<16xi32>
    %convert_element_type3A_188 = arith.sitofp %mul3A_187 : vector<16xi32> to vector<16xf32>
    %gt3A_189 = arith.cmpi sgt, %min3A_76, %min3A_62 : vector<16xi32>
    %gt3A_190 = arith.cmpi sgt, %min3A_102, %min3A_87 : vector<16xi32>
    %and3A = arith.andi %gt3A_189, %gt3A_190 : vector<16xi1>
    %max3A_191 = arith.constant 1.000000e+00 : f32
    %max3A_192 = vector.broadcast %max3A_191 : f32 to vector<16xf32>
    %max3A_193 = arith.maximumf %convert_element_type3A_188, %max3A_192 : vector<16xf32>
    %div3A = arith.constant 1.000000e+00 : f32
    %div3A_194 = vector.broadcast %div3A : f32 to vector<16xf32>
    %div3A_195 = arith.divf %div3A_194, %max3A_193 : vector<16xf32>
    %jit3A_196 = arith.constant 0.000000e+00 : f32
    %broadcast_in_dim3A_197 = vector.broadcast %jit3A_196 : f32 to vector<16xf32>
    %select_n3A = arith.select %and3A, %div3A_195, %broadcast_in_dim3A_197 : vector<16xi1>, vector<16xf32>
    %mul3A_198 = arith.constant 0.000000e+00 : f32
    %mul3A_199 = vector.broadcast %mul3A_198 : f32 to vector<16xf32>
    %mul3A_200 = arith.mulf %mul3A_199, %mul3A_53 : vector<16xf32>
    %add3A_201 = arith.addf %gather3A_27, %mul3A_200 : vector<16xf32>
    %convert_element_type3A_202 = arith.fptosi %add3A_201 : vector<16xf32> to vector<16xi32>
    %jit3A_203 = arith.constant 0 : i32
    %jit3A_204 = arith.constant 127 : i32
    %max3A_205 = vector.broadcast %jit3A_203 : i32 to vector<16xi32>
    %max3A_206 = arith.maxsi %max3A_205, %convert_element_type3A_202 : vector<16xi32>
    %min3A_207 = vector.broadcast %jit3A_204 : i32 to vector<16xi32>
    %min3A_208 = arith.minsi %min3A_207, %max3A_206 : vector<16xi32>
    %mul3A_209 = arith.constant 1.000000e+00 : f32
    %mul3A_210 = vector.broadcast %mul3A_209 : f32 to vector<16xf32>
    %mul3A_211 = arith.mulf %mul3A_210, %mul3A_53 : vector<16xf32>
    %add3A_212 = arith.addf %gather3A_27, %mul3A_211 : vector<16xf32>
    %convert_element_type3A_213 = arith.fptosi %add3A_212 : vector<16xf32> to vector<16xi32>
    %convert_element_type3A_214 = arith.sitofp %convert_element_type3A_213 : vector<16xi32> to vector<16xf32>
    %gt3A_215 = arith.cmpf ogt, %add3A_212, %convert_element_type3A_214 : vector<16xf32>
    %convert_element_type3A_216 = arith.extui %gt3A_215 : vector<16xi1> to vector<16xi32>
    %add3A_217 = arith.addi %convert_element_type3A_213, %convert_element_type3A_216 : vector<16xi32>
    %jit3A_218 = arith.constant 1 : i32
    %jit3A_219 = arith.constant 128 : i32
    %max3A_220 = vector.broadcast %jit3A_218 : i32 to vector<16xi32>
    %max3A_221 = arith.maxsi %max3A_220, %add3A_217 : vector<16xi32>
    %min3A_222 = vector.broadcast %jit3A_219 : i32 to vector<16xi32>
    %min3A_223 = arith.minsi %min3A_222, %max3A_221 : vector<16xi32>
    %mul3A_224 = arith.constant 1.000000e+00 : f32
    %mul3A_225 = vector.broadcast %mul3A_224 : f32 to vector<16xf32>
    %mul3A_226 = arith.mulf %mul3A_225, %mul3A_46 : vector<16xf32>
    %add3A_227 = arith.addf %gather3A_20, %mul3A_226 : vector<16xf32>
    %convert_element_type3A_228 = arith.fptosi %add3A_227 : vector<16xf32> to vector<16xi32>
    %jit3A_229 = arith.constant 0 : i32
    %jit3A_230 = arith.constant 127 : i32
    %max3A_231 = vector.broadcast %jit3A_229 : i32 to vector<16xi32>
    %max3A_232 = arith.maxsi %max3A_231, %convert_element_type3A_228 : vector<16xi32>
    %min3A_233 = vector.broadcast %jit3A_230 : i32 to vector<16xi32>
    %min3A_234 = arith.minsi %min3A_233, %max3A_232 : vector<16xi32>
    %mul3A_235 = arith.constant 2.000000e+00 : f32
    %mul3A_236 = vector.broadcast %mul3A_235 : f32 to vector<16xf32>
    %mul3A_237 = arith.mulf %mul3A_236, %mul3A_46 : vector<16xf32>
    %add3A_238 = arith.addf %gather3A_20, %mul3A_237 : vector<16xf32>
    %convert_element_type3A_239 = arith.fptosi %add3A_238 : vector<16xf32> to vector<16xi32>
    %convert_element_type3A_240 = arith.sitofp %convert_element_type3A_239 : vector<16xi32> to vector<16xf32>
    %gt3A_241 = arith.cmpf ogt, %add3A_238, %convert_element_type3A_240 : vector<16xf32>
    %convert_element_type3A_242 = arith.extui %gt3A_241 : vector<16xi1> to vector<16xi32>
    %add3A_243 = arith.addi %convert_element_type3A_239, %convert_element_type3A_242 : vector<16xi32>
    %jit3A_244 = arith.constant 1 : i32
    %jit3A_245 = arith.constant 128 : i32
    %max3A_246 = vector.broadcast %jit3A_244 : i32 to vector<16xi32>
    %max3A_247 = arith.maxsi %max3A_246, %add3A_243 : vector<16xi32>
    %min3A_248 = vector.broadcast %jit3A_245 : i32 to vector<16xi32>
    %min3A_249 = arith.minsi %min3A_248, %max3A_247 : vector<16xi32>
    %gt3A_250 = arith.constant 0 : i32
    %gt3A_251 = vector.broadcast %gt3A_250 : i32 to vector<16xi32>
    %gt3A_252 = arith.cmpi sgt, %min3A_208, %gt3A_251 : vector<16xi32>
    %convert_element_type3A_253 = arith.extui %gt3A_252 : vector<16xi1> to vector<16xi32>
    %convert_element_type3A_254 = arith.sitofp %convert_element_type3A_253 : vector<16xi32> to vector<16xf32>
    %gt3A_255 = arith.constant 0 : i32
    %gt3A_256 = vector.broadcast %gt3A_255 : i32 to vector<16xi32>
    %gt3A_257 = arith.cmpi sgt, %min3A_234, %gt3A_256 : vector<16xi32>
    %convert_element_type3A_258 = arith.extui %gt3A_257 : vector<16xi1> to vector<16xi32>
    %convert_element_type3A_259 = arith.sitofp %convert_element_type3A_258 : vector<16xi32> to vector<16xf32>
    %sub3A_260 = arith.constant 1 : i32
    %sub3A_261 = vector.broadcast %sub3A_260 : i32 to vector<16xi32>
    %sub3A_262 = arith.subi %min3A_208, %sub3A_261 : vector<16xi32>
    %max3A_263 = arith.constant 0 : i32
    %max3A_264 = vector.broadcast %max3A_263 : i32 to vector<16xi32>
    %max3A_265 = arith.maxsi %sub3A_262, %max3A_264 : vector<16xi32>
    %sub3A_266 = arith.constant 1 : i32
    %sub3A_267 = vector.broadcast %sub3A_266 : i32 to vector<16xi32>
    %sub3A_268 = arith.subi %min3A_234, %sub3A_267 : vector<16xi32>
    %max3A_269 = arith.constant 0 : i32
    %max3A_270 = vector.broadcast %max3A_269 : i32 to vector<16xi32>
    %max3A_271 = arith.maxsi %sub3A_268, %max3A_270 : vector<16xi32>
    %mul3A_272 = arith.constant 3 : i32
    %mul3A_273 = vector.broadcast %mul3A_272 : i32 to vector<16xi32>
    %mul3A_274 = arith.muli %convert_element_type3A, %mul3A_273 : vector<16xi32>
    %add3A_275 = arith.constant 0 : i32
    %add3A_276 = vector.broadcast %add3A_275 : i32 to vector<16xi32>
    %add3A_277 = arith.addi %mul3A_274, %add3A_276 : vector<16xi32>
    %mul3A_278 = arith.constant 16384 : i32
    %mul3A_279 = vector.broadcast %mul3A_278 : i32 to vector<16xi32>
    %mul3A_280 = arith.muli %add3A_277, %mul3A_279 : vector<16xi32>
    %sub3A_281 = arith.constant 1 : i32
    %sub3A_282 = vector.broadcast %sub3A_281 : i32 to vector<16xi32>
    %sub3A_283 = arith.subi %min3A_223, %sub3A_282 : vector<16xi32>
    %mul3A_284 = arith.constant 128 : i32
    %mul3A_285 = vector.broadcast %mul3A_284 : i32 to vector<16xi32>
    %mul3A_286 = arith.muli %sub3A_283, %mul3A_285 : vector<16xi32>
    %add3A_287 = arith.addi %mul3A_280, %mul3A_286 : vector<16xi32>
    %sub3A_288 = arith.constant 1 : i32
    %sub3A_289 = vector.broadcast %sub3A_288 : i32 to vector<16xi32>
    %sub3A_290 = arith.subi %min3A_249, %sub3A_289 : vector<16xi32>
    %add3A_291 = arith.addi %add3A_287, %sub3A_290 : vector<16xi32>
    %mul3A_292 = arith.constant 128 : i32
    %mul3A_293 = vector.broadcast %mul3A_292 : i32 to vector<16xi32>
    %mul3A_294 = arith.muli %max3A_265, %mul3A_293 : vector<16xi32>
    %add3A_295 = arith.addi %mul3A_280, %mul3A_294 : vector<16xi32>
    %sub3A_296 = arith.constant 1 : i32
    %sub3A_297 = vector.broadcast %sub3A_296 : i32 to vector<16xi32>
    %sub3A_298 = arith.subi %min3A_249, %sub3A_297 : vector<16xi32>
    %add3A_299 = arith.addi %add3A_295, %sub3A_298 : vector<16xi32>
    %sub3A_300 = arith.constant 1 : i32
    %sub3A_301 = vector.broadcast %sub3A_300 : i32 to vector<16xi32>
    %sub3A_302 = arith.subi %min3A_223, %sub3A_301 : vector<16xi32>
    %mul3A_303 = arith.constant 128 : i32
    %mul3A_304 = vector.broadcast %mul3A_303 : i32 to vector<16xi32>
    %mul3A_305 = arith.muli %sub3A_302, %mul3A_304 : vector<16xi32>
    %add3A_306 = arith.addi %mul3A_280, %mul3A_305 : vector<16xi32>
    %add3A_307 = arith.addi %add3A_306, %max3A_271 : vector<16xi32>
    %mul3A_308 = arith.constant 128 : i32
    %mul3A_309 = vector.broadcast %mul3A_308 : i32 to vector<16xi32>
    %mul3A_310 = arith.muli %max3A_265, %mul3A_309 : vector<16xi32>
    %add3A_311 = arith.addi %mul3A_280, %mul3A_310 : vector<16xi32>
    %add3A_312 = arith.addi %add3A_311, %max3A_271 : vector<16xi32>
    %broadcast_in_dim3A_313 = arith.constant 0 : i32
    %broadcast_in_dim3A_314 = vector.broadcast %broadcast_in_dim3A_313 : i32 to vector<16xi32>
    %add3A_315 = arith.constant 64 : i32
    %add3A_316 = vector.broadcast %add3A_315 : i32 to vector<16xi32>
    %add3A_317 = arith.addi %iota3A, %add3A_316 : vector<16xi32>
    tpu.vector_store_idx %arg6[%broadcast_in_dim3A_314, %add3A_317], %add3A_291 : memref<5x128xi32, #tpu.memory_space<vmem>>[vector<16xi32>, vector<16xi32>], vector<16xi32>,
    %broadcast_in_dim3A_318 = arith.constant 0 : i32
    %broadcast_in_dim3A_319 = vector.broadcast %broadcast_in_dim3A_318 : i32 to vector<16xi32>
    %add3A_320 = arith.constant 80 : i32
    %add3A_321 = vector.broadcast %add3A_320 : i32 to vector<16xi32>
    %add3A_322 = arith.addi %iota3A, %add3A_321 : vector<16xi32>
    tpu.vector_store_idx %arg6[%broadcast_in_dim3A_319, %add3A_322], %add3A_299 : memref<5x128xi32, #tpu.memory_space<vmem>>[vector<16xi32>, vector<16xi32>], vector<16xi32>,
    %broadcast_in_dim3A_323 = arith.constant 0 : i32
    %broadcast_in_dim3A_324 = vector.broadcast %broadcast_in_dim3A_323 : i32 to vector<16xi32>
    %add3A_325 = arith.constant 96 : i32
    %add3A_326 = vector.broadcast %add3A_325 : i32 to vector<16xi32>
    %add3A_327 = arith.addi %iota3A, %add3A_326 : vector<16xi32>
    tpu.vector_store_idx %arg6[%broadcast_in_dim3A_324, %add3A_327], %add3A_307 : memref<5x128xi32, #tpu.memory_space<vmem>>[vector<16xi32>, vector<16xi32>], vector<16xi32>,
    %broadcast_in_dim3A_328 = arith.constant 0 : i32
    %broadcast_in_dim3A_329 = vector.broadcast %broadcast_in_dim3A_328 : i32 to vector<16xi32>
    %add3A_330 = arith.constant 112 : i32
    %add3A_331 = vector.broadcast %add3A_330 : i32 to vector<16xi32>
    %add3A_332 = arith.addi %iota3A, %add3A_331 : vector<16xi32>
    tpu.vector_store_idx %arg6[%broadcast_in_dim3A_329, %add3A_332], %add3A_312 : memref<5x128xi32, #tpu.memory_space<vmem>>[vector<16xi32>, vector<16xi32>], vector<16xi32>,
    %sub3A_333 = arith.subi %min3A_223, %min3A_208 : vector<16xi32>
    %sub3A_334 = arith.subi %min3A_249, %min3A_234 : vector<16xi32>
    %mul3A_335 = arith.muli %sub3A_333, %sub3A_334 : vector<16xi32>
    %convert_element_type3A_336 = arith.sitofp %mul3A_335 : vector<16xi32> to vector<16xf32>
    %gt3A_337 = arith.cmpi sgt, %min3A_223, %min3A_208 : vector<16xi32>
    %gt3A_338 = arith.cmpi sgt, %min3A_249, %min3A_234 : vector<16xi32>
    %and3A_339 = arith.andi %gt3A_337, %gt3A_338 : vector<16xi1>
    %max3A_340 = arith.constant 1.000000e+00 : f32
    %max3A_341 = vector.broadcast %max3A_340 : f32 to vector<16xf32>
    %max3A_342 = arith.maximumf %convert_element_type3A_336, %max3A_341 : vector<16xf32>
    %div3A_343 = arith.constant 1.000000e+00 : f32
    %div3A_344 = vector.broadcast %div3A_343 : f32 to vector<16xf32>
    %div3A_345 = arith.divf %div3A_344, %max3A_342 : vector<16xf32>
    %jit3A_346 = arith.constant 0.000000e+00 : f32
    %broadcast_in_dim3A_347 = vector.broadcast %jit3A_346 : f32 to vector<16xf32>
    %select_n3A_348 = arith.select %and3A_339, %div3A_345, %broadcast_in_dim3A_347 : vector<16xi1>, vector<16xf32>
    %mul3A_349 = arith.constant 0.000000e+00 : f32
    %mul3A_350 = vector.broadcast %mul3A_349 : f32 to vector<16xf32>
    %mul3A_351 = arith.mulf %mul3A_350, %mul3A_53 : vector<16xf32>
    %add3A_352 = arith.addf %gather3A_27, %mul3A_351 : vector<16xf32>
    %convert_element_type3A_353 = arith.fptosi %add3A_352 : vector<16xf32> to vector<16xi32>
    %jit3A_354 = arith.constant 0 : i32
    %jit3A_355 = arith.constant 127 : i32
    %max3A_356 = vector.broadcast %jit3A_354 : i32 to vector<16xi32>
    %max3A_357 = arith.maxsi %max3A_356, %convert_element_type3A_353 : vector<16xi32>
    %min3A_358 = vector.broadcast %jit3A_355 : i32 to vector<16xi32>
    %min3A_359 = arith.minsi %min3A_358, %max3A_357 : vector<16xi32>
    %mul3A_360 = arith.constant 1.000000e+00 : f32
    %mul3A_361 = vector.broadcast %mul3A_360 : f32 to vector<16xf32>
    %mul3A_362 = arith.mulf %mul3A_361, %mul3A_53 : vector<16xf32>
    %add3A_363 = arith.addf %gather3A_27, %mul3A_362 : vector<16xf32>
    %convert_element_type3A_364 = arith.fptosi %add3A_363 : vector<16xf32> to vector<16xi32>
    %convert_element_type3A_365 = arith.sitofp %convert_element_type3A_364 : vector<16xi32> to vector<16xf32>
    %gt3A_366 = arith.cmpf ogt, %add3A_363, %convert_element_type3A_365 : vector<16xf32>
    %convert_element_type3A_367 = arith.extui %gt3A_366 : vector<16xi1> to vector<16xi32>
    %add3A_368 = arith.addi %convert_element_type3A_364, %convert_element_type3A_367 : vector<16xi32>
    %jit3A_369 = arith.constant 1 : i32
    %jit3A_370 = arith.constant 128 : i32
    %max3A_371 = vector.broadcast %jit3A_369 : i32 to vector<16xi32>
    %max3A_372 = arith.maxsi %max3A_371, %add3A_368 : vector<16xi32>
    %min3A_373 = vector.broadcast %jit3A_370 : i32 to vector<16xi32>
    %min3A_374 = arith.minsi %min3A_373, %max3A_372 : vector<16xi32>
    %mul3A_375 = arith.constant 2.000000e+00 : f32
    %mul3A_376 = vector.broadcast %mul3A_375 : f32 to vector<16xf32>
    %mul3A_377 = arith.mulf %mul3A_376, %mul3A_46 : vector<16xf32>
    %add3A_378 = arith.addf %gather3A_20, %mul3A_377 : vector<16xf32>
    %convert_element_type3A_379 = arith.fptosi %add3A_378 : vector<16xf32> to vector<16xi32>
    %jit3A_380 = arith.constant 0 : i32
    %jit3A_381 = arith.constant 127 : i32
    %max3A_382 = vector.broadcast %jit3A_380 : i32 to vector<16xi32>
    %max3A_383 = arith.maxsi %max3A_382, %convert_element_type3A_379 : vector<16xi32>
    %min3A_384 = vector.broadcast %jit3A_381 : i32 to vector<16xi32>
    %min3A_385 = arith.minsi %min3A_384, %max3A_383 : vector<16xi32>
    %mul3A_386 = arith.constant 3.000000e+00 : f32
    %mul3A_387 = vector.broadcast %mul3A_386 : f32 to vector<16xf32>
    %mul3A_388 = arith.mulf %mul3A_387, %mul3A_46 : vector<16xf32>
    %add3A_389 = arith.addf %gather3A_20, %mul3A_388 : vector<16xf32>
    %convert_element_type3A_390 = arith.fptosi %add3A_389 : vector<16xf32> to vector<16xi32>
    %convert_element_type3A_391 = arith.sitofp %convert_element_type3A_390 : vector<16xi32> to vector<16xf32>
    %gt3A_392 = arith.cmpf ogt, %add3A_389, %convert_element_type3A_391 : vector<16xf32>
    %convert_element_type3A_393 = arith.extui %gt3A_392 : vector<16xi1> to vector<16xi32>
    %add3A_394 = arith.addi %convert_element_type3A_390, %convert_element_type3A_393 : vector<16xi32>
    %jit3A_395 = arith.constant 1 : i32
    %jit3A_396 = arith.constant 128 : i32
    %max3A_397 = vector.broadcast %jit3A_395 : i32 to vector<16xi32>
    %max3A_398 = arith.maxsi %max3A_397, %add3A_394 : vector<16xi32>
    %min3A_399 = vector.broadcast %jit3A_396 : i32 to vector<16xi32>
    %min3A_400 = arith.minsi %min3A_399, %max3A_398 : vector<16xi32>
    %gt3A_401 = arith.constant 0 : i32
    %gt3A_402 = vector.broadcast %gt3A_401 : i32 to vector<16xi32>
    %gt3A_403 = arith.cmpi sgt, %min3A_359, %gt3A_402 : vector<16xi32>
    %convert_element_type3A_404 = arith.extui %gt3A_403 : vector<16xi1> to vector<16xi32>
    %convert_element_type3A_405 = arith.sitofp %convert_element_type3A_404 : vector<16xi32> to vector<16xf32>
    %gt3A_406 = arith.constant 0 : i32
    %gt3A_407 = vector.broadcast %gt3A_406 : i32 to vector<16xi32>
    %gt3A_408 = arith.cmpi sgt, %min3A_385, %gt3A_407 : vector<16xi32>
    %convert_element_type3A_409 = arith.extui %gt3A_408 : vector<16xi1> to vector<16xi32>
    %convert_element_type3A_410 = arith.sitofp %convert_element_type3A_409 : vector<16xi32> to vector<16xf32>
    %sub3A_411 = arith.constant 1 : i32
    %sub3A_412 = vector.broadcast %sub3A_411 : i32 to vector<16xi32>
    %sub3A_413 = arith.subi %min3A_359, %sub3A_412 : vector<16xi32>
    %max3A_414 = arith.constant 0 : i32
    %max3A_415 = vector.broadcast %max3A_414 : i32 to vector<16xi32>
    %max3A_416 = arith.maxsi %sub3A_413, %max3A_415 : vector<16xi32>
    %sub3A_417 = arith.constant 1 : i32
    %sub3A_418 = vector.broadcast %sub3A_417 : i32 to vector<16xi32>
    %sub3A_419 = arith.subi %min3A_385, %sub3A_418 : vector<16xi32>
    %max3A_420 = arith.constant 0 : i32
    %max3A_421 = vector.broadcast %max3A_420 : i32 to vector<16xi32>
    %max3A_422 = arith.maxsi %sub3A_419, %max3A_421 : vector<16xi32>
    %mul3A_423 = arith.constant 3 : i32
    %mul3A_424 = vector.broadcast %mul3A_423 : i32 to vector<16xi32>
    %mul3A_425 = arith.muli %convert_element_type3A, %mul3A_424 : vector<16xi32>
    %add3A_426 = arith.constant 0 : i32
    %add3A_427 = vector.broadcast %add3A_426 : i32 to vector<16xi32>
    %add3A_428 = arith.addi %mul3A_425, %add3A_427 : vector<16xi32>
    %mul3A_429 = arith.constant 16384 : i32
    %mul3A_430 = vector.broadcast %mul3A_429 : i32 to vector<16xi32>
    %mul3A_431 = arith.muli %add3A_428, %mul3A_430 : vector<16xi32>
    %sub3A_432 = arith.constant 1 : i32
    %sub3A_433 = vector.broadcast %sub3A_432 : i32 to vector<16xi32>
    %sub3A_434 = arith.subi %min3A_374, %sub3A_433 : vector<16xi32>
    %mul3A_435 = arith.constant 128 : i32
    %mul3A_436 = vector.broadcast %mul3A_435 : i32 to vector<16xi32>
    %mul3A_437 = arith.muli %sub3A_434, %mul3A_436 : vector<16xi32>
    %add3A_438 = arith.addi %mul3A_431, %mul3A_437 : vector<16xi32>
    %sub3A_439 = arith.constant 1 : i32
    %sub3A_440 = vector.broadcast %sub3A_439 : i32 to vector<16xi32>
    %sub3A_441 = arith.subi %min3A_400, %sub3A_440 : vector<16xi32>
    %add3A_442 = arith.addi %add3A_438, %sub3A_441 : vector<16xi32>
    %mul3A_443 = arith.constant 128 : i32
    %mul3A_444 = vector.broadcast %mul3A_443 : i32 to vector<16xi32>
    %mul3A_445 = arith.muli %max3A_416, %mul3A_444 : vector<16xi32>
    %add3A_446 = arith.addi %mul3A_431, %mul3A_445 : vector<16xi32>
    %sub3A_447 = arith.constant 1 : i32
    %sub3A_448 = vector.broadcast %sub3A_447 : i32 to vector<16xi32>
    %sub3A_449 = arith.subi %min3A_400, %sub3A_448 : vector<16xi32>
    %add3A_450 = arith.addi %add3A_446, %sub3A_449 : vector<16xi32>
    %sub3A_451 = arith.constant 1 : i32
    %sub3A_452 = vector.broadcast %sub3A_451 : i32 to vector<16xi32>
    %sub3A_453 = arith.subi %min3A_374, %sub3A_452 : vector<16xi32>
    %mul3A_454 = arith.constant 128 : i32
    %mul3A_455 = vector.broadcast %mul3A_454 : i32 to vector<16xi32>
    %mul3A_456 = arith.muli %sub3A_453, %mul3A_455 : vector<16xi32>
    %add3A_457 = arith.addi %mul3A_431, %mul3A_456 : vector<16xi32>
    %add3A_458 = arith.addi %add3A_457, %max3A_422 : vector<16xi32>
    %mul3A_459 = arith.constant 128 : i32
    %mul3A_460 = vector.broadcast %mul3A_459 : i32 to vector<16xi32>
    %mul3A_461 = arith.muli %max3A_416, %mul3A_460 : vector<16xi32>
    %add3A_462 = arith.addi %mul3A_431, %mul3A_461 : vector<16xi32>
    %add3A_463 = arith.addi %add3A_462, %max3A_422 : vector<16xi32>
    %broadcast_in_dim3A_464 = arith.constant 1 : i32
    %broadcast_in_dim3A_465 = vector.broadcast %broadcast_in_dim3A_464 : i32 to vector<16xi32>
    %add3A_466 = arith.constant 0 : i32
    %add3A_467 = vector.broadcast %add3A_466 : i32 to vector<16xi32>
    %add3A_468 = arith.addi %iota3A, %add3A_467 : vector<16xi32>
    tpu.vector_store_idx %arg6[%broadcast_in_dim3A_465, %add3A_468], %add3A_442 : memref<5x128xi32, #tpu.memory_space<vmem>>[vector<16xi32>, vector<16xi32>], vector<16xi32>,
    %broadcast_in_dim3A_469 = arith.constant 1 : i32
    %broadcast_in_dim3A_470 = vector.broadcast %broadcast_in_dim3A_469 : i32 to vector<16xi32>
    %add3A_471 = arith.constant 16 : i32
    %add3A_472 = vector.broadcast %add3A_471 : i32 to vector<16xi32>
    %add3A_473 = arith.addi %iota3A, %add3A_472 : vector<16xi32>
    tpu.vector_store_idx %arg6[%broadcast_in_dim3A_470, %add3A_473], %add3A_450 : memref<5x128xi32, #tpu.memory_space<vmem>>[vector<16xi32>, vector<16xi32>], vector<16xi32>,
    %broadcast_in_dim3A_474 = arith.constant 1 : i32
    %broadcast_in_dim3A_475 = vector.broadcast %broadcast_in_dim3A_474 : i32 to vector<16xi32>
    %add3A_476 = arith.constant 32 : i32
    %add3A_477 = vector.broadcast %add3A_476 : i32 to vector<16xi32>
    %add3A_478 = arith.addi %iota3A, %add3A_477 : vector<16xi32>
    tpu.vector_store_idx %arg6[%broadcast_in_dim3A_475, %add3A_478], %add3A_458 : memref<5x128xi32, #tpu.memory_space<vmem>>[vector<16xi32>, vector<16xi32>], vector<16xi32>,
    %broadcast_in_dim3A_479 = arith.constant 1 : i32
    %broadcast_in_dim3A_480 = vector.broadcast %broadcast_in_dim3A_479 : i32 to vector<16xi32>
    %add3A_481 = arith.constant 48 : i32
    %add3A_482 = vector.broadcast %add3A_481 : i32 to vector<16xi32>
    %add3A_483 = arith.addi %iota3A, %add3A_482 : vector<16xi32>
    tpu.vector_store_idx %arg6[%broadcast_in_dim3A_480, %add3A_483], %add3A_463 : memref<5x128xi32, #tpu.memory_space<vmem>>[vector<16xi32>, vector<16xi32>], vector<16xi32>,
    %sub3A_484 = arith.subi %min3A_374, %min3A_359 : vector<16xi32>
    %sub3A_485 = arith.subi %min3A_400, %min3A_385 : vector<16xi32>
    %mul3A_486 = arith.muli %sub3A_484, %sub3A_485 : vector<16xi32>
    %convert_element_type3A_487 = arith.sitofp %mul3A_486 : vector<16xi32> to vector<16xf32>
    %gt3A_488 = arith.cmpi sgt, %min3A_374, %min3A_359 : vector<16xi32>
    %gt3A_489 = arith.cmpi sgt, %min3A_400, %min3A_385 : vector<16xi32>
    %and3A_490 = arith.andi %gt3A_488, %gt3A_489 : vector<16xi1>
    %max3A_491 = arith.constant 1.000000e+00 : f32
    %max3A_492 = vector.broadcast %max3A_491 : f32 to vector<16xf32>
    %max3A_493 = arith.maximumf %convert_element_type3A_487, %max3A_492 : vector<16xf32>
    %div3A_494 = arith.constant 1.000000e+00 : f32
    %div3A_495 = vector.broadcast %div3A_494 : f32 to vector<16xf32>
    %div3A_496 = arith.divf %div3A_495, %max3A_493 : vector<16xf32>
    %jit3A_497 = arith.constant 0.000000e+00 : f32
    %broadcast_in_dim3A_498 = vector.broadcast %jit3A_497 : f32 to vector<16xf32>
    %select_n3A_499 = arith.select %and3A_490, %div3A_496, %broadcast_in_dim3A_498 : vector<16xi1>, vector<16xf32>
    %mul3A_500 = arith.constant 1.000000e+00 : f32
    %mul3A_501 = vector.broadcast %mul3A_500 : f32 to vector<16xf32>
    %mul3A_502 = arith.mulf %mul3A_501, %mul3A_53 : vector<16xf32>
    %add3A_503 = arith.addf %gather3A_27, %mul3A_502 : vector<16xf32>
    %convert_element_type3A_504 = arith.fptosi %add3A_503 : vector<16xf32> to vector<16xi32>
    %jit3A_505 = arith.constant 0 : i32
    %jit3A_506 = arith.constant 127 : i32
    %max3A_507 = vector.broadcast %jit3A_505 : i32 to vector<16xi32>
    %max3A_508 = arith.maxsi %max3A_507, %convert_element_type3A_504 : vector<16xi32>
    %min3A_509 = vector.broadcast %jit3A_506 : i32 to vector<16xi32>
    %min3A_510 = arith.minsi %min3A_509, %max3A_508 : vector<16xi32>
    %mul3A_511 = arith.constant 2.000000e+00 : f32
    %mul3A_512 = vector.broadcast %mul3A_511 : f32 to vector<16xf32>
    %mul3A_513 = arith.mulf %mul3A_512, %mul3A_53 : vector<16xf32>
    %add3A_514 = arith.addf %gather3A_27, %mul3A_513 : vector<16xf32>
    %convert_element_type3A_515 = arith.fptosi %add3A_514 : vector<16xf32> to vector<16xi32>
    %convert_element_type3A_516 = arith.sitofp %convert_element_type3A_515 : vector<16xi32> to vector<16xf32>
    %gt3A_517 = arith.cmpf ogt, %add3A_514, %convert_element_type3A_516 : vector<16xf32>
    %convert_element_type3A_518 = arith.extui %gt3A_517 : vector<16xi1> to vector<16xi32>
    %add3A_519 = arith.addi %convert_element_type3A_515, %convert_element_type3A_518 : vector<16xi32>
    %jit3A_520 = arith.constant 1 : i32
    %jit3A_521 = arith.constant 128 : i32
    %max3A_522 = vector.broadcast %jit3A_520 : i32 to vector<16xi32>
    %max3A_523 = arith.maxsi %max3A_522, %add3A_519 : vector<16xi32>
    %min3A_524 = vector.broadcast %jit3A_521 : i32 to vector<16xi32>
    %min3A_525 = arith.minsi %min3A_524, %max3A_523 : vector<16xi32>
    %mul3A_526 = arith.constant 0.000000e+00 : f32
    %mul3A_527 = vector.broadcast %mul3A_526 : f32 to vector<16xf32>
    %mul3A_528 = arith.mulf %mul3A_527, %mul3A_46 : vector<16xf32>
    %add3A_529 = arith.addf %gather3A_20, %mul3A_528 : vector<16xf32>
    %convert_element_type3A_530 = arith.fptosi %add3A_529 : vector<16xf32> to vector<16xi32>
    %jit3A_531 = arith.constant 0 : i32
    %jit3A_532 = arith.constant 127 : i32
    %max3A_533 = vector.broadcast %jit3A_531 : i32 to vector<16xi32>
    %max3A_534 = arith.maxsi %max3A_533, %convert_element_type3A_530 : vector<16xi32>
    %min3A_535 = vector.broadcast %jit3A_532 : i32 to vector<16xi32>
    %min3A_536 = arith.minsi %min3A_535, %max3A_534 : vector<16xi32>
    %mul3A_537 = arith.constant 1.000000e+00 : f32
    %mul3A_538 = vector.broadcast %mul3A_537 : f32 to vector<16xf32>
    %mul3A_539 = arith.mulf %mul3A_538, %mul3A_46 : vector<16xf32>
    %add3A_540 = arith.addf %gather3A_20, %mul3A_539 : vector<16xf32>
    %convert_element_type3A_541 = arith.fptosi %add3A_540 : vector<16xf32> to vector<16xi32>
    %convert_element_type3A_542 = arith.sitofp %convert_element_type3A_541 : vector<16xi32> to vector<16xf32>
    %gt3A_543 = arith.cmpf ogt, %add3A_540, %convert_element_type3A_542 : vector<16xf32>
    %convert_element_type3A_544 = arith.extui %gt3A_543 : vector<16xi1> to vector<16xi32>
    %add3A_545 = arith.addi %convert_element_type3A_541, %convert_element_type3A_544 : vector<16xi32>
    %jit3A_546 = arith.constant 1 : i32
    %jit3A_547 = arith.constant 128 : i32
    %max3A_548 = vector.broadcast %jit3A_546 : i32 to vector<16xi32>
    %max3A_549 = arith.maxsi %max3A_548, %add3A_545 : vector<16xi32>
    %min3A_550 = vector.broadcast %jit3A_547 : i32 to vector<16xi32>
    %min3A_551 = arith.minsi %min3A_550, %max3A_549 : vector<16xi32>
    %gt3A_552 = arith.constant 0 : i32
    %gt3A_553 = vector.broadcast %gt3A_552 : i32 to vector<16xi32>
    %gt3A_554 = arith.cmpi sgt, %min3A_510, %gt3A_553 : vector<16xi32>
    %convert_element_type3A_555 = arith.extui %gt3A_554 : vector<16xi1> to vector<16xi32>
    %convert_element_type3A_556 = arith.sitofp %convert_element_type3A_555 : vector<16xi32> to vector<16xf32>
    %gt3A_557 = arith.constant 0 : i32
    %gt3A_558 = vector.broadcast %gt3A_557 : i32 to vector<16xi32>
    %gt3A_559 = arith.cmpi sgt, %min3A_536, %gt3A_558 : vector<16xi32>
    %convert_element_type3A_560 = arith.extui %gt3A_559 : vector<16xi1> to vector<16xi32>
    %convert_element_type3A_561 = arith.sitofp %convert_element_type3A_560 : vector<16xi32> to vector<16xf32>
    %sub3A_562 = arith.constant 1 : i32
    %sub3A_563 = vector.broadcast %sub3A_562 : i32 to vector<16xi32>
    %sub3A_564 = arith.subi %min3A_510, %sub3A_563 : vector<16xi32>
    %max3A_565 = arith.constant 0 : i32
    %max3A_566 = vector.broadcast %max3A_565 : i32 to vector<16xi32>
    %max3A_567 = arith.maxsi %sub3A_564, %max3A_566 : vector<16xi32>
    %sub3A_568 = arith.constant 1 : i32
    %sub3A_569 = vector.broadcast %sub3A_568 : i32 to vector<16xi32>
    %sub3A_570 = arith.subi %min3A_536, %sub3A_569 : vector<16xi32>
    %max3A_571 = arith.constant 0 : i32
    %max3A_572 = vector.broadcast %max3A_571 : i32 to vector<16xi32>
    %max3A_573 = arith.maxsi %sub3A_570, %max3A_572 : vector<16xi32>
    %mul3A_574 = arith.constant 3 : i32
    %mul3A_575 = vector.broadcast %mul3A_574 : i32 to vector<16xi32>
    %mul3A_576 = arith.muli %convert_element_type3A, %mul3A_575 : vector<16xi32>
    %add3A_577 = arith.constant 1 : i32
    %add3A_578 = vector.broadcast %add3A_577 : i32 to vector<16xi32>
    %add3A_579 = arith.addi %mul3A_576, %add3A_578 : vector<16xi32>
    %mul3A_580 = arith.constant 16384 : i32
    %mul3A_581 = vector.broadcast %mul3A_580 : i32 to vector<16xi32>
    %mul3A_582 = arith.muli %add3A_579, %mul3A_581 : vector<16xi32>
    %sub3A_583 = arith.constant 1 : i32
    %sub3A_584 = vector.broadcast %sub3A_583 : i32 to vector<16xi32>
    %sub3A_585 = arith.subi %min3A_525, %sub3A_584 : vector<16xi32>
    %mul3A_586 = arith.constant 128 : i32
    %mul3A_587 = vector.broadcast %mul3A_586 : i32 to vector<16xi32>
    %mul3A_588 = arith.muli %sub3A_585, %mul3A_587 : vector<16xi32>
    %add3A_589 = arith.addi %mul3A_582, %mul3A_588 : vector<16xi32>
    %sub3A_590 = arith.constant 1 : i32
    %sub3A_591 = vector.broadcast %sub3A_590 : i32 to vector<16xi32>
    %sub3A_592 = arith.subi %min3A_551, %sub3A_591 : vector<16xi32>
    %add3A_593 = arith.addi %add3A_589, %sub3A_592 : vector<16xi32>
    %mul3A_594 = arith.constant 128 : i32
    %mul3A_595 = vector.broadcast %mul3A_594 : i32 to vector<16xi32>
    %mul3A_596 = arith.muli %max3A_567, %mul3A_595 : vector<16xi32>
    %add3A_597 = arith.addi %mul3A_582, %mul3A_596 : vector<16xi32>
    %sub3A_598 = arith.constant 1 : i32
    %sub3A_599 = vector.broadcast %sub3A_598 : i32 to vector<16xi32>
    %sub3A_600 = arith.subi %min3A_551, %sub3A_599 : vector<16xi32>
    %add3A_601 = arith.addi %add3A_597, %sub3A_600 : vector<16xi32>
    %sub3A_602 = arith.constant 1 : i32
    %sub3A_603 = vector.broadcast %sub3A_602 : i32 to vector<16xi32>
    %sub3A_604 = arith.subi %min3A_525, %sub3A_603 : vector<16xi32>
    %mul3A_605 = arith.constant 128 : i32
    %mul3A_606 = vector.broadcast %mul3A_605 : i32 to vector<16xi32>
    %mul3A_607 = arith.muli %sub3A_604, %mul3A_606 : vector<16xi32>
    %add3A_608 = arith.addi %mul3A_582, %mul3A_607 : vector<16xi32>
    %add3A_609 = arith.addi %add3A_608, %max3A_573 : vector<16xi32>
    %mul3A_610 = arith.constant 128 : i32
    %mul3A_611 = vector.broadcast %mul3A_610 : i32 to vector<16xi32>
    %mul3A_612 = arith.muli %max3A_567, %mul3A_611 : vector<16xi32>
    %add3A_613 = arith.addi %mul3A_582, %mul3A_612 : vector<16xi32>
    %add3A_614 = arith.addi %add3A_613, %max3A_573 : vector<16xi32>
    %broadcast_in_dim3A_615 = arith.constant 1 : i32
    %broadcast_in_dim3A_616 = vector.broadcast %broadcast_in_dim3A_615 : i32 to vector<16xi32>
    %add3A_617 = arith.constant 64 : i32
    %add3A_618 = vector.broadcast %add3A_617 : i32 to vector<16xi32>
    %add3A_619 = arith.addi %iota3A, %add3A_618 : vector<16xi32>
    tpu.vector_store_idx %arg6[%broadcast_in_dim3A_616, %add3A_619], %add3A_593 : memref<5x128xi32, #tpu.memory_space<vmem>>[vector<16xi32>, vector<16xi32>], vector<16xi32>,
    %broadcast_in_dim3A_620 = arith.constant 1 : i32
    %broadcast_in_dim3A_621 = vector.broadcast %broadcast_in_dim3A_620 : i32 to vector<16xi32>
    %add3A_622 = arith.constant 80 : i32
    %add3A_623 = vector.broadcast %add3A_622 : i32 to vector<16xi32>
    %add3A_624 = arith.addi %iota3A, %add3A_623 : vector<16xi32>
    tpu.vector_store_idx %arg6[%broadcast_in_dim3A_621, %add3A_624], %add3A_601 : memref<5x128xi32, #tpu.memory_space<vmem>>[vector<16xi32>, vector<16xi32>], vector<16xi32>,
    %broadcast_in_dim3A_625 = arith.constant 1 : i32
    %broadcast_in_dim3A_626 = vector.broadcast %broadcast_in_dim3A_625 : i32 to vector<16xi32>
    %add3A_627 = arith.constant 96 : i32
    %add3A_628 = vector.broadcast %add3A_627 : i32 to vector<16xi32>
    %add3A_629 = arith.addi %iota3A, %add3A_628 : vector<16xi32>
    tpu.vector_store_idx %arg6[%broadcast_in_dim3A_626, %add3A_629], %add3A_609 : memref<5x128xi32, #tpu.memory_space<vmem>>[vector<16xi32>, vector<16xi32>], vector<16xi32>,
    %broadcast_in_dim3A_630 = arith.constant 1 : i32
    %broadcast_in_dim3A_631 = vector.broadcast %broadcast_in_dim3A_630 : i32 to vector<16xi32>
    %add3A_632 = arith.constant 112 : i32
    %add3A_633 = vector.broadcast %add3A_632 : i32 to vector<16xi32>
    %add3A_634 = arith.addi %iota3A, %add3A_633 : vector<16xi32>
    tpu.vector_store_idx %arg6[%broadcast_in_dim3A_631, %add3A_634], %add3A_614 : memref<5x128xi32, #tpu.memory_space<vmem>>[vector<16xi32>, vector<16xi32>], vector<16xi32>,
    %sub3A_635 = arith.subi %min3A_525, %min3A_510 : vector<16xi32>
    %sub3A_636 = arith.subi %min3A_551, %min3A_536 : vector<16xi32>
    %mul3A_637 = arith.muli %sub3A_635, %sub3A_636 : vector<16xi32>
    %convert_element_type3A_638 = arith.sitofp %mul3A_637 : vector<16xi32> to vector<16xf32>
    %gt3A_639 = arith.cmpi sgt, %min3A_525, %min3A_510 : vector<16xi32>
    %gt3A_640 = arith.cmpi sgt, %min3A_551, %min3A_536 : vector<16xi32>
    %and3A_641 = arith.andi %gt3A_639, %gt3A_640 : vector<16xi1>
    %max3A_642 = arith.constant 1.000000e+00 : f32
    %max3A_643 = vector.broadcast %max3A_642 : f32 to vector<16xf32>
    %max3A_644 = arith.maximumf %convert_element_type3A_638, %max3A_643 : vector<16xf32>
    %div3A_645 = arith.constant 1.000000e+00 : f32
    %div3A_646 = vector.broadcast %div3A_645 : f32 to vector<16xf32>
    %div3A_647 = arith.divf %div3A_646, %max3A_644 : vector<16xf32>
    %jit3A_648 = arith.constant 0.000000e+00 : f32
    %broadcast_in_dim3A_649 = vector.broadcast %jit3A_648 : f32 to vector<16xf32>
    %select_n3A_650 = arith.select %and3A_641, %div3A_647, %broadcast_in_dim3A_649 : vector<16xi1>, vector<16xf32>
    %mul3A_651 = arith.constant 1.000000e+00 : f32
    %mul3A_652 = vector.broadcast %mul3A_651 : f32 to vector<16xf32>
    %mul3A_653 = arith.mulf %mul3A_652, %mul3A_53 : vector<16xf32>
    %add3A_654 = arith.addf %gather3A_27, %mul3A_653 : vector<16xf32>
    %convert_element_type3A_655 = arith.fptosi %add3A_654 : vector<16xf32> to vector<16xi32>
    %jit3A_656 = arith.constant 0 : i32
    %jit3A_657 = arith.constant 127 : i32
    %max3A_658 = vector.broadcast %jit3A_656 : i32 to vector<16xi32>
    %max3A_659 = arith.maxsi %max3A_658, %convert_element_type3A_655 : vector<16xi32>
    %min3A_660 = vector.broadcast %jit3A_657 : i32 to vector<16xi32>
    %min3A_661 = arith.minsi %min3A_660, %max3A_659 : vector<16xi32>
    %mul3A_662 = arith.constant 2.000000e+00 : f32
    %mul3A_663 = vector.broadcast %mul3A_662 : f32 to vector<16xf32>
    %mul3A_664 = arith.mulf %mul3A_663, %mul3A_53 : vector<16xf32>
    %add3A_665 = arith.addf %gather3A_27, %mul3A_664 : vector<16xf32>
    %convert_element_type3A_666 = arith.fptosi %add3A_665 : vector<16xf32> to vector<16xi32>
    %convert_element_type3A_667 = arith.sitofp %convert_element_type3A_666 : vector<16xi32> to vector<16xf32>
    %gt3A_668 = arith.cmpf ogt, %add3A_665, %convert_element_type3A_667 : vector<16xf32>
    %convert_element_type3A_669 = arith.extui %gt3A_668 : vector<16xi1> to vector<16xi32>
    %add3A_670 = arith.addi %convert_element_type3A_666, %convert_element_type3A_669 : vector<16xi32>
    %jit3A_671 = arith.constant 1 : i32
    %jit3A_672 = arith.constant 128 : i32
    %max3A_673 = vector.broadcast %jit3A_671 : i32 to vector<16xi32>
    %max3A_674 = arith.maxsi %max3A_673, %add3A_670 : vector<16xi32>
    %min3A_675 = vector.broadcast %jit3A_672 : i32 to vector<16xi32>
    %min3A_676 = arith.minsi %min3A_675, %max3A_674 : vector<16xi32>
    %mul3A_677 = arith.constant 1.000000e+00 : f32
    %mul3A_678 = vector.broadcast %mul3A_677 : f32 to vector<16xf32>
    %mul3A_679 = arith.mulf %mul3A_678, %mul3A_46 : vector<16xf32>
    %add3A_680 = arith.addf %gather3A_20, %mul3A_679 : vector<16xf32>
    %convert_element_type3A_681 = arith.fptosi %add3A_680 : vector<16xf32> to vector<16xi32>
    %jit3A_682 = arith.constant 0 : i32
    %jit3A_683 = arith.constant 127 : i32
    %max3A_684 = vector.broadcast %jit3A_682 : i32 to vector<16xi32>
    %max3A_685 = arith.maxsi %max3A_684, %convert_element_type3A_681 : vector<16xi32>
    %min3A_686 = vector.broadcast %jit3A_683 : i32 to vector<16xi32>
    %min3A_687 = arith.minsi %min3A_686, %max3A_685 : vector<16xi32>
    %mul3A_688 = arith.constant 2.000000e+00 : f32
    %mul3A_689 = vector.broadcast %mul3A_688 : f32 to vector<16xf32>
    %mul3A_690 = arith.mulf %mul3A_689, %mul3A_46 : vector<16xf32>
    %add3A_691 = arith.addf %gather3A_20, %mul3A_690 : vector<16xf32>
    %convert_element_type3A_692 = arith.fptosi %add3A_691 : vector<16xf32> to vector<16xi32>
    %convert_element_type3A_693 = arith.sitofp %convert_element_type3A_692 : vector<16xi32> to vector<16xf32>
    %gt3A_694 = arith.cmpf ogt, %add3A_691, %convert_element_type3A_693 : vector<16xf32>
    %convert_element_type3A_695 = arith.extui %gt3A_694 : vector<16xi1> to vector<16xi32>
    %add3A_696 = arith.addi %convert_element_type3A_692, %convert_element_type3A_695 : vector<16xi32>
    %jit3A_697 = arith.constant 1 : i32
    %jit3A_698 = arith.constant 128 : i32
    %max3A_699 = vector.broadcast %jit3A_697 : i32 to vector<16xi32>
    %max3A_700 = arith.maxsi %max3A_699, %add3A_696 : vector<16xi32>
    %min3A_701 = vector.broadcast %jit3A_698 : i32 to vector<16xi32>
    %min3A_702 = arith.minsi %min3A_701, %max3A_700 : vector<16xi32>
    %gt3A_703 = arith.constant 0 : i32
    %gt3A_704 = vector.broadcast %gt3A_703 : i32 to vector<16xi32>
    %gt3A_705 = arith.cmpi sgt, %min3A_661, %gt3A_704 : vector<16xi32>
    %convert_element_type3A_706 = arith.extui %gt3A_705 : vector<16xi1> to vector<16xi32>
    %convert_element_type3A_707 = arith.sitofp %convert_element_type3A_706 : vector<16xi32> to vector<16xf32>
    %gt3A_708 = arith.constant 0 : i32
    %gt3A_709 = vector.broadcast %gt3A_708 : i32 to vector<16xi32>
    %gt3A_710 = arith.cmpi sgt, %min3A_687, %gt3A_709 : vector<16xi32>
    %convert_element_type3A_711 = arith.extui %gt3A_710 : vector<16xi1> to vector<16xi32>
    %convert_element_type3A_712 = arith.sitofp %convert_element_type3A_711 : vector<16xi32> to vector<16xf32>
    %sub3A_713 = arith.constant 1 : i32
    %sub3A_714 = vector.broadcast %sub3A_713 : i32 to vector<16xi32>
    %sub3A_715 = arith.subi %min3A_661, %sub3A_714 : vector<16xi32>
    %max3A_716 = arith.constant 0 : i32
    %max3A_717 = vector.broadcast %max3A_716 : i32 to vector<16xi32>
    %max3A_718 = arith.maxsi %sub3A_715, %max3A_717 : vector<16xi32>
    %sub3A_719 = arith.constant 1 : i32
    %sub3A_720 = vector.broadcast %sub3A_719 : i32 to vector<16xi32>
    %sub3A_721 = arith.subi %min3A_687, %sub3A_720 : vector<16xi32>
    %max3A_722 = arith.constant 0 : i32
    %max3A_723 = vector.broadcast %max3A_722 : i32 to vector<16xi32>
    %max3A_724 = arith.maxsi %sub3A_721, %max3A_723 : vector<16xi32>
    %mul3A_725 = arith.constant 3 : i32
    %mul3A_726 = vector.broadcast %mul3A_725 : i32 to vector<16xi32>
    %mul3A_727 = arith.muli %convert_element_type3A, %mul3A_726 : vector<16xi32>
    %add3A_728 = arith.constant 1 : i32
    %add3A_729 = vector.broadcast %add3A_728 : i32 to vector<16xi32>
    %add3A_730 = arith.addi %mul3A_727, %add3A_729 : vector<16xi32>
    %mul3A_731 = arith.constant 16384 : i32
    %mul3A_732 = vector.broadcast %mul3A_731 : i32 to vector<16xi32>
    %mul3A_733 = arith.muli %add3A_730, %mul3A_732 : vector<16xi32>
    %sub3A_734 = arith.constant 1 : i32
    %sub3A_735 = vector.broadcast %sub3A_734 : i32 to vector<16xi32>
    %sub3A_736 = arith.subi %min3A_676, %sub3A_735 : vector<16xi32>
    %mul3A_737 = arith.constant 128 : i32
    %mul3A_738 = vector.broadcast %mul3A_737 : i32 to vector<16xi32>
    %mul3A_739 = arith.muli %sub3A_736, %mul3A_738 : vector<16xi32>
    %add3A_740 = arith.addi %mul3A_733, %mul3A_739 : vector<16xi32>
    %sub3A_741 = arith.constant 1 : i32
    %sub3A_742 = vector.broadcast %sub3A_741 : i32 to vector<16xi32>
    %sub3A_743 = arith.subi %min3A_702, %sub3A_742 : vector<16xi32>
    %add3A_744 = arith.addi %add3A_740, %sub3A_743 : vector<16xi32>
    %mul3A_745 = arith.constant 128 : i32
    %mul3A_746 = vector.broadcast %mul3A_745 : i32 to vector<16xi32>
    %mul3A_747 = arith.muli %max3A_718, %mul3A_746 : vector<16xi32>
    %add3A_748 = arith.addi %mul3A_733, %mul3A_747 : vector<16xi32>
    %sub3A_749 = arith.constant 1 : i32
    %sub3A_750 = vector.broadcast %sub3A_749 : i32 to vector<16xi32>
    %sub3A_751 = arith.subi %min3A_702, %sub3A_750 : vector<16xi32>
    %add3A_752 = arith.addi %add3A_748, %sub3A_751 : vector<16xi32>
    %sub3A_753 = arith.constant 1 : i32
    %sub3A_754 = vector.broadcast %sub3A_753 : i32 to vector<16xi32>
    %sub3A_755 = arith.subi %min3A_676, %sub3A_754 : vector<16xi32>
    %mul3A_756 = arith.constant 128 : i32
    %mul3A_757 = vector.broadcast %mul3A_756 : i32 to vector<16xi32>
    %mul3A_758 = arith.muli %sub3A_755, %mul3A_757 : vector<16xi32>
    %add3A_759 = arith.addi %mul3A_733, %mul3A_758 : vector<16xi32>
    %add3A_760 = arith.addi %add3A_759, %max3A_724 : vector<16xi32>
    %mul3A_761 = arith.constant 128 : i32
    %mul3A_762 = vector.broadcast %mul3A_761 : i32 to vector<16xi32>
    %mul3A_763 = arith.muli %max3A_718, %mul3A_762 : vector<16xi32>
    %add3A_764 = arith.addi %mul3A_733, %mul3A_763 : vector<16xi32>
    %add3A_765 = arith.addi %add3A_764, %max3A_724 : vector<16xi32>
    %broadcast_in_dim3A_766 = arith.constant 2 : i32
    %broadcast_in_dim3A_767 = vector.broadcast %broadcast_in_dim3A_766 : i32 to vector<16xi32>
    %add3A_768 = arith.constant 0 : i32
    %add3A_769 = vector.broadcast %add3A_768 : i32 to vector<16xi32>
    %add3A_770 = arith.addi %iota3A, %add3A_769 : vector<16xi32>
    tpu.vector_store_idx %arg6[%broadcast_in_dim3A_767, %add3A_770], %add3A_744 : memref<5x128xi32, #tpu.memory_space<vmem>>[vector<16xi32>, vector<16xi32>], vector<16xi32>,
    %broadcast_in_dim3A_771 = arith.constant 2 : i32
    %broadcast_in_dim3A_772 = vector.broadcast %broadcast_in_dim3A_771 : i32 to vector<16xi32>
    %add3A_773 = arith.constant 16 : i32
    %add3A_774 = vector.broadcast %add3A_773 : i32 to vector<16xi32>
    %add3A_775 = arith.addi %iota3A, %add3A_774 : vector<16xi32>
    tpu.vector_store_idx %arg6[%broadcast_in_dim3A_772, %add3A_775], %add3A_752 : memref<5x128xi32, #tpu.memory_space<vmem>>[vector<16xi32>, vector<16xi32>], vector<16xi32>,
    %broadcast_in_dim3A_776 = arith.constant 2 : i32
    %broadcast_in_dim3A_777 = vector.broadcast %broadcast_in_dim3A_776 : i32 to vector<16xi32>
    %add3A_778 = arith.constant 32 : i32
    %add3A_779 = vector.broadcast %add3A_778 : i32 to vector<16xi32>
    %add3A_780 = arith.addi %iota3A, %add3A_779 : vector<16xi32>
    tpu.vector_store_idx %arg6[%broadcast_in_dim3A_777, %add3A_780], %add3A_760 : memref<5x128xi32, #tpu.memory_space<vmem>>[vector<16xi32>, vector<16xi32>], vector<16xi32>,
    %broadcast_in_dim3A_781 = arith.constant 2 : i32
    %broadcast_in_dim3A_782 = vector.broadcast %broadcast_in_dim3A_781 : i32 to vector<16xi32>
    %add3A_783 = arith.constant 48 : i32
    %add3A_784 = vector.broadcast %add3A_783 : i32 to vector<16xi32>
    %add3A_785 = arith.addi %iota3A, %add3A_784 : vector<16xi32>
    tpu.vector_store_idx %arg6[%broadcast_in_dim3A_782, %add3A_785], %add3A_765 : memref<5x128xi32, #tpu.memory_space<vmem>>[vector<16xi32>, vector<16xi32>], vector<16xi32>,
    %sub3A_786 = arith.subi %min3A_676, %min3A_661 : vector<16xi32>
    %sub3A_787 = arith.subi %min3A_702, %min3A_687 : vector<16xi32>
    %mul3A_788 = arith.muli %sub3A_786, %sub3A_787 : vector<16xi32>
    %convert_element_type3A_789 = arith.sitofp %mul3A_788 : vector<16xi32> to vector<16xf32>
    %gt3A_790 = arith.cmpi sgt, %min3A_676, %min3A_661 : vector<16xi32>
    %gt3A_791 = arith.cmpi sgt, %min3A_702, %min3A_687 : vector<16xi32>
    %and3A_792 = arith.andi %gt3A_790, %gt3A_791 : vector<16xi1>
    %max3A_793 = arith.constant 1.000000e+00 : f32
    %max3A_794 = vector.broadcast %max3A_793 : f32 to vector<16xf32>
    %max3A_795 = arith.maximumf %convert_element_type3A_789, %max3A_794 : vector<16xf32>
    %div3A_796 = arith.constant 1.000000e+00 : f32
    %div3A_797 = vector.broadcast %div3A_796 : f32 to vector<16xf32>
    %div3A_798 = arith.divf %div3A_797, %max3A_795 : vector<16xf32>
    %jit3A_799 = arith.constant 0.000000e+00 : f32
    %broadcast_in_dim3A_800 = vector.broadcast %jit3A_799 : f32 to vector<16xf32>
    %select_n3A_801 = arith.select %and3A_792, %div3A_798, %broadcast_in_dim3A_800 : vector<16xi1>, vector<16xf32>
    %mul3A_802 = arith.constant 1.000000e+00 : f32
    %mul3A_803 = vector.broadcast %mul3A_802 : f32 to vector<16xf32>
    %mul3A_804 = arith.mulf %mul3A_803, %mul3A_53 : vector<16xf32>
    %add3A_805 = arith.addf %gather3A_27, %mul3A_804 : vector<16xf32>
    %convert_element_type3A_806 = arith.fptosi %add3A_805 : vector<16xf32> to vector<16xi32>
    %jit3A_807 = arith.constant 0 : i32
    %jit3A_808 = arith.constant 127 : i32
    %max3A_809 = vector.broadcast %jit3A_807 : i32 to vector<16xi32>
    %max3A_810 = arith.maxsi %max3A_809, %convert_element_type3A_806 : vector<16xi32>
    %min3A_811 = vector.broadcast %jit3A_808 : i32 to vector<16xi32>
    %min3A_812 = arith.minsi %min3A_811, %max3A_810 : vector<16xi32>
    %mul3A_813 = arith.constant 2.000000e+00 : f32
    %mul3A_814 = vector.broadcast %mul3A_813 : f32 to vector<16xf32>
    %mul3A_815 = arith.mulf %mul3A_814, %mul3A_53 : vector<16xf32>
    %add3A_816 = arith.addf %gather3A_27, %mul3A_815 : vector<16xf32>
    %convert_element_type3A_817 = arith.fptosi %add3A_816 : vector<16xf32> to vector<16xi32>
    %convert_element_type3A_818 = arith.sitofp %convert_element_type3A_817 : vector<16xi32> to vector<16xf32>
    %gt3A_819 = arith.cmpf ogt, %add3A_816, %convert_element_type3A_818 : vector<16xf32>
    %convert_element_type3A_820 = arith.extui %gt3A_819 : vector<16xi1> to vector<16xi32>
    %add3A_821 = arith.addi %convert_element_type3A_817, %convert_element_type3A_820 : vector<16xi32>
    %jit3A_822 = arith.constant 1 : i32
    %jit3A_823 = arith.constant 128 : i32
    %max3A_824 = vector.broadcast %jit3A_822 : i32 to vector<16xi32>
    %max3A_825 = arith.maxsi %max3A_824, %add3A_821 : vector<16xi32>
    %min3A_826 = vector.broadcast %jit3A_823 : i32 to vector<16xi32>
    %min3A_827 = arith.minsi %min3A_826, %max3A_825 : vector<16xi32>
    %mul3A_828 = arith.constant 2.000000e+00 : f32
    %mul3A_829 = vector.broadcast %mul3A_828 : f32 to vector<16xf32>
    %mul3A_830 = arith.mulf %mul3A_829, %mul3A_46 : vector<16xf32>
    %add3A_831 = arith.addf %gather3A_20, %mul3A_830 : vector<16xf32>
    %convert_element_type3A_832 = arith.fptosi %add3A_831 : vector<16xf32> to vector<16xi32>
    %jit3A_833 = arith.constant 0 : i32
    %jit3A_834 = arith.constant 127 : i32
    %max3A_835 = vector.broadcast %jit3A_833 : i32 to vector<16xi32>
    %max3A_836 = arith.maxsi %max3A_835, %convert_element_type3A_832 : vector<16xi32>
    %min3A_837 = vector.broadcast %jit3A_834 : i32 to vector<16xi32>
    %min3A_838 = arith.minsi %min3A_837, %max3A_836 : vector<16xi32>
    %mul3A_839 = arith.constant 3.000000e+00 : f32
    %mul3A_840 = vector.broadcast %mul3A_839 : f32 to vector<16xf32>
    %mul3A_841 = arith.mulf %mul3A_840, %mul3A_46 : vector<16xf32>
    %add3A_842 = arith.addf %gather3A_20, %mul3A_841 : vector<16xf32>
    %convert_element_type3A_843 = arith.fptosi %add3A_842 : vector<16xf32> to vector<16xi32>
    %convert_element_type3A_844 = arith.sitofp %convert_element_type3A_843 : vector<16xi32> to vector<16xf32>
    %gt3A_845 = arith.cmpf ogt, %add3A_842, %convert_element_type3A_844 : vector<16xf32>
    %convert_element_type3A_846 = arith.extui %gt3A_845 : vector<16xi1> to vector<16xi32>
    %add3A_847 = arith.addi %convert_element_type3A_843, %convert_element_type3A_846 : vector<16xi32>
    %jit3A_848 = arith.constant 1 : i32
    %jit3A_849 = arith.constant 128 : i32
    %max3A_850 = vector.broadcast %jit3A_848 : i32 to vector<16xi32>
    %max3A_851 = arith.maxsi %max3A_850, %add3A_847 : vector<16xi32>
    %min3A_852 = vector.broadcast %jit3A_849 : i32 to vector<16xi32>
    %min3A_853 = arith.minsi %min3A_852, %max3A_851 : vector<16xi32>
    %gt3A_854 = arith.constant 0 : i32
    %gt3A_855 = vector.broadcast %gt3A_854 : i32 to vector<16xi32>
    %gt3A_856 = arith.cmpi sgt, %min3A_812, %gt3A_855 : vector<16xi32>
    %convert_element_type3A_857 = arith.extui %gt3A_856 : vector<16xi1> to vector<16xi32>
    %convert_element_type3A_858 = arith.sitofp %convert_element_type3A_857 : vector<16xi32> to vector<16xf32>
    %gt3A_859 = arith.constant 0 : i32
    %gt3A_860 = vector.broadcast %gt3A_859 : i32 to vector<16xi32>
    %gt3A_861 = arith.cmpi sgt, %min3A_838, %gt3A_860 : vector<16xi32>
    %convert_element_type3A_862 = arith.extui %gt3A_861 : vector<16xi1> to vector<16xi32>
    %convert_element_type3A_863 = arith.sitofp %convert_element_type3A_862 : vector<16xi32> to vector<16xf32>
    %sub3A_864 = arith.constant 1 : i32
    %sub3A_865 = vector.broadcast %sub3A_864 : i32 to vector<16xi32>
    %sub3A_866 = arith.subi %min3A_812, %sub3A_865 : vector<16xi32>
    %max3A_867 = arith.constant 0 : i32
    %max3A_868 = vector.broadcast %max3A_867 : i32 to vector<16xi32>
    %max3A_869 = arith.maxsi %sub3A_866, %max3A_868 : vector<16xi32>
    %sub3A_870 = arith.constant 1 : i32
    %sub3A_871 = vector.broadcast %sub3A_870 : i32 to vector<16xi32>
    %sub3A_872 = arith.subi %min3A_838, %sub3A_871 : vector<16xi32>
    %max3A_873 = arith.constant 0 : i32
    %max3A_874 = vector.broadcast %max3A_873 : i32 to vector<16xi32>
    %max3A_875 = arith.maxsi %sub3A_872, %max3A_874 : vector<16xi32>
    %mul3A_876 = arith.constant 3 : i32
    %mul3A_877 = vector.broadcast %mul3A_876 : i32 to vector<16xi32>
    %mul3A_878 = arith.muli %convert_element_type3A, %mul3A_877 : vector<16xi32>
    %add3A_879 = arith.constant 1 : i32
    %add3A_880 = vector.broadcast %add3A_879 : i32 to vector<16xi32>
    %add3A_881 = arith.addi %mul3A_878, %add3A_880 : vector<16xi32>
    %mul3A_882 = arith.constant 16384 : i32
    %mul3A_883 = vector.broadcast %mul3A_882 : i32 to vector<16xi32>
    %mul3A_884 = arith.muli %add3A_881, %mul3A_883 : vector<16xi32>
    %sub3A_885 = arith.constant 1 : i32
    %sub3A_886 = vector.broadcast %sub3A_885 : i32 to vector<16xi32>
    %sub3A_887 = arith.subi %min3A_827, %sub3A_886 : vector<16xi32>
    %mul3A_888 = arith.constant 128 : i32
    %mul3A_889 = vector.broadcast %mul3A_888 : i32 to vector<16xi32>
    %mul3A_890 = arith.muli %sub3A_887, %mul3A_889 : vector<16xi32>
    %add3A_891 = arith.addi %mul3A_884, %mul3A_890 : vector<16xi32>
    %sub3A_892 = arith.constant 1 : i32
    %sub3A_893 = vector.broadcast %sub3A_892 : i32 to vector<16xi32>
    %sub3A_894 = arith.subi %min3A_853, %sub3A_893 : vector<16xi32>
    %add3A_895 = arith.addi %add3A_891, %sub3A_894 : vector<16xi32>
    %mul3A_896 = arith.constant 128 : i32
    %mul3A_897 = vector.broadcast %mul3A_896 : i32 to vector<16xi32>
    %mul3A_898 = arith.muli %max3A_869, %mul3A_897 : vector<16xi32>
    %add3A_899 = arith.addi %mul3A_884, %mul3A_898 : vector<16xi32>
    %sub3A_900 = arith.constant 1 : i32
    %sub3A_901 = vector.broadcast %sub3A_900 : i32 to vector<16xi32>
    %sub3A_902 = arith.subi %min3A_853, %sub3A_901 : vector<16xi32>
    %add3A_903 = arith.addi %add3A_899, %sub3A_902 : vector<16xi32>
    %sub3A_904 = arith.constant 1 : i32
    %sub3A_905 = vector.broadcast %sub3A_904 : i32 to vector<16xi32>
    %sub3A_906 = arith.subi %min3A_827, %sub3A_905 : vector<16xi32>
    %mul3A_907 = arith.constant 128 : i32
    %mul3A_908 = vector.broadcast %mul3A_907 : i32 to vector<16xi32>
    %mul3A_909 = arith.muli %sub3A_906, %mul3A_908 : vector<16xi32>
    %add3A_910 = arith.addi %mul3A_884, %mul3A_909 : vector<16xi32>
    %add3A_911 = arith.addi %add3A_910, %max3A_875 : vector<16xi32>
    %mul3A_912 = arith.constant 128 : i32
    %mul3A_913 = vector.broadcast %mul3A_912 : i32 to vector<16xi32>
    %mul3A_914 = arith.muli %max3A_869, %mul3A_913 : vector<16xi32>
    %add3A_915 = arith.addi %mul3A_884, %mul3A_914 : vector<16xi32>
    %add3A_916 = arith.addi %add3A_915, %max3A_875 : vector<16xi32>
    %broadcast_in_dim3A_917 = arith.constant 2 : i32
    %broadcast_in_dim3A_918 = vector.broadcast %broadcast_in_dim3A_917 : i32 to vector<16xi32>
    %add3A_919 = arith.constant 64 : i32
    %add3A_920 = vector.broadcast %add3A_919 : i32 to vector<16xi32>
    %add3A_921 = arith.addi %iota3A, %add3A_920 : vector<16xi32>
    tpu.vector_store_idx %arg6[%broadcast_in_dim3A_918, %add3A_921], %add3A_895 : memref<5x128xi32, #tpu.memory_space<vmem>>[vector<16xi32>, vector<16xi32>], vector<16xi32>,
    %broadcast_in_dim3A_922 = arith.constant 2 : i32
    %broadcast_in_dim3A_923 = vector.broadcast %broadcast_in_dim3A_922 : i32 to vector<16xi32>
    %add3A_924 = arith.constant 80 : i32
    %add3A_925 = vector.broadcast %add3A_924 : i32 to vector<16xi32>
    %add3A_926 = arith.addi %iota3A, %add3A_925 : vector<16xi32>
    tpu.vector_store_idx %arg6[%broadcast_in_dim3A_923, %add3A_926], %add3A_903 : memref<5x128xi32, #tpu.memory_space<vmem>>[vector<16xi32>, vector<16xi32>], vector<16xi32>,
    %broadcast_in_dim3A_927 = arith.constant 2 : i32
    %broadcast_in_dim3A_928 = vector.broadcast %broadcast_in_dim3A_927 : i32 to vector<16xi32>
    %add3A_929 = arith.constant 96 : i32
    %add3A_930 = vector.broadcast %add3A_929 : i32 to vector<16xi32>
    %add3A_931 = arith.addi %iota3A, %add3A_930 : vector<16xi32>
    tpu.vector_store_idx %arg6[%broadcast_in_dim3A_928, %add3A_931], %add3A_911 : memref<5x128xi32, #tpu.memory_space<vmem>>[vector<16xi32>, vector<16xi32>], vector<16xi32>,
    %broadcast_in_dim3A_932 = arith.constant 2 : i32
    %broadcast_in_dim3A_933 = vector.broadcast %broadcast_in_dim3A_932 : i32 to vector<16xi32>
    %add3A_934 = arith.constant 112 : i32
    %add3A_935 = vector.broadcast %add3A_934 : i32 to vector<16xi32>
    %add3A_936 = arith.addi %iota3A, %add3A_935 : vector<16xi32>
    tpu.vector_store_idx %arg6[%broadcast_in_dim3A_933, %add3A_936], %add3A_916 : memref<5x128xi32, #tpu.memory_space<vmem>>[vector<16xi32>, vector<16xi32>], vector<16xi32>,
    %sub3A_937 = arith.subi %min3A_827, %min3A_812 : vector<16xi32>
    %sub3A_938 = arith.subi %min3A_853, %min3A_838 : vector<16xi32>
    %mul3A_939 = arith.muli %sub3A_937, %sub3A_938 : vector<16xi32>
    %convert_element_type3A_940 = arith.sitofp %mul3A_939 : vector<16xi32> to vector<16xf32>
    %gt3A_941 = arith.cmpi sgt, %min3A_827, %min3A_812 : vector<16xi32>
    %gt3A_942 = arith.cmpi sgt, %min3A_853, %min3A_838 : vector<16xi32>
    %and3A_943 = arith.andi %gt3A_941, %gt3A_942 : vector<16xi1>
    %max3A_944 = arith.constant 1.000000e+00 : f32
    %max3A_945 = vector.broadcast %max3A_944 : f32 to vector<16xf32>
    %max3A_946 = arith.maximumf %convert_element_type3A_940, %max3A_945 : vector<16xf32>
    %div3A_947 = arith.constant 1.000000e+00 : f32
    %div3A_948 = vector.broadcast %div3A_947 : f32 to vector<16xf32>
    %div3A_949 = arith.divf %div3A_948, %max3A_946 : vector<16xf32>
    %jit3A_950 = arith.constant 0.000000e+00 : f32
    %broadcast_in_dim3A_951 = vector.broadcast %jit3A_950 : f32 to vector<16xf32>
    %select_n3A_952 = arith.select %and3A_943, %div3A_949, %broadcast_in_dim3A_951 : vector<16xi1>, vector<16xf32>
    %mul3A_953 = arith.constant 2.000000e+00 : f32
    %mul3A_954 = vector.broadcast %mul3A_953 : f32 to vector<16xf32>
    %mul3A_955 = arith.mulf %mul3A_954, %mul3A_53 : vector<16xf32>
    %add3A_956 = arith.addf %gather3A_27, %mul3A_955 : vector<16xf32>
    %convert_element_type3A_957 = arith.fptosi %add3A_956 : vector<16xf32> to vector<16xi32>
    %jit3A_958 = arith.constant 0 : i32
    %jit3A_959 = arith.constant 127 : i32
    %max3A_960 = vector.broadcast %jit3A_958 : i32 to vector<16xi32>
    %max3A_961 = arith.maxsi %max3A_960, %convert_element_type3A_957 : vector<16xi32>
    %min3A_962 = vector.broadcast %jit3A_959 : i32 to vector<16xi32>
    %min3A_963 = arith.minsi %min3A_962, %max3A_961 : vector<16xi32>
    %mul3A_964 = arith.constant 3.000000e+00 : f32
    %mul3A_965 = vector.broadcast %mul3A_964 : f32 to vector<16xf32>
    %mul3A_966 = arith.mulf %mul3A_965, %mul3A_53 : vector<16xf32>
    %add3A_967 = arith.addf %gather3A_27, %mul3A_966 : vector<16xf32>
    %convert_element_type3A_968 = arith.fptosi %add3A_967 : vector<16xf32> to vector<16xi32>
    %convert_element_type3A_969 = arith.sitofp %convert_element_type3A_968 : vector<16xi32> to vector<16xf32>
    %gt3A_970 = arith.cmpf ogt, %add3A_967, %convert_element_type3A_969 : vector<16xf32>
    %convert_element_type3A_971 = arith.extui %gt3A_970 : vector<16xi1> to vector<16xi32>
    %add3A_972 = arith.addi %convert_element_type3A_968, %convert_element_type3A_971 : vector<16xi32>
    %jit3A_973 = arith.constant 1 : i32
    %jit3A_974 = arith.constant 128 : i32
    %max3A_975 = vector.broadcast %jit3A_973 : i32 to vector<16xi32>
    %max3A_976 = arith.maxsi %max3A_975, %add3A_972 : vector<16xi32>
    %min3A_977 = vector.broadcast %jit3A_974 : i32 to vector<16xi32>
    %min3A_978 = arith.minsi %min3A_977, %max3A_976 : vector<16xi32>
    %mul3A_979 = arith.constant 0.000000e+00 : f32
    %mul3A_980 = vector.broadcast %mul3A_979 : f32 to vector<16xf32>
    %mul3A_981 = arith.mulf %mul3A_980, %mul3A_46 : vector<16xf32>
    %add3A_982 = arith.addf %gather3A_20, %mul3A_981 : vector<16xf32>
    %convert_element_type3A_983 = arith.fptosi %add3A_982 : vector<16xf32> to vector<16xi32>
    %jit3A_984 = arith.constant 0 : i32
    %jit3A_985 = arith.constant 127 : i32
    %max3A_986 = vector.broadcast %jit3A_984 : i32 to vector<16xi32>
    %max3A_987 = arith.maxsi %max3A_986, %convert_element_type3A_983 : vector<16xi32>
    %min3A_988 = vector.broadcast %jit3A_985 : i32 to vector<16xi32>
    %min3A_989 = arith.minsi %min3A_988, %max3A_987 : vector<16xi32>
    %mul3A_990 = arith.constant 1.000000e+00 : f32
    %mul3A_991 = vector.broadcast %mul3A_990 : f32 to vector<16xf32>
    %mul3A_992 = arith.mulf %mul3A_991, %mul3A_46 : vector<16xf32>
    %add3A_993 = arith.addf %gather3A_20, %mul3A_992 : vector<16xf32>
    %convert_element_type3A_994 = arith.fptosi %add3A_993 : vector<16xf32> to vector<16xi32>
    %convert_element_type3A_995 = arith.sitofp %convert_element_type3A_994 : vector<16xi32> to vector<16xf32>
    %gt3A_996 = arith.cmpf ogt, %add3A_993, %convert_element_type3A_995 : vector<16xf32>
    %convert_element_type3A_997 = arith.extui %gt3A_996 : vector<16xi1> to vector<16xi32>
    %add3A_998 = arith.addi %convert_element_type3A_994, %convert_element_type3A_997 : vector<16xi32>
    %jit3A_999 = arith.constant 1 : i32
    %jit3A_1000 = arith.constant 128 : i32
    %max3A_1001 = vector.broadcast %jit3A_999 : i32 to vector<16xi32>
    %max3A_1002 = arith.maxsi %max3A_1001, %add3A_998 : vector<16xi32>
    %min3A_1003 = vector.broadcast %jit3A_1000 : i32 to vector<16xi32>
    %min3A_1004 = arith.minsi %min3A_1003, %max3A_1002 : vector<16xi32>
    %gt3A_1005 = arith.constant 0 : i32
    %gt3A_1006 = vector.broadcast %gt3A_1005 : i32 to vector<16xi32>
    %gt3A_1007 = arith.cmpi sgt, %min3A_963, %gt3A_1006 : vector<16xi32>
    %convert_element_type3A_1008 = arith.extui %gt3A_1007 : vector<16xi1> to vector<16xi32>
    %convert_element_type3A_1009 = arith.sitofp %convert_element_type3A_1008 : vector<16xi32> to vector<16xf32>
    %gt3A_1010 = arith.constant 0 : i32
    %gt3A_1011 = vector.broadcast %gt3A_1010 : i32 to vector<16xi32>
    %gt3A_1012 = arith.cmpi sgt, %min3A_989, %gt3A_1011 : vector<16xi32>
    %convert_element_type3A_1013 = arith.extui %gt3A_1012 : vector<16xi1> to vector<16xi32>
    %convert_element_type3A_1014 = arith.sitofp %convert_element_type3A_1013 : vector<16xi32> to vector<16xf32>
    %sub3A_1015 = arith.constant 1 : i32
    %sub3A_1016 = vector.broadcast %sub3A_1015 : i32 to vector<16xi32>
    %sub3A_1017 = arith.subi %min3A_963, %sub3A_1016 : vector<16xi32>
    %max3A_1018 = arith.constant 0 : i32
    %max3A_1019 = vector.broadcast %max3A_1018 : i32 to vector<16xi32>
    %max3A_1020 = arith.maxsi %sub3A_1017, %max3A_1019 : vector<16xi32>
    %sub3A_1021 = arith.constant 1 : i32
    %sub3A_1022 = vector.broadcast %sub3A_1021 : i32 to vector<16xi32>
    %sub3A_1023 = arith.subi %min3A_989, %sub3A_1022 : vector<16xi32>
    %max3A_1024 = arith.constant 0 : i32
    %max3A_1025 = vector.broadcast %max3A_1024 : i32 to vector<16xi32>
    %max3A_1026 = arith.maxsi %sub3A_1023, %max3A_1025 : vector<16xi32>
    %mul3A_1027 = arith.constant 3 : i32
    %mul3A_1028 = vector.broadcast %mul3A_1027 : i32 to vector<16xi32>
    %mul3A_1029 = arith.muli %convert_element_type3A, %mul3A_1028 : vector<16xi32>
    %add3A_1030 = arith.constant 2 : i32
    %add3A_1031 = vector.broadcast %add3A_1030 : i32 to vector<16xi32>
    %add3A_1032 = arith.addi %mul3A_1029, %add3A_1031 : vector<16xi32>
    %mul3A_1033 = arith.constant 16384 : i32
    %mul3A_1034 = vector.broadcast %mul3A_1033 : i32 to vector<16xi32>
    %mul3A_1035 = arith.muli %add3A_1032, %mul3A_1034 : vector<16xi32>
    %sub3A_1036 = arith.constant 1 : i32
    %sub3A_1037 = vector.broadcast %sub3A_1036 : i32 to vector<16xi32>
    %sub3A_1038 = arith.subi %min3A_978, %sub3A_1037 : vector<16xi32>
    %mul3A_1039 = arith.constant 128 : i32
    %mul3A_1040 = vector.broadcast %mul3A_1039 : i32 to vector<16xi32>
    %mul3A_1041 = arith.muli %sub3A_1038, %mul3A_1040 : vector<16xi32>
    %add3A_1042 = arith.addi %mul3A_1035, %mul3A_1041 : vector<16xi32>
    %sub3A_1043 = arith.constant 1 : i32
    %sub3A_1044 = vector.broadcast %sub3A_1043 : i32 to vector<16xi32>
    %sub3A_1045 = arith.subi %min3A_1004, %sub3A_1044 : vector<16xi32>
    %add3A_1046 = arith.addi %add3A_1042, %sub3A_1045 : vector<16xi32>
    %mul3A_1047 = arith.constant 128 : i32
    %mul3A_1048 = vector.broadcast %mul3A_1047 : i32 to vector<16xi32>
    %mul3A_1049 = arith.muli %max3A_1020, %mul3A_1048 : vector<16xi32>
    %add3A_1050 = arith.addi %mul3A_1035, %mul3A_1049 : vector<16xi32>
    %sub3A_1051 = arith.constant 1 : i32
    %sub3A_1052 = vector.broadcast %sub3A_1051 : i32 to vector<16xi32>
    %sub3A_1053 = arith.subi %min3A_1004, %sub3A_1052 : vector<16xi32>
    %add3A_1054 = arith.addi %add3A_1050, %sub3A_1053 : vector<16xi32>
    %sub3A_1055 = arith.constant 1 : i32
    %sub3A_1056 = vector.broadcast %sub3A_1055 : i32 to vector<16xi32>
    %sub3A_1057 = arith.subi %min3A_978, %sub3A_1056 : vector<16xi32>
    %mul3A_1058 = arith.constant 128 : i32
    %mul3A_1059 = vector.broadcast %mul3A_1058 : i32 to vector<16xi32>
    %mul3A_1060 = arith.muli %sub3A_1057, %mul3A_1059 : vector<16xi32>
    %add3A_1061 = arith.addi %mul3A_1035, %mul3A_1060 : vector<16xi32>
    %add3A_1062 = arith.addi %add3A_1061, %max3A_1026 : vector<16xi32>
    %mul3A_1063 = arith.constant 128 : i32
    %mul3A_1064 = vector.broadcast %mul3A_1063 : i32 to vector<16xi32>
    %mul3A_1065 = arith.muli %max3A_1020, %mul3A_1064 : vector<16xi32>
    %add3A_1066 = arith.addi %mul3A_1035, %mul3A_1065 : vector<16xi32>
    %add3A_1067 = arith.addi %add3A_1066, %max3A_1026 : vector<16xi32>
    %broadcast_in_dim3A_1068 = arith.constant 3 : i32
    %broadcast_in_dim3A_1069 = vector.broadcast %broadcast_in_dim3A_1068 : i32 to vector<16xi32>
    %add3A_1070 = arith.constant 0 : i32
    %add3A_1071 = vector.broadcast %add3A_1070 : i32 to vector<16xi32>
    %add3A_1072 = arith.addi %iota3A, %add3A_1071 : vector<16xi32>
    tpu.vector_store_idx %arg6[%broadcast_in_dim3A_1069, %add3A_1072], %add3A_1046 : memref<5x128xi32, #tpu.memory_space<vmem>>[vector<16xi32>, vector<16xi32>], vector<16xi32>,
    %broadcast_in_dim3A_1073 = arith.constant 3 : i32
    %broadcast_in_dim3A_1074 = vector.broadcast %broadcast_in_dim3A_1073 : i32 to vector<16xi32>
    %add3A_1075 = arith.constant 16 : i32
    %add3A_1076 = vector.broadcast %add3A_1075 : i32 to vector<16xi32>
    %add3A_1077 = arith.addi %iota3A, %add3A_1076 : vector<16xi32>
    tpu.vector_store_idx %arg6[%broadcast_in_dim3A_1074, %add3A_1077], %add3A_1054 : memref<5x128xi32, #tpu.memory_space<vmem>>[vector<16xi32>, vector<16xi32>], vector<16xi32>,
    %broadcast_in_dim3A_1078 = arith.constant 3 : i32
    %broadcast_in_dim3A_1079 = vector.broadcast %broadcast_in_dim3A_1078 : i32 to vector<16xi32>
    %add3A_1080 = arith.constant 32 : i32
    %add3A_1081 = vector.broadcast %add3A_1080 : i32 to vector<16xi32>
    %add3A_1082 = arith.addi %iota3A, %add3A_1081 : vector<16xi32>
    tpu.vector_store_idx %arg6[%broadcast_in_dim3A_1079, %add3A_1082], %add3A_1062 : memref<5x128xi32, #tpu.memory_space<vmem>>[vector<16xi32>, vector<16xi32>], vector<16xi32>,
    %broadcast_in_dim3A_1083 = arith.constant 3 : i32
    %broadcast_in_dim3A_1084 = vector.broadcast %broadcast_in_dim3A_1083 : i32 to vector<16xi32>
    %add3A_1085 = arith.constant 48 : i32
    %add3A_1086 = vector.broadcast %add3A_1085 : i32 to vector<16xi32>
    %add3A_1087 = arith.addi %iota3A, %add3A_1086 : vector<16xi32>
    tpu.vector_store_idx %arg6[%broadcast_in_dim3A_1084, %add3A_1087], %add3A_1067 : memref<5x128xi32, #tpu.memory_space<vmem>>[vector<16xi32>, vector<16xi32>], vector<16xi32>,
    %sub3A_1088 = arith.subi %min3A_978, %min3A_963 : vector<16xi32>
    %sub3A_1089 = arith.subi %min3A_1004, %min3A_989 : vector<16xi32>
    %mul3A_1090 = arith.muli %sub3A_1088, %sub3A_1089 : vector<16xi32>
    %convert_element_type3A_1091 = arith.sitofp %mul3A_1090 : vector<16xi32> to vector<16xf32>
    %gt3A_1092 = arith.cmpi sgt, %min3A_978, %min3A_963 : vector<16xi32>
    %gt3A_1093 = arith.cmpi sgt, %min3A_1004, %min3A_989 : vector<16xi32>
    %and3A_1094 = arith.andi %gt3A_1092, %gt3A_1093 : vector<16xi1>
    %max3A_1095 = arith.constant 1.000000e+00 : f32
    %max3A_1096 = vector.broadcast %max3A_1095 : f32 to vector<16xf32>
    %max3A_1097 = arith.maximumf %convert_element_type3A_1091, %max3A_1096 : vector<16xf32>
    %div3A_1098 = arith.constant 1.000000e+00 : f32
    %div3A_1099 = vector.broadcast %div3A_1098 : f32 to vector<16xf32>
    %div3A_1100 = arith.divf %div3A_1099, %max3A_1097 : vector<16xf32>
    %jit3A_1101 = arith.constant 0.000000e+00 : f32
    %broadcast_in_dim3A_1102 = vector.broadcast %jit3A_1101 : f32 to vector<16xf32>
    %select_n3A_1103 = arith.select %and3A_1094, %div3A_1100, %broadcast_in_dim3A_1102 : vector<16xi1>, vector<16xf32>
    %mul3A_1104 = arith.constant 2.000000e+00 : f32
    %mul3A_1105 = vector.broadcast %mul3A_1104 : f32 to vector<16xf32>
    %mul3A_1106 = arith.mulf %mul3A_1105, %mul3A_53 : vector<16xf32>
    %add3A_1107 = arith.addf %gather3A_27, %mul3A_1106 : vector<16xf32>
    %convert_element_type3A_1108 = arith.fptosi %add3A_1107 : vector<16xf32> to vector<16xi32>
    %jit3A_1109 = arith.constant 0 : i32
    %jit3A_1110 = arith.constant 127 : i32
    %max3A_1111 = vector.broadcast %jit3A_1109 : i32 to vector<16xi32>
    %max3A_1112 = arith.maxsi %max3A_1111, %convert_element_type3A_1108 : vector<16xi32>
    %min3A_1113 = vector.broadcast %jit3A_1110 : i32 to vector<16xi32>
    %min3A_1114 = arith.minsi %min3A_1113, %max3A_1112 : vector<16xi32>
    %mul3A_1115 = arith.constant 3.000000e+00 : f32
    %mul3A_1116 = vector.broadcast %mul3A_1115 : f32 to vector<16xf32>
    %mul3A_1117 = arith.mulf %mul3A_1116, %mul3A_53 : vector<16xf32>
    %add3A_1118 = arith.addf %gather3A_27, %mul3A_1117 : vector<16xf32>
    %convert_element_type3A_1119 = arith.fptosi %add3A_1118 : vector<16xf32> to vector<16xi32>
    %convert_element_type3A_1120 = arith.sitofp %convert_element_type3A_1119 : vector<16xi32> to vector<16xf32>
    %gt3A_1121 = arith.cmpf ogt, %add3A_1118, %convert_element_type3A_1120 : vector<16xf32>
    %convert_element_type3A_1122 = arith.extui %gt3A_1121 : vector<16xi1> to vector<16xi32>
    %add3A_1123 = arith.addi %convert_element_type3A_1119, %convert_element_type3A_1122 : vector<16xi32>
    %jit3A_1124 = arith.constant 1 : i32
    %jit3A_1125 = arith.constant 128 : i32
    %max3A_1126 = vector.broadcast %jit3A_1124 : i32 to vector<16xi32>
    %max3A_1127 = arith.maxsi %max3A_1126, %add3A_1123 : vector<16xi32>
    %min3A_1128 = vector.broadcast %jit3A_1125 : i32 to vector<16xi32>
    %min3A_1129 = arith.minsi %min3A_1128, %max3A_1127 : vector<16xi32>
    %mul3A_1130 = arith.constant 1.000000e+00 : f32
    %mul3A_1131 = vector.broadcast %mul3A_1130 : f32 to vector<16xf32>
    %mul3A_1132 = arith.mulf %mul3A_1131, %mul3A_46 : vector<16xf32>
    %add3A_1133 = arith.addf %gather3A_20, %mul3A_1132 : vector<16xf32>
    %convert_element_type3A_1134 = arith.fptosi %add3A_1133 : vector<16xf32> to vector<16xi32>
    %jit3A_1135 = arith.constant 0 : i32
    %jit3A_1136 = arith.constant 127 : i32
    %max3A_1137 = vector.broadcast %jit3A_1135 : i32 to vector<16xi32>
    %max3A_1138 = arith.maxsi %max3A_1137, %convert_element_type3A_1134 : vector<16xi32>
    %min3A_1139 = vector.broadcast %jit3A_1136 : i32 to vector<16xi32>
    %min3A_1140 = arith.minsi %min3A_1139, %max3A_1138 : vector<16xi32>
    %mul3A_1141 = arith.constant 2.000000e+00 : f32
    %mul3A_1142 = vector.broadcast %mul3A_1141 : f32 to vector<16xf32>
    %mul3A_1143 = arith.mulf %mul3A_1142, %mul3A_46 : vector<16xf32>
    %add3A_1144 = arith.addf %gather3A_20, %mul3A_1143 : vector<16xf32>
    %convert_element_type3A_1145 = arith.fptosi %add3A_1144 : vector<16xf32> to vector<16xi32>
    %convert_element_type3A_1146 = arith.sitofp %convert_element_type3A_1145 : vector<16xi32> to vector<16xf32>
    %gt3A_1147 = arith.cmpf ogt, %add3A_1144, %convert_element_type3A_1146 : vector<16xf32>
    %convert_element_type3A_1148 = arith.extui %gt3A_1147 : vector<16xi1> to vector<16xi32>
    %add3A_1149 = arith.addi %convert_element_type3A_1145, %convert_element_type3A_1148 : vector<16xi32>
    %jit3A_1150 = arith.constant 1 : i32
    %jit3A_1151 = arith.constant 128 : i32
    %max3A_1152 = vector.broadcast %jit3A_1150 : i32 to vector<16xi32>
    %max3A_1153 = arith.maxsi %max3A_1152, %add3A_1149 : vector<16xi32>
    %min3A_1154 = vector.broadcast %jit3A_1151 : i32 to vector<16xi32>
    %min3A_1155 = arith.minsi %min3A_1154, %max3A_1153 : vector<16xi32>
    %gt3A_1156 = arith.constant 0 : i32
    %gt3A_1157 = vector.broadcast %gt3A_1156 : i32 to vector<16xi32>
    %gt3A_1158 = arith.cmpi sgt, %min3A_1114, %gt3A_1157 : vector<16xi32>
    %convert_element_type3A_1159 = arith.extui %gt3A_1158 : vector<16xi1> to vector<16xi32>
    %convert_element_type3A_1160 = arith.sitofp %convert_element_type3A_1159 : vector<16xi32> to vector<16xf32>
    %gt3A_1161 = arith.constant 0 : i32
    %gt3A_1162 = vector.broadcast %gt3A_1161 : i32 to vector<16xi32>
    %gt3A_1163 = arith.cmpi sgt, %min3A_1140, %gt3A_1162 : vector<16xi32>
    %convert_element_type3A_1164 = arith.extui %gt3A_1163 : vector<16xi1> to vector<16xi32>
    %convert_element_type3A_1165 = arith.sitofp %convert_element_type3A_1164 : vector<16xi32> to vector<16xf32>
    %sub3A_1166 = arith.constant 1 : i32
    %sub3A_1167 = vector.broadcast %sub3A_1166 : i32 to vector<16xi32>
    %sub3A_1168 = arith.subi %min3A_1114, %sub3A_1167 : vector<16xi32>
    %max3A_1169 = arith.constant 0 : i32
    %max3A_1170 = vector.broadcast %max3A_1169 : i32 to vector<16xi32>
    %max3A_1171 = arith.maxsi %sub3A_1168, %max3A_1170 : vector<16xi32>
    %sub3A_1172 = arith.constant 1 : i32
    %sub3A_1173 = vector.broadcast %sub3A_1172 : i32 to vector<16xi32>
    %sub3A_1174 = arith.subi %min3A_1140, %sub3A_1173 : vector<16xi32>
    %max3A_1175 = arith.constant 0 : i32
    %max3A_1176 = vector.broadcast %max3A_1175 : i32 to vector<16xi32>
    %max3A_1177 = arith.maxsi %sub3A_1174, %max3A_1176 : vector<16xi32>
    %mul3A_1178 = arith.constant 3 : i32
    %mul3A_1179 = vector.broadcast %mul3A_1178 : i32 to vector<16xi32>
    %mul3A_1180 = arith.muli %convert_element_type3A, %mul3A_1179 : vector<16xi32>
    %add3A_1181 = arith.constant 2 : i32
    %add3A_1182 = vector.broadcast %add3A_1181 : i32 to vector<16xi32>
    %add3A_1183 = arith.addi %mul3A_1180, %add3A_1182 : vector<16xi32>
    %mul3A_1184 = arith.constant 16384 : i32
    %mul3A_1185 = vector.broadcast %mul3A_1184 : i32 to vector<16xi32>
    %mul3A_1186 = arith.muli %add3A_1183, %mul3A_1185 : vector<16xi32>
    %sub3A_1187 = arith.constant 1 : i32
    %sub3A_1188 = vector.broadcast %sub3A_1187 : i32 to vector<16xi32>
    %sub3A_1189 = arith.subi %min3A_1129, %sub3A_1188 : vector<16xi32>
    %mul3A_1190 = arith.constant 128 : i32
    %mul3A_1191 = vector.broadcast %mul3A_1190 : i32 to vector<16xi32>
    %mul3A_1192 = arith.muli %sub3A_1189, %mul3A_1191 : vector<16xi32>
    %add3A_1193 = arith.addi %mul3A_1186, %mul3A_1192 : vector<16xi32>
    %sub3A_1194 = arith.constant 1 : i32
    %sub3A_1195 = vector.broadcast %sub3A_1194 : i32 to vector<16xi32>
    %sub3A_1196 = arith.subi %min3A_1155, %sub3A_1195 : vector<16xi32>
    %add3A_1197 = arith.addi %add3A_1193, %sub3A_1196 : vector<16xi32>
    %mul3A_1198 = arith.constant 128 : i32
    %mul3A_1199 = vector.broadcast %mul3A_1198 : i32 to vector<16xi32>
    %mul3A_1200 = arith.muli %max3A_1171, %mul3A_1199 : vector<16xi32>
    %add3A_1201 = arith.addi %mul3A_1186, %mul3A_1200 : vector<16xi32>
    %sub3A_1202 = arith.constant 1 : i32
    %sub3A_1203 = vector.broadcast %sub3A_1202 : i32 to vector<16xi32>
    %sub3A_1204 = arith.subi %min3A_1155, %sub3A_1203 : vector<16xi32>
    %add3A_1205 = arith.addi %add3A_1201, %sub3A_1204 : vector<16xi32>
    %sub3A_1206 = arith.constant 1 : i32
    %sub3A_1207 = vector.broadcast %sub3A_1206 : i32 to vector<16xi32>
    %sub3A_1208 = arith.subi %min3A_1129, %sub3A_1207 : vector<16xi32>
    %mul3A_1209 = arith.constant 128 : i32
    %mul3A_1210 = vector.broadcast %mul3A_1209 : i32 to vector<16xi32>
    %mul3A_1211 = arith.muli %sub3A_1208, %mul3A_1210 : vector<16xi32>
    %add3A_1212 = arith.addi %mul3A_1186, %mul3A_1211 : vector<16xi32>
    %add3A_1213 = arith.addi %add3A_1212, %max3A_1177 : vector<16xi32>
    %mul3A_1214 = arith.constant 128 : i32
    %mul3A_1215 = vector.broadcast %mul3A_1214 : i32 to vector<16xi32>
    %mul3A_1216 = arith.muli %max3A_1171, %mul3A_1215 : vector<16xi32>
    %add3A_1217 = arith.addi %mul3A_1186, %mul3A_1216 : vector<16xi32>
    %add3A_1218 = arith.addi %add3A_1217, %max3A_1177 : vector<16xi32>
    %broadcast_in_dim3A_1219 = arith.constant 3 : i32
    %broadcast_in_dim3A_1220 = vector.broadcast %broadcast_in_dim3A_1219 : i32 to vector<16xi32>
    %add3A_1221 = arith.constant 64 : i32
    %add3A_1222 = vector.broadcast %add3A_1221 : i32 to vector<16xi32>
    %add3A_1223 = arith.addi %iota3A, %add3A_1222 : vector<16xi32>
    tpu.vector_store_idx %arg6[%broadcast_in_dim3A_1220, %add3A_1223], %add3A_1197 : memref<5x128xi32, #tpu.memory_space<vmem>>[vector<16xi32>, vector<16xi32>], vector<16xi32>,
    %broadcast_in_dim3A_1224 = arith.constant 3 : i32
    %broadcast_in_dim3A_1225 = vector.broadcast %broadcast_in_dim3A_1224 : i32 to vector<16xi32>
    %add3A_1226 = arith.constant 80 : i32
    %add3A_1227 = vector.broadcast %add3A_1226 : i32 to vector<16xi32>
    %add3A_1228 = arith.addi %iota3A, %add3A_1227 : vector<16xi32>
    tpu.vector_store_idx %arg6[%broadcast_in_dim3A_1225, %add3A_1228], %add3A_1205 : memref<5x128xi32, #tpu.memory_space<vmem>>[vector<16xi32>, vector<16xi32>], vector<16xi32>,
    %broadcast_in_dim3A_1229 = arith.constant 3 : i32
    %broadcast_in_dim3A_1230 = vector.broadcast %broadcast_in_dim3A_1229 : i32 to vector<16xi32>
    %add3A_1231 = arith.constant 96 : i32
    %add3A_1232 = vector.broadcast %add3A_1231 : i32 to vector<16xi32>
    %add3A_1233 = arith.addi %iota3A, %add3A_1232 : vector<16xi32>
    tpu.vector_store_idx %arg6[%broadcast_in_dim3A_1230, %add3A_1233], %add3A_1213 : memref<5x128xi32, #tpu.memory_space<vmem>>[vector<16xi32>, vector<16xi32>], vector<16xi32>,
    %broadcast_in_dim3A_1234 = arith.constant 3 : i32
    %broadcast_in_dim3A_1235 = vector.broadcast %broadcast_in_dim3A_1234 : i32 to vector<16xi32>
    %add3A_1236 = arith.constant 112 : i32
    %add3A_1237 = vector.broadcast %add3A_1236 : i32 to vector<16xi32>
    %add3A_1238 = arith.addi %iota3A, %add3A_1237 : vector<16xi32>
    tpu.vector_store_idx %arg6[%broadcast_in_dim3A_1235, %add3A_1238], %add3A_1218 : memref<5x128xi32, #tpu.memory_space<vmem>>[vector<16xi32>, vector<16xi32>], vector<16xi32>,
    %sub3A_1239 = arith.subi %min3A_1129, %min3A_1114 : vector<16xi32>
    %sub3A_1240 = arith.subi %min3A_1155, %min3A_1140 : vector<16xi32>
    %mul3A_1241 = arith.muli %sub3A_1239, %sub3A_1240 : vector<16xi32>
    %convert_element_type3A_1242 = arith.sitofp %mul3A_1241 : vector<16xi32> to vector<16xf32>
    %gt3A_1243 = arith.cmpi sgt, %min3A_1129, %min3A_1114 : vector<16xi32>
    %gt3A_1244 = arith.cmpi sgt, %min3A_1155, %min3A_1140 : vector<16xi32>
    %and3A_1245 = arith.andi %gt3A_1243, %gt3A_1244 : vector<16xi1>
    %max3A_1246 = arith.constant 1.000000e+00 : f32
    %max3A_1247 = vector.broadcast %max3A_1246 : f32 to vector<16xf32>
    %max3A_1248 = arith.maximumf %convert_element_type3A_1242, %max3A_1247 : vector<16xf32>
    %div3A_1249 = arith.constant 1.000000e+00 : f32
    %div3A_1250 = vector.broadcast %div3A_1249 : f32 to vector<16xf32>
    %div3A_1251 = arith.divf %div3A_1250, %max3A_1248 : vector<16xf32>
    %jit3A_1252 = arith.constant 0.000000e+00 : f32
    %broadcast_in_dim3A_1253 = vector.broadcast %jit3A_1252 : f32 to vector<16xf32>
    %select_n3A_1254 = arith.select %and3A_1245, %div3A_1251, %broadcast_in_dim3A_1253 : vector<16xi1>, vector<16xf32>
    %mul3A_1255 = arith.constant 2.000000e+00 : f32
    %mul3A_1256 = vector.broadcast %mul3A_1255 : f32 to vector<16xf32>
    %mul3A_1257 = arith.mulf %mul3A_1256, %mul3A_53 : vector<16xf32>
    %add3A_1258 = arith.addf %gather3A_27, %mul3A_1257 : vector<16xf32>
    %convert_element_type3A_1259 = arith.fptosi %add3A_1258 : vector<16xf32> to vector<16xi32>
    %jit3A_1260 = arith.constant 0 : i32
    %jit3A_1261 = arith.constant 127 : i32
    %max3A_1262 = vector.broadcast %jit3A_1260 : i32 to vector<16xi32>
    %max3A_1263 = arith.maxsi %max3A_1262, %convert_element_type3A_1259 : vector<16xi32>
    %min3A_1264 = vector.broadcast %jit3A_1261 : i32 to vector<16xi32>
    %min3A_1265 = arith.minsi %min3A_1264, %max3A_1263 : vector<16xi32>
    %mul3A_1266 = arith.constant 3.000000e+00 : f32
    %mul3A_1267 = vector.broadcast %mul3A_1266 : f32 to vector<16xf32>
    %mul3A_1268 = arith.mulf %mul3A_1267, %mul3A_53 : vector<16xf32>
    %add3A_1269 = arith.addf %gather3A_27, %mul3A_1268 : vector<16xf32>
    %convert_element_type3A_1270 = arith.fptosi %add3A_1269 : vector<16xf32> to vector<16xi32>
    %convert_element_type3A_1271 = arith.sitofp %convert_element_type3A_1270 : vector<16xi32> to vector<16xf32>
    %gt3A_1272 = arith.cmpf ogt, %add3A_1269, %convert_element_type3A_1271 : vector<16xf32>
    %convert_element_type3A_1273 = arith.extui %gt3A_1272 : vector<16xi1> to vector<16xi32>
    %add3A_1274 = arith.addi %convert_element_type3A_1270, %convert_element_type3A_1273 : vector<16xi32>
    %jit3A_1275 = arith.constant 1 : i32
    %jit3A_1276 = arith.constant 128 : i32
    %max3A_1277 = vector.broadcast %jit3A_1275 : i32 to vector<16xi32>
    %max3A_1278 = arith.maxsi %max3A_1277, %add3A_1274 : vector<16xi32>
    %min3A_1279 = vector.broadcast %jit3A_1276 : i32 to vector<16xi32>
    %min3A_1280 = arith.minsi %min3A_1279, %max3A_1278 : vector<16xi32>
    %mul3A_1281 = arith.constant 2.000000e+00 : f32
    %mul3A_1282 = vector.broadcast %mul3A_1281 : f32 to vector<16xf32>
    %mul3A_1283 = arith.mulf %mul3A_1282, %mul3A_46 : vector<16xf32>
    %add3A_1284 = arith.addf %gather3A_20, %mul3A_1283 : vector<16xf32>
    %convert_element_type3A_1285 = arith.fptosi %add3A_1284 : vector<16xf32> to vector<16xi32>
    %jit3A_1286 = arith.constant 0 : i32
    %jit3A_1287 = arith.constant 127 : i32
    %max3A_1288 = vector.broadcast %jit3A_1286 : i32 to vector<16xi32>
    %max3A_1289 = arith.maxsi %max3A_1288, %convert_element_type3A_1285 : vector<16xi32>
    %min3A_1290 = vector.broadcast %jit3A_1287 : i32 to vector<16xi32>
    %min3A_1291 = arith.minsi %min3A_1290, %max3A_1289 : vector<16xi32>
    %mul3A_1292 = arith.constant 3.000000e+00 : f32
    %mul3A_1293 = vector.broadcast %mul3A_1292 : f32 to vector<16xf32>
    %mul3A_1294 = arith.mulf %mul3A_1293, %mul3A_46 : vector<16xf32>
    %add3A_1295 = arith.addf %gather3A_20, %mul3A_1294 : vector<16xf32>
    %convert_element_type3A_1296 = arith.fptosi %add3A_1295 : vector<16xf32> to vector<16xi32>
    %convert_element_type3A_1297 = arith.sitofp %convert_element_type3A_1296 : vector<16xi32> to vector<16xf32>
    %gt3A_1298 = arith.cmpf ogt, %add3A_1295, %convert_element_type3A_1297 : vector<16xf32>
    %convert_element_type3A_1299 = arith.extui %gt3A_1298 : vector<16xi1> to vector<16xi32>
    %add3A_1300 = arith.addi %convert_element_type3A_1296, %convert_element_type3A_1299 : vector<16xi32>
    %jit3A_1301 = arith.constant 1 : i32
    %jit3A_1302 = arith.constant 128 : i32
    %max3A_1303 = vector.broadcast %jit3A_1301 : i32 to vector<16xi32>
    %max3A_1304 = arith.maxsi %max3A_1303, %add3A_1300 : vector<16xi32>
    %min3A_1305 = vector.broadcast %jit3A_1302 : i32 to vector<16xi32>
    %min3A_1306 = arith.minsi %min3A_1305, %max3A_1304 : vector<16xi32>
    %gt3A_1307 = arith.constant 0 : i32
    %gt3A_1308 = vector.broadcast %gt3A_1307 : i32 to vector<16xi32>
    %gt3A_1309 = arith.cmpi sgt, %min3A_1265, %gt3A_1308 : vector<16xi32>
    %convert_element_type3A_1310 = arith.extui %gt3A_1309 : vector<16xi1> to vector<16xi32>
    %convert_element_type3A_1311 = arith.sitofp %convert_element_type3A_1310 : vector<16xi32> to vector<16xf32>
    %gt3A_1312 = arith.constant 0 : i32
    %gt3A_1313 = vector.broadcast %gt3A_1312 : i32 to vector<16xi32>
    %gt3A_1314 = arith.cmpi sgt, %min3A_1291, %gt3A_1313 : vector<16xi32>
    %convert_element_type3A_1315 = arith.extui %gt3A_1314 : vector<16xi1> to vector<16xi32>
    %convert_element_type3A_1316 = arith.sitofp %convert_element_type3A_1315 : vector<16xi32> to vector<16xf32>
    %sub3A_1317 = arith.constant 1 : i32
    %sub3A_1318 = vector.broadcast %sub3A_1317 : i32 to vector<16xi32>
    %sub3A_1319 = arith.subi %min3A_1265, %sub3A_1318 : vector<16xi32>
    %max3A_1320 = arith.constant 0 : i32
    %max3A_1321 = vector.broadcast %max3A_1320 : i32 to vector<16xi32>
    %max3A_1322 = arith.maxsi %sub3A_1319, %max3A_1321 : vector<16xi32>
    %sub3A_1323 = arith.constant 1 : i32
    %sub3A_1324 = vector.broadcast %sub3A_1323 : i32 to vector<16xi32>
    %sub3A_1325 = arith.subi %min3A_1291, %sub3A_1324 : vector<16xi32>
    %max3A_1326 = arith.constant 0 : i32
    %max3A_1327 = vector.broadcast %max3A_1326 : i32 to vector<16xi32>
    %max3A_1328 = arith.maxsi %sub3A_1325, %max3A_1327 : vector<16xi32>
    %mul3A_1329 = arith.constant 3 : i32
    %mul3A_1330 = vector.broadcast %mul3A_1329 : i32 to vector<16xi32>
    %mul3A_1331 = arith.muli %convert_element_type3A, %mul3A_1330 : vector<16xi32>
    %add3A_1332 = arith.constant 2 : i32
    %add3A_1333 = vector.broadcast %add3A_1332 : i32 to vector<16xi32>
    %add3A_1334 = arith.addi %mul3A_1331, %add3A_1333 : vector<16xi32>
    %mul3A_1335 = arith.constant 16384 : i32
    %mul3A_1336 = vector.broadcast %mul3A_1335 : i32 to vector<16xi32>
    %mul3A_1337 = arith.muli %add3A_1334, %mul3A_1336 : vector<16xi32>
    %sub3A_1338 = arith.constant 1 : i32
    %sub3A_1339 = vector.broadcast %sub3A_1338 : i32 to vector<16xi32>
    %sub3A_1340 = arith.subi %min3A_1280, %sub3A_1339 : vector<16xi32>
    %mul3A_1341 = arith.constant 128 : i32
    %mul3A_1342 = vector.broadcast %mul3A_1341 : i32 to vector<16xi32>
    %mul3A_1343 = arith.muli %sub3A_1340, %mul3A_1342 : vector<16xi32>
    %add3A_1344 = arith.addi %mul3A_1337, %mul3A_1343 : vector<16xi32>
    %sub3A_1345 = arith.constant 1 : i32
    %sub3A_1346 = vector.broadcast %sub3A_1345 : i32 to vector<16xi32>
    %sub3A_1347 = arith.subi %min3A_1306, %sub3A_1346 : vector<16xi32>
    %add3A_1348 = arith.addi %add3A_1344, %sub3A_1347 : vector<16xi32>
    %mul3A_1349 = arith.constant 128 : i32
    %mul3A_1350 = vector.broadcast %mul3A_1349 : i32 to vector<16xi32>
    %mul3A_1351 = arith.muli %max3A_1322, %mul3A_1350 : vector<16xi32>
    %add3A_1352 = arith.addi %mul3A_1337, %mul3A_1351 : vector<16xi32>
    %sub3A_1353 = arith.constant 1 : i32
    %sub3A_1354 = vector.broadcast %sub3A_1353 : i32 to vector<16xi32>
    %sub3A_1355 = arith.subi %min3A_1306, %sub3A_1354 : vector<16xi32>
    %add3A_1356 = arith.addi %add3A_1352, %sub3A_1355 : vector<16xi32>
    %sub3A_1357 = arith.constant 1 : i32
    %sub3A_1358 = vector.broadcast %sub3A_1357 : i32 to vector<16xi32>
    %sub3A_1359 = arith.subi %min3A_1280, %sub3A_1358 : vector<16xi32>
    %mul3A_1360 = arith.constant 128 : i32
    %mul3A_1361 = vector.broadcast %mul3A_1360 : i32 to vector<16xi32>
    %mul3A_1362 = arith.muli %sub3A_1359, %mul3A_1361 : vector<16xi32>
    %add3A_1363 = arith.addi %mul3A_1337, %mul3A_1362 : vector<16xi32>
    %add3A_1364 = arith.addi %add3A_1363, %max3A_1328 : vector<16xi32>
    %mul3A_1365 = arith.constant 128 : i32
    %mul3A_1366 = vector.broadcast %mul3A_1365 : i32 to vector<16xi32>
    %mul3A_1367 = arith.muli %max3A_1322, %mul3A_1366 : vector<16xi32>
    %add3A_1368 = arith.addi %mul3A_1337, %mul3A_1367 : vector<16xi32>
    %add3A_1369 = arith.addi %add3A_1368, %max3A_1328 : vector<16xi32>
    %broadcast_in_dim3A_1370 = arith.constant 4 : i32
    %broadcast_in_dim3A_1371 = vector.broadcast %broadcast_in_dim3A_1370 : i32 to vector<16xi32>
    %add3A_1372 = arith.constant 0 : i32
    %add3A_1373 = vector.broadcast %add3A_1372 : i32 to vector<16xi32>
    %add3A_1374 = arith.addi %iota3A, %add3A_1373 : vector<16xi32>
    tpu.vector_store_idx %arg6[%broadcast_in_dim3A_1371, %add3A_1374], %add3A_1348 : memref<5x128xi32, #tpu.memory_space<vmem>>[vector<16xi32>, vector<16xi32>], vector<16xi32>,
    %broadcast_in_dim3A_1375 = arith.constant 4 : i32
    %broadcast_in_dim3A_1376 = vector.broadcast %broadcast_in_dim3A_1375 : i32 to vector<16xi32>
    %add3A_1377 = arith.constant 16 : i32
    %add3A_1378 = vector.broadcast %add3A_1377 : i32 to vector<16xi32>
    %add3A_1379 = arith.addi %iota3A, %add3A_1378 : vector<16xi32>
    tpu.vector_store_idx %arg6[%broadcast_in_dim3A_1376, %add3A_1379], %add3A_1356 : memref<5x128xi32, #tpu.memory_space<vmem>>[vector<16xi32>, vector<16xi32>], vector<16xi32>,
    %broadcast_in_dim3A_1380 = arith.constant 4 : i32
    %broadcast_in_dim3A_1381 = vector.broadcast %broadcast_in_dim3A_1380 : i32 to vector<16xi32>
    %add3A_1382 = arith.constant 32 : i32
    %add3A_1383 = vector.broadcast %add3A_1382 : i32 to vector<16xi32>
    %add3A_1384 = arith.addi %iota3A, %add3A_1383 : vector<16xi32>
    tpu.vector_store_idx %arg6[%broadcast_in_dim3A_1381, %add3A_1384], %add3A_1364 : memref<5x128xi32, #tpu.memory_space<vmem>>[vector<16xi32>, vector<16xi32>], vector<16xi32>,
    %broadcast_in_dim3A_1385 = arith.constant 4 : i32
    %broadcast_in_dim3A_1386 = vector.broadcast %broadcast_in_dim3A_1385 : i32 to vector<16xi32>
    %add3A_1387 = arith.constant 48 : i32
    %add3A_1388 = vector.broadcast %add3A_1387 : i32 to vector<16xi32>
    %add3A_1389 = arith.addi %iota3A, %add3A_1388 : vector<16xi32>
    tpu.vector_store_idx %arg6[%broadcast_in_dim3A_1386, %add3A_1389], %add3A_1369 : memref<5x128xi32, #tpu.memory_space<vmem>>[vector<16xi32>, vector<16xi32>], vector<16xi32>,
    %sub3A_1390 = arith.subi %min3A_1280, %min3A_1265 : vector<16xi32>
    %sub3A_1391 = arith.subi %min3A_1306, %min3A_1291 : vector<16xi32>
    %mul3A_1392 = arith.muli %sub3A_1390, %sub3A_1391 : vector<16xi32>
    %convert_element_type3A_1393 = arith.sitofp %mul3A_1392 : vector<16xi32> to vector<16xf32>
    %gt3A_1394 = arith.cmpi sgt, %min3A_1280, %min3A_1265 : vector<16xi32>
    %gt3A_1395 = arith.cmpi sgt, %min3A_1306, %min3A_1291 : vector<16xi32>
    %and3A_1396 = arith.andi %gt3A_1394, %gt3A_1395 : vector<16xi1>
    %max3A_1397 = arith.constant 1.000000e+00 : f32
    %max3A_1398 = vector.broadcast %max3A_1397 : f32 to vector<16xf32>
    %max3A_1399 = arith.maximumf %convert_element_type3A_1393, %max3A_1398 : vector<16xf32>
    %div3A_1400 = arith.constant 1.000000e+00 : f32
    %div3A_1401 = vector.broadcast %div3A_1400 : f32 to vector<16xf32>
    %div3A_1402 = arith.divf %div3A_1401, %max3A_1399 : vector<16xf32>
    %jit3A_1403 = arith.constant 0.000000e+00 : f32
    %broadcast_in_dim3A_1404 = vector.broadcast %jit3A_1403 : f32 to vector<16xf32>
    %select_n3A_1405 = arith.select %and3A_1396, %div3A_1402, %broadcast_in_dim3A_1404 : vector<16xi1>, vector<16xf32>
    %dma_start3A = arith.constant 0 : i32
    %dma_start3A_1406 = arith.constant 0 : i32
    %dma_start3A_1407 = arith.constant 0 : i32
    %dma_start3A_1408 = tpu.memref_slice %arg7[%dma_start3A_1406, %dma_start3A_1407] : memref<576x128xf32, #tpu.memory_space<vmem>> -> memref<128x128xf32, #tpu.memory_space<vmem>>
    %dma_start3A_1409 = arith.constant 0 : i32
    %dma_start3A_1410 = tpu.memref_slice %arg6[%dma_start3A, %dma_start3A_1409] : memref<5x128xi32, #tpu.memory_space<vmem>> -> memref<1x128xi32, #tpu.memory_space<vmem>>
    %dma_start3A_1411 = tpu.memref_squeeze %dma_start3A_1410 : memref<1x128xi32, #tpu.memory_space<vmem>> -> memref<128xi32, #tpu.memory_space<vmem>>
    %dma_start3A_1412 = arith.constant 0 : i32
    %dma_start3A_1413 = arith.constant 0 : i32
    %dma_start3A_1414 = tpu.memref_slice %arg3[%dma_start3A_1412, %dma_start3A_1413] : memref<98304x128xf32, #tpu.memory_space<hbm>> -> memref<98304x128xf32, #tpu.memory_space<hbm>>
    tpu.enqueue_indirect_dma source(%dma_start3A_1414 : memref<98304x128xf32, #tpu.memory_space<hbm>>) target(%dma_start3A_1408 : memref<128x128xf32, #tpu.memory_space<vmem>>) offsets(%dma_start3A_1411 : memref<128xi32, #tpu.memory_space<vmem>>) semaphore(%arg9 : memref<!tpu.dma_semaphore, #tpu.memory_space<semaphore_mem>>)
    %dma_start3A_1415 = arith.constant 1 : i32
    %dma_start3A_1416 = arith.constant 128 : i32
    %dma_start3A_1417 = arith.constant 0 : i32
    %dma_start3A_1418 = tpu.memref_slice %arg7[%dma_start3A_1416, %dma_start3A_1417] : memref<576x128xf32, #tpu.memory_space<vmem>> -> memref<128x128xf32, #tpu.memory_space<vmem>>
    %dma_start3A_1419 = arith.constant 0 : i32
    %dma_start3A_1420 = tpu.memref_slice %arg6[%dma_start3A_1415, %dma_start3A_1419] : memref<5x128xi32, #tpu.memory_space<vmem>> -> memref<1x128xi32, #tpu.memory_space<vmem>>
    %dma_start3A_1421 = tpu.memref_squeeze %dma_start3A_1420 : memref<1x128xi32, #tpu.memory_space<vmem>> -> memref<128xi32, #tpu.memory_space<vmem>>
    %dma_start3A_1422 = arith.constant 0 : i32
    %dma_start3A_1423 = arith.constant 0 : i32
    %dma_start3A_1424 = tpu.memref_slice %arg3[%dma_start3A_1422, %dma_start3A_1423] : memref<98304x128xf32, #tpu.memory_space<hbm>> -> memref<98304x128xf32, #tpu.memory_space<hbm>>
    tpu.enqueue_indirect_dma source(%dma_start3A_1424 : memref<98304x128xf32, #tpu.memory_space<hbm>>) target(%dma_start3A_1418 : memref<128x128xf32, #tpu.memory_space<vmem>>) offsets(%dma_start3A_1421 : memref<128xi32, #tpu.memory_space<vmem>>) semaphore(%arg9 : memref<!tpu.dma_semaphore, #tpu.memory_space<semaphore_mem>>)
    %dma_start3A_1425 = arith.constant 2 : i32
    %dma_start3A_1426 = arith.constant 256 : i32
    %dma_start3A_1427 = arith.constant 0 : i32
    %dma_start3A_1428 = tpu.memref_slice %arg7[%dma_start3A_1426, %dma_start3A_1427] : memref<576x128xf32, #tpu.memory_space<vmem>> -> memref<128x128xf32, #tpu.memory_space<vmem>>
    %dma_start3A_1429 = arith.constant 0 : i32
    %dma_start3A_1430 = tpu.memref_slice %arg6[%dma_start3A_1425, %dma_start3A_1429] : memref<5x128xi32, #tpu.memory_space<vmem>> -> memref<1x128xi32, #tpu.memory_space<vmem>>
    %dma_start3A_1431 = tpu.memref_squeeze %dma_start3A_1430 : memref<1x128xi32, #tpu.memory_space<vmem>> -> memref<128xi32, #tpu.memory_space<vmem>>
    %dma_start3A_1432 = arith.constant 0 : i32
    %dma_start3A_1433 = arith.constant 0 : i32
    %dma_start3A_1434 = tpu.memref_slice %arg3[%dma_start3A_1432, %dma_start3A_1433] : memref<98304x128xf32, #tpu.memory_space<hbm>> -> memref<98304x128xf32, #tpu.memory_space<hbm>>
    tpu.enqueue_indirect_dma source(%dma_start3A_1434 : memref<98304x128xf32, #tpu.memory_space<hbm>>) target(%dma_start3A_1428 : memref<128x128xf32, #tpu.memory_space<vmem>>) offsets(%dma_start3A_1431 : memref<128xi32, #tpu.memory_space<vmem>>) semaphore(%arg9 : memref<!tpu.dma_semaphore, #tpu.memory_space<semaphore_mem>>)
    %dma_start3A_1435 = arith.constant 3 : i32
    %dma_start3A_1436 = arith.constant 384 : i32
    %dma_start3A_1437 = arith.constant 0 : i32
    %dma_start3A_1438 = tpu.memref_slice %arg7[%dma_start3A_1436, %dma_start3A_1437] : memref<576x128xf32, #tpu.memory_space<vmem>> -> memref<128x128xf32, #tpu.memory_space<vmem>>
    %dma_start3A_1439 = arith.constant 0 : i32
    %dma_start3A_1440 = tpu.memref_slice %arg6[%dma_start3A_1435, %dma_start3A_1439] : memref<5x128xi32, #tpu.memory_space<vmem>> -> memref<1x128xi32, #tpu.memory_space<vmem>>
    %dma_start3A_1441 = tpu.memref_squeeze %dma_start3A_1440 : memref<1x128xi32, #tpu.memory_space<vmem>> -> memref<128xi32, #tpu.memory_space<vmem>>
    %dma_start3A_1442 = arith.constant 0 : i32
    %dma_start3A_1443 = arith.constant 0 : i32
    %dma_start3A_1444 = tpu.memref_slice %arg3[%dma_start3A_1442, %dma_start3A_1443] : memref<98304x128xf32, #tpu.memory_space<hbm>> -> memref<98304x128xf32, #tpu.memory_space<hbm>>
    tpu.enqueue_indirect_dma source(%dma_start3A_1444 : memref<98304x128xf32, #tpu.memory_space<hbm>>) target(%dma_start3A_1438 : memref<128x128xf32, #tpu.memory_space<vmem>>) offsets(%dma_start3A_1441 : memref<128xi32, #tpu.memory_space<vmem>>) semaphore(%arg9 : memref<!tpu.dma_semaphore, #tpu.memory_space<semaphore_mem>>)
    %dma_start3A_1445 = arith.constant 4 : i32
    %dma_start3A_1446 = arith.constant 512 : i32
    %dma_start3A_1447 = arith.constant 0 : i32
    %dma_start3A_1448 = tpu.memref_slice %arg7[%dma_start3A_1446, %dma_start3A_1447] : memref<576x128xf32, #tpu.memory_space<vmem>> -> memref<64x128xf32, #tpu.memory_space<vmem>>
    %dma_start3A_1449 = arith.constant 0 : i32
    %dma_start3A_1450 = tpu.memref_slice %arg6[%dma_start3A_1445, %dma_start3A_1449] : memref<5x128xi32, #tpu.memory_space<vmem>> -> memref<1x64xi32, #tpu.memory_space<vmem>>
    %dma_start3A_1451 = tpu.memref_squeeze %dma_start3A_1450 : memref<1x64xi32, #tpu.memory_space<vmem>> -> memref<64xi32, #tpu.memory_space<vmem>>
    %dma_start3A_1452 = arith.constant 0 : i32
    %dma_start3A_1453 = arith.constant 0 : i32
    %dma_start3A_1454 = tpu.memref_slice %arg3[%dma_start3A_1452, %dma_start3A_1453] : memref<98304x128xf32, #tpu.memory_space<hbm>> -> memref<98304x128xf32, #tpu.memory_space<hbm>>
    tpu.enqueue_indirect_dma source(%dma_start3A_1454 : memref<98304x128xf32, #tpu.memory_space<hbm>>) target(%dma_start3A_1448 : memref<64x128xf32, #tpu.memory_space<vmem>>) offsets(%dma_start3A_1451 : memref<64xi32, #tpu.memory_space<vmem>>) semaphore(%arg9 : memref<!tpu.dma_semaphore, #tpu.memory_space<semaphore_mem>>)
    %dma_wait3A = arith.constant 0 : i32
    %dma_wait3A_1455 = arith.constant 0 : i32
    %dma_wait3A_1456 = arith.constant 0 : i32
    %dma_wait3A_1457 = tpu.memref_slice %arg7[%dma_wait3A_1455, %dma_wait3A_1456] : memref<576x128xf32, #tpu.memory_space<vmem>> -> memref<128x128xf32, #tpu.memory_space<vmem>>
    %dma_wait3A_1458 = arith.constant 0 : i32
    %dma_wait3A_1459 = tpu.memref_slice %arg6[%dma_wait3A, %dma_wait3A_1458] : memref<5x128xi32, #tpu.memory_space<vmem>> -> memref<1x128xi32, #tpu.memory_space<vmem>>
    %dma_wait3A_1460 = tpu.memref_squeeze %dma_wait3A_1459 : memref<1x128xi32, #tpu.memory_space<vmem>> -> memref<128xi32, #tpu.memory_space<vmem>>
    %dma_wait3A_1461 = arith.constant 0 : i32
    %dma_wait3A_1462 = arith.constant 0 : i32
    %dma_wait3A_1463 = tpu.memref_slice %arg3[%dma_wait3A_1461, %dma_wait3A_1462] : memref<98304x128xf32, #tpu.memory_space<hbm>> -> memref<98304x128xf32, #tpu.memory_space<hbm>>
    tpu.wait_indirect_dma semaphore(%arg9 : memref<!tpu.dma_semaphore, #tpu.memory_space<semaphore_mem>>) src(%dma_wait3A_1463 : memref<98304x128xf32, #tpu.memory_space<hbm>>) dst(%dma_wait3A_1457 : memref<128x128xf32, #tpu.memory_space<vmem>>)
    %mul3A_1464 = arith.mulf %convert_element_type3A_107, %convert_element_type3A_112 : vector<16xf32>
    %scan3A = arith.constant 0 : i32
    %scan3A_1465 = arith.constant 0 : i32
    %scan3A_1466 = arith.constant 16 : i32
    %scan3A_1467 = arith.addi %scan3A_1465, %scan3A_1466 : i32
    %scan3A_1468 = arith.constant 1 : i32
    scf.for %scan3A_3145 = %scan3A_1465 to %scan3A_1467 step %scan3A_1468  : i32 {
      %broadcast_in_dim3A_3146 = vector.broadcast %scan3A_3145 : i32 to vector<16xi32>
      %broadcast_in_dim3A_3147 = vector.shape_cast %broadcast_in_dim3A_3146 : vector<16xi32> to vector<16x1xi32>
      %gather3A_3148 = vector.shape_cast %broadcast_in_dim3A_3147 : vector<16x1xi32> to vector<16xi32>
      %gather3A_3149 = tpu.dynamic_gather %convert_element_type3A_107[%gather3A_3148] in [0] : vector<16xf32>, vector<16xi32> -> vector<16xf32>
      %broadcast_in_dim3A_3150 = vector.shape_cast %broadcast_in_dim3A_3146 : vector<16xi32> to vector<16x1xi32>
      %gather3A_3151 = vector.shape_cast %broadcast_in_dim3A_3150 : vector<16x1xi32> to vector<16xi32>
      %gather3A_3152 = tpu.dynamic_gather %convert_element_type3A_112[%gather3A_3151] in [0] : vector<16xf32>, vector<16xi32> -> vector<16xf32>
      %mul3A_3153 = arith.mulf %gather3A_3149, %gather3A_3152 : vector<16xf32>
      %broadcast_in_dim3A_3154 = vector.shape_cast %broadcast_in_dim3A_3146 : vector<16xi32> to vector<16x1xi32>
      %gather3A_3155 = vector.shape_cast %broadcast_in_dim3A_3154 : vector<16x1xi32> to vector<16xi32>
      %gather3A_3156 = tpu.dynamic_gather %select_n3A[%gather3A_3155] in [0] : vector<16xf32>, vector<16xi32> -> vector<16xf32>
      %add3A_3157 = arith.constant 0 : i32
      %add3A_3158 = arith.addi %add3A_3157, %scan3A_3145 : i32
      %mul3A_3159 = arith.constant 189 : i32
      %mul3A_3160 = arith.muli %add3A_3158, %mul3A_3159 : i32
      %add3A_3161 = arith.constant 0 : i32
      %add3A_3162 = arith.addi %mul3A_3160, %add3A_3161 : i32
      %add3A_3163 = arith.constant 0 : i32
      %add3A_3164 = arith.addi %add3A_3163, %scan3A_3145 : i32
      %get3A = arith.index_cast %add3A_3164 : i32 to index
      %get3A_3165 = arith.constant 0 : index
      %get3A_3166 = tpu.vector_load %arg7[%get3A, %get3A_3165] {strides = array<i32>} : memref<576x128xf32, #tpu.memory_space<vmem>>, vector<16xf32>,
      %add3A_3167 = arith.constant 16 : i32
      %add3A_3168 = arith.addi %add3A_3167, %scan3A_3145 : i32
      %get3A_3169 = arith.index_cast %add3A_3168 : i32 to index
      %get3A_3170 = arith.constant 0 : index
      %get3A_3171 = tpu.vector_load %arg7[%get3A_3169, %get3A_3170] {strides = array<i32>} : memref<576x128xf32, #tpu.memory_space<vmem>>, vector<16xf32>,
      %add3A_3172 = arith.constant 32 : i32
      %add3A_3173 = arith.addi %add3A_3172, %scan3A_3145 : i32
      %get3A_3174 = arith.index_cast %add3A_3173 : i32 to index
      %get3A_3175 = arith.constant 0 : index
      %get3A_3176 = tpu.vector_load %arg7[%get3A_3174, %get3A_3175] {strides = array<i32>} : memref<576x128xf32, #tpu.memory_space<vmem>>, vector<16xf32>,
      %add3A_3177 = arith.constant 48 : i32
      %add3A_3178 = arith.addi %add3A_3177, %scan3A_3145 : i32
      %get3A_3179 = arith.index_cast %add3A_3178 : i32 to index
      %get3A_3180 = arith.constant 0 : index
      %get3A_3181 = tpu.vector_load %arg7[%get3A_3179, %get3A_3180] {strides = array<i32>} : memref<576x128xf32, #tpu.memory_space<vmem>>, vector<16xf32>,
      %mul3A_3182 = arith.mulf %gather3A_3149, %get3A_3171 : vector<16xf32>
      %sub3A_3183 = arith.subf %get3A_3166, %mul3A_3182 : vector<16xf32>
      %mul3A_3184 = arith.mulf %gather3A_3152, %get3A_3176 : vector<16xf32>
      %sub3A_3185 = arith.subf %sub3A_3183, %mul3A_3184 : vector<16xf32>
      %mul3A_3186 = arith.mulf %mul3A_3153, %get3A_3181 : vector<16xf32>
      %add3A_3187 = arith.addf %sub3A_3185, %mul3A_3186 : vector<16xf32>
      %mul3A_3188 = arith.mulf %add3A_3187, %gather3A_3156 : vector<16xf32>
      %add3A_3189 = arith.constant 0 : i32
      %add3A_3190 = vector.broadcast %add3A_3189 : i32 to vector<16xi32>
      %add3A_3191 = arith.addi %add3A_3190, %iota3A : vector<16xi32>
      %mul3A_3192 = arith.constant 9 : i32
      %mul3A_3193 = vector.broadcast %mul3A_3192 : i32 to vector<16xi32>
      %mul3A_3194 = arith.muli %add3A_3191, %mul3A_3193 : vector<16xi32>
      %add3A_3195 = vector.broadcast %add3A_3162 : i32 to vector<16xi32>
      %add3A_3196 = arith.addi %add3A_3195, %mul3A_3194 : vector<16xi32>
      tpu.vector_store_idx %arg8[%add3A_3196], %mul3A_3188 : memref<6048xf32, #tpu.memory_space<vmem>>[vector<16xi32>], vector<16xf32>,
      %add3A_3197 = arith.constant 0 : i32
      %add3A_3198 = arith.addi %add3A_3197, %scan3A_3145 : i32
      %get3A_3199 = arith.index_cast %add3A_3198 : i32 to index
      %get3A_3200 = arith.constant 16 : index
      %get3A_3201 = tpu.vector_load %arg7[%get3A_3199, %get3A_3200] {strides = array<i32>} : memref<576x128xf32, #tpu.memory_space<vmem>>, vector<16xf32>,
      %add3A_3202 = arith.constant 16 : i32
      %add3A_3203 = arith.addi %add3A_3202, %scan3A_3145 : i32
      %get3A_3204 = arith.index_cast %add3A_3203 : i32 to index
      %get3A_3205 = arith.constant 16 : index
      %get3A_3206 = tpu.vector_load %arg7[%get3A_3204, %get3A_3205] {strides = array<i32>} : memref<576x128xf32, #tpu.memory_space<vmem>>, vector<16xf32>,
      %add3A_3207 = arith.constant 32 : i32
      %add3A_3208 = arith.addi %add3A_3207, %scan3A_3145 : i32
      %get3A_3209 = arith.index_cast %add3A_3208 : i32 to index
      %get3A_3210 = arith.constant 16 : index
      %get3A_3211 = tpu.vector_load %arg7[%get3A_3209, %get3A_3210] {strides = array<i32>} : memref<576x128xf32, #tpu.memory_space<vmem>>, vector<16xf32>,
      %add3A_3212 = arith.constant 48 : i32
      %add3A_3213 = arith.addi %add3A_3212, %scan3A_3145 : i32
      %get3A_3214 = arith.index_cast %add3A_3213 : i32 to index
      %get3A_3215 = arith.constant 16 : index
      %get3A_3216 = tpu.vector_load %arg7[%get3A_3214, %get3A_3215] {strides = array<i32>} : memref<576x128xf32, #tpu.memory_space<vmem>>, vector<16xf32>,
      %mul3A_3217 = arith.mulf %gather3A_3149, %get3A_3206 : vector<16xf32>
      %sub3A_3218 = arith.subf %get3A_3201, %mul3A_3217 : vector<16xf32>
      %mul3A_3219 = arith.mulf %gather3A_3152, %get3A_3211 : vector<16xf32>
      %sub3A_3220 = arith.subf %sub3A_3218, %mul3A_3219 : vector<16xf32>
      %mul3A_3221 = arith.mulf %mul3A_3153, %get3A_3216 : vector<16xf32>
      %add3A_3222 = arith.addf %sub3A_3220, %mul3A_3221 : vector<16xf32>
      %mul3A_3223 = arith.mulf %add3A_3222, %gather3A_3156 : vector<16xf32>
      %add3A_3224 = arith.constant 16 : i32
      %add3A_3225 = vector.broadcast %add3A_3224 : i32 to vector<16xi32>
      %add3A_3226 = arith.addi %add3A_3225, %iota3A : vector<16xi32>
      %mul3A_3227 = arith.constant 9 : i32
      %mul3A_3228 = vector.broadcast %mul3A_3227 : i32 to vector<16xi32>
      %mul3A_3229 = arith.muli %add3A_3226, %mul3A_3228 : vector<16xi32>
      %add3A_3230 = vector.broadcast %add3A_3162 : i32 to vector<16xi32>
      %add3A_3231 = arith.addi %add3A_3230, %mul3A_3229 : vector<16xi32>
      %lt3A = arith.constant 5 : i32
      %lt3A_3232 = vector.broadcast %lt3A : i32 to vector<16xi32>
      %lt3A_3233 = arith.cmpi slt, %iota3A, %lt3A_3232 : vector<16xi32>
      tpu.vector_store_idx %arg8[%add3A_3231], %mul3A_3223 masked %lt3A_3233 : memref<6048xf32, #tpu.memory_space<vmem>>[vector<16xi32>], vector<16xf32>, vector<16xi1>
    }
    %scan3A_1469 = arith.constant 16 : i32
    %mul3A_1470 = arith.mulf %convert_element_type3A_254, %convert_element_type3A_259 : vector<16xf32>
    %scan3A_1471 = arith.constant 0 : i32
    %scan3A_1472 = arith.constant 0 : i32
    %scan3A_1473 = arith.constant 16 : i32
    %scan3A_1474 = arith.addi %scan3A_1472, %scan3A_1473 : i32
    %scan3A_1475 = arith.constant 1 : i32
    scf.for %scan3A_3145 = %scan3A_1472 to %scan3A_1474 step %scan3A_1475  : i32 {
      %broadcast_in_dim3A_3146 = vector.broadcast %scan3A_3145 : i32 to vector<16xi32>
      %broadcast_in_dim3A_3147 = vector.shape_cast %broadcast_in_dim3A_3146 : vector<16xi32> to vector<16x1xi32>
      %gather3A_3148 = vector.shape_cast %broadcast_in_dim3A_3147 : vector<16x1xi32> to vector<16xi32>
      %gather3A_3149 = tpu.dynamic_gather %convert_element_type3A_254[%gather3A_3148] in [0] : vector<16xf32>, vector<16xi32> -> vector<16xf32>
      %broadcast_in_dim3A_3150 = vector.shape_cast %broadcast_in_dim3A_3146 : vector<16xi32> to vector<16x1xi32>
      %gather3A_3151 = vector.shape_cast %broadcast_in_dim3A_3150 : vector<16x1xi32> to vector<16xi32>
      %gather3A_3152 = tpu.dynamic_gather %convert_element_type3A_259[%gather3A_3151] in [0] : vector<16xf32>, vector<16xi32> -> vector<16xf32>
      %mul3A_3153 = arith.mulf %gather3A_3149, %gather3A_3152 : vector<16xf32>
      %broadcast_in_dim3A_3154 = vector.shape_cast %broadcast_in_dim3A_3146 : vector<16xi32> to vector<16x1xi32>
      %gather3A_3155 = vector.shape_cast %broadcast_in_dim3A_3154 : vector<16x1xi32> to vector<16xi32>
      %gather3A_3156 = tpu.dynamic_gather %select_n3A_348[%gather3A_3155] in [0] : vector<16xf32>, vector<16xi32> -> vector<16xf32>
      %add3A_3157 = arith.constant 0 : i32
      %add3A_3158 = arith.addi %add3A_3157, %scan3A_3145 : i32
      %mul3A_3159 = arith.constant 189 : i32
      %mul3A_3160 = arith.muli %add3A_3158, %mul3A_3159 : i32
      %add3A_3161 = arith.constant 1 : i32
      %add3A_3162 = arith.addi %mul3A_3160, %add3A_3161 : i32
      %add3A_3163 = arith.constant 64 : i32
      %add3A_3164 = arith.addi %add3A_3163, %scan3A_3145 : i32
      %get3A = arith.index_cast %add3A_3164 : i32 to index
      %get3A_3165 = arith.constant 21 : index
      %get3A_3166 = tpu.vector_load %arg7[%get3A, %get3A_3165] {strides = array<i32>} : memref<576x128xf32, #tpu.memory_space<vmem>>, vector<16xf32>,
      %add3A_3167 = arith.constant 80 : i32
      %add3A_3168 = arith.addi %add3A_3167, %scan3A_3145 : i32
      %get3A_3169 = arith.index_cast %add3A_3168 : i32 to index
      %get3A_3170 = arith.constant 21 : index
      %get3A_3171 = tpu.vector_load %arg7[%get3A_3169, %get3A_3170] {strides = array<i32>} : memref<576x128xf32, #tpu.memory_space<vmem>>, vector<16xf32>,
      %add3A_3172 = arith.constant 96 : i32
      %add3A_3173 = arith.addi %add3A_3172, %scan3A_3145 : i32
      %get3A_3174 = arith.index_cast %add3A_3173 : i32 to index
      %get3A_3175 = arith.constant 21 : index
      %get3A_3176 = tpu.vector_load %arg7[%get3A_3174, %get3A_3175] {strides = array<i32>} : memref<576x128xf32, #tpu.memory_space<vmem>>, vector<16xf32>,
      %add3A_3177 = arith.constant 112 : i32
      %add3A_3178 = arith.addi %add3A_3177, %scan3A_3145 : i32
      %get3A_3179 = arith.index_cast %add3A_3178 : i32 to index
      %get3A_3180 = arith.constant 21 : index
      %get3A_3181 = tpu.vector_load %arg7[%get3A_3179, %get3A_3180] {strides = array<i32>} : memref<576x128xf32, #tpu.memory_space<vmem>>, vector<16xf32>,
      %mul3A_3182 = arith.mulf %gather3A_3149, %get3A_3171 : vector<16xf32>
      %sub3A_3183 = arith.subf %get3A_3166, %mul3A_3182 : vector<16xf32>
      %mul3A_3184 = arith.mulf %gather3A_3152, %get3A_3176 : vector<16xf32>
      %sub3A_3185 = arith.subf %sub3A_3183, %mul3A_3184 : vector<16xf32>
      %mul3A_3186 = arith.mulf %mul3A_3153, %get3A_3181 : vector<16xf32>
      %add3A_3187 = arith.addf %sub3A_3185, %mul3A_3186 : vector<16xf32>
      %mul3A_3188 = arith.mulf %add3A_3187, %gather3A_3156 : vector<16xf32>
      %add3A_3189 = arith.constant 0 : i32
      %add3A_3190 = vector.broadcast %add3A_3189 : i32 to vector<16xi32>
      %add3A_3191 = arith.addi %add3A_3190, %iota3A : vector<16xi32>
      %mul3A_3192 = arith.constant 9 : i32
      %mul3A_3193 = vector.broadcast %mul3A_3192 : i32 to vector<16xi32>
      %mul3A_3194 = arith.muli %add3A_3191, %mul3A_3193 : vector<16xi32>
      %add3A_3195 = vector.broadcast %add3A_3162 : i32 to vector<16xi32>
      %add3A_3196 = arith.addi %add3A_3195, %mul3A_3194 : vector<16xi32>
      tpu.vector_store_idx %arg8[%add3A_3196], %mul3A_3188 : memref<6048xf32, #tpu.memory_space<vmem>>[vector<16xi32>], vector<16xf32>,
      %add3A_3197 = arith.constant 64 : i32
      %add3A_3198 = arith.addi %add3A_3197, %scan3A_3145 : i32
      %get3A_3199 = arith.index_cast %add3A_3198 : i32 to index
      %get3A_3200 = arith.constant 37 : index
      %get3A_3201 = tpu.vector_load %arg7[%get3A_3199, %get3A_3200] {strides = array<i32>} : memref<576x128xf32, #tpu.memory_space<vmem>>, vector<16xf32>,
      %add3A_3202 = arith.constant 80 : i32
      %add3A_3203 = arith.addi %add3A_3202, %scan3A_3145 : i32
      %get3A_3204 = arith.index_cast %add3A_3203 : i32 to index
      %get3A_3205 = arith.constant 37 : index
      %get3A_3206 = tpu.vector_load %arg7[%get3A_3204, %get3A_3205] {strides = array<i32>} : memref<576x128xf32, #tpu.memory_space<vmem>>, vector<16xf32>,
      %add3A_3207 = arith.constant 96 : i32
      %add3A_3208 = arith.addi %add3A_3207, %scan3A_3145 : i32
      %get3A_3209 = arith.index_cast %add3A_3208 : i32 to index
      %get3A_3210 = arith.constant 37 : index
      %get3A_3211 = tpu.vector_load %arg7[%get3A_3209, %get3A_3210] {strides = array<i32>} : memref<576x128xf32, #tpu.memory_space<vmem>>, vector<16xf32>,
      %add3A_3212 = arith.constant 112 : i32
      %add3A_3213 = arith.addi %add3A_3212, %scan3A_3145 : i32
      %get3A_3214 = arith.index_cast %add3A_3213 : i32 to index
      %get3A_3215 = arith.constant 37 : index
      %get3A_3216 = tpu.vector_load %arg7[%get3A_3214, %get3A_3215] {strides = array<i32>} : memref<576x128xf32, #tpu.memory_space<vmem>>, vector<16xf32>,
      %mul3A_3217 = arith.mulf %gather3A_3149, %get3A_3206 : vector<16xf32>
      %sub3A_3218 = arith.subf %get3A_3201, %mul3A_3217 : vector<16xf32>
      %mul3A_3219 = arith.mulf %gather3A_3152, %get3A_3211 : vector<16xf32>
      %sub3A_3220 = arith.subf %sub3A_3218, %mul3A_3219 : vector<16xf32>
      %mul3A_3221 = arith.mulf %mul3A_3153, %get3A_3216 : vector<16xf32>
      %add3A_3222 = arith.addf %sub3A_3220, %mul3A_3221 : vector<16xf32>
      %mul3A_3223 = arith.mulf %add3A_3222, %gather3A_3156 : vector<16xf32>
      %add3A_3224 = arith.constant 16 : i32
      %add3A_3225 = vector.broadcast %add3A_3224 : i32 to vector<16xi32>
      %add3A_3226 = arith.addi %add3A_3225, %iota3A : vector<16xi32>
      %mul3A_3227 = arith.constant 9 : i32
      %mul3A_3228 = vector.broadcast %mul3A_3227 : i32 to vector<16xi32>
      %mul3A_3229 = arith.muli %add3A_3226, %mul3A_3228 : vector<16xi32>
      %add3A_3230 = vector.broadcast %add3A_3162 : i32 to vector<16xi32>
      %add3A_3231 = arith.addi %add3A_3230, %mul3A_3229 : vector<16xi32>
      %lt3A = arith.constant 5 : i32
      %lt3A_3232 = vector.broadcast %lt3A : i32 to vector<16xi32>
      %lt3A_3233 = arith.cmpi slt, %iota3A, %lt3A_3232 : vector<16xi32>
      tpu.vector_store_idx %arg8[%add3A_3231], %mul3A_3223 masked %lt3A_3233 : memref<6048xf32, #tpu.memory_space<vmem>>[vector<16xi32>], vector<16xf32>, vector<16xi1>
    }
    %scan3A_1476 = arith.constant 16 : i32
    %dma_wait3A_1477 = arith.constant 1 : i32
    %dma_wait3A_1478 = arith.constant 128 : i32
    %dma_wait3A_1479 = arith.constant 0 : i32
    %dma_wait3A_1480 = tpu.memref_slice %arg7[%dma_wait3A_1478, %dma_wait3A_1479] : memref<576x128xf32, #tpu.memory_space<vmem>> -> memref<128x128xf32, #tpu.memory_space<vmem>>
    %dma_wait3A_1481 = arith.constant 0 : i32
    %dma_wait3A_1482 = tpu.memref_slice %arg6[%dma_wait3A_1477, %dma_wait3A_1481] : memref<5x128xi32, #tpu.memory_space<vmem>> -> memref<1x128xi32, #tpu.memory_space<vmem>>
    %dma_wait3A_1483 = tpu.memref_squeeze %dma_wait3A_1482 : memref<1x128xi32, #tpu.memory_space<vmem>> -> memref<128xi32, #tpu.memory_space<vmem>>
    %dma_wait3A_1484 = arith.constant 0 : i32
    %dma_wait3A_1485 = arith.constant 0 : i32
    %dma_wait3A_1486 = tpu.memref_slice %arg3[%dma_wait3A_1484, %dma_wait3A_1485] : memref<98304x128xf32, #tpu.memory_space<hbm>> -> memref<98304x128xf32, #tpu.memory_space<hbm>>
    tpu.wait_indirect_dma semaphore(%arg9 : memref<!tpu.dma_semaphore, #tpu.memory_space<semaphore_mem>>) src(%dma_wait3A_1486 : memref<98304x128xf32, #tpu.memory_space<hbm>>) dst(%dma_wait3A_1480 : memref<128x128xf32, #tpu.memory_space<vmem>>)
    %mul3A_1487 = arith.mulf %convert_element_type3A_405, %convert_element_type3A_410 : vector<16xf32>
    %scan3A_1488 = arith.constant 0 : i32
    %scan3A_1489 = arith.constant 0 : i32
    %scan3A_1490 = arith.constant 16 : i32
    %scan3A_1491 = arith.addi %scan3A_1489, %scan3A_1490 : i32
    %scan3A_1492 = arith.constant 1 : i32
    scf.for %scan3A_3145 = %scan3A_1489 to %scan3A_1491 step %scan3A_1492  : i32 {
      %broadcast_in_dim3A_3146 = vector.broadcast %scan3A_3145 : i32 to vector<16xi32>
      %broadcast_in_dim3A_3147 = vector.shape_cast %broadcast_in_dim3A_3146 : vector<16xi32> to vector<16x1xi32>
      %gather3A_3148 = vector.shape_cast %broadcast_in_dim3A_3147 : vector<16x1xi32> to vector<16xi32>
      %gather3A_3149 = tpu.dynamic_gather %convert_element_type3A_405[%gather3A_3148] in [0] : vector<16xf32>, vector<16xi32> -> vector<16xf32>
      %broadcast_in_dim3A_3150 = vector.shape_cast %broadcast_in_dim3A_3146 : vector<16xi32> to vector<16x1xi32>
      %gather3A_3151 = vector.shape_cast %broadcast_in_dim3A_3150 : vector<16x1xi32> to vector<16xi32>
      %gather3A_3152 = tpu.dynamic_gather %convert_element_type3A_410[%gather3A_3151] in [0] : vector<16xf32>, vector<16xi32> -> vector<16xf32>
      %mul3A_3153 = arith.mulf %gather3A_3149, %gather3A_3152 : vector<16xf32>
      %broadcast_in_dim3A_3154 = vector.shape_cast %broadcast_in_dim3A_3146 : vector<16xi32> to vector<16x1xi32>
      %gather3A_3155 = vector.shape_cast %broadcast_in_dim3A_3154 : vector<16x1xi32> to vector<16xi32>
      %gather3A_3156 = tpu.dynamic_gather %select_n3A_499[%gather3A_3155] in [0] : vector<16xf32>, vector<16xi32> -> vector<16xf32>
      %add3A_3157 = arith.constant 0 : i32
      %add3A_3158 = arith.addi %add3A_3157, %scan3A_3145 : i32
      %mul3A_3159 = arith.constant 189 : i32
      %mul3A_3160 = arith.muli %add3A_3158, %mul3A_3159 : i32
      %add3A_3161 = arith.constant 2 : i32
      %add3A_3162 = arith.addi %mul3A_3160, %add3A_3161 : i32
      %add3A_3163 = arith.constant 128 : i32
      %add3A_3164 = arith.addi %add3A_3163, %scan3A_3145 : i32
      %get3A = arith.index_cast %add3A_3164 : i32 to index
      %get3A_3165 = arith.constant 42 : index
      %get3A_3166 = tpu.vector_load %arg7[%get3A, %get3A_3165] {strides = array<i32>} : memref<576x128xf32, #tpu.memory_space<vmem>>, vector<16xf32>,
      %add3A_3167 = arith.constant 144 : i32
      %add3A_3168 = arith.addi %add3A_3167, %scan3A_3145 : i32
      %get3A_3169 = arith.index_cast %add3A_3168 : i32 to index
      %get3A_3170 = arith.constant 42 : index
      %get3A_3171 = tpu.vector_load %arg7[%get3A_3169, %get3A_3170] {strides = array<i32>} : memref<576x128xf32, #tpu.memory_space<vmem>>, vector<16xf32>,
      %add3A_3172 = arith.constant 160 : i32
      %add3A_3173 = arith.addi %add3A_3172, %scan3A_3145 : i32
      %get3A_3174 = arith.index_cast %add3A_3173 : i32 to index
      %get3A_3175 = arith.constant 42 : index
      %get3A_3176 = tpu.vector_load %arg7[%get3A_3174, %get3A_3175] {strides = array<i32>} : memref<576x128xf32, #tpu.memory_space<vmem>>, vector<16xf32>,
      %add3A_3177 = arith.constant 176 : i32
      %add3A_3178 = arith.addi %add3A_3177, %scan3A_3145 : i32
      %get3A_3179 = arith.index_cast %add3A_3178 : i32 to index
      %get3A_3180 = arith.constant 42 : index
      %get3A_3181 = tpu.vector_load %arg7[%get3A_3179, %get3A_3180] {strides = array<i32>} : memref<576x128xf32, #tpu.memory_space<vmem>>, vector<16xf32>,
      %mul3A_3182 = arith.mulf %gather3A_3149, %get3A_3171 : vector<16xf32>
      %sub3A_3183 = arith.subf %get3A_3166, %mul3A_3182 : vector<16xf32>
      %mul3A_3184 = arith.mulf %gather3A_3152, %get3A_3176 : vector<16xf32>
      %sub3A_3185 = arith.subf %sub3A_3183, %mul3A_3184 : vector<16xf32>
      %mul3A_3186 = arith.mulf %mul3A_3153, %get3A_3181 : vector<16xf32>
      %add3A_3187 = arith.addf %sub3A_3185, %mul3A_3186 : vector<16xf32>
      %mul3A_3188 = arith.mulf %add3A_3187, %gather3A_3156 : vector<16xf32>
      %add3A_3189 = arith.constant 0 : i32
      %add3A_3190 = vector.broadcast %add3A_3189 : i32 to vector<16xi32>
      %add3A_3191 = arith.addi %add3A_3190, %iota3A : vector<16xi32>
      %mul3A_3192 = arith.constant 9 : i32
      %mul3A_3193 = vector.broadcast %mul3A_3192 : i32 to vector<16xi32>
      %mul3A_3194 = arith.muli %add3A_3191, %mul3A_3193 : vector<16xi32>
      %add3A_3195 = vector.broadcast %add3A_3162 : i32 to vector<16xi32>
      %add3A_3196 = arith.addi %add3A_3195, %mul3A_3194 : vector<16xi32>
      tpu.vector_store_idx %arg8[%add3A_3196], %mul3A_3188 : memref<6048xf32, #tpu.memory_space<vmem>>[vector<16xi32>], vector<16xf32>,
      %add3A_3197 = arith.constant 128 : i32
      %add3A_3198 = arith.addi %add3A_3197, %scan3A_3145 : i32
      %get3A_3199 = arith.index_cast %add3A_3198 : i32 to index
      %get3A_3200 = arith.constant 58 : index
      %get3A_3201 = tpu.vector_load %arg7[%get3A_3199, %get3A_3200] {strides = array<i32>} : memref<576x128xf32, #tpu.memory_space<vmem>>, vector<16xf32>,
      %add3A_3202 = arith.constant 144 : i32
      %add3A_3203 = arith.addi %add3A_3202, %scan3A_3145 : i32
      %get3A_3204 = arith.index_cast %add3A_3203 : i32 to index
      %get3A_3205 = arith.constant 58 : index
      %get3A_3206 = tpu.vector_load %arg7[%get3A_3204, %get3A_3205] {strides = array<i32>} : memref<576x128xf32, #tpu.memory_space<vmem>>, vector<16xf32>,
      %add3A_3207 = arith.constant 160 : i32
      %add3A_3208 = arith.addi %add3A_3207, %scan3A_3145 : i32
      %get3A_3209 = arith.index_cast %add3A_3208 : i32 to index
      %get3A_3210 = arith.constant 58 : index
      %get3A_3211 = tpu.vector_load %arg7[%get3A_3209, %get3A_3210] {strides = array<i32>} : memref<576x128xf32, #tpu.memory_space<vmem>>, vector<16xf32>,
      %add3A_3212 = arith.constant 176 : i32
      %add3A_3213 = arith.addi %add3A_3212, %scan3A_3145 : i32
      %get3A_3214 = arith.index_cast %add3A_3213 : i32 to index
      %get3A_3215 = arith.constant 58 : index
      %get3A_3216 = tpu.vector_load %arg7[%get3A_3214, %get3A_3215] {strides = array<i32>} : memref<576x128xf32, #tpu.memory_space<vmem>>, vector<16xf32>,
      %mul3A_3217 = arith.mulf %gather3A_3149, %get3A_3206 : vector<16xf32>
      %sub3A_3218 = arith.subf %get3A_3201, %mul3A_3217 : vector<16xf32>
      %mul3A_3219 = arith.mulf %gather3A_3152, %get3A_3211 : vector<16xf32>
      %sub3A_3220 = arith.subf %sub3A_3218, %mul3A_3219 : vector<16xf32>
      %mul3A_3221 = arith.mulf %mul3A_3153, %get3A_3216 : vector<16xf32>
      %add3A_3222 = arith.addf %sub3A_3220, %mul3A_3221 : vector<16xf32>
      %mul3A_3223 = arith.mulf %add3A_3222, %gather3A_3156 : vector<16xf32>
      %add3A_3224 = arith.constant 16 : i32
      %add3A_3225 = vector.broadcast %add3A_3224 : i32 to vector<16xi32>
      %add3A_3226 = arith.addi %add3A_3225, %iota3A : vector<16xi32>
      %mul3A_3227 = arith.constant 9 : i32
      %mul3A_3228 = vector.broadcast %mul3A_3227 : i32 to vector<16xi32>
      %mul3A_3229 = arith.muli %add3A_3226, %mul3A_3228 : vector<16xi32>
      %add3A_3230 = vector.broadcast %add3A_3162 : i32 to vector<16xi32>
      %add3A_3231 = arith.addi %add3A_3230, %mul3A_3229 : vector<16xi32>
      %lt3A = arith.constant 5 : i32
      %lt3A_3232 = vector.broadcast %lt3A : i32 to vector<16xi32>
      %lt3A_3233 = arith.cmpi slt, %iota3A, %lt3A_3232 : vector<16xi32>
      tpu.vector_store_idx %arg8[%add3A_3231], %mul3A_3223 masked %lt3A_3233 : memref<6048xf32, #tpu.memory_space<vmem>>[vector<16xi32>], vector<16xf32>, vector<16xi1>
    }
    %scan3A_1493 = arith.constant 16 : i32
    %mul3A_1494 = arith.mulf %convert_element_type3A_556, %convert_element_type3A_561 : vector<16xf32>
    %scan3A_1495 = arith.constant 0 : i32
    %scan3A_1496 = arith.constant 0 : i32
    %scan3A_1497 = arith.constant 16 : i32
    %scan3A_1498 = arith.addi %scan3A_1496, %scan3A_1497 : i32
    %scan3A_1499 = arith.constant 1 : i32
    scf.for %scan3A_3145 = %scan3A_1496 to %scan3A_1498 step %scan3A_1499  : i32 {
      %broadcast_in_dim3A_3146 = vector.broadcast %scan3A_3145 : i32 to vector<16xi32>
      %broadcast_in_dim3A_3147 = vector.shape_cast %broadcast_in_dim3A_3146 : vector<16xi32> to vector<16x1xi32>
      %gather3A_3148 = vector.shape_cast %broadcast_in_dim3A_3147 : vector<16x1xi32> to vector<16xi32>
      %gather3A_3149 = tpu.dynamic_gather %convert_element_type3A_556[%gather3A_3148] in [0] : vector<16xf32>, vector<16xi32> -> vector<16xf32>
      %broadcast_in_dim3A_3150 = vector.shape_cast %broadcast_in_dim3A_3146 : vector<16xi32> to vector<16x1xi32>
      %gather3A_3151 = vector.shape_cast %broadcast_in_dim3A_3150 : vector<16x1xi32> to vector<16xi32>
      %gather3A_3152 = tpu.dynamic_gather %convert_element_type3A_561[%gather3A_3151] in [0] : vector<16xf32>, vector<16xi32> -> vector<16xf32>
      %mul3A_3153 = arith.mulf %gather3A_3149, %gather3A_3152 : vector<16xf32>
      %broadcast_in_dim3A_3154 = vector.shape_cast %broadcast_in_dim3A_3146 : vector<16xi32> to vector<16x1xi32>
      %gather3A_3155 = vector.shape_cast %broadcast_in_dim3A_3154 : vector<16x1xi32> to vector<16xi32>
      %gather3A_3156 = tpu.dynamic_gather %select_n3A_650[%gather3A_3155] in [0] : vector<16xf32>, vector<16xi32> -> vector<16xf32>
      %add3A_3157 = arith.constant 0 : i32
      %add3A_3158 = arith.addi %add3A_3157, %scan3A_3145 : i32
      %mul3A_3159 = arith.constant 189 : i32
      %mul3A_3160 = arith.muli %add3A_3158, %mul3A_3159 : i32
      %add3A_3161 = arith.constant 3 : i32
      %add3A_3162 = arith.addi %mul3A_3160, %add3A_3161 : i32
      %add3A_3163 = arith.constant 192 : i32
      %add3A_3164 = arith.addi %add3A_3163, %scan3A_3145 : i32
      %get3A = arith.index_cast %add3A_3164 : i32 to index
      %get3A_3165 = arith.constant 0 : index
      %get3A_3166 = tpu.vector_load %arg7[%get3A, %get3A_3165] {strides = array<i32>} : memref<576x128xf32, #tpu.memory_space<vmem>>, vector<16xf32>,
      %add3A_3167 = arith.constant 208 : i32
      %add3A_3168 = arith.addi %add3A_3167, %scan3A_3145 : i32
      %get3A_3169 = arith.index_cast %add3A_3168 : i32 to index
      %get3A_3170 = arith.constant 0 : index
      %get3A_3171 = tpu.vector_load %arg7[%get3A_3169, %get3A_3170] {strides = array<i32>} : memref<576x128xf32, #tpu.memory_space<vmem>>, vector<16xf32>,
      %add3A_3172 = arith.constant 224 : i32
      %add3A_3173 = arith.addi %add3A_3172, %scan3A_3145 : i32
      %get3A_3174 = arith.index_cast %add3A_3173 : i32 to index
      %get3A_3175 = arith.constant 0 : index
      %get3A_3176 = tpu.vector_load %arg7[%get3A_3174, %get3A_3175] {strides = array<i32>} : memref<576x128xf32, #tpu.memory_space<vmem>>, vector<16xf32>,
      %add3A_3177 = arith.constant 240 : i32
      %add3A_3178 = arith.addi %add3A_3177, %scan3A_3145 : i32
      %get3A_3179 = arith.index_cast %add3A_3178 : i32 to index
      %get3A_3180 = arith.constant 0 : index
      %get3A_3181 = tpu.vector_load %arg7[%get3A_3179, %get3A_3180] {strides = array<i32>} : memref<576x128xf32, #tpu.memory_space<vmem>>, vector<16xf32>,
      %mul3A_3182 = arith.mulf %gather3A_3149, %get3A_3171 : vector<16xf32>
      %sub3A_3183 = arith.subf %get3A_3166, %mul3A_3182 : vector<16xf32>
      %mul3A_3184 = arith.mulf %gather3A_3152, %get3A_3176 : vector<16xf32>
      %sub3A_3185 = arith.subf %sub3A_3183, %mul3A_3184 : vector<16xf32>
      %mul3A_3186 = arith.mulf %mul3A_3153, %get3A_3181 : vector<16xf32>
      %add3A_3187 = arith.addf %sub3A_3185, %mul3A_3186 : vector<16xf32>
      %mul3A_3188 = arith.mulf %add3A_3187, %gather3A_3156 : vector<16xf32>
      %add3A_3189 = arith.constant 0 : i32
      %add3A_3190 = vector.broadcast %add3A_3189 : i32 to vector<16xi32>
      %add3A_3191 = arith.addi %add3A_3190, %iota3A : vector<16xi32>
      %mul3A_3192 = arith.constant 9 : i32
      %mul3A_3193 = vector.broadcast %mul3A_3192 : i32 to vector<16xi32>
      %mul3A_3194 = arith.muli %add3A_3191, %mul3A_3193 : vector<16xi32>
      %add3A_3195 = vector.broadcast %add3A_3162 : i32 to vector<16xi32>
      %add3A_3196 = arith.addi %add3A_3195, %mul3A_3194 : vector<16xi32>
      tpu.vector_store_idx %arg8[%add3A_3196], %mul3A_3188 : memref<6048xf32, #tpu.memory_space<vmem>>[vector<16xi32>], vector<16xf32>,
      %add3A_3197 = arith.constant 192 : i32
      %add3A_3198 = arith.addi %add3A_3197, %scan3A_3145 : i32
      %get3A_3199 = arith.index_cast %add3A_3198 : i32 to index
      %get3A_3200 = arith.constant 16 : index
      %get3A_3201 = tpu.vector_load %arg7[%get3A_3199, %get3A_3200] {strides = array<i32>} : memref<576x128xf32, #tpu.memory_space<vmem>>, vector<16xf32>,
      %add3A_3202 = arith.constant 208 : i32
      %add3A_3203 = arith.addi %add3A_3202, %scan3A_3145 : i32
      %get3A_3204 = arith.index_cast %add3A_3203 : i32 to index
      %get3A_3205 = arith.constant 16 : index
      %get3A_3206 = tpu.vector_load %arg7[%get3A_3204, %get3A_3205] {strides = array<i32>} : memref<576x128xf32, #tpu.memory_space<vmem>>, vector<16xf32>,
      %add3A_3207 = arith.constant 224 : i32
      %add3A_3208 = arith.addi %add3A_3207, %scan3A_3145 : i32
      %get3A_3209 = arith.index_cast %add3A_3208 : i32 to index
      %get3A_3210 = arith.constant 16 : index
      %get3A_3211 = tpu.vector_load %arg7[%get3A_3209, %get3A_3210] {strides = array<i32>} : memref<576x128xf32, #tpu.memory_space<vmem>>, vector<16xf32>,
      %add3A_3212 = arith.constant 240 : i32
      %add3A_3213 = arith.addi %add3A_3212, %scan3A_3145 : i32
      %get3A_3214 = arith.index_cast %add3A_3213 : i32 to index
      %get3A_3215 = arith.constant 16 : index
      %get3A_3216 = tpu.vector_load %arg7[%get3A_3214, %get3A_3215] {strides = array<i32>} : memref<576x128xf32, #tpu.memory_space<vmem>>, vector<16xf32>,
      %mul3A_3217 = arith.mulf %gather3A_3149, %get3A_3206 : vector<16xf32>
      %sub3A_3218 = arith.subf %get3A_3201, %mul3A_3217 : vector<16xf32>
      %mul3A_3219 = arith.mulf %gather3A_3152, %get3A_3211 : vector<16xf32>
      %sub3A_3220 = arith.subf %sub3A_3218, %mul3A_3219 : vector<16xf32>
      %mul3A_3221 = arith.mulf %mul3A_3153, %get3A_3216 : vector<16xf32>
      %add3A_3222 = arith.addf %sub3A_3220, %mul3A_3221 : vector<16xf32>
      %mul3A_3223 = arith.mulf %add3A_3222, %gather3A_3156 : vector<16xf32>
      %add3A_3224 = arith.constant 16 : i32
      %add3A_3225 = vector.broadcast %add3A_3224 : i32 to vector<16xi32>
      %add3A_3226 = arith.addi %add3A_3225, %iota3A : vector<16xi32>
      %mul3A_3227 = arith.constant 9 : i32
      %mul3A_3228 = vector.broadcast %mul3A_3227 : i32 to vector<16xi32>
      %mul3A_3229 = arith.muli %add3A_3226, %mul3A_3228 : vector<16xi32>
      %add3A_3230 = vector.broadcast %add3A_3162 : i32 to vector<16xi32>
      %add3A_3231 = arith.addi %add3A_3230, %mul3A_3229 : vector<16xi32>
      %lt3A = arith.constant 5 : i32
      %lt3A_3232 = vector.broadcast %lt3A : i32 to vector<16xi32>
      %lt3A_3233 = arith.cmpi slt, %iota3A, %lt3A_3232 : vector<16xi32>
      tpu.vector_store_idx %arg8[%add3A_3231], %mul3A_3223 masked %lt3A_3233 : memref<6048xf32, #tpu.memory_space<vmem>>[vector<16xi32>], vector<16xf32>, vector<16xi1>
    }
    %scan3A_1500 = arith.constant 16 : i32
    %dma_wait3A_1501 = arith.constant 2 : i32
    %dma_wait3A_1502 = arith.constant 256 : i32
    %dma_wait3A_1503 = arith.constant 0 : i32
    %dma_wait3A_1504 = tpu.memref_slice %arg7[%dma_wait3A_1502, %dma_wait3A_1503] : memref<576x128xf32, #tpu.memory_space<vmem>> -> memref<128x128xf32, #tpu.memory_space<vmem>>
    %dma_wait3A_1505 = arith.constant 0 : i32
    %dma_wait3A_1506 = tpu.memref_slice %arg6[%dma_wait3A_1501, %dma_wait3A_1505] : memref<5x128xi32, #tpu.memory_space<vmem>> -> memref<1x128xi32, #tpu.memory_space<vmem>>
    %dma_wait3A_1507 = tpu.memref_squeeze %dma_wait3A_1506 : memref<1x128xi32, #tpu.memory_space<vmem>> -> memref<128xi32, #tpu.memory_space<vmem>>
    %dma_wait3A_1508 = arith.constant 0 : i32
    %dma_wait3A_1509 = arith.constant 0 : i32
    %dma_wait3A_1510 = tpu.memref_slice %arg3[%dma_wait3A_1508, %dma_wait3A_1509] : memref<98304x128xf32, #tpu.memory_space<hbm>> -> memref<98304x128xf32, #tpu.memory_space<hbm>>
    tpu.wait_indirect_dma semaphore(%arg9 : memref<!tpu.dma_semaphore, #tpu.memory_space<semaphore_mem>>) src(%dma_wait3A_1510 : memref<98304x128xf32, #tpu.memory_space<hbm>>) dst(%dma_wait3A_1504 : memref<128x128xf32, #tpu.memory_space<vmem>>)
    %mul3A_1511 = arith.mulf %convert_element_type3A_707, %convert_element_type3A_712 : vector<16xf32>
    %scan3A_1512 = arith.constant 0 : i32
    %scan3A_1513 = arith.constant 0 : i32
    %scan3A_1514 = arith.constant 16 : i32
    %scan3A_1515 = arith.addi %scan3A_1513, %scan3A_1514 : i32
    %scan3A_1516 = arith.constant 1 : i32
    scf.for %scan3A_3145 = %scan3A_1513 to %scan3A_1515 step %scan3A_1516  : i32 {
      %broadcast_in_dim3A_3146 = vector.broadcast %scan3A_3145 : i32 to vector<16xi32>
      %broadcast_in_dim3A_3147 = vector.shape_cast %broadcast_in_dim3A_3146 : vector<16xi32> to vector<16x1xi32>
      %gather3A_3148 = vector.shape_cast %broadcast_in_dim3A_3147 : vector<16x1xi32> to vector<16xi32>
      %gather3A_3149 = tpu.dynamic_gather %convert_element_type3A_707[%gather3A_3148] in [0] : vector<16xf32>, vector<16xi32> -> vector<16xf32>
      %broadcast_in_dim3A_3150 = vector.shape_cast %broadcast_in_dim3A_3146 : vector<16xi32> to vector<16x1xi32>
      %gather3A_3151 = vector.shape_cast %broadcast_in_dim3A_3150 : vector<16x1xi32> to vector<16xi32>
      %gather3A_3152 = tpu.dynamic_gather %convert_element_type3A_712[%gather3A_3151] in [0] : vector<16xf32>, vector<16xi32> -> vector<16xf32>
      %mul3A_3153 = arith.mulf %gather3A_3149, %gather3A_3152 : vector<16xf32>
      %broadcast_in_dim3A_3154 = vector.shape_cast %broadcast_in_dim3A_3146 : vector<16xi32> to vector<16x1xi32>
      %gather3A_3155 = vector.shape_cast %broadcast_in_dim3A_3154 : vector<16x1xi32> to vector<16xi32>
      %gather3A_3156 = tpu.dynamic_gather %select_n3A_801[%gather3A_3155] in [0] : vector<16xf32>, vector<16xi32> -> vector<16xf32>
      %add3A_3157 = arith.constant 0 : i32
      %add3A_3158 = arith.addi %add3A_3157, %scan3A_3145 : i32
      %mul3A_3159 = arith.constant 189 : i32
      %mul3A_3160 = arith.muli %add3A_3158, %mul3A_3159 : i32
      %add3A_3161 = arith.constant 4 : i32
      %add3A_3162 = arith.addi %mul3A_3160, %add3A_3161 : i32
      %add3A_3163 = arith.constant 256 : i32
      %add3A_3164 = arith.addi %add3A_3163, %scan3A_3145 : i32
      %get3A = arith.index_cast %add3A_3164 : i32 to index
      %get3A_3165 = arith.constant 21 : index
      %get3A_3166 = tpu.vector_load %arg7[%get3A, %get3A_3165] {strides = array<i32>} : memref<576x128xf32, #tpu.memory_space<vmem>>, vector<16xf32>,
      %add3A_3167 = arith.constant 272 : i32
      %add3A_3168 = arith.addi %add3A_3167, %scan3A_3145 : i32
      %get3A_3169 = arith.index_cast %add3A_3168 : i32 to index
      %get3A_3170 = arith.constant 21 : index
      %get3A_3171 = tpu.vector_load %arg7[%get3A_3169, %get3A_3170] {strides = array<i32>} : memref<576x128xf32, #tpu.memory_space<vmem>>, vector<16xf32>,
      %add3A_3172 = arith.constant 288 : i32
      %add3A_3173 = arith.addi %add3A_3172, %scan3A_3145 : i32
      %get3A_3174 = arith.index_cast %add3A_3173 : i32 to index
      %get3A_3175 = arith.constant 21 : index
      %get3A_3176 = tpu.vector_load %arg7[%get3A_3174, %get3A_3175] {strides = array<i32>} : memref<576x128xf32, #tpu.memory_space<vmem>>, vector<16xf32>,
      %add3A_3177 = arith.constant 304 : i32
      %add3A_3178 = arith.addi %add3A_3177, %scan3A_3145 : i32
      %get3A_3179 = arith.index_cast %add3A_3178 : i32 to index
      %get3A_3180 = arith.constant 21 : index
      %get3A_3181 = tpu.vector_load %arg7[%get3A_3179, %get3A_3180] {strides = array<i32>} : memref<576x128xf32, #tpu.memory_space<vmem>>, vector<16xf32>,
      %mul3A_3182 = arith.mulf %gather3A_3149, %get3A_3171 : vector<16xf32>
      %sub3A_3183 = arith.subf %get3A_3166, %mul3A_3182 : vector<16xf32>
      %mul3A_3184 = arith.mulf %gather3A_3152, %get3A_3176 : vector<16xf32>
      %sub3A_3185 = arith.subf %sub3A_3183, %mul3A_3184 : vector<16xf32>
      %mul3A_3186 = arith.mulf %mul3A_3153, %get3A_3181 : vector<16xf32>
      %add3A_3187 = arith.addf %sub3A_3185, %mul3A_3186 : vector<16xf32>
      %mul3A_3188 = arith.mulf %add3A_3187, %gather3A_3156 : vector<16xf32>
      %add3A_3189 = arith.constant 0 : i32
      %add3A_3190 = vector.broadcast %add3A_3189 : i32 to vector<16xi32>
      %add3A_3191 = arith.addi %add3A_3190, %iota3A : vector<16xi32>
      %mul3A_3192 = arith.constant 9 : i32
      %mul3A_3193 = vector.broadcast %mul3A_3192 : i32 to vector<16xi32>
      %mul3A_3194 = arith.muli %add3A_3191, %mul3A_3193 : vector<16xi32>
      %add3A_3195 = vector.broadcast %add3A_3162 : i32 to vector<16xi32>
      %add3A_3196 = arith.addi %add3A_3195, %mul3A_3194 : vector<16xi32>
      tpu.vector_store_idx %arg8[%add3A_3196], %mul3A_3188 : memref<6048xf32, #tpu.memory_space<vmem>>[vector<16xi32>], vector<16xf32>,
      %add3A_3197 = arith.constant 256 : i32
      %add3A_3198 = arith.addi %add3A_3197, %scan3A_3145 : i32
      %get3A_3199 = arith.index_cast %add3A_3198 : i32 to index
      %get3A_3200 = arith.constant 37 : index
      %get3A_3201 = tpu.vector_load %arg7[%get3A_3199, %get3A_3200] {strides = array<i32>} : memref<576x128xf32, #tpu.memory_space<vmem>>, vector<16xf32>,
      %add3A_3202 = arith.constant 272 : i32
      %add3A_3203 = arith.addi %add3A_3202, %scan3A_3145 : i32
      %get3A_3204 = arith.index_cast %add3A_3203 : i32 to index
      %get3A_3205 = arith.constant 37 : index
      %get3A_3206 = tpu.vector_load %arg7[%get3A_3204, %get3A_3205] {strides = array<i32>} : memref<576x128xf32, #tpu.memory_space<vmem>>, vector<16xf32>,
      %add3A_3207 = arith.constant 288 : i32
      %add3A_3208 = arith.addi %add3A_3207, %scan3A_3145 : i32
      %get3A_3209 = arith.index_cast %add3A_3208 : i32 to index
      %get3A_3210 = arith.constant 37 : index
      %get3A_3211 = tpu.vector_load %arg7[%get3A_3209, %get3A_3210] {strides = array<i32>} : memref<576x128xf32, #tpu.memory_space<vmem>>, vector<16xf32>,
      %add3A_3212 = arith.constant 304 : i32
      %add3A_3213 = arith.addi %add3A_3212, %scan3A_3145 : i32
      %get3A_3214 = arith.index_cast %add3A_3213 : i32 to index
      %get3A_3215 = arith.constant 37 : index
      %get3A_3216 = tpu.vector_load %arg7[%get3A_3214, %get3A_3215] {strides = array<i32>} : memref<576x128xf32, #tpu.memory_space<vmem>>, vector<16xf32>,
      %mul3A_3217 = arith.mulf %gather3A_3149, %get3A_3206 : vector<16xf32>
      %sub3A_3218 = arith.subf %get3A_3201, %mul3A_3217 : vector<16xf32>
      %mul3A_3219 = arith.mulf %gather3A_3152, %get3A_3211 : vector<16xf32>
      %sub3A_3220 = arith.subf %sub3A_3218, %mul3A_3219 : vector<16xf32>
      %mul3A_3221 = arith.mulf %mul3A_3153, %get3A_3216 : vector<16xf32>
      %add3A_3222 = arith.addf %sub3A_3220, %mul3A_3221 : vector<16xf32>
      %mul3A_3223 = arith.mulf %add3A_3222, %gather3A_3156 : vector<16xf32>
      %add3A_3224 = arith.constant 16 : i32
      %add3A_3225 = vector.broadcast %add3A_3224 : i32 to vector<16xi32>
      %add3A_3226 = arith.addi %add3A_3225, %iota3A : vector<16xi32>
      %mul3A_3227 = arith.constant 9 : i32
      %mul3A_3228 = vector.broadcast %mul3A_3227 : i32 to vector<16xi32>
      %mul3A_3229 = arith.muli %add3A_3226, %mul3A_3228 : vector<16xi32>
      %add3A_3230 = vector.broadcast %add3A_3162 : i32 to vector<16xi32>
      %add3A_3231 = arith.addi %add3A_3230, %mul3A_3229 : vector<16xi32>
      %lt3A = arith.constant 5 : i32
      %lt3A_3232 = vector.broadcast %lt3A : i32 to vector<16xi32>
      %lt3A_3233 = arith.cmpi slt, %iota3A, %lt3A_3232 : vector<16xi32>
      tpu.vector_store_idx %arg8[%add3A_3231], %mul3A_3223 masked %lt3A_3233 : memref<6048xf32, #tpu.memory_space<vmem>>[vector<16xi32>], vector<16xf32>, vector<16xi1>
    }
    %scan3A_1517 = arith.constant 16 : i32
    %mul3A_1518 = arith.mulf %convert_element_type3A_858, %convert_element_type3A_863 : vector<16xf32>
    %scan3A_1519 = arith.constant 0 : i32
    %scan3A_1520 = arith.constant 0 : i32
    %scan3A_1521 = arith.constant 16 : i32
    %scan3A_1522 = arith.addi %scan3A_1520, %scan3A_1521 : i32
    %scan3A_1523 = arith.constant 1 : i32
    scf.for %scan3A_3145 = %scan3A_1520 to %scan3A_1522 step %scan3A_1523  : i32 {
      %broadcast_in_dim3A_3146 = vector.broadcast %scan3A_3145 : i32 to vector<16xi32>
      %broadcast_in_dim3A_3147 = vector.shape_cast %broadcast_in_dim3A_3146 : vector<16xi32> to vector<16x1xi32>
      %gather3A_3148 = vector.shape_cast %broadcast_in_dim3A_3147 : vector<16x1xi32> to vector<16xi32>
      %gather3A_3149 = tpu.dynamic_gather %convert_element_type3A_858[%gather3A_3148] in [0] : vector<16xf32>, vector<16xi32> -> vector<16xf32>
      %broadcast_in_dim3A_3150 = vector.shape_cast %broadcast_in_dim3A_3146 : vector<16xi32> to vector<16x1xi32>
      %gather3A_3151 = vector.shape_cast %broadcast_in_dim3A_3150 : vector<16x1xi32> to vector<16xi32>
      %gather3A_3152 = tpu.dynamic_gather %convert_element_type3A_863[%gather3A_3151] in [0] : vector<16xf32>, vector<16xi32> -> vector<16xf32>
      %mul3A_3153 = arith.mulf %gather3A_3149, %gather3A_3152 : vector<16xf32>
      %broadcast_in_dim3A_3154 = vector.shape_cast %broadcast_in_dim3A_3146 : vector<16xi32> to vector<16x1xi32>
      %gather3A_3155 = vector.shape_cast %broadcast_in_dim3A_3154 : vector<16x1xi32> to vector<16xi32>
      %gather3A_3156 = tpu.dynamic_gather %select_n3A_952[%gather3A_3155] in [0] : vector<16xf32>, vector<16xi32> -> vector<16xf32>
      %add3A_3157 = arith.constant 0 : i32
      %add3A_3158 = arith.addi %add3A_3157, %scan3A_3145 : i32
      %mul3A_3159 = arith.constant 189 : i32
      %mul3A_3160 = arith.muli %add3A_3158, %mul3A_3159 : i32
      %add3A_3161 = arith.constant 5 : i32
      %add3A_3162 = arith.addi %mul3A_3160, %add3A_3161 : i32
      %add3A_3163 = arith.constant 320 : i32
      %add3A_3164 = arith.addi %add3A_3163, %scan3A_3145 : i32
      %get3A = arith.index_cast %add3A_3164 : i32 to index
      %get3A_3165 = arith.constant 42 : index
      %get3A_3166 = tpu.vector_load %arg7[%get3A, %get3A_3165] {strides = array<i32>} : memref<576x128xf32, #tpu.memory_space<vmem>>, vector<16xf32>,
      %add3A_3167 = arith.constant 336 : i32
      %add3A_3168 = arith.addi %add3A_3167, %scan3A_3145 : i32
      %get3A_3169 = arith.index_cast %add3A_3168 : i32 to index
      %get3A_3170 = arith.constant 42 : index
      %get3A_3171 = tpu.vector_load %arg7[%get3A_3169, %get3A_3170] {strides = array<i32>} : memref<576x128xf32, #tpu.memory_space<vmem>>, vector<16xf32>,
      %add3A_3172 = arith.constant 352 : i32
      %add3A_3173 = arith.addi %add3A_3172, %scan3A_3145 : i32
      %get3A_3174 = arith.index_cast %add3A_3173 : i32 to index
      %get3A_3175 = arith.constant 42 : index
      %get3A_3176 = tpu.vector_load %arg7[%get3A_3174, %get3A_3175] {strides = array<i32>} : memref<576x128xf32, #tpu.memory_space<vmem>>, vector<16xf32>,
      %add3A_3177 = arith.constant 368 : i32
      %add3A_3178 = arith.addi %add3A_3177, %scan3A_3145 : i32
      %get3A_3179 = arith.index_cast %add3A_3178 : i32 to index
      %get3A_3180 = arith.constant 42 : index
      %get3A_3181 = tpu.vector_load %arg7[%get3A_3179, %get3A_3180] {strides = array<i32>} : memref<576x128xf32, #tpu.memory_space<vmem>>, vector<16xf32>,
      %mul3A_3182 = arith.mulf %gather3A_3149, %get3A_3171 : vector<16xf32>
      %sub3A_3183 = arith.subf %get3A_3166, %mul3A_3182 : vector<16xf32>
      %mul3A_3184 = arith.mulf %gather3A_3152, %get3A_3176 : vector<16xf32>
      %sub3A_3185 = arith.subf %sub3A_3183, %mul3A_3184 : vector<16xf32>
      %mul3A_3186 = arith.mulf %mul3A_3153, %get3A_3181 : vector<16xf32>
      %add3A_3187 = arith.addf %sub3A_3185, %mul3A_3186 : vector<16xf32>
      %mul3A_3188 = arith.mulf %add3A_3187, %gather3A_3156 : vector<16xf32>
      %add3A_3189 = arith.constant 0 : i32
      %add3A_3190 = vector.broadcast %add3A_3189 : i32 to vector<16xi32>
      %add3A_3191 = arith.addi %add3A_3190, %iota3A : vector<16xi32>
      %mul3A_3192 = arith.constant 9 : i32
      %mul3A_3193 = vector.broadcast %mul3A_3192 : i32 to vector<16xi32>
      %mul3A_3194 = arith.muli %add3A_3191, %mul3A_3193 : vector<16xi32>
      %add3A_3195 = vector.broadcast %add3A_3162 : i32 to vector<16xi32>
      %add3A_3196 = arith.addi %add3A_3195, %mul3A_3194 : vector<16xi32>
      tpu.vector_store_idx %arg8[%add3A_3196], %mul3A_3188 : memref<6048xf32, #tpu.memory_space<vmem>>[vector<16xi32>], vector<16xf32>,
      %add3A_3197 = arith.constant 320 : i32
      %add3A_3198 = arith.addi %add3A_3197, %scan3A_3145 : i32
      %get3A_3199 = arith.index_cast %add3A_3198 : i32 to index
      %get3A_3200 = arith.constant 58 : index
      %get3A_3201 = tpu.vector_load %arg7[%get3A_3199, %get3A_3200] {strides = array<i32>} : memref<576x128xf32, #tpu.memory_space<vmem>>, vector<16xf32>,
      %add3A_3202 = arith.constant 336 : i32
      %add3A_3203 = arith.addi %add3A_3202, %scan3A_3145 : i32
      %get3A_3204 = arith.index_cast %add3A_3203 : i32 to index
      %get3A_3205 = arith.constant 58 : index
      %get3A_3206 = tpu.vector_load %arg7[%get3A_3204, %get3A_3205] {strides = array<i32>} : memref<576x128xf32, #tpu.memory_space<vmem>>, vector<16xf32>,
      %add3A_3207 = arith.constant 352 : i32
      %add3A_3208 = arith.addi %add3A_3207, %scan3A_3145 : i32
      %get3A_3209 = arith.index_cast %add3A_3208 : i32 to index
      %get3A_3210 = arith.constant 58 : index
      %get3A_3211 = tpu.vector_load %arg7[%get3A_3209, %get3A_3210] {strides = array<i32>} : memref<576x128xf32, #tpu.memory_space<vmem>>, vector<16xf32>,
      %add3A_3212 = arith.constant 368 : i32
      %add3A_3213 = arith.addi %add3A_3212, %scan3A_3145 : i32
      %get3A_3214 = arith.index_cast %add3A_3213 : i32 to index
      %get3A_3215 = arith.constant 58 : index
      %get3A_3216 = tpu.vector_load %arg7[%get3A_3214, %get3A_3215] {strides = array<i32>} : memref<576x128xf32, #tpu.memory_space<vmem>>, vector<16xf32>,
      %mul3A_3217 = arith.mulf %gather3A_3149, %get3A_3206 : vector<16xf32>
      %sub3A_3218 = arith.subf %get3A_3201, %mul3A_3217 : vector<16xf32>
      %mul3A_3219 = arith.mulf %gather3A_3152, %get3A_3211 : vector<16xf32>
      %sub3A_3220 = arith.subf %sub3A_3218, %mul3A_3219 : vector<16xf32>
      %mul3A_3221 = arith.mulf %mul3A_3153, %get3A_3216 : vector<16xf32>
      %add3A_3222 = arith.addf %sub3A_3220, %mul3A_3221 : vector<16xf32>
      %mul3A_3223 = arith.mulf %add3A_3222, %gather3A_3156 : vector<16xf32>
      %add3A_3224 = arith.constant 16 : i32
      %add3A_3225 = vector.broadcast %add3A_3224 : i32 to vector<16xi32>
      %add3A_3226 = arith.addi %add3A_3225, %iota3A : vector<16xi32>
      %mul3A_3227 = arith.constant 9 : i32
      %mul3A_3228 = vector.broadcast %mul3A_3227 : i32 to vector<16xi32>
      %mul3A_3229 = arith.muli %add3A_3226, %mul3A_3228 : vector<16xi32>
      %add3A_3230 = vector.broadcast %add3A_3162 : i32 to vector<16xi32>
      %add3A_3231 = arith.addi %add3A_3230, %mul3A_3229 : vector<16xi32>
      %lt3A = arith.constant 5 : i32
      %lt3A_3232 = vector.broadcast %lt3A : i32 to vector<16xi32>
      %lt3A_3233 = arith.cmpi slt, %iota3A, %lt3A_3232 : vector<16xi32>
      tpu.vector_store_idx %arg8[%add3A_3231], %mul3A_3223 masked %lt3A_3233 : memref<6048xf32, #tpu.memory_space<vmem>>[vector<16xi32>], vector<16xf32>, vector<16xi1>
    }
    %scan3A_1524 = arith.constant 16 : i32
    %dma_wait3A_1525 = arith.constant 3 : i32
    %dma_wait3A_1526 = arith.constant 384 : i32
    %dma_wait3A_1527 = arith.constant 0 : i32
    %dma_wait3A_1528 = tpu.memref_slice %arg7[%dma_wait3A_1526, %dma_wait3A_1527] : memref<576x128xf32, #tpu.memory_space<vmem>> -> memref<128x128xf32, #tpu.memory_space<vmem>>
    %dma_wait3A_1529 = arith.constant 0 : i32
    %dma_wait3A_1530 = tpu.memref_slice %arg6[%dma_wait3A_1525, %dma_wait3A_1529] : memref<5x128xi32, #tpu.memory_space<vmem>> -> memref<1x128xi32, #tpu.memory_space<vmem>>
    %dma_wait3A_1531 = tpu.memref_squeeze %dma_wait3A_1530 : memref<1x128xi32, #tpu.memory_space<vmem>> -> memref<128xi32, #tpu.memory_space<vmem>>
    %dma_wait3A_1532 = arith.constant 0 : i32
    %dma_wait3A_1533 = arith.constant 0 : i32
    %dma_wait3A_1534 = tpu.memref_slice %arg3[%dma_wait3A_1532, %dma_wait3A_1533] : memref<98304x128xf32, #tpu.memory_space<hbm>> -> memref<98304x128xf32, #tpu.memory_space<hbm>>
    tpu.wait_indirect_dma semaphore(%arg9 : memref<!tpu.dma_semaphore, #tpu.memory_space<semaphore_mem>>) src(%dma_wait3A_1534 : memref<98304x128xf32, #tpu.memory_space<hbm>>) dst(%dma_wait3A_1528 : memref<128x128xf32, #tpu.memory_space<vmem>>)
    %mul3A_1535 = arith.mulf %convert_element_type3A_1009, %convert_element_type3A_1014 : vector<16xf32>
    %scan3A_1536 = arith.constant 0 : i32
    %scan3A_1537 = arith.constant 0 : i32
    %scan3A_1538 = arith.constant 16 : i32
    %scan3A_1539 = arith.addi %scan3A_1537, %scan3A_1538 : i32
    %scan3A_1540 = arith.constant 1 : i32
    scf.for %scan3A_3145 = %scan3A_1537 to %scan3A_1539 step %scan3A_1540  : i32 {
      %broadcast_in_dim3A_3146 = vector.broadcast %scan3A_3145 : i32 to vector<16xi32>
      %broadcast_in_dim3A_3147 = vector.shape_cast %broadcast_in_dim3A_3146 : vector<16xi32> to vector<16x1xi32>
      %gather3A_3148 = vector.shape_cast %broadcast_in_dim3A_3147 : vector<16x1xi32> to vector<16xi32>
      %gather3A_3149 = tpu.dynamic_gather %convert_element_type3A_1009[%gather3A_3148] in [0] : vector<16xf32>, vector<16xi32> -> vector<16xf32>
      %broadcast_in_dim3A_3150 = vector.shape_cast %broadcast_in_dim3A_3146 : vector<16xi32> to vector<16x1xi32>
      %gather3A_3151 = vector.shape_cast %broadcast_in_dim3A_3150 : vector<16x1xi32> to vector<16xi32>
      %gather3A_3152 = tpu.dynamic_gather %convert_element_type3A_1014[%gather3A_3151] in [0] : vector<16xf32>, vector<16xi32> -> vector<16xf32>
      %mul3A_3153 = arith.mulf %gather3A_3149, %gather3A_3152 : vector<16xf32>
      %broadcast_in_dim3A_3154 = vector.shape_cast %broadcast_in_dim3A_3146 : vector<16xi32> to vector<16x1xi32>
      %gather3A_3155 = vector.shape_cast %broadcast_in_dim3A_3154 : vector<16x1xi32> to vector<16xi32>
      %gather3A_3156 = tpu.dynamic_gather %select_n3A_1103[%gather3A_3155] in [0] : vector<16xf32>, vector<16xi32> -> vector<16xf32>
      %add3A_3157 = arith.constant 0 : i32
      %add3A_3158 = arith.addi %add3A_3157, %scan3A_3145 : i32
      %mul3A_3159 = arith.constant 189 : i32
      %mul3A_3160 = arith.muli %add3A_3158, %mul3A_3159 : i32
      %add3A_3161 = arith.constant 6 : i32
      %add3A_3162 = arith.addi %mul3A_3160, %add3A_3161 : i32
      %add3A_3163 = arith.constant 384 : i32
      %add3A_3164 = arith.addi %add3A_3163, %scan3A_3145 : i32
      %get3A = arith.index_cast %add3A_3164 : i32 to index
      %get3A_3165 = arith.constant 0 : index
      %get3A_3166 = tpu.vector_load %arg7[%get3A, %get3A_3165] {strides = array<i32>} : memref<576x128xf32, #tpu.memory_space<vmem>>, vector<16xf32>,
      %add3A_3167 = arith.constant 400 : i32
      %add3A_3168 = arith.addi %add3A_3167, %scan3A_3145 : i32
      %get3A_3169 = arith.index_cast %add3A_3168 : i32 to index
      %get3A_3170 = arith.constant 0 : index
      %get3A_3171 = tpu.vector_load %arg7[%get3A_3169, %get3A_3170] {strides = array<i32>} : memref<576x128xf32, #tpu.memory_space<vmem>>, vector<16xf32>,
      %add3A_3172 = arith.constant 416 : i32
      %add3A_3173 = arith.addi %add3A_3172, %scan3A_3145 : i32
      %get3A_3174 = arith.index_cast %add3A_3173 : i32 to index
      %get3A_3175 = arith.constant 0 : index
      %get3A_3176 = tpu.vector_load %arg7[%get3A_3174, %get3A_3175] {strides = array<i32>} : memref<576x128xf32, #tpu.memory_space<vmem>>, vector<16xf32>,
      %add3A_3177 = arith.constant 432 : i32
      %add3A_3178 = arith.addi %add3A_3177, %scan3A_3145 : i32
      %get3A_3179 = arith.index_cast %add3A_3178 : i32 to index
      %get3A_3180 = arith.constant 0 : index
      %get3A_3181 = tpu.vector_load %arg7[%get3A_3179, %get3A_3180] {strides = array<i32>} : memref<576x128xf32, #tpu.memory_space<vmem>>, vector<16xf32>,
      %mul3A_3182 = arith.mulf %gather3A_3149, %get3A_3171 : vector<16xf32>
      %sub3A_3183 = arith.subf %get3A_3166, %mul3A_3182 : vector<16xf32>
      %mul3A_3184 = arith.mulf %gather3A_3152, %get3A_3176 : vector<16xf32>
      %sub3A_3185 = arith.subf %sub3A_3183, %mul3A_3184 : vector<16xf32>
      %mul3A_3186 = arith.mulf %mul3A_3153, %get3A_3181 : vector<16xf32>
      %add3A_3187 = arith.addf %sub3A_3185, %mul3A_3186 : vector<16xf32>
      %mul3A_3188 = arith.mulf %add3A_3187, %gather3A_3156 : vector<16xf32>
      %add3A_3189 = arith.constant 0 : i32
      %add3A_3190 = vector.broadcast %add3A_3189 : i32 to vector<16xi32>
      %add3A_3191 = arith.addi %add3A_3190, %iota3A : vector<16xi32>
      %mul3A_3192 = arith.constant 9 : i32
      %mul3A_3193 = vector.broadcast %mul3A_3192 : i32 to vector<16xi32>
      %mul3A_3194 = arith.muli %add3A_3191, %mul3A_3193 : vector<16xi32>
      %add3A_3195 = vector.broadcast %add3A_3162 : i32 to vector<16xi32>
      %add3A_3196 = arith.addi %add3A_3195, %mul3A_3194 : vector<16xi32>
      tpu.vector_store_idx %arg8[%add3A_3196], %mul3A_3188 : memref<6048xf32, #tpu.memory_space<vmem>>[vector<16xi32>], vector<16xf32>,
      %add3A_3197 = arith.constant 384 : i32
      %add3A_3198 = arith.addi %add3A_3197, %scan3A_3145 : i32
      %get3A_3199 = arith.index_cast %add3A_3198 : i32 to index
      %get3A_3200 = arith.constant 16 : index
      %get3A_3201 = tpu.vector_load %arg7[%get3A_3199, %get3A_3200] {strides = array<i32>} : memref<576x128xf32, #tpu.memory_space<vmem>>, vector<16xf32>,
      %add3A_3202 = arith.constant 400 : i32
      %add3A_3203 = arith.addi %add3A_3202, %scan3A_3145 : i32
      %get3A_3204 = arith.index_cast %add3A_3203 : i32 to index
      %get3A_3205 = arith.constant 16 : index
      %get3A_3206 = tpu.vector_load %arg7[%get3A_3204, %get3A_3205] {strides = array<i32>} : memref<576x128xf32, #tpu.memory_space<vmem>>, vector<16xf32>,
      %add3A_3207 = arith.constant 416 : i32
      %add3A_3208 = arith.addi %add3A_3207, %scan3A_3145 : i32
      %get3A_3209 = arith.index_cast %add3A_3208 : i32 to index
      %get3A_3210 = arith.constant 16 : index
      %get3A_3211 = tpu.vector_load %arg7[%get3A_3209, %get3A_3210] {strides = array<i32>} : memref<576x128xf32, #tpu.memory_space<vmem>>, vector<16xf32>,
      %add3A_3212 = arith.constant 432 : i32
      %add3A_3213 = arith.addi %add3A_3212, %scan3A_3145 : i32
      %get3A_3214 = arith.index_cast %add3A_3213 : i32 to index
      %get3A_3215 = arith.constant 16 : index
      %get3A_3216 = tpu.vector_load %arg7[%get3A_3214, %get3A_3215] {strides = array<i32>} : memref<576x128xf32, #tpu.memory_space<vmem>>, vector<16xf32>,
      %mul3A_3217 = arith.mulf %gather3A_3149, %get3A_3206 : vector<16xf32>
      %sub3A_3218 = arith.subf %get3A_3201, %mul3A_3217 : vector<16xf32>
      %mul3A_3219 = arith.mulf %gather3A_3152, %get3A_3211 : vector<16xf32>
      %sub3A_3220 = arith.subf %sub3A_3218, %mul3A_3219 : vector<16xf32>
      %mul3A_3221 = arith.mulf %mul3A_3153, %get3A_3216 : vector<16xf32>
      %add3A_3222 = arith.addf %sub3A_3220, %mul3A_3221 : vector<16xf32>
      %mul3A_3223 = arith.mulf %add3A_3222, %gather3A_3156 : vector<16xf32>
      %add3A_3224 = arith.constant 16 : i32
      %add3A_3225 = vector.broadcast %add3A_3224 : i32 to vector<16xi32>
      %add3A_3226 = arith.addi %add3A_3225, %iota3A : vector<16xi32>
      %mul3A_3227 = arith.constant 9 : i32
      %mul3A_3228 = vector.broadcast %mul3A_3227 : i32 to vector<16xi32>
      %mul3A_3229 = arith.muli %add3A_3226, %mul3A_3228 : vector<16xi32>
      %add3A_3230 = vector.broadcast %add3A_3162 : i32 to vector<16xi32>
      %add3A_3231 = arith.addi %add3A_3230, %mul3A_3229 : vector<16xi32>
      %lt3A = arith.constant 5 : i32
      %lt3A_3232 = vector.broadcast %lt3A : i32 to vector<16xi32>
      %lt3A_3233 = arith.cmpi slt, %iota3A, %lt3A_3232 : vector<16xi32>
      tpu.vector_store_idx %arg8[%add3A_3231], %mul3A_3223 masked %lt3A_3233 : memref<6048xf32, #tpu.memory_space<vmem>>[vector<16xi32>], vector<16xf32>, vector<16xi1>
    }
    %scan3A_1541 = arith.constant 16 : i32
    %mul3A_1542 = arith.mulf %convert_element_type3A_1160, %convert_element_type3A_1165 : vector<16xf32>
    %scan3A_1543 = arith.constant 0 : i32
    %scan3A_1544 = arith.constant 0 : i32
    %scan3A_1545 = arith.constant 16 : i32
    %scan3A_1546 = arith.addi %scan3A_1544, %scan3A_1545 : i32
    %scan3A_1547 = arith.constant 1 : i32
    scf.for %scan3A_3145 = %scan3A_1544 to %scan3A_1546 step %scan3A_1547  : i32 {
      %broadcast_in_dim3A_3146 = vector.broadcast %scan3A_3145 : i32 to vector<16xi32>
      %broadcast_in_dim3A_3147 = vector.shape_cast %broadcast_in_dim3A_3146 : vector<16xi32> to vector<16x1xi32>
      %gather3A_3148 = vector.shape_cast %broadcast_in_dim3A_3147 : vector<16x1xi32> to vector<16xi32>
      %gather3A_3149 = tpu.dynamic_gather %convert_element_type3A_1160[%gather3A_3148] in [0] : vector<16xf32>, vector<16xi32> -> vector<16xf32>
      %broadcast_in_dim3A_3150 = vector.shape_cast %broadcast_in_dim3A_3146 : vector<16xi32> to vector<16x1xi32>
      %gather3A_3151 = vector.shape_cast %broadcast_in_dim3A_3150 : vector<16x1xi32> to vector<16xi32>
      %gather3A_3152 = tpu.dynamic_gather %convert_element_type3A_1165[%gather3A_3151] in [0] : vector<16xf32>, vector<16xi32> -> vector<16xf32>
      %mul3A_3153 = arith.mulf %gather3A_3149, %gather3A_3152 : vector<16xf32>
      %broadcast_in_dim3A_3154 = vector.shape_cast %broadcast_in_dim3A_3146 : vector<16xi32> to vector<16x1xi32>
      %gather3A_3155 = vector.shape_cast %broadcast_in_dim3A_3154 : vector<16x1xi32> to vector<16xi32>
      %gather3A_3156 = tpu.dynamic_gather %select_n3A_1254[%gather3A_3155] in [0] : vector<16xf32>, vector<16xi32> -> vector<16xf32>
      %add3A_3157 = arith.constant 0 : i32
      %add3A_3158 = arith.addi %add3A_3157, %scan3A_3145 : i32
      %mul3A_3159 = arith.constant 189 : i32
      %mul3A_3160 = arith.muli %add3A_3158, %mul3A_3159 : i32
      %add3A_3161 = arith.constant 7 : i32
      %add3A_3162 = arith.addi %mul3A_3160, %add3A_3161 : i32
      %add3A_3163 = arith.constant 448 : i32
      %add3A_3164 = arith.addi %add3A_3163, %scan3A_3145 : i32
      %get3A = arith.index_cast %add3A_3164 : i32 to index
      %get3A_3165 = arith.constant 21 : index
      %get3A_3166 = tpu.vector_load %arg7[%get3A, %get3A_3165] {strides = array<i32>} : memref<576x128xf32, #tpu.memory_space<vmem>>, vector<16xf32>,
      %add3A_3167 = arith.constant 464 : i32
      %add3A_3168 = arith.addi %add3A_3167, %scan3A_3145 : i32
      %get3A_3169 = arith.index_cast %add3A_3168 : i32 to index
      %get3A_3170 = arith.constant 21 : index
      %get3A_3171 = tpu.vector_load %arg7[%get3A_3169, %get3A_3170] {strides = array<i32>} : memref<576x128xf32, #tpu.memory_space<vmem>>, vector<16xf32>,
      %add3A_3172 = arith.constant 480 : i32
      %add3A_3173 = arith.addi %add3A_3172, %scan3A_3145 : i32
      %get3A_3174 = arith.index_cast %add3A_3173 : i32 to index
      %get3A_3175 = arith.constant 21 : index
      %get3A_3176 = tpu.vector_load %arg7[%get3A_3174, %get3A_3175] {strides = array<i32>} : memref<576x128xf32, #tpu.memory_space<vmem>>, vector<16xf32>,
      %add3A_3177 = arith.constant 496 : i32
      %add3A_3178 = arith.addi %add3A_3177, %scan3A_3145 : i32
      %get3A_3179 = arith.index_cast %add3A_3178 : i32 to index
      %get3A_3180 = arith.constant 21 : index
      %get3A_3181 = tpu.vector_load %arg7[%get3A_3179, %get3A_3180] {strides = array<i32>} : memref<576x128xf32, #tpu.memory_space<vmem>>, vector<16xf32>,
      %mul3A_3182 = arith.mulf %gather3A_3149, %get3A_3171 : vector<16xf32>
      %sub3A_3183 = arith.subf %get3A_3166, %mul3A_3182 : vector<16xf32>
      %mul3A_3184 = arith.mulf %gather3A_3152, %get3A_3176 : vector<16xf32>
      %sub3A_3185 = arith.subf %sub3A_3183, %mul3A_3184 : vector<16xf32>
      %mul3A_3186 = arith.mulf %mul3A_3153, %get3A_3181 : vector<16xf32>
      %add3A_3187 = arith.addf %sub3A_3185, %mul3A_3186 : vector<16xf32>
      %mul3A_3188 = arith.mulf %add3A_3187, %gather3A_3156 : vector<16xf32>
      %add3A_3189 = arith.constant 0 : i32
      %add3A_3190 = vector.broadcast %add3A_3189 : i32 to vector<16xi32>
      %add3A_3191 = arith.addi %add3A_3190, %iota3A : vector<16xi32>
      %mul3A_3192 = arith.constant 9 : i32
      %mul3A_3193 = vector.broadcast %mul3A_3192 : i32 to vector<16xi32>
      %mul3A_3194 = arith.muli %add3A_3191, %mul3A_3193 : vector<16xi32>
      %add3A_3195 = vector.broadcast %add3A_3162 : i32 to vector<16xi32>
      %add3A_3196 = arith.addi %add3A_3195, %mul3A_3194 : vector<16xi32>
      tpu.vector_store_idx %arg8[%add3A_3196], %mul3A_3188 : memref<6048xf32, #tpu.memory_space<vmem>>[vector<16xi32>], vector<16xf32>,
      %add3A_3197 = arith.constant 448 : i32
      %add3A_3198 = arith.addi %add3A_3197, %scan3A_3145 : i32
      %get3A_3199 = arith.index_cast %add3A_3198 : i32 to index
      %get3A_3200 = arith.constant 37 : index
      %get3A_3201 = tpu.vector_load %arg7[%get3A_3199, %get3A_3200] {strides = array<i32>} : memref<576x128xf32, #tpu.memory_space<vmem>>, vector<16xf32>,
      %add3A_3202 = arith.constant 464 : i32
      %add3A_3203 = arith.addi %add3A_3202, %scan3A_3145 : i32
      %get3A_3204 = arith.index_cast %add3A_3203 : i32 to index
      %get3A_3205 = arith.constant 37 : index
      %get3A_3206 = tpu.vector_load %arg7[%get3A_3204, %get3A_3205] {strides = array<i32>} : memref<576x128xf32, #tpu.memory_space<vmem>>, vector<16xf32>,
      %add3A_3207 = arith.constant 480 : i32
      %add3A_3208 = arith.addi %add3A_3207, %scan3A_3145 : i32
      %get3A_3209 = arith.index_cast %add3A_3208 : i32 to index
      %get3A_3210 = arith.constant 37 : index
      %get3A_3211 = tpu.vector_load %arg7[%get3A_3209, %get3A_3210] {strides = array<i32>} : memref<576x128xf32, #tpu.memory_space<vmem>>, vector<16xf32>,
      %add3A_3212 = arith.constant 496 : i32
      %add3A_3213 = arith.addi %add3A_3212, %scan3A_3145 : i32
      %get3A_3214 = arith.index_cast %add3A_3213 : i32 to index
      %get3A_3215 = arith.constant 37 : index
      %get3A_3216 = tpu.vector_load %arg7[%get3A_3214, %get3A_3215] {strides = array<i32>} : memref<576x128xf32, #tpu.memory_space<vmem>>, vector<16xf32>,
      %mul3A_3217 = arith.mulf %gather3A_3149, %get3A_3206 : vector<16xf32>
      %sub3A_3218 = arith.subf %get3A_3201, %mul3A_3217 : vector<16xf32>
      %mul3A_3219 = arith.mulf %gather3A_3152, %get3A_3211 : vector<16xf32>
      %sub3A_3220 = arith.subf %sub3A_3218, %mul3A_3219 : vector<16xf32>
      %mul3A_3221 = arith.mulf %mul3A_3153, %get3A_3216 : vector<16xf32>
      %add3A_3222 = arith.addf %sub3A_3220, %mul3A_3221 : vector<16xf32>
      %mul3A_3223 = arith.mulf %add3A_3222, %gather3A_3156 : vector<16xf32>
      %add3A_3224 = arith.constant 16 : i32
      %add3A_3225 = vector.broadcast %add3A_3224 : i32 to vector<16xi32>
      %add3A_3226 = arith.addi %add3A_3225, %iota3A : vector<16xi32>
      %mul3A_3227 = arith.constant 9 : i32
      %mul3A_3228 = vector.broadcast %mul3A_3227 : i32 to vector<16xi32>
      %mul3A_3229 = arith.muli %add3A_3226, %mul3A_3228 : vector<16xi32>
      %add3A_3230 = vector.broadcast %add3A_3162 : i32 to vector<16xi32>
      %add3A_3231 = arith.addi %add3A_3230, %mul3A_3229 : vector<16xi32>
      %lt3A = arith.constant 5 : i32
      %lt3A_3232 = vector.broadcast %lt3A : i32 to vector<16xi32>
      %lt3A_3233 = arith.cmpi slt, %iota3A, %lt3A_3232 : vector<16xi32>
      tpu.vector_store_idx %arg8[%add3A_3231], %mul3A_3223 masked %lt3A_3233 : memref<6048xf32, #tpu.memory_space<vmem>>[vector<16xi32>], vector<16xf32>, vector<16xi1>
    }
    %scan3A_1548 = arith.constant 16 : i32
    %dma_wait3A_1549 = arith.constant 4 : i32
    %dma_wait3A_1550 = arith.constant 512 : i32
    %dma_wait3A_1551 = arith.constant 0 : i32
    %dma_wait3A_1552 = tpu.memref_slice %arg7[%dma_wait3A_1550, %dma_wait3A_1551] : memref<576x128xf32, #tpu.memory_space<vmem>> -> memref<64x128xf32, #tpu.memory_space<vmem>>
    %dma_wait3A_1553 = arith.constant 0 : i32
    %dma_wait3A_1554 = tpu.memref_slice %arg6[%dma_wait3A_1549, %dma_wait3A_1553] : memref<5x128xi32, #tpu.memory_space<vmem>> -> memref<1x64xi32, #tpu.memory_space<vmem>>
    %dma_wait3A_1555 = tpu.memref_squeeze %dma_wait3A_1554 : memref<1x64xi32, #tpu.memory_space<vmem>> -> memref<64xi32, #tpu.memory_space<vmem>>
    %dma_wait3A_1556 = arith.constant 0 : i32
    %dma_wait3A_1557 = arith.constant 0 : i32
    %dma_wait3A_1558 = tpu.memref_slice %arg3[%dma_wait3A_1556, %dma_wait3A_1557] : memref<98304x128xf32, #tpu.memory_space<hbm>> -> memref<98304x128xf32, #tpu.memory_space<hbm>>
    tpu.wait_indirect_dma semaphore(%arg9 : memref<!tpu.dma_semaphore, #tpu.memory_space<semaphore_mem>>) src(%dma_wait3A_1558 : memref<98304x128xf32, #tpu.memory_space<hbm>>) dst(%dma_wait3A_1552 : memref<64x128xf32, #tpu.memory_space<vmem>>)
    %mul3A_1559 = arith.mulf %convert_element_type3A_1311, %convert_element_type3A_1316 : vector<16xf32>
    %scan3A_1560 = arith.constant 0 : i32
    %scan3A_1561 = arith.constant 0 : i32
    %scan3A_1562 = arith.constant 16 : i32
    %scan3A_1563 = arith.addi %scan3A_1561, %scan3A_1562 : i32
    %scan3A_1564 = arith.constant 1 : i32
    scf.for %scan3A_3145 = %scan3A_1561 to %scan3A_1563 step %scan3A_1564  : i32 {
      %broadcast_in_dim3A_3146 = vector.broadcast %scan3A_3145 : i32 to vector<16xi32>
      %broadcast_in_dim3A_3147 = vector.shape_cast %broadcast_in_dim3A_3146 : vector<16xi32> to vector<16x1xi32>
      %gather3A_3148 = vector.shape_cast %broadcast_in_dim3A_3147 : vector<16x1xi32> to vector<16xi32>
      %gather3A_3149 = tpu.dynamic_gather %convert_element_type3A_1311[%gather3A_3148] in [0] : vector<16xf32>, vector<16xi32> -> vector<16xf32>
      %broadcast_in_dim3A_3150 = vector.shape_cast %broadcast_in_dim3A_3146 : vector<16xi32> to vector<16x1xi32>
      %gather3A_3151 = vector.shape_cast %broadcast_in_dim3A_3150 : vector<16x1xi32> to vector<16xi32>
      %gather3A_3152 = tpu.dynamic_gather %convert_element_type3A_1316[%gather3A_3151] in [0] : vector<16xf32>, vector<16xi32> -> vector<16xf32>
      %mul3A_3153 = arith.mulf %gather3A_3149, %gather3A_3152 : vector<16xf32>
      %broadcast_in_dim3A_3154 = vector.shape_cast %broadcast_in_dim3A_3146 : vector<16xi32> to vector<16x1xi32>
      %gather3A_3155 = vector.shape_cast %broadcast_in_dim3A_3154 : vector<16x1xi32> to vector<16xi32>
      %gather3A_3156 = tpu.dynamic_gather %select_n3A_1405[%gather3A_3155] in [0] : vector<16xf32>, vector<16xi32> -> vector<16xf32>
      %add3A_3157 = arith.constant 0 : i32
      %add3A_3158 = arith.addi %add3A_3157, %scan3A_3145 : i32
      %mul3A_3159 = arith.constant 189 : i32
      %mul3A_3160 = arith.muli %add3A_3158, %mul3A_3159 : i32
      %add3A_3161 = arith.constant 8 : i32
      %add3A_3162 = arith.addi %mul3A_3160, %add3A_3161 : i32
      %add3A_3163 = arith.constant 512 : i32
      %add3A_3164 = arith.addi %add3A_3163, %scan3A_3145 : i32
      %get3A = arith.index_cast %add3A_3164 : i32 to index
      %get3A_3165 = arith.constant 42 : index
      %get3A_3166 = tpu.vector_load %arg7[%get3A, %get3A_3165] {strides = array<i32>} : memref<576x128xf32, #tpu.memory_space<vmem>>, vector<16xf32>,
      %add3A_3167 = arith.constant 528 : i32
      %add3A_3168 = arith.addi %add3A_3167, %scan3A_3145 : i32
      %get3A_3169 = arith.index_cast %add3A_3168 : i32 to index
      %get3A_3170 = arith.constant 42 : index
      %get3A_3171 = tpu.vector_load %arg7[%get3A_3169, %get3A_3170] {strides = array<i32>} : memref<576x128xf32, #tpu.memory_space<vmem>>, vector<16xf32>,
      %add3A_3172 = arith.constant 544 : i32
      %add3A_3173 = arith.addi %add3A_3172, %scan3A_3145 : i32
      %get3A_3174 = arith.index_cast %add3A_3173 : i32 to index
      %get3A_3175 = arith.constant 42 : index
      %get3A_3176 = tpu.vector_load %arg7[%get3A_3174, %get3A_3175] {strides = array<i32>} : memref<576x128xf32, #tpu.memory_space<vmem>>, vector<16xf32>,
      %add3A_3177 = arith.constant 560 : i32
      %add3A_3178 = arith.addi %add3A_3177, %scan3A_3145 : i32
      %get3A_3179 = arith.index_cast %add3A_3178 : i32 to index
      %get3A_3180 = arith.constant 42 : index
      %get3A_3181 = tpu.vector_load %arg7[%get3A_3179, %get3A_3180] {strides = array<i32>} : memref<576x128xf32, #tpu.memory_space<vmem>>, vector<16xf32>,
      %mul3A_3182 = arith.mulf %gather3A_3149, %get3A_3171 : vector<16xf32>
      %sub3A_3183 = arith.subf %get3A_3166, %mul3A_3182 : vector<16xf32>
      %mul3A_3184 = arith.mulf %gather3A_3152, %get3A_3176 : vector<16xf32>
      %sub3A_3185 = arith.subf %sub3A_3183, %mul3A_3184 : vector<16xf32>
      %mul3A_3186 = arith.mulf %mul3A_3153, %get3A_3181 : vector<16xf32>
      %add3A_3187 = arith.addf %sub3A_3185, %mul3A_3186 : vector<16xf32>
      %mul3A_3188 = arith.mulf %add3A_3187, %gather3A_3156 : vector<16xf32>
      %add3A_3189 = arith.constant 0 : i32
      %add3A_3190 = vector.broadcast %add3A_3189 : i32 to vector<16xi32>
      %add3A_3191 = arith.addi %add3A_3190, %iota3A : vector<16xi32>
      %mul3A_3192 = arith.constant 9 : i32
      %mul3A_3193 = vector.broadcast %mul3A_3192 : i32 to vector<16xi32>
      %mul3A_3194 = arith.muli %add3A_3191, %mul3A_3193 : vector<16xi32>
      %add3A_3195 = vector.broadcast %add3A_3162 : i32 to vector<16xi32>
      %add3A_3196 = arith.addi %add3A_3195, %mul3A_3194 : vector<16xi32>
      tpu.vector_store_idx %arg8[%add3A_3196], %mul3A_3188 : memref<6048xf32, #tpu.memory_space<vmem>>[vector<16xi32>], vector<16xf32>,
      %add3A_3197 = arith.constant 512 : i32
      %add3A_3198 = arith.addi %add3A_3197, %scan3A_3145 : i32
      %get3A_3199 = arith.index_cast %add3A_3198 : i32 to index
      %get3A_3200 = arith.constant 58 : index
      %get3A_3201 = tpu.vector_load %arg7[%get3A_3199, %get3A_3200] {strides = array<i32>} : memref<576x128xf32, #tpu.memory_space<vmem>>, vector<16xf32>,
      %add3A_3202 = arith.constant 528 : i32
      %add3A_3203 = arith.addi %add3A_3202, %scan3A_3145 : i32
      %get3A_3204 = arith.index_cast %add3A_3203 : i32 to index
      %get3A_3205 = arith.constant 58 : index
      %get3A_3206 = tpu.vector_load %arg7[%get3A_3204, %get3A_3205] {strides = array<i32>} : memref<576x128xf32, #tpu.memory_space<vmem>>, vector<16xf32>,
      %add3A_3207 = arith.constant 544 : i32
      %add3A_3208 = arith.addi %add3A_3207, %scan3A_3145 : i32
      %get3A_3209 = arith.index_cast %add3A_3208 : i32 to index
      %get3A_3210 = arith.constant 58 : index
      %get3A_3211 = tpu.vector_load %arg7[%get3A_3209, %get3A_3210] {strides = array<i32>} : memref<576x128xf32, #tpu.memory_space<vmem>>, vector<16xf32>,
      %add3A_3212 = arith.constant 560 : i32
      %add3A_3213 = arith.addi %add3A_3212, %scan3A_3145 : i32
      %get3A_3214 = arith.index_cast %add3A_3213 : i32 to index
      %get3A_3215 = arith.constant 58 : index
      %get3A_3216 = tpu.vector_load %arg7[%get3A_3214, %get3A_3215] {strides = array<i32>} : memref<576x128xf32, #tpu.memory_space<vmem>>, vector<16xf32>,
      %mul3A_3217 = arith.mulf %gather3A_3149, %get3A_3206 : vector<16xf32>
      %sub3A_3218 = arith.subf %get3A_3201, %mul3A_3217 : vector<16xf32>
      %mul3A_3219 = arith.mulf %gather3A_3152, %get3A_3211 : vector<16xf32>
      %sub3A_3220 = arith.subf %sub3A_3218, %mul3A_3219 : vector<16xf32>
      %mul3A_3221 = arith.mulf %mul3A_3153, %get3A_3216 : vector<16xf32>
      %add3A_3222 = arith.addf %sub3A_3220, %mul3A_3221 : vector<16xf32>
      %mul3A_3223 = arith.mulf %add3A_3222, %gather3A_3156 : vector<16xf32>
      %add3A_3224 = arith.constant 16 : i32
      %add3A_3225 = vector.broadcast %add3A_3224 : i32 to vector<16xi32>
      %add3A_3226 = arith.addi %add3A_3225, %iota3A : vector<16xi32>
      %mul3A_3227 = arith.constant 9 : i32
      %mul3A_3228 = vector.broadcast %mul3A_3227 : i32 to vector<16xi32>
      %mul3A_3229 = arith.muli %add3A_3226, %mul3A_3228 : vector<16xi32>
      %add3A_3230 = vector.broadcast %add3A_3162 : i32 to vector<16xi32>
      %add3A_3231 = arith.addi %add3A_3230, %mul3A_3229 : vector<16xi32>
      %lt3A = arith.constant 5 : i32
      %lt3A_3232 = vector.broadcast %lt3A : i32 to vector<16xi32>
      %lt3A_3233 = arith.cmpi slt, %iota3A, %lt3A_3232 : vector<16xi32>
      tpu.vector_store_idx %arg8[%add3A_3231], %mul3A_3223 masked %lt3A_3233 : memref<6048xf32, #tpu.memory_space<vmem>>[vector<16xi32>], vector<16xf32>, vector<16xi1>
    }
    %scan3A_1565 = arith.constant 16 : i32
    %add3A_1566 = arith.constant 16 : i32
    %add3A_1567 = vector.broadcast %add3A_1566 : i32 to vector<16xi32>
    %add3A_1568 = arith.addi %iota3A, %add3A_1567 : vector<16xi32>
    %mul3A_1569 = arith.constant 5 : i32
    %mul3A_1570 = vector.broadcast %mul3A_1569 : i32 to vector<16xi32>
    %mul3A_1571 = arith.muli %add3A_1568, %mul3A_1570 : vector<16xi32>
    %add3A_1572 = arith.constant 0 : i32
    %add3A_1573 = vector.broadcast %add3A_1572 : i32 to vector<16xi32>
    %add3A_1574 = arith.addi %mul3A_1571, %add3A_1573 : vector<16xi32>
    %gather3A_1575 = tpu.vector_load_idx %arg5[%add3A_1574] : memref<160xf32, #tpu.memory_space<vmem>>[vector<16xi32>], vector<16xf32>,
    %convert_element_type3A_1576 = arith.fptosi %gather3A_1575 : vector<16xf32> to vector<16xi32>
    %mul3A_1577 = arith.constant 5 : i32
    %mul3A_1578 = vector.broadcast %mul3A_1577 : i32 to vector<16xi32>
    %mul3A_1579 = arith.muli %add3A_1568, %mul3A_1578 : vector<16xi32>
    %add3A_1580 = arith.constant 1 : i32
    %add3A_1581 = vector.broadcast %add3A_1580 : i32 to vector<16xi32>
    %add3A_1582 = arith.addi %mul3A_1579, %add3A_1581 : vector<16xi32>
    %gather3A_1583 = tpu.vector_load_idx %arg5[%add3A_1582] : memref<160xf32, #tpu.memory_space<vmem>>[vector<16xi32>], vector<16xf32>,
    %mul3A_1584 = arith.constant 5 : i32
    %mul3A_1585 = vector.broadcast %mul3A_1584 : i32 to vector<16xi32>
    %mul3A_1586 = arith.muli %add3A_1568, %mul3A_1585 : vector<16xi32>
    %add3A_1587 = arith.constant 2 : i32
    %add3A_1588 = vector.broadcast %add3A_1587 : i32 to vector<16xi32>
    %add3A_1589 = arith.addi %mul3A_1586, %add3A_1588 : vector<16xi32>
    %gather3A_1590 = tpu.vector_load_idx %arg5[%add3A_1589] : memref<160xf32, #tpu.memory_space<vmem>>[vector<16xi32>], vector<16xf32>,
    %mul3A_1591 = arith.constant 5 : i32
    %mul3A_1592 = vector.broadcast %mul3A_1591 : i32 to vector<16xi32>
    %mul3A_1593 = arith.muli %add3A_1568, %mul3A_1592 : vector<16xi32>
    %add3A_1594 = arith.constant 3 : i32
    %add3A_1595 = vector.broadcast %add3A_1594 : i32 to vector<16xi32>
    %add3A_1596 = arith.addi %mul3A_1593, %add3A_1595 : vector<16xi32>
    %gather3A_1597 = tpu.vector_load_idx %arg5[%add3A_1596] : memref<160xf32, #tpu.memory_space<vmem>>[vector<16xi32>], vector<16xf32>,
    %mul3A_1598 = arith.constant 5 : i32
    %mul3A_1599 = vector.broadcast %mul3A_1598 : i32 to vector<16xi32>
    %mul3A_1600 = arith.muli %add3A_1568, %mul3A_1599 : vector<16xi32>
    %add3A_1601 = arith.constant 4 : i32
    %add3A_1602 = vector.broadcast %add3A_1601 : i32 to vector<16xi32>
    %add3A_1603 = arith.addi %mul3A_1600, %add3A_1602 : vector<16xi32>
    %gather3A_1604 = tpu.vector_load_idx %arg5[%add3A_1603] : memref<160xf32, #tpu.memory_space<vmem>>[vector<16xi32>], vector<16xf32>,
    %sub3A_1605 = arith.subf %gather3A_1597, %gather3A_1583 : vector<16xf32>
    %max3A_1606 = arith.constant 1.000000e+00 : f32
    %max3A_1607 = vector.broadcast %max3A_1606 : f32 to vector<16xf32>
    %max3A_1608 = arith.maximumf %sub3A_1605, %max3A_1607 : vector<16xf32>
    %mul3A_1609 = arith.constant 0.333333343 : f32
    %mul3A_1610 = vector.broadcast %mul3A_1609 : f32 to vector<16xf32>
    %mul3A_1611 = arith.mulf %max3A_1608, %mul3A_1610 : vector<16xf32>
    %sub3A_1612 = arith.subf %gather3A_1604, %gather3A_1590 : vector<16xf32>
    %max3A_1613 = arith.constant 1.000000e+00 : f32
    %max3A_1614 = vector.broadcast %max3A_1613 : f32 to vector<16xf32>
    %max3A_1615 = arith.maximumf %sub3A_1612, %max3A_1614 : vector<16xf32>
    %mul3A_1616 = arith.constant 0.333333343 : f32
    %mul3A_1617 = vector.broadcast %mul3A_1616 : f32 to vector<16xf32>
    %mul3A_1618 = arith.mulf %max3A_1615, %mul3A_1617 : vector<16xf32>
    %mul3A_1619 = arith.constant 0.000000e+00 : f32
    %mul3A_1620 = vector.broadcast %mul3A_1619 : f32 to vector<16xf32>
    %mul3A_1621 = arith.mulf %mul3A_1620, %mul3A_1618 : vector<16xf32>
    %add3A_1622 = arith.addf %gather3A_1590, %mul3A_1621 : vector<16xf32>
    %convert_element_type3A_1623 = arith.fptosi %add3A_1622 : vector<16xf32> to vector<16xi32>
    %jit3A_1624 = arith.constant 0 : i32
    %jit3A_1625 = arith.constant 127 : i32
    %max3A_1626 = vector.broadcast %jit3A_1624 : i32 to vector<16xi32>
    %max3A_1627 = arith.maxsi %max3A_1626, %convert_element_type3A_1623 : vector<16xi32>
    %min3A_1628 = vector.broadcast %jit3A_1625 : i32 to vector<16xi32>
    %min3A_1629 = arith.minsi %min3A_1628, %max3A_1627 : vector<16xi32>
    %mul3A_1630 = arith.constant 1.000000e+00 : f32
    %mul3A_1631 = vector.broadcast %mul3A_1630 : f32 to vector<16xf32>
    %mul3A_1632 = arith.mulf %mul3A_1631, %mul3A_1618 : vector<16xf32>
    %add3A_1633 = arith.addf %gather3A_1590, %mul3A_1632 : vector<16xf32>
    %convert_element_type3A_1634 = arith.fptosi %add3A_1633 : vector<16xf32> to vector<16xi32>
    %convert_element_type3A_1635 = arith.sitofp %convert_element_type3A_1634 : vector<16xi32> to vector<16xf32>
    %gt3A_1636 = arith.cmpf ogt, %add3A_1633, %convert_element_type3A_1635 : vector<16xf32>
    %convert_element_type3A_1637 = arith.extui %gt3A_1636 : vector<16xi1> to vector<16xi32>
    %add3A_1638 = arith.addi %convert_element_type3A_1634, %convert_element_type3A_1637 : vector<16xi32>
    %jit3A_1639 = arith.constant 1 : i32
    %jit3A_1640 = arith.constant 128 : i32
    %max3A_1641 = vector.broadcast %jit3A_1639 : i32 to vector<16xi32>
    %max3A_1642 = arith.maxsi %max3A_1641, %add3A_1638 : vector<16xi32>
    %min3A_1643 = vector.broadcast %jit3A_1640 : i32 to vector<16xi32>
    %min3A_1644 = arith.minsi %min3A_1643, %max3A_1642 : vector<16xi32>
    %mul3A_1645 = arith.constant 0.000000e+00 : f32
    %mul3A_1646 = vector.broadcast %mul3A_1645 : f32 to vector<16xf32>
    %mul3A_1647 = arith.mulf %mul3A_1646, %mul3A_1611 : vector<16xf32>
    %add3A_1648 = arith.addf %gather3A_1583, %mul3A_1647 : vector<16xf32>
    %convert_element_type3A_1649 = arith.fptosi %add3A_1648 : vector<16xf32> to vector<16xi32>
    %jit3A_1650 = arith.constant 0 : i32
    %jit3A_1651 = arith.constant 127 : i32
    %max3A_1652 = vector.broadcast %jit3A_1650 : i32 to vector<16xi32>
    %max3A_1653 = arith.maxsi %max3A_1652, %convert_element_type3A_1649 : vector<16xi32>
    %min3A_1654 = vector.broadcast %jit3A_1651 : i32 to vector<16xi32>
    %min3A_1655 = arith.minsi %min3A_1654, %max3A_1653 : vector<16xi32>
    %mul3A_1656 = arith.constant 1.000000e+00 : f32
    %mul3A_1657 = vector.broadcast %mul3A_1656 : f32 to vector<16xf32>
    %mul3A_1658 = arith.mulf %mul3A_1657, %mul3A_1611 : vector<16xf32>
    %add3A_1659 = arith.addf %gather3A_1583, %mul3A_1658 : vector<16xf32>
    %convert_element_type3A_1660 = arith.fptosi %add3A_1659 : vector<16xf32> to vector<16xi32>
    %convert_element_type3A_1661 = arith.sitofp %convert_element_type3A_1660 : vector<16xi32> to vector<16xf32>
    %gt3A_1662 = arith.cmpf ogt, %add3A_1659, %convert_element_type3A_1661 : vector<16xf32>
    %convert_element_type3A_1663 = arith.extui %gt3A_1662 : vector<16xi1> to vector<16xi32>
    %add3A_1664 = arith.addi %convert_element_type3A_1660, %convert_element_type3A_1663 : vector<16xi32>
    %jit3A_1665 = arith.constant 1 : i32
    %jit3A_1666 = arith.constant 128 : i32
    %max3A_1667 = vector.broadcast %jit3A_1665 : i32 to vector<16xi32>
    %max3A_1668 = arith.maxsi %max3A_1667, %add3A_1664 : vector<16xi32>
    %min3A_1669 = vector.broadcast %jit3A_1666 : i32 to vector<16xi32>
    %min3A_1670 = arith.minsi %min3A_1669, %max3A_1668 : vector<16xi32>
    %gt3A_1671 = arith.constant 0 : i32
    %gt3A_1672 = vector.broadcast %gt3A_1671 : i32 to vector<16xi32>
    %gt3A_1673 = arith.cmpi sgt, %min3A_1629, %gt3A_1672 : vector<16xi32>
    %convert_element_type3A_1674 = arith.extui %gt3A_1673 : vector<16xi1> to vector<16xi32>
    %convert_element_type3A_1675 = arith.sitofp %convert_element_type3A_1674 : vector<16xi32> to vector<16xf32>
    %gt3A_1676 = arith.constant 0 : i32
    %gt3A_1677 = vector.broadcast %gt3A_1676 : i32 to vector<16xi32>
    %gt3A_1678 = arith.cmpi sgt, %min3A_1655, %gt3A_1677 : vector<16xi32>
    %convert_element_type3A_1679 = arith.extui %gt3A_1678 : vector<16xi1> to vector<16xi32>
    %convert_element_type3A_1680 = arith.sitofp %convert_element_type3A_1679 : vector<16xi32> to vector<16xf32>
    %sub3A_1681 = arith.constant 1 : i32
    %sub3A_1682 = vector.broadcast %sub3A_1681 : i32 to vector<16xi32>
    %sub3A_1683 = arith.subi %min3A_1629, %sub3A_1682 : vector<16xi32>
    %max3A_1684 = arith.constant 0 : i32
    %max3A_1685 = vector.broadcast %max3A_1684 : i32 to vector<16xi32>
    %max3A_1686 = arith.maxsi %sub3A_1683, %max3A_1685 : vector<16xi32>
    %sub3A_1687 = arith.constant 1 : i32
    %sub3A_1688 = vector.broadcast %sub3A_1687 : i32 to vector<16xi32>
    %sub3A_1689 = arith.subi %min3A_1655, %sub3A_1688 : vector<16xi32>
    %max3A_1690 = arith.constant 0 : i32
    %max3A_1691 = vector.broadcast %max3A_1690 : i32 to vector<16xi32>
    %max3A_1692 = arith.maxsi %sub3A_1689, %max3A_1691 : vector<16xi32>
    %mul3A_1693 = arith.constant 3 : i32
    %mul3A_1694 = vector.broadcast %mul3A_1693 : i32 to vector<16xi32>
    %mul3A_1695 = arith.muli %convert_element_type3A_1576, %mul3A_1694 : vector<16xi32>
    %add3A_1696 = arith.constant 0 : i32
    %add3A_1697 = vector.broadcast %add3A_1696 : i32 to vector<16xi32>
    %add3A_1698 = arith.addi %mul3A_1695, %add3A_1697 : vector<16xi32>
    %mul3A_1699 = arith.constant 16384 : i32
    %mul3A_1700 = vector.broadcast %mul3A_1699 : i32 to vector<16xi32>
    %mul3A_1701 = arith.muli %add3A_1698, %mul3A_1700 : vector<16xi32>
    %sub3A_1702 = arith.constant 1 : i32
    %sub3A_1703 = vector.broadcast %sub3A_1702 : i32 to vector<16xi32>
    %sub3A_1704 = arith.subi %min3A_1644, %sub3A_1703 : vector<16xi32>
    %mul3A_1705 = arith.constant 128 : i32
    %mul3A_1706 = vector.broadcast %mul3A_1705 : i32 to vector<16xi32>
    %mul3A_1707 = arith.muli %sub3A_1704, %mul3A_1706 : vector<16xi32>
    %add3A_1708 = arith.addi %mul3A_1701, %mul3A_1707 : vector<16xi32>
    %sub3A_1709 = arith.constant 1 : i32
    %sub3A_1710 = vector.broadcast %sub3A_1709 : i32 to vector<16xi32>
    %sub3A_1711 = arith.subi %min3A_1670, %sub3A_1710 : vector<16xi32>
    %add3A_1712 = arith.addi %add3A_1708, %sub3A_1711 : vector<16xi32>
    %mul3A_1713 = arith.constant 128 : i32
    %mul3A_1714 = vector.broadcast %mul3A_1713 : i32 to vector<16xi32>
    %mul3A_1715 = arith.muli %max3A_1686, %mul3A_1714 : vector<16xi32>
    %add3A_1716 = arith.addi %mul3A_1701, %mul3A_1715 : vector<16xi32>
    %sub3A_1717 = arith.constant 1 : i32
    %sub3A_1718 = vector.broadcast %sub3A_1717 : i32 to vector<16xi32>
    %sub3A_1719 = arith.subi %min3A_1670, %sub3A_1718 : vector<16xi32>
    %add3A_1720 = arith.addi %add3A_1716, %sub3A_1719 : vector<16xi32>
    %sub3A_1721 = arith.constant 1 : i32
    %sub3A_1722 = vector.broadcast %sub3A_1721 : i32 to vector<16xi32>
    %sub3A_1723 = arith.subi %min3A_1644, %sub3A_1722 : vector<16xi32>
    %mul3A_1724 = arith.constant 128 : i32
    %mul3A_1725 = vector.broadcast %mul3A_1724 : i32 to vector<16xi32>
    %mul3A_1726 = arith.muli %sub3A_1723, %mul3A_1725 : vector<16xi32>
    %add3A_1727 = arith.addi %mul3A_1701, %mul3A_1726 : vector<16xi32>
    %add3A_1728 = arith.addi %add3A_1727, %max3A_1692 : vector<16xi32>
    %mul3A_1729 = arith.constant 128 : i32
    %mul3A_1730 = vector.broadcast %mul3A_1729 : i32 to vector<16xi32>
    %mul3A_1731 = arith.muli %max3A_1686, %mul3A_1730 : vector<16xi32>
    %add3A_1732 = arith.addi %mul3A_1701, %mul3A_1731 : vector<16xi32>
    %add3A_1733 = arith.addi %add3A_1732, %max3A_1692 : vector<16xi32>
    %broadcast_in_dim3A_1734 = arith.constant 0 : i32
    %broadcast_in_dim3A_1735 = vector.broadcast %broadcast_in_dim3A_1734 : i32 to vector<16xi32>
    %add3A_1736 = arith.constant 0 : i32
    %add3A_1737 = vector.broadcast %add3A_1736 : i32 to vector<16xi32>
    %add3A_1738 = arith.addi %iota3A, %add3A_1737 : vector<16xi32>
    tpu.vector_store_idx %arg6[%broadcast_in_dim3A_1735, %add3A_1738], %add3A_1712 : memref<5x128xi32, #tpu.memory_space<vmem>>[vector<16xi32>, vector<16xi32>], vector<16xi32>,
    %broadcast_in_dim3A_1739 = arith.constant 0 : i32
    %broadcast_in_dim3A_1740 = vector.broadcast %broadcast_in_dim3A_1739 : i32 to vector<16xi32>
    %add3A_1741 = arith.constant 16 : i32
    %add3A_1742 = vector.broadcast %add3A_1741 : i32 to vector<16xi32>
    %add3A_1743 = arith.addi %iota3A, %add3A_1742 : vector<16xi32>
    tpu.vector_store_idx %arg6[%broadcast_in_dim3A_1740, %add3A_1743], %add3A_1720 : memref<5x128xi32, #tpu.memory_space<vmem>>[vector<16xi32>, vector<16xi32>], vector<16xi32>,
    %broadcast_in_dim3A_1744 = arith.constant 0 : i32
    %broadcast_in_dim3A_1745 = vector.broadcast %broadcast_in_dim3A_1744 : i32 to vector<16xi32>
    %add3A_1746 = arith.constant 32 : i32
    %add3A_1747 = vector.broadcast %add3A_1746 : i32 to vector<16xi32>
    %add3A_1748 = arith.addi %iota3A, %add3A_1747 : vector<16xi32>
    tpu.vector_store_idx %arg6[%broadcast_in_dim3A_1745, %add3A_1748], %add3A_1728 : memref<5x128xi32, #tpu.memory_space<vmem>>[vector<16xi32>, vector<16xi32>], vector<16xi32>,
    %broadcast_in_dim3A_1749 = arith.constant 0 : i32
    %broadcast_in_dim3A_1750 = vector.broadcast %broadcast_in_dim3A_1749 : i32 to vector<16xi32>
    %add3A_1751 = arith.constant 48 : i32
    %add3A_1752 = vector.broadcast %add3A_1751 : i32 to vector<16xi32>
    %add3A_1753 = arith.addi %iota3A, %add3A_1752 : vector<16xi32>
    tpu.vector_store_idx %arg6[%broadcast_in_dim3A_1750, %add3A_1753], %add3A_1733 : memref<5x128xi32, #tpu.memory_space<vmem>>[vector<16xi32>, vector<16xi32>], vector<16xi32>,
    %sub3A_1754 = arith.subi %min3A_1644, %min3A_1629 : vector<16xi32>
    %sub3A_1755 = arith.subi %min3A_1670, %min3A_1655 : vector<16xi32>
    %mul3A_1756 = arith.muli %sub3A_1754, %sub3A_1755 : vector<16xi32>
    %convert_element_type3A_1757 = arith.sitofp %mul3A_1756 : vector<16xi32> to vector<16xf32>
    %gt3A_1758 = arith.cmpi sgt, %min3A_1644, %min3A_1629 : vector<16xi32>
    %gt3A_1759 = arith.cmpi sgt, %min3A_1670, %min3A_1655 : vector<16xi32>
    %and3A_1760 = arith.andi %gt3A_1758, %gt3A_1759 : vector<16xi1>
    %max3A_1761 = arith.constant 1.000000e+00 : f32
    %max3A_1762 = vector.broadcast %max3A_1761 : f32 to vector<16xf32>
    %max3A_1763 = arith.maximumf %convert_element_type3A_1757, %max3A_1762 : vector<16xf32>
    %div3A_1764 = arith.constant 1.000000e+00 : f32
    %div3A_1765 = vector.broadcast %div3A_1764 : f32 to vector<16xf32>
    %div3A_1766 = arith.divf %div3A_1765, %max3A_1763 : vector<16xf32>
    %jit3A_1767 = arith.constant 0.000000e+00 : f32
    %broadcast_in_dim3A_1768 = vector.broadcast %jit3A_1767 : f32 to vector<16xf32>
    %select_n3A_1769 = arith.select %and3A_1760, %div3A_1766, %broadcast_in_dim3A_1768 : vector<16xi1>, vector<16xf32>
    %mul3A_1770 = arith.constant 0.000000e+00 : f32
    %mul3A_1771 = vector.broadcast %mul3A_1770 : f32 to vector<16xf32>
    %mul3A_1772 = arith.mulf %mul3A_1771, %mul3A_1618 : vector<16xf32>
    %add3A_1773 = arith.addf %gather3A_1590, %mul3A_1772 : vector<16xf32>
    %convert_element_type3A_1774 = arith.fptosi %add3A_1773 : vector<16xf32> to vector<16xi32>
    %jit3A_1775 = arith.constant 0 : i32
    %jit3A_1776 = arith.constant 127 : i32
    %max3A_1777 = vector.broadcast %jit3A_1775 : i32 to vector<16xi32>
    %max3A_1778 = arith.maxsi %max3A_1777, %convert_element_type3A_1774 : vector<16xi32>
    %min3A_1779 = vector.broadcast %jit3A_1776 : i32 to vector<16xi32>
    %min3A_1780 = arith.minsi %min3A_1779, %max3A_1778 : vector<16xi32>
    %mul3A_1781 = arith.constant 1.000000e+00 : f32
    %mul3A_1782 = vector.broadcast %mul3A_1781 : f32 to vector<16xf32>
    %mul3A_1783 = arith.mulf %mul3A_1782, %mul3A_1618 : vector<16xf32>
    %add3A_1784 = arith.addf %gather3A_1590, %mul3A_1783 : vector<16xf32>
    %convert_element_type3A_1785 = arith.fptosi %add3A_1784 : vector<16xf32> to vector<16xi32>
    %convert_element_type3A_1786 = arith.sitofp %convert_element_type3A_1785 : vector<16xi32> to vector<16xf32>
    %gt3A_1787 = arith.cmpf ogt, %add3A_1784, %convert_element_type3A_1786 : vector<16xf32>
    %convert_element_type3A_1788 = arith.extui %gt3A_1787 : vector<16xi1> to vector<16xi32>
    %add3A_1789 = arith.addi %convert_element_type3A_1785, %convert_element_type3A_1788 : vector<16xi32>
    %jit3A_1790 = arith.constant 1 : i32
    %jit3A_1791 = arith.constant 128 : i32
    %max3A_1792 = vector.broadcast %jit3A_1790 : i32 to vector<16xi32>
    %max3A_1793 = arith.maxsi %max3A_1792, %add3A_1789 : vector<16xi32>
    %min3A_1794 = vector.broadcast %jit3A_1791 : i32 to vector<16xi32>
    %min3A_1795 = arith.minsi %min3A_1794, %max3A_1793 : vector<16xi32>
    %mul3A_1796 = arith.constant 1.000000e+00 : f32
    %mul3A_1797 = vector.broadcast %mul3A_1796 : f32 to vector<16xf32>
    %mul3A_1798 = arith.mulf %mul3A_1797, %mul3A_1611 : vector<16xf32>
    %add3A_1799 = arith.addf %gather3A_1583, %mul3A_1798 : vector<16xf32>
    %convert_element_type3A_1800 = arith.fptosi %add3A_1799 : vector<16xf32> to vector<16xi32>
    %jit3A_1801 = arith.constant 0 : i32
    %jit3A_1802 = arith.constant 127 : i32
    %max3A_1803 = vector.broadcast %jit3A_1801 : i32 to vector<16xi32>
    %max3A_1804 = arith.maxsi %max3A_1803, %convert_element_type3A_1800 : vector<16xi32>
    %min3A_1805 = vector.broadcast %jit3A_1802 : i32 to vector<16xi32>
    %min3A_1806 = arith.minsi %min3A_1805, %max3A_1804 : vector<16xi32>
    %mul3A_1807 = arith.constant 2.000000e+00 : f32
    %mul3A_1808 = vector.broadcast %mul3A_1807 : f32 to vector<16xf32>
    %mul3A_1809 = arith.mulf %mul3A_1808, %mul3A_1611 : vector<16xf32>
    %add3A_1810 = arith.addf %gather3A_1583, %mul3A_1809 : vector<16xf32>
    %convert_element_type3A_1811 = arith.fptosi %add3A_1810 : vector<16xf32> to vector<16xi32>
    %convert_element_type3A_1812 = arith.sitofp %convert_element_type3A_1811 : vector<16xi32> to vector<16xf32>
    %gt3A_1813 = arith.cmpf ogt, %add3A_1810, %convert_element_type3A_1812 : vector<16xf32>
    %convert_element_type3A_1814 = arith.extui %gt3A_1813 : vector<16xi1> to vector<16xi32>
    %add3A_1815 = arith.addi %convert_element_type3A_1811, %convert_element_type3A_1814 : vector<16xi32>
    %jit3A_1816 = arith.constant 1 : i32
    %jit3A_1817 = arith.constant 128 : i32
    %max3A_1818 = vector.broadcast %jit3A_1816 : i32 to vector<16xi32>
    %max3A_1819 = arith.maxsi %max3A_1818, %add3A_1815 : vector<16xi32>
    %min3A_1820 = vector.broadcast %jit3A_1817 : i32 to vector<16xi32>
    %min3A_1821 = arith.minsi %min3A_1820, %max3A_1819 : vector<16xi32>
    %gt3A_1822 = arith.constant 0 : i32
    %gt3A_1823 = vector.broadcast %gt3A_1822 : i32 to vector<16xi32>
    %gt3A_1824 = arith.cmpi sgt, %min3A_1780, %gt3A_1823 : vector<16xi32>
    %convert_element_type3A_1825 = arith.extui %gt3A_1824 : vector<16xi1> to vector<16xi32>
    %convert_element_type3A_1826 = arith.sitofp %convert_element_type3A_1825 : vector<16xi32> to vector<16xf32>
    %gt3A_1827 = arith.constant 0 : i32
    %gt3A_1828 = vector.broadcast %gt3A_1827 : i32 to vector<16xi32>
    %gt3A_1829 = arith.cmpi sgt, %min3A_1806, %gt3A_1828 : vector<16xi32>
    %convert_element_type3A_1830 = arith.extui %gt3A_1829 : vector<16xi1> to vector<16xi32>
    %convert_element_type3A_1831 = arith.sitofp %convert_element_type3A_1830 : vector<16xi32> to vector<16xf32>
    %sub3A_1832 = arith.constant 1 : i32
    %sub3A_1833 = vector.broadcast %sub3A_1832 : i32 to vector<16xi32>
    %sub3A_1834 = arith.subi %min3A_1780, %sub3A_1833 : vector<16xi32>
    %max3A_1835 = arith.constant 0 : i32
    %max3A_1836 = vector.broadcast %max3A_1835 : i32 to vector<16xi32>
    %max3A_1837 = arith.maxsi %sub3A_1834, %max3A_1836 : vector<16xi32>
    %sub3A_1838 = arith.constant 1 : i32
    %sub3A_1839 = vector.broadcast %sub3A_1838 : i32 to vector<16xi32>
    %sub3A_1840 = arith.subi %min3A_1806, %sub3A_1839 : vector<16xi32>
    %max3A_1841 = arith.constant 0 : i32
    %max3A_1842 = vector.broadcast %max3A_1841 : i32 to vector<16xi32>
    %max3A_1843 = arith.maxsi %sub3A_1840, %max3A_1842 : vector<16xi32>
    %mul3A_1844 = arith.constant 3 : i32
    %mul3A_1845 = vector.broadcast %mul3A_1844 : i32 to vector<16xi32>
    %mul3A_1846 = arith.muli %convert_element_type3A_1576, %mul3A_1845 : vector<16xi32>
    %add3A_1847 = arith.constant 0 : i32
    %add3A_1848 = vector.broadcast %add3A_1847 : i32 to vector<16xi32>
    %add3A_1849 = arith.addi %mul3A_1846, %add3A_1848 : vector<16xi32>
    %mul3A_1850 = arith.constant 16384 : i32
    %mul3A_1851 = vector.broadcast %mul3A_1850 : i32 to vector<16xi32>
    %mul3A_1852 = arith.muli %add3A_1849, %mul3A_1851 : vector<16xi32>
    %sub3A_1853 = arith.constant 1 : i32
    %sub3A_1854 = vector.broadcast %sub3A_1853 : i32 to vector<16xi32>
    %sub3A_1855 = arith.subi %min3A_1795, %sub3A_1854 : vector<16xi32>
    %mul3A_1856 = arith.constant 128 : i32
    %mul3A_1857 = vector.broadcast %mul3A_1856 : i32 to vector<16xi32>
    %mul3A_1858 = arith.muli %sub3A_1855, %mul3A_1857 : vector<16xi32>
    %add3A_1859 = arith.addi %mul3A_1852, %mul3A_1858 : vector<16xi32>
    %sub3A_1860 = arith.constant 1 : i32
    %sub3A_1861 = vector.broadcast %sub3A_1860 : i32 to vector<16xi32>
    %sub3A_1862 = arith.subi %min3A_1821, %sub3A_1861 : vector<16xi32>
    %add3A_1863 = arith.addi %add3A_1859, %sub3A_1862 : vector<16xi32>
    %mul3A_1864 = arith.constant 128 : i32
    %mul3A_1865 = vector.broadcast %mul3A_1864 : i32 to vector<16xi32>
    %mul3A_1866 = arith.muli %max3A_1837, %mul3A_1865 : vector<16xi32>
    %add3A_1867 = arith.addi %mul3A_1852, %mul3A_1866 : vector<16xi32>
    %sub3A_1868 = arith.constant 1 : i32
    %sub3A_1869 = vector.broadcast %sub3A_1868 : i32 to vector<16xi32>
    %sub3A_1870 = arith.subi %min3A_1821, %sub3A_1869 : vector<16xi32>
    %add3A_1871 = arith.addi %add3A_1867, %sub3A_1870 : vector<16xi32>
    %sub3A_1872 = arith.constant 1 : i32
    %sub3A_1873 = vector.broadcast %sub3A_1872 : i32 to vector<16xi32>
    %sub3A_1874 = arith.subi %min3A_1795, %sub3A_1873 : vector<16xi32>
    %mul3A_1875 = arith.constant 128 : i32
    %mul3A_1876 = vector.broadcast %mul3A_1875 : i32 to vector<16xi32>
    %mul3A_1877 = arith.muli %sub3A_1874, %mul3A_1876 : vector<16xi32>
    %add3A_1878 = arith.addi %mul3A_1852, %mul3A_1877 : vector<16xi32>
    %add3A_1879 = arith.addi %add3A_1878, %max3A_1843 : vector<16xi32>
    %mul3A_1880 = arith.constant 128 : i32
    %mul3A_1881 = vector.broadcast %mul3A_1880 : i32 to vector<16xi32>
    %mul3A_1882 = arith.muli %max3A_1837, %mul3A_1881 : vector<16xi32>
    %add3A_1883 = arith.addi %mul3A_1852, %mul3A_1882 : vector<16xi32>
    %add3A_1884 = arith.addi %add3A_1883, %max3A_1843 : vector<16xi32>
    %broadcast_in_dim3A_1885 = arith.constant 0 : i32
    %broadcast_in_dim3A_1886 = vector.broadcast %broadcast_in_dim3A_1885 : i32 to vector<16xi32>
    %add3A_1887 = arith.constant 64 : i32
    %add3A_1888 = vector.broadcast %add3A_1887 : i32 to vector<16xi32>
    %add3A_1889 = arith.addi %iota3A, %add3A_1888 : vector<16xi32>
    tpu.vector_store_idx %arg6[%broadcast_in_dim3A_1886, %add3A_1889], %add3A_1863 : memref<5x128xi32, #tpu.memory_space<vmem>>[vector<16xi32>, vector<16xi32>], vector<16xi32>,
    %broadcast_in_dim3A_1890 = arith.constant 0 : i32
    %broadcast_in_dim3A_1891 = vector.broadcast %broadcast_in_dim3A_1890 : i32 to vector<16xi32>
    %add3A_1892 = arith.constant 80 : i32
    %add3A_1893 = vector.broadcast %add3A_1892 : i32 to vector<16xi32>
    %add3A_1894 = arith.addi %iota3A, %add3A_1893 : vector<16xi32>
    tpu.vector_store_idx %arg6[%broadcast_in_dim3A_1891, %add3A_1894], %add3A_1871 : memref<5x128xi32, #tpu.memory_space<vmem>>[vector<16xi32>, vector<16xi32>], vector<16xi32>,
    %broadcast_in_dim3A_1895 = arith.constant 0 : i32
    %broadcast_in_dim3A_1896 = vector.broadcast %broadcast_in_dim3A_1895 : i32 to vector<16xi32>
    %add3A_1897 = arith.constant 96 : i32
    %add3A_1898 = vector.broadcast %add3A_1897 : i32 to vector<16xi32>
    %add3A_1899 = arith.addi %iota3A, %add3A_1898 : vector<16xi32>
    tpu.vector_store_idx %arg6[%broadcast_in_dim3A_1896, %add3A_1899], %add3A_1879 : memref<5x128xi32, #tpu.memory_space<vmem>>[vector<16xi32>, vector<16xi32>], vector<16xi32>,
    %broadcast_in_dim3A_1900 = arith.constant 0 : i32
    %broadcast_in_dim3A_1901 = vector.broadcast %broadcast_in_dim3A_1900 : i32 to vector<16xi32>
    %add3A_1902 = arith.constant 112 : i32
    %add3A_1903 = vector.broadcast %add3A_1902 : i32 to vector<16xi32>
    %add3A_1904 = arith.addi %iota3A, %add3A_1903 : vector<16xi32>
    tpu.vector_store_idx %arg6[%broadcast_in_dim3A_1901, %add3A_1904], %add3A_1884 : memref<5x128xi32, #tpu.memory_space<vmem>>[vector<16xi32>, vector<16xi32>], vector<16xi32>,
    %sub3A_1905 = arith.subi %min3A_1795, %min3A_1780 : vector<16xi32>
    %sub3A_1906 = arith.subi %min3A_1821, %min3A_1806 : vector<16xi32>
    %mul3A_1907 = arith.muli %sub3A_1905, %sub3A_1906 : vector<16xi32>
    %convert_element_type3A_1908 = arith.sitofp %mul3A_1907 : vector<16xi32> to vector<16xf32>
    %gt3A_1909 = arith.cmpi sgt, %min3A_1795, %min3A_1780 : vector<16xi32>
    %gt3A_1910 = arith.cmpi sgt, %min3A_1821, %min3A_1806 : vector<16xi32>
    %and3A_1911 = arith.andi %gt3A_1909, %gt3A_1910 : vector<16xi1>
    %max3A_1912 = arith.constant 1.000000e+00 : f32
    %max3A_1913 = vector.broadcast %max3A_1912 : f32 to vector<16xf32>
    %max3A_1914 = arith.maximumf %convert_element_type3A_1908, %max3A_1913 : vector<16xf32>
    %div3A_1915 = arith.constant 1.000000e+00 : f32
    %div3A_1916 = vector.broadcast %div3A_1915 : f32 to vector<16xf32>
    %div3A_1917 = arith.divf %div3A_1916, %max3A_1914 : vector<16xf32>
    %jit3A_1918 = arith.constant 0.000000e+00 : f32
    %broadcast_in_dim3A_1919 = vector.broadcast %jit3A_1918 : f32 to vector<16xf32>
    %select_n3A_1920 = arith.select %and3A_1911, %div3A_1917, %broadcast_in_dim3A_1919 : vector<16xi1>, vector<16xf32>
    %mul3A_1921 = arith.constant 0.000000e+00 : f32
    %mul3A_1922 = vector.broadcast %mul3A_1921 : f32 to vector<16xf32>
    %mul3A_1923 = arith.mulf %mul3A_1922, %mul3A_1618 : vector<16xf32>
    %add3A_1924 = arith.addf %gather3A_1590, %mul3A_1923 : vector<16xf32>
    %convert_element_type3A_1925 = arith.fptosi %add3A_1924 : vector<16xf32> to vector<16xi32>
    %jit3A_1926 = arith.constant 0 : i32
    %jit3A_1927 = arith.constant 127 : i32
    %max3A_1928 = vector.broadcast %jit3A_1926 : i32 to vector<16xi32>
    %max3A_1929 = arith.maxsi %max3A_1928, %convert_element_type3A_1925 : vector<16xi32>
    %min3A_1930 = vector.broadcast %jit3A_1927 : i32 to vector<16xi32>
    %min3A_1931 = arith.minsi %min3A_1930, %max3A_1929 : vector<16xi32>
    %mul3A_1932 = arith.constant 1.000000e+00 : f32
    %mul3A_1933 = vector.broadcast %mul3A_1932 : f32 to vector<16xf32>
    %mul3A_1934 = arith.mulf %mul3A_1933, %mul3A_1618 : vector<16xf32>
    %add3A_1935 = arith.addf %gather3A_1590, %mul3A_1934 : vector<16xf32>
    %convert_element_type3A_1936 = arith.fptosi %add3A_1935 : vector<16xf32> to vector<16xi32>
    %convert_element_type3A_1937 = arith.sitofp %convert_element_type3A_1936 : vector<16xi32> to vector<16xf32>
    %gt3A_1938 = arith.cmpf ogt, %add3A_1935, %convert_element_type3A_1937 : vector<16xf32>
    %convert_element_type3A_1939 = arith.extui %gt3A_1938 : vector<16xi1> to vector<16xi32>
    %add3A_1940 = arith.addi %convert_element_type3A_1936, %convert_element_type3A_1939 : vector<16xi32>
    %jit3A_1941 = arith.constant 1 : i32
    %jit3A_1942 = arith.constant 128 : i32
    %max3A_1943 = vector.broadcast %jit3A_1941 : i32 to vector<16xi32>
    %max3A_1944 = arith.maxsi %max3A_1943, %add3A_1940 : vector<16xi32>
    %min3A_1945 = vector.broadcast %jit3A_1942 : i32 to vector<16xi32>
    %min3A_1946 = arith.minsi %min3A_1945, %max3A_1944 : vector<16xi32>
    %mul3A_1947 = arith.constant 2.000000e+00 : f32
    %mul3A_1948 = vector.broadcast %mul3A_1947 : f32 to vector<16xf32>
    %mul3A_1949 = arith.mulf %mul3A_1948, %mul3A_1611 : vector<16xf32>
    %add3A_1950 = arith.addf %gather3A_1583, %mul3A_1949 : vector<16xf32>
    %convert_element_type3A_1951 = arith.fptosi %add3A_1950 : vector<16xf32> to vector<16xi32>
    %jit3A_1952 = arith.constant 0 : i32
    %jit3A_1953 = arith.constant 127 : i32
    %max3A_1954 = vector.broadcast %jit3A_1952 : i32 to vector<16xi32>
    %max3A_1955 = arith.maxsi %max3A_1954, %convert_element_type3A_1951 : vector<16xi32>
    %min3A_1956 = vector.broadcast %jit3A_1953 : i32 to vector<16xi32>
    %min3A_1957 = arith.minsi %min3A_1956, %max3A_1955 : vector<16xi32>
    %mul3A_1958 = arith.constant 3.000000e+00 : f32
    %mul3A_1959 = vector.broadcast %mul3A_1958 : f32 to vector<16xf32>
    %mul3A_1960 = arith.mulf %mul3A_1959, %mul3A_1611 : vector<16xf32>
    %add3A_1961 = arith.addf %gather3A_1583, %mul3A_1960 : vector<16xf32>
    %convert_element_type3A_1962 = arith.fptosi %add3A_1961 : vector<16xf32> to vector<16xi32>
    %convert_element_type3A_1963 = arith.sitofp %convert_element_type3A_1962 : vector<16xi32> to vector<16xf32>
    %gt3A_1964 = arith.cmpf ogt, %add3A_1961, %convert_element_type3A_1963 : vector<16xf32>
    %convert_element_type3A_1965 = arith.extui %gt3A_1964 : vector<16xi1> to vector<16xi32>
    %add3A_1966 = arith.addi %convert_element_type3A_1962, %convert_element_type3A_1965 : vector<16xi32>
    %jit3A_1967 = arith.constant 1 : i32
    %jit3A_1968 = arith.constant 128 : i32
    %max3A_1969 = vector.broadcast %jit3A_1967 : i32 to vector<16xi32>
    %max3A_1970 = arith.maxsi %max3A_1969, %add3A_1966 : vector<16xi32>
    %min3A_1971 = vector.broadcast %jit3A_1968 : i32 to vector<16xi32>
    %min3A_1972 = arith.minsi %min3A_1971, %max3A_1970 : vector<16xi32>
    %gt3A_1973 = arith.constant 0 : i32
    %gt3A_1974 = vector.broadcast %gt3A_1973 : i32 to vector<16xi32>
    %gt3A_1975 = arith.cmpi sgt, %min3A_1931, %gt3A_1974 : vector<16xi32>
    %convert_element_type3A_1976 = arith.extui %gt3A_1975 : vector<16xi1> to vector<16xi32>
    %convert_element_type3A_1977 = arith.sitofp %convert_element_type3A_1976 : vector<16xi32> to vector<16xf32>
    %gt3A_1978 = arith.constant 0 : i32
    %gt3A_1979 = vector.broadcast %gt3A_1978 : i32 to vector<16xi32>
    %gt3A_1980 = arith.cmpi sgt, %min3A_1957, %gt3A_1979 : vector<16xi32>
    %convert_element_type3A_1981 = arith.extui %gt3A_1980 : vector<16xi1> to vector<16xi32>
    %convert_element_type3A_1982 = arith.sitofp %convert_element_type3A_1981 : vector<16xi32> to vector<16xf32>
    %sub3A_1983 = arith.constant 1 : i32
    %sub3A_1984 = vector.broadcast %sub3A_1983 : i32 to vector<16xi32>
    %sub3A_1985 = arith.subi %min3A_1931, %sub3A_1984 : vector<16xi32>
    %max3A_1986 = arith.constant 0 : i32
    %max3A_1987 = vector.broadcast %max3A_1986 : i32 to vector<16xi32>
    %max3A_1988 = arith.maxsi %sub3A_1985, %max3A_1987 : vector<16xi32>
    %sub3A_1989 = arith.constant 1 : i32
    %sub3A_1990 = vector.broadcast %sub3A_1989 : i32 to vector<16xi32>
    %sub3A_1991 = arith.subi %min3A_1957, %sub3A_1990 : vector<16xi32>
    %max3A_1992 = arith.constant 0 : i32
    %max3A_1993 = vector.broadcast %max3A_1992 : i32 to vector<16xi32>
    %max3A_1994 = arith.maxsi %sub3A_1991, %max3A_1993 : vector<16xi32>
    %mul3A_1995 = arith.constant 3 : i32
    %mul3A_1996 = vector.broadcast %mul3A_1995 : i32 to vector<16xi32>
    %mul3A_1997 = arith.muli %convert_element_type3A_1576, %mul3A_1996 : vector<16xi32>
    %add3A_1998 = arith.constant 0 : i32
    %add3A_1999 = vector.broadcast %add3A_1998 : i32 to vector<16xi32>
    %add3A_2000 = arith.addi %mul3A_1997, %add3A_1999 : vector<16xi32>
    %mul3A_2001 = arith.constant 16384 : i32
    %mul3A_2002 = vector.broadcast %mul3A_2001 : i32 to vector<16xi32>
    %mul3A_2003 = arith.muli %add3A_2000, %mul3A_2002 : vector<16xi32>
    %sub3A_2004 = arith.constant 1 : i32
    %sub3A_2005 = vector.broadcast %sub3A_2004 : i32 to vector<16xi32>
    %sub3A_2006 = arith.subi %min3A_1946, %sub3A_2005 : vector<16xi32>
    %mul3A_2007 = arith.constant 128 : i32
    %mul3A_2008 = vector.broadcast %mul3A_2007 : i32 to vector<16xi32>
    %mul3A_2009 = arith.muli %sub3A_2006, %mul3A_2008 : vector<16xi32>
    %add3A_2010 = arith.addi %mul3A_2003, %mul3A_2009 : vector<16xi32>
    %sub3A_2011 = arith.constant 1 : i32
    %sub3A_2012 = vector.broadcast %sub3A_2011 : i32 to vector<16xi32>
    %sub3A_2013 = arith.subi %min3A_1972, %sub3A_2012 : vector<16xi32>
    %add3A_2014 = arith.addi %add3A_2010, %sub3A_2013 : vector<16xi32>
    %mul3A_2015 = arith.constant 128 : i32
    %mul3A_2016 = vector.broadcast %mul3A_2015 : i32 to vector<16xi32>
    %mul3A_2017 = arith.muli %max3A_1988, %mul3A_2016 : vector<16xi32>
    %add3A_2018 = arith.addi %mul3A_2003, %mul3A_2017 : vector<16xi32>
    %sub3A_2019 = arith.constant 1 : i32
    %sub3A_2020 = vector.broadcast %sub3A_2019 : i32 to vector<16xi32>
    %sub3A_2021 = arith.subi %min3A_1972, %sub3A_2020 : vector<16xi32>
    %add3A_2022 = arith.addi %add3A_2018, %sub3A_2021 : vector<16xi32>
    %sub3A_2023 = arith.constant 1 : i32
    %sub3A_2024 = vector.broadcast %sub3A_2023 : i32 to vector<16xi32>
    %sub3A_2025 = arith.subi %min3A_1946, %sub3A_2024 : vector<16xi32>
    %mul3A_2026 = arith.constant 128 : i32
    %mul3A_2027 = vector.broadcast %mul3A_2026 : i32 to vector<16xi32>
    %mul3A_2028 = arith.muli %sub3A_2025, %mul3A_2027 : vector<16xi32>
    %add3A_2029 = arith.addi %mul3A_2003, %mul3A_2028 : vector<16xi32>
    %add3A_2030 = arith.addi %add3A_2029, %max3A_1994 : vector<16xi32>
    %mul3A_2031 = arith.constant 128 : i32
    %mul3A_2032 = vector.broadcast %mul3A_2031 : i32 to vector<16xi32>
    %mul3A_2033 = arith.muli %max3A_1988, %mul3A_2032 : vector<16xi32>
    %add3A_2034 = arith.addi %mul3A_2003, %mul3A_2033 : vector<16xi32>
    %add3A_2035 = arith.addi %add3A_2034, %max3A_1994 : vector<16xi32>
    %broadcast_in_dim3A_2036 = arith.constant 1 : i32
    %broadcast_in_dim3A_2037 = vector.broadcast %broadcast_in_dim3A_2036 : i32 to vector<16xi32>
    %add3A_2038 = arith.constant 0 : i32
    %add3A_2039 = vector.broadcast %add3A_2038 : i32 to vector<16xi32>
    %add3A_2040 = arith.addi %iota3A, %add3A_2039 : vector<16xi32>
    tpu.vector_store_idx %arg6[%broadcast_in_dim3A_2037, %add3A_2040], %add3A_2014 : memref<5x128xi32, #tpu.memory_space<vmem>>[vector<16xi32>, vector<16xi32>], vector<16xi32>,
    %broadcast_in_dim3A_2041 = arith.constant 1 : i32
    %broadcast_in_dim3A_2042 = vector.broadcast %broadcast_in_dim3A_2041 : i32 to vector<16xi32>
    %add3A_2043 = arith.constant 16 : i32
    %add3A_2044 = vector.broadcast %add3A_2043 : i32 to vector<16xi32>
    %add3A_2045 = arith.addi %iota3A, %add3A_2044 : vector<16xi32>
    tpu.vector_store_idx %arg6[%broadcast_in_dim3A_2042, %add3A_2045], %add3A_2022 : memref<5x128xi32, #tpu.memory_space<vmem>>[vector<16xi32>, vector<16xi32>], vector<16xi32>,
    %broadcast_in_dim3A_2046 = arith.constant 1 : i32
    %broadcast_in_dim3A_2047 = vector.broadcast %broadcast_in_dim3A_2046 : i32 to vector<16xi32>
    %add3A_2048 = arith.constant 32 : i32
    %add3A_2049 = vector.broadcast %add3A_2048 : i32 to vector<16xi32>
    %add3A_2050 = arith.addi %iota3A, %add3A_2049 : vector<16xi32>
    tpu.vector_store_idx %arg6[%broadcast_in_dim3A_2047, %add3A_2050], %add3A_2030 : memref<5x128xi32, #tpu.memory_space<vmem>>[vector<16xi32>, vector<16xi32>], vector<16xi32>,
    %broadcast_in_dim3A_2051 = arith.constant 1 : i32
    %broadcast_in_dim3A_2052 = vector.broadcast %broadcast_in_dim3A_2051 : i32 to vector<16xi32>
    %add3A_2053 = arith.constant 48 : i32
    %add3A_2054 = vector.broadcast %add3A_2053 : i32 to vector<16xi32>
    %add3A_2055 = arith.addi %iota3A, %add3A_2054 : vector<16xi32>
    tpu.vector_store_idx %arg6[%broadcast_in_dim3A_2052, %add3A_2055], %add3A_2035 : memref<5x128xi32, #tpu.memory_space<vmem>>[vector<16xi32>, vector<16xi32>], vector<16xi32>,
    %sub3A_2056 = arith.subi %min3A_1946, %min3A_1931 : vector<16xi32>
    %sub3A_2057 = arith.subi %min3A_1972, %min3A_1957 : vector<16xi32>
    %mul3A_2058 = arith.muli %sub3A_2056, %sub3A_2057 : vector<16xi32>
    %convert_element_type3A_2059 = arith.sitofp %mul3A_2058 : vector<16xi32> to vector<16xf32>
    %gt3A_2060 = arith.cmpi sgt, %min3A_1946, %min3A_1931 : vector<16xi32>
    %gt3A_2061 = arith.cmpi sgt, %min3A_1972, %min3A_1957 : vector<16xi32>
    %and3A_2062 = arith.andi %gt3A_2060, %gt3A_2061 : vector<16xi1>
    %max3A_2063 = arith.constant 1.000000e+00 : f32
    %max3A_2064 = vector.broadcast %max3A_2063 : f32 to vector<16xf32>
    %max3A_2065 = arith.maximumf %convert_element_type3A_2059, %max3A_2064 : vector<16xf32>
    %div3A_2066 = arith.constant 1.000000e+00 : f32
    %div3A_2067 = vector.broadcast %div3A_2066 : f32 to vector<16xf32>
    %div3A_2068 = arith.divf %div3A_2067, %max3A_2065 : vector<16xf32>
    %jit3A_2069 = arith.constant 0.000000e+00 : f32
    %broadcast_in_dim3A_2070 = vector.broadcast %jit3A_2069 : f32 to vector<16xf32>
    %select_n3A_2071 = arith.select %and3A_2062, %div3A_2068, %broadcast_in_dim3A_2070 : vector<16xi1>, vector<16xf32>
    %mul3A_2072 = arith.constant 1.000000e+00 : f32
    %mul3A_2073 = vector.broadcast %mul3A_2072 : f32 to vector<16xf32>
    %mul3A_2074 = arith.mulf %mul3A_2073, %mul3A_1618 : vector<16xf32>
    %add3A_2075 = arith.addf %gather3A_1590, %mul3A_2074 : vector<16xf32>
    %convert_element_type3A_2076 = arith.fptosi %add3A_2075 : vector<16xf32> to vector<16xi32>
    %jit3A_2077 = arith.constant 0 : i32
    %jit3A_2078 = arith.constant 127 : i32
    %max3A_2079 = vector.broadcast %jit3A_2077 : i32 to vector<16xi32>
    %max3A_2080 = arith.maxsi %max3A_2079, %convert_element_type3A_2076 : vector<16xi32>
    %min3A_2081 = vector.broadcast %jit3A_2078 : i32 to vector<16xi32>
    %min3A_2082 = arith.minsi %min3A_2081, %max3A_2080 : vector<16xi32>
    %mul3A_2083 = arith.constant 2.000000e+00 : f32
    %mul3A_2084 = vector.broadcast %mul3A_2083 : f32 to vector<16xf32>
    %mul3A_2085 = arith.mulf %mul3A_2084, %mul3A_1618 : vector<16xf32>
    %add3A_2086 = arith.addf %gather3A_1590, %mul3A_2085 : vector<16xf32>
    %convert_element_type3A_2087 = arith.fptosi %add3A_2086 : vector<16xf32> to vector<16xi32>
    %convert_element_type3A_2088 = arith.sitofp %convert_element_type3A_2087 : vector<16xi32> to vector<16xf32>
    %gt3A_2089 = arith.cmpf ogt, %add3A_2086, %convert_element_type3A_2088 : vector<16xf32>
    %convert_element_type3A_2090 = arith.extui %gt3A_2089 : vector<16xi1> to vector<16xi32>
    %add3A_2091 = arith.addi %convert_element_type3A_2087, %convert_element_type3A_2090 : vector<16xi32>
    %jit3A_2092 = arith.constant 1 : i32
    %jit3A_2093 = arith.constant 128 : i32
    %max3A_2094 = vector.broadcast %jit3A_2092 : i32 to vector<16xi32>
    %max3A_2095 = arith.maxsi %max3A_2094, %add3A_2091 : vector<16xi32>
    %min3A_2096 = vector.broadcast %jit3A_2093 : i32 to vector<16xi32>
    %min3A_2097 = arith.minsi %min3A_2096, %max3A_2095 : vector<16xi32>
    %mul3A_2098 = arith.constant 0.000000e+00 : f32
    %mul3A_2099 = vector.broadcast %mul3A_2098 : f32 to vector<16xf32>
    %mul3A_2100 = arith.mulf %mul3A_2099, %mul3A_1611 : vector<16xf32>
    %add3A_2101 = arith.addf %gather3A_1583, %mul3A_2100 : vector<16xf32>
    %convert_element_type3A_2102 = arith.fptosi %add3A_2101 : vector<16xf32> to vector<16xi32>
    %jit3A_2103 = arith.constant 0 : i32
    %jit3A_2104 = arith.constant 127 : i32
    %max3A_2105 = vector.broadcast %jit3A_2103 : i32 to vector<16xi32>
    %max3A_2106 = arith.maxsi %max3A_2105, %convert_element_type3A_2102 : vector<16xi32>
    %min3A_2107 = vector.broadcast %jit3A_2104 : i32 to vector<16xi32>
    %min3A_2108 = arith.minsi %min3A_2107, %max3A_2106 : vector<16xi32>
    %mul3A_2109 = arith.constant 1.000000e+00 : f32
    %mul3A_2110 = vector.broadcast %mul3A_2109 : f32 to vector<16xf32>
    %mul3A_2111 = arith.mulf %mul3A_2110, %mul3A_1611 : vector<16xf32>
    %add3A_2112 = arith.addf %gather3A_1583, %mul3A_2111 : vector<16xf32>
    %convert_element_type3A_2113 = arith.fptosi %add3A_2112 : vector<16xf32> to vector<16xi32>
    %convert_element_type3A_2114 = arith.sitofp %convert_element_type3A_2113 : vector<16xi32> to vector<16xf32>
    %gt3A_2115 = arith.cmpf ogt, %add3A_2112, %convert_element_type3A_2114 : vector<16xf32>
    %convert_element_type3A_2116 = arith.extui %gt3A_2115 : vector<16xi1> to vector<16xi32>
    %add3A_2117 = arith.addi %convert_element_type3A_2113, %convert_element_type3A_2116 : vector<16xi32>
    %jit3A_2118 = arith.constant 1 : i32
    %jit3A_2119 = arith.constant 128 : i32
    %max3A_2120 = vector.broadcast %jit3A_2118 : i32 to vector<16xi32>
    %max3A_2121 = arith.maxsi %max3A_2120, %add3A_2117 : vector<16xi32>
    %min3A_2122 = vector.broadcast %jit3A_2119 : i32 to vector<16xi32>
    %min3A_2123 = arith.minsi %min3A_2122, %max3A_2121 : vector<16xi32>
    %gt3A_2124 = arith.constant 0 : i32
    %gt3A_2125 = vector.broadcast %gt3A_2124 : i32 to vector<16xi32>
    %gt3A_2126 = arith.cmpi sgt, %min3A_2082, %gt3A_2125 : vector<16xi32>
    %convert_element_type3A_2127 = arith.extui %gt3A_2126 : vector<16xi1> to vector<16xi32>
    %convert_element_type3A_2128 = arith.sitofp %convert_element_type3A_2127 : vector<16xi32> to vector<16xf32>
    %gt3A_2129 = arith.constant 0 : i32
    %gt3A_2130 = vector.broadcast %gt3A_2129 : i32 to vector<16xi32>
    %gt3A_2131 = arith.cmpi sgt, %min3A_2108, %gt3A_2130 : vector<16xi32>
    %convert_element_type3A_2132 = arith.extui %gt3A_2131 : vector<16xi1> to vector<16xi32>
    %convert_element_type3A_2133 = arith.sitofp %convert_element_type3A_2132 : vector<16xi32> to vector<16xf32>
    %sub3A_2134 = arith.constant 1 : i32
    %sub3A_2135 = vector.broadcast %sub3A_2134 : i32 to vector<16xi32>
    %sub3A_2136 = arith.subi %min3A_2082, %sub3A_2135 : vector<16xi32>
    %max3A_2137 = arith.constant 0 : i32
    %max3A_2138 = vector.broadcast %max3A_2137 : i32 to vector<16xi32>
    %max3A_2139 = arith.maxsi %sub3A_2136, %max3A_2138 : vector<16xi32>
    %sub3A_2140 = arith.constant 1 : i32
    %sub3A_2141 = vector.broadcast %sub3A_2140 : i32 to vector<16xi32>
    %sub3A_2142 = arith.subi %min3A_2108, %sub3A_2141 : vector<16xi32>
    %max3A_2143 = arith.constant 0 : i32
    %max3A_2144 = vector.broadcast %max3A_2143 : i32 to vector<16xi32>
    %max3A_2145 = arith.maxsi %sub3A_2142, %max3A_2144 : vector<16xi32>
    %mul3A_2146 = arith.constant 3 : i32
    %mul3A_2147 = vector.broadcast %mul3A_2146 : i32 to vector<16xi32>
    %mul3A_2148 = arith.muli %convert_element_type3A_1576, %mul3A_2147 : vector<16xi32>
    %add3A_2149 = arith.constant 1 : i32
    %add3A_2150 = vector.broadcast %add3A_2149 : i32 to vector<16xi32>
    %add3A_2151 = arith.addi %mul3A_2148, %add3A_2150 : vector<16xi32>
    %mul3A_2152 = arith.constant 16384 : i32
    %mul3A_2153 = vector.broadcast %mul3A_2152 : i32 to vector<16xi32>
    %mul3A_2154 = arith.muli %add3A_2151, %mul3A_2153 : vector<16xi32>
    %sub3A_2155 = arith.constant 1 : i32
    %sub3A_2156 = vector.broadcast %sub3A_2155 : i32 to vector<16xi32>
    %sub3A_2157 = arith.subi %min3A_2097, %sub3A_2156 : vector<16xi32>
    %mul3A_2158 = arith.constant 128 : i32
    %mul3A_2159 = vector.broadcast %mul3A_2158 : i32 to vector<16xi32>
    %mul3A_2160 = arith.muli %sub3A_2157, %mul3A_2159 : vector<16xi32>
    %add3A_2161 = arith.addi %mul3A_2154, %mul3A_2160 : vector<16xi32>
    %sub3A_2162 = arith.constant 1 : i32
    %sub3A_2163 = vector.broadcast %sub3A_2162 : i32 to vector<16xi32>
    %sub3A_2164 = arith.subi %min3A_2123, %sub3A_2163 : vector<16xi32>
    %add3A_2165 = arith.addi %add3A_2161, %sub3A_2164 : vector<16xi32>
    %mul3A_2166 = arith.constant 128 : i32
    %mul3A_2167 = vector.broadcast %mul3A_2166 : i32 to vector<16xi32>
    %mul3A_2168 = arith.muli %max3A_2139, %mul3A_2167 : vector<16xi32>
    %add3A_2169 = arith.addi %mul3A_2154, %mul3A_2168 : vector<16xi32>
    %sub3A_2170 = arith.constant 1 : i32
    %sub3A_2171 = vector.broadcast %sub3A_2170 : i32 to vector<16xi32>
    %sub3A_2172 = arith.subi %min3A_2123, %sub3A_2171 : vector<16xi32>
    %add3A_2173 = arith.addi %add3A_2169, %sub3A_2172 : vector<16xi32>
    %sub3A_2174 = arith.constant 1 : i32
    %sub3A_2175 = vector.broadcast %sub3A_2174 : i32 to vector<16xi32>
    %sub3A_2176 = arith.subi %min3A_2097, %sub3A_2175 : vector<16xi32>
    %mul3A_2177 = arith.constant 128 : i32
    %mul3A_2178 = vector.broadcast %mul3A_2177 : i32 to vector<16xi32>
    %mul3A_2179 = arith.muli %sub3A_2176, %mul3A_2178 : vector<16xi32>
    %add3A_2180 = arith.addi %mul3A_2154, %mul3A_2179 : vector<16xi32>
    %add3A_2181 = arith.addi %add3A_2180, %max3A_2145 : vector<16xi32>
    %mul3A_2182 = arith.constant 128 : i32
    %mul3A_2183 = vector.broadcast %mul3A_2182 : i32 to vector<16xi32>
    %mul3A_2184 = arith.muli %max3A_2139, %mul3A_2183 : vector<16xi32>
    %add3A_2185 = arith.addi %mul3A_2154, %mul3A_2184 : vector<16xi32>
    %add3A_2186 = arith.addi %add3A_2185, %max3A_2145 : vector<16xi32>
    %broadcast_in_dim3A_2187 = arith.constant 1 : i32
    %broadcast_in_dim3A_2188 = vector.broadcast %broadcast_in_dim3A_2187 : i32 to vector<16xi32>
    %add3A_2189 = arith.constant 64 : i32
    %add3A_2190 = vector.broadcast %add3A_2189 : i32 to vector<16xi32>
    %add3A_2191 = arith.addi %iota3A, %add3A_2190 : vector<16xi32>
    tpu.vector_store_idx %arg6[%broadcast_in_dim3A_2188, %add3A_2191], %add3A_2165 : memref<5x128xi32, #tpu.memory_space<vmem>>[vector<16xi32>, vector<16xi32>], vector<16xi32>,
    %broadcast_in_dim3A_2192 = arith.constant 1 : i32
    %broadcast_in_dim3A_2193 = vector.broadcast %broadcast_in_dim3A_2192 : i32 to vector<16xi32>
    %add3A_2194 = arith.constant 80 : i32
    %add3A_2195 = vector.broadcast %add3A_2194 : i32 to vector<16xi32>
    %add3A_2196 = arith.addi %iota3A, %add3A_2195 : vector<16xi32>
    tpu.vector_store_idx %arg6[%broadcast_in_dim3A_2193, %add3A_2196], %add3A_2173 : memref<5x128xi32, #tpu.memory_space<vmem>>[vector<16xi32>, vector<16xi32>], vector<16xi32>,
    %broadcast_in_dim3A_2197 = arith.constant 1 : i32
    %broadcast_in_dim3A_2198 = vector.broadcast %broadcast_in_dim3A_2197 : i32 to vector<16xi32>
    %add3A_2199 = arith.constant 96 : i32
    %add3A_2200 = vector.broadcast %add3A_2199 : i32 to vector<16xi32>
    %add3A_2201 = arith.addi %iota3A, %add3A_2200 : vector<16xi32>
    tpu.vector_store_idx %arg6[%broadcast_in_dim3A_2198, %add3A_2201], %add3A_2181 : memref<5x128xi32, #tpu.memory_space<vmem>>[vector<16xi32>, vector<16xi32>], vector<16xi32>,
    %broadcast_in_dim3A_2202 = arith.constant 1 : i32
    %broadcast_in_dim3A_2203 = vector.broadcast %broadcast_in_dim3A_2202 : i32 to vector<16xi32>
    %add3A_2204 = arith.constant 112 : i32
    %add3A_2205 = vector.broadcast %add3A_2204 : i32 to vector<16xi32>
    %add3A_2206 = arith.addi %iota3A, %add3A_2205 : vector<16xi32>
    tpu.vector_store_idx %arg6[%broadcast_in_dim3A_2203, %add3A_2206], %add3A_2186 : memref<5x128xi32, #tpu.memory_space<vmem>>[vector<16xi32>, vector<16xi32>], vector<16xi32>,
    %sub3A_2207 = arith.subi %min3A_2097, %min3A_2082 : vector<16xi32>
    %sub3A_2208 = arith.subi %min3A_2123, %min3A_2108 : vector<16xi32>
    %mul3A_2209 = arith.muli %sub3A_2207, %sub3A_2208 : vector<16xi32>
    %convert_element_type3A_2210 = arith.sitofp %mul3A_2209 : vector<16xi32> to vector<16xf32>
    %gt3A_2211 = arith.cmpi sgt, %min3A_2097, %min3A_2082 : vector<16xi32>
    %gt3A_2212 = arith.cmpi sgt, %min3A_2123, %min3A_2108 : vector<16xi32>
    %and3A_2213 = arith.andi %gt3A_2211, %gt3A_2212 : vector<16xi1>
    %max3A_2214 = arith.constant 1.000000e+00 : f32
    %max3A_2215 = vector.broadcast %max3A_2214 : f32 to vector<16xf32>
    %max3A_2216 = arith.maximumf %convert_element_type3A_2210, %max3A_2215 : vector<16xf32>
    %div3A_2217 = arith.constant 1.000000e+00 : f32
    %div3A_2218 = vector.broadcast %div3A_2217 : f32 to vector<16xf32>
    %div3A_2219 = arith.divf %div3A_2218, %max3A_2216 : vector<16xf32>
    %jit3A_2220 = arith.constant 0.000000e+00 : f32
    %broadcast_in_dim3A_2221 = vector.broadcast %jit3A_2220 : f32 to vector<16xf32>
    %select_n3A_2222 = arith.select %and3A_2213, %div3A_2219, %broadcast_in_dim3A_2221 : vector<16xi1>, vector<16xf32>
    %mul3A_2223 = arith.constant 1.000000e+00 : f32
    %mul3A_2224 = vector.broadcast %mul3A_2223 : f32 to vector<16xf32>
    %mul3A_2225 = arith.mulf %mul3A_2224, %mul3A_1618 : vector<16xf32>
    %add3A_2226 = arith.addf %gather3A_1590, %mul3A_2225 : vector<16xf32>
    %convert_element_type3A_2227 = arith.fptosi %add3A_2226 : vector<16xf32> to vector<16xi32>
    %jit3A_2228 = arith.constant 0 : i32
    %jit3A_2229 = arith.constant 127 : i32
    %max3A_2230 = vector.broadcast %jit3A_2228 : i32 to vector<16xi32>
    %max3A_2231 = arith.maxsi %max3A_2230, %convert_element_type3A_2227 : vector<16xi32>
    %min3A_2232 = vector.broadcast %jit3A_2229 : i32 to vector<16xi32>
    %min3A_2233 = arith.minsi %min3A_2232, %max3A_2231 : vector<16xi32>
    %mul3A_2234 = arith.constant 2.000000e+00 : f32
    %mul3A_2235 = vector.broadcast %mul3A_2234 : f32 to vector<16xf32>
    %mul3A_2236 = arith.mulf %mul3A_2235, %mul3A_1618 : vector<16xf32>
    %add3A_2237 = arith.addf %gather3A_1590, %mul3A_2236 : vector<16xf32>
    %convert_element_type3A_2238 = arith.fptosi %add3A_2237 : vector<16xf32> to vector<16xi32>
    %convert_element_type3A_2239 = arith.sitofp %convert_element_type3A_2238 : vector<16xi32> to vector<16xf32>
    %gt3A_2240 = arith.cmpf ogt, %add3A_2237, %convert_element_type3A_2239 : vector<16xf32>
    %convert_element_type3A_2241 = arith.extui %gt3A_2240 : vector<16xi1> to vector<16xi32>
    %add3A_2242 = arith.addi %convert_element_type3A_2238, %convert_element_type3A_2241 : vector<16xi32>
    %jit3A_2243 = arith.constant 1 : i32
    %jit3A_2244 = arith.constant 128 : i32
    %max3A_2245 = vector.broadcast %jit3A_2243 : i32 to vector<16xi32>
    %max3A_2246 = arith.maxsi %max3A_2245, %add3A_2242 : vector<16xi32>
    %min3A_2247 = vector.broadcast %jit3A_2244 : i32 to vector<16xi32>
    %min3A_2248 = arith.minsi %min3A_2247, %max3A_2246 : vector<16xi32>
    %mul3A_2249 = arith.constant 1.000000e+00 : f32
    %mul3A_2250 = vector.broadcast %mul3A_2249 : f32 to vector<16xf32>
    %mul3A_2251 = arith.mulf %mul3A_2250, %mul3A_1611 : vector<16xf32>
    %add3A_2252 = arith.addf %gather3A_1583, %mul3A_2251 : vector<16xf32>
    %convert_element_type3A_2253 = arith.fptosi %add3A_2252 : vector<16xf32> to vector<16xi32>
    %jit3A_2254 = arith.constant 0 : i32
    %jit3A_2255 = arith.constant 127 : i32
    %max3A_2256 = vector.broadcast %jit3A_2254 : i32 to vector<16xi32>
    %max3A_2257 = arith.maxsi %max3A_2256, %convert_element_type3A_2253 : vector<16xi32>
    %min3A_2258 = vector.broadcast %jit3A_2255 : i32 to vector<16xi32>
    %min3A_2259 = arith.minsi %min3A_2258, %max3A_2257 : vector<16xi32>
    %mul3A_2260 = arith.constant 2.000000e+00 : f32
    %mul3A_2261 = vector.broadcast %mul3A_2260 : f32 to vector<16xf32>
    %mul3A_2262 = arith.mulf %mul3A_2261, %mul3A_1611 : vector<16xf32>
    %add3A_2263 = arith.addf %gather3A_1583, %mul3A_2262 : vector<16xf32>
    %convert_element_type3A_2264 = arith.fptosi %add3A_2263 : vector<16xf32> to vector<16xi32>
    %convert_element_type3A_2265 = arith.sitofp %convert_element_type3A_2264 : vector<16xi32> to vector<16xf32>
    %gt3A_2266 = arith.cmpf ogt, %add3A_2263, %convert_element_type3A_2265 : vector<16xf32>
    %convert_element_type3A_2267 = arith.extui %gt3A_2266 : vector<16xi1> to vector<16xi32>
    %add3A_2268 = arith.addi %convert_element_type3A_2264, %convert_element_type3A_2267 : vector<16xi32>
    %jit3A_2269 = arith.constant 1 : i32
    %jit3A_2270 = arith.constant 128 : i32
    %max3A_2271 = vector.broadcast %jit3A_2269 : i32 to vector<16xi32>
    %max3A_2272 = arith.maxsi %max3A_2271, %add3A_2268 : vector<16xi32>
    %min3A_2273 = vector.broadcast %jit3A_2270 : i32 to vector<16xi32>
    %min3A_2274 = arith.minsi %min3A_2273, %max3A_2272 : vector<16xi32>
    %gt3A_2275 = arith.constant 0 : i32
    %gt3A_2276 = vector.broadcast %gt3A_2275 : i32 to vector<16xi32>
    %gt3A_2277 = arith.cmpi sgt, %min3A_2233, %gt3A_2276 : vector<16xi32>
    %convert_element_type3A_2278 = arith.extui %gt3A_2277 : vector<16xi1> to vector<16xi32>
    %convert_element_type3A_2279 = arith.sitofp %convert_element_type3A_2278 : vector<16xi32> to vector<16xf32>
    %gt3A_2280 = arith.constant 0 : i32
    %gt3A_2281 = vector.broadcast %gt3A_2280 : i32 to vector<16xi32>
    %gt3A_2282 = arith.cmpi sgt, %min3A_2259, %gt3A_2281 : vector<16xi32>
    %convert_element_type3A_2283 = arith.extui %gt3A_2282 : vector<16xi1> to vector<16xi32>
    %convert_element_type3A_2284 = arith.sitofp %convert_element_type3A_2283 : vector<16xi32> to vector<16xf32>
    %sub3A_2285 = arith.constant 1 : i32
    %sub3A_2286 = vector.broadcast %sub3A_2285 : i32 to vector<16xi32>
    %sub3A_2287 = arith.subi %min3A_2233, %sub3A_2286 : vector<16xi32>
    %max3A_2288 = arith.constant 0 : i32
    %max3A_2289 = vector.broadcast %max3A_2288 : i32 to vector<16xi32>
    %max3A_2290 = arith.maxsi %sub3A_2287, %max3A_2289 : vector<16xi32>
    %sub3A_2291 = arith.constant 1 : i32
    %sub3A_2292 = vector.broadcast %sub3A_2291 : i32 to vector<16xi32>
    %sub3A_2293 = arith.subi %min3A_2259, %sub3A_2292 : vector<16xi32>
    %max3A_2294 = arith.constant 0 : i32
    %max3A_2295 = vector.broadcast %max3A_2294 : i32 to vector<16xi32>
    %max3A_2296 = arith.maxsi %sub3A_2293, %max3A_2295 : vector<16xi32>
    %mul3A_2297 = arith.constant 3 : i32
    %mul3A_2298 = vector.broadcast %mul3A_2297 : i32 to vector<16xi32>
    %mul3A_2299 = arith.muli %convert_element_type3A_1576, %mul3A_2298 : vector<16xi32>
    %add3A_2300 = arith.constant 1 : i32
    %add3A_2301 = vector.broadcast %add3A_2300 : i32 to vector<16xi32>
    %add3A_2302 = arith.addi %mul3A_2299, %add3A_2301 : vector<16xi32>
    %mul3A_2303 = arith.constant 16384 : i32
    %mul3A_2304 = vector.broadcast %mul3A_2303 : i32 to vector<16xi32>
    %mul3A_2305 = arith.muli %add3A_2302, %mul3A_2304 : vector<16xi32>
    %sub3A_2306 = arith.constant 1 : i32
    %sub3A_2307 = vector.broadcast %sub3A_2306 : i32 to vector<16xi32>
    %sub3A_2308 = arith.subi %min3A_2248, %sub3A_2307 : vector<16xi32>
    %mul3A_2309 = arith.constant 128 : i32
    %mul3A_2310 = vector.broadcast %mul3A_2309 : i32 to vector<16xi32>
    %mul3A_2311 = arith.muli %sub3A_2308, %mul3A_2310 : vector<16xi32>
    %add3A_2312 = arith.addi %mul3A_2305, %mul3A_2311 : vector<16xi32>
    %sub3A_2313 = arith.constant 1 : i32
    %sub3A_2314 = vector.broadcast %sub3A_2313 : i32 to vector<16xi32>
    %sub3A_2315 = arith.subi %min3A_2274, %sub3A_2314 : vector<16xi32>
    %add3A_2316 = arith.addi %add3A_2312, %sub3A_2315 : vector<16xi32>
    %mul3A_2317 = arith.constant 128 : i32
    %mul3A_2318 = vector.broadcast %mul3A_2317 : i32 to vector<16xi32>
    %mul3A_2319 = arith.muli %max3A_2290, %mul3A_2318 : vector<16xi32>
    %add3A_2320 = arith.addi %mul3A_2305, %mul3A_2319 : vector<16xi32>
    %sub3A_2321 = arith.constant 1 : i32
    %sub3A_2322 = vector.broadcast %sub3A_2321 : i32 to vector<16xi32>
    %sub3A_2323 = arith.subi %min3A_2274, %sub3A_2322 : vector<16xi32>
    %add3A_2324 = arith.addi %add3A_2320, %sub3A_2323 : vector<16xi32>
    %sub3A_2325 = arith.constant 1 : i32
    %sub3A_2326 = vector.broadcast %sub3A_2325 : i32 to vector<16xi32>
    %sub3A_2327 = arith.subi %min3A_2248, %sub3A_2326 : vector<16xi32>
    %mul3A_2328 = arith.constant 128 : i32
    %mul3A_2329 = vector.broadcast %mul3A_2328 : i32 to vector<16xi32>
    %mul3A_2330 = arith.muli %sub3A_2327, %mul3A_2329 : vector<16xi32>
    %add3A_2331 = arith.addi %mul3A_2305, %mul3A_2330 : vector<16xi32>
    %add3A_2332 = arith.addi %add3A_2331, %max3A_2296 : vector<16xi32>
    %mul3A_2333 = arith.constant 128 : i32
    %mul3A_2334 = vector.broadcast %mul3A_2333 : i32 to vector<16xi32>
    %mul3A_2335 = arith.muli %max3A_2290, %mul3A_2334 : vector<16xi32>
    %add3A_2336 = arith.addi %mul3A_2305, %mul3A_2335 : vector<16xi32>
    %add3A_2337 = arith.addi %add3A_2336, %max3A_2296 : vector<16xi32>
    %broadcast_in_dim3A_2338 = arith.constant 2 : i32
    %broadcast_in_dim3A_2339 = vector.broadcast %broadcast_in_dim3A_2338 : i32 to vector<16xi32>
    %add3A_2340 = arith.constant 0 : i32
    %add3A_2341 = vector.broadcast %add3A_2340 : i32 to vector<16xi32>
    %add3A_2342 = arith.addi %iota3A, %add3A_2341 : vector<16xi32>
    tpu.vector_store_idx %arg6[%broadcast_in_dim3A_2339, %add3A_2342], %add3A_2316 : memref<5x128xi32, #tpu.memory_space<vmem>>[vector<16xi32>, vector<16xi32>], vector<16xi32>,
    %broadcast_in_dim3A_2343 = arith.constant 2 : i32
    %broadcast_in_dim3A_2344 = vector.broadcast %broadcast_in_dim3A_2343 : i32 to vector<16xi32>
    %add3A_2345 = arith.constant 16 : i32
    %add3A_2346 = vector.broadcast %add3A_2345 : i32 to vector<16xi32>
    %add3A_2347 = arith.addi %iota3A, %add3A_2346 : vector<16xi32>
    tpu.vector_store_idx %arg6[%broadcast_in_dim3A_2344, %add3A_2347], %add3A_2324 : memref<5x128xi32, #tpu.memory_space<vmem>>[vector<16xi32>, vector<16xi32>], vector<16xi32>,
    %broadcast_in_dim3A_2348 = arith.constant 2 : i32
    %broadcast_in_dim3A_2349 = vector.broadcast %broadcast_in_dim3A_2348 : i32 to vector<16xi32>
    %add3A_2350 = arith.constant 32 : i32
    %add3A_2351 = vector.broadcast %add3A_2350 : i32 to vector<16xi32>
    %add3A_2352 = arith.addi %iota3A, %add3A_2351 : vector<16xi32>
    tpu.vector_store_idx %arg6[%broadcast_in_dim3A_2349, %add3A_2352], %add3A_2332 : memref<5x128xi32, #tpu.memory_space<vmem>>[vector<16xi32>, vector<16xi32>], vector<16xi32>,
    %broadcast_in_dim3A_2353 = arith.constant 2 : i32
    %broadcast_in_dim3A_2354 = vector.broadcast %broadcast_in_dim3A_2353 : i32 to vector<16xi32>
    %add3A_2355 = arith.constant 48 : i32
    %add3A_2356 = vector.broadcast %add3A_2355 : i32 to vector<16xi32>
    %add3A_2357 = arith.addi %iota3A, %add3A_2356 : vector<16xi32>
    tpu.vector_store_idx %arg6[%broadcast_in_dim3A_2354, %add3A_2357], %add3A_2337 : memref<5x128xi32, #tpu.memory_space<vmem>>[vector<16xi32>, vector<16xi32>], vector<16xi32>,
    %sub3A_2358 = arith.subi %min3A_2248, %min3A_2233 : vector<16xi32>
    %sub3A_2359 = arith.subi %min3A_2274, %min3A_2259 : vector<16xi32>
    %mul3A_2360 = arith.muli %sub3A_2358, %sub3A_2359 : vector<16xi32>
    %convert_element_type3A_2361 = arith.sitofp %mul3A_2360 : vector<16xi32> to vector<16xf32>
    %gt3A_2362 = arith.cmpi sgt, %min3A_2248, %min3A_2233 : vector<16xi32>
    %gt3A_2363 = arith.cmpi sgt, %min3A_2274, %min3A_2259 : vector<16xi32>
    %and3A_2364 = arith.andi %gt3A_2362, %gt3A_2363 : vector<16xi1>
    %max3A_2365 = arith.constant 1.000000e+00 : f32
    %max3A_2366 = vector.broadcast %max3A_2365 : f32 to vector<16xf32>
    %max3A_2367 = arith.maximumf %convert_element_type3A_2361, %max3A_2366 : vector<16xf32>
    %div3A_2368 = arith.constant 1.000000e+00 : f32
    %div3A_2369 = vector.broadcast %div3A_2368 : f32 to vector<16xf32>
    %div3A_2370 = arith.divf %div3A_2369, %max3A_2367 : vector<16xf32>
    %jit3A_2371 = arith.constant 0.000000e+00 : f32
    %broadcast_in_dim3A_2372 = vector.broadcast %jit3A_2371 : f32 to vector<16xf32>
    %select_n3A_2373 = arith.select %and3A_2364, %div3A_2370, %broadcast_in_dim3A_2372 : vector<16xi1>, vector<16xf32>
    %mul3A_2374 = arith.constant 1.000000e+00 : f32
    %mul3A_2375 = vector.broadcast %mul3A_2374 : f32 to vector<16xf32>
    %mul3A_2376 = arith.mulf %mul3A_2375, %mul3A_1618 : vector<16xf32>
    %add3A_2377 = arith.addf %gather3A_1590, %mul3A_2376 : vector<16xf32>
    %convert_element_type3A_2378 = arith.fptosi %add3A_2377 : vector<16xf32> to vector<16xi32>
    %jit3A_2379 = arith.constant 0 : i32
    %jit3A_2380 = arith.constant 127 : i32
    %max3A_2381 = vector.broadcast %jit3A_2379 : i32 to vector<16xi32>
    %max3A_2382 = arith.maxsi %max3A_2381, %convert_element_type3A_2378 : vector<16xi32>
    %min3A_2383 = vector.broadcast %jit3A_2380 : i32 to vector<16xi32>
    %min3A_2384 = arith.minsi %min3A_2383, %max3A_2382 : vector<16xi32>
    %mul3A_2385 = arith.constant 2.000000e+00 : f32
    %mul3A_2386 = vector.broadcast %mul3A_2385 : f32 to vector<16xf32>
    %mul3A_2387 = arith.mulf %mul3A_2386, %mul3A_1618 : vector<16xf32>
    %add3A_2388 = arith.addf %gather3A_1590, %mul3A_2387 : vector<16xf32>
    %convert_element_type3A_2389 = arith.fptosi %add3A_2388 : vector<16xf32> to vector<16xi32>
    %convert_element_type3A_2390 = arith.sitofp %convert_element_type3A_2389 : vector<16xi32> to vector<16xf32>
    %gt3A_2391 = arith.cmpf ogt, %add3A_2388, %convert_element_type3A_2390 : vector<16xf32>
    %convert_element_type3A_2392 = arith.extui %gt3A_2391 : vector<16xi1> to vector<16xi32>
    %add3A_2393 = arith.addi %convert_element_type3A_2389, %convert_element_type3A_2392 : vector<16xi32>
    %jit3A_2394 = arith.constant 1 : i32
    %jit3A_2395 = arith.constant 128 : i32
    %max3A_2396 = vector.broadcast %jit3A_2394 : i32 to vector<16xi32>
    %max3A_2397 = arith.maxsi %max3A_2396, %add3A_2393 : vector<16xi32>
    %min3A_2398 = vector.broadcast %jit3A_2395 : i32 to vector<16xi32>
    %min3A_2399 = arith.minsi %min3A_2398, %max3A_2397 : vector<16xi32>
    %mul3A_2400 = arith.constant 2.000000e+00 : f32
    %mul3A_2401 = vector.broadcast %mul3A_2400 : f32 to vector<16xf32>
    %mul3A_2402 = arith.mulf %mul3A_2401, %mul3A_1611 : vector<16xf32>
    %add3A_2403 = arith.addf %gather3A_1583, %mul3A_2402 : vector<16xf32>
    %convert_element_type3A_2404 = arith.fptosi %add3A_2403 : vector<16xf32> to vector<16xi32>
    %jit3A_2405 = arith.constant 0 : i32
    %jit3A_2406 = arith.constant 127 : i32
    %max3A_2407 = vector.broadcast %jit3A_2405 : i32 to vector<16xi32>
    %max3A_2408 = arith.maxsi %max3A_2407, %convert_element_type3A_2404 : vector<16xi32>
    %min3A_2409 = vector.broadcast %jit3A_2406 : i32 to vector<16xi32>
    %min3A_2410 = arith.minsi %min3A_2409, %max3A_2408 : vector<16xi32>
    %mul3A_2411 = arith.constant 3.000000e+00 : f32
    %mul3A_2412 = vector.broadcast %mul3A_2411 : f32 to vector<16xf32>
    %mul3A_2413 = arith.mulf %mul3A_2412, %mul3A_1611 : vector<16xf32>
    %add3A_2414 = arith.addf %gather3A_1583, %mul3A_2413 : vector<16xf32>
    %convert_element_type3A_2415 = arith.fptosi %add3A_2414 : vector<16xf32> to vector<16xi32>
    %convert_element_type3A_2416 = arith.sitofp %convert_element_type3A_2415 : vector<16xi32> to vector<16xf32>
    %gt3A_2417 = arith.cmpf ogt, %add3A_2414, %convert_element_type3A_2416 : vector<16xf32>
    %convert_element_type3A_2418 = arith.extui %gt3A_2417 : vector<16xi1> to vector<16xi32>
    %add3A_2419 = arith.addi %convert_element_type3A_2415, %convert_element_type3A_2418 : vector<16xi32>
    %jit3A_2420 = arith.constant 1 : i32
    %jit3A_2421 = arith.constant 128 : i32
    %max3A_2422 = vector.broadcast %jit3A_2420 : i32 to vector<16xi32>
    %max3A_2423 = arith.maxsi %max3A_2422, %add3A_2419 : vector<16xi32>
    %min3A_2424 = vector.broadcast %jit3A_2421 : i32 to vector<16xi32>
    %min3A_2425 = arith.minsi %min3A_2424, %max3A_2423 : vector<16xi32>
    %gt3A_2426 = arith.constant 0 : i32
    %gt3A_2427 = vector.broadcast %gt3A_2426 : i32 to vector<16xi32>
    %gt3A_2428 = arith.cmpi sgt, %min3A_2384, %gt3A_2427 : vector<16xi32>
    %convert_element_type3A_2429 = arith.extui %gt3A_2428 : vector<16xi1> to vector<16xi32>
    %convert_element_type3A_2430 = arith.sitofp %convert_element_type3A_2429 : vector<16xi32> to vector<16xf32>
    %gt3A_2431 = arith.constant 0 : i32
    %gt3A_2432 = vector.broadcast %gt3A_2431 : i32 to vector<16xi32>
    %gt3A_2433 = arith.cmpi sgt, %min3A_2410, %gt3A_2432 : vector<16xi32>
    %convert_element_type3A_2434 = arith.extui %gt3A_2433 : vector<16xi1> to vector<16xi32>
    %convert_element_type3A_2435 = arith.sitofp %convert_element_type3A_2434 : vector<16xi32> to vector<16xf32>
    %sub3A_2436 = arith.constant 1 : i32
    %sub3A_2437 = vector.broadcast %sub3A_2436 : i32 to vector<16xi32>
    %sub3A_2438 = arith.subi %min3A_2384, %sub3A_2437 : vector<16xi32>
    %max3A_2439 = arith.constant 0 : i32
    %max3A_2440 = vector.broadcast %max3A_2439 : i32 to vector<16xi32>
    %max3A_2441 = arith.maxsi %sub3A_2438, %max3A_2440 : vector<16xi32>
    %sub3A_2442 = arith.constant 1 : i32
    %sub3A_2443 = vector.broadcast %sub3A_2442 : i32 to vector<16xi32>
    %sub3A_2444 = arith.subi %min3A_2410, %sub3A_2443 : vector<16xi32>
    %max3A_2445 = arith.constant 0 : i32
    %max3A_2446 = vector.broadcast %max3A_2445 : i32 to vector<16xi32>
    %max3A_2447 = arith.maxsi %sub3A_2444, %max3A_2446 : vector<16xi32>
    %mul3A_2448 = arith.constant 3 : i32
    %mul3A_2449 = vector.broadcast %mul3A_2448 : i32 to vector<16xi32>
    %mul3A_2450 = arith.muli %convert_element_type3A_1576, %mul3A_2449 : vector<16xi32>
    %add3A_2451 = arith.constant 1 : i32
    %add3A_2452 = vector.broadcast %add3A_2451 : i32 to vector<16xi32>
    %add3A_2453 = arith.addi %mul3A_2450, %add3A_2452 : vector<16xi32>
    %mul3A_2454 = arith.constant 16384 : i32
    %mul3A_2455 = vector.broadcast %mul3A_2454 : i32 to vector<16xi32>
    %mul3A_2456 = arith.muli %add3A_2453, %mul3A_2455 : vector<16xi32>
    %sub3A_2457 = arith.constant 1 : i32
    %sub3A_2458 = vector.broadcast %sub3A_2457 : i32 to vector<16xi32>
    %sub3A_2459 = arith.subi %min3A_2399, %sub3A_2458 : vector<16xi32>
    %mul3A_2460 = arith.constant 128 : i32
    %mul3A_2461 = vector.broadcast %mul3A_2460 : i32 to vector<16xi32>
    %mul3A_2462 = arith.muli %sub3A_2459, %mul3A_2461 : vector<16xi32>
    %add3A_2463 = arith.addi %mul3A_2456, %mul3A_2462 : vector<16xi32>
    %sub3A_2464 = arith.constant 1 : i32
    %sub3A_2465 = vector.broadcast %sub3A_2464 : i32 to vector<16xi32>
    %sub3A_2466 = arith.subi %min3A_2425, %sub3A_2465 : vector<16xi32>
    %add3A_2467 = arith.addi %add3A_2463, %sub3A_2466 : vector<16xi32>
    %mul3A_2468 = arith.constant 128 : i32
    %mul3A_2469 = vector.broadcast %mul3A_2468 : i32 to vector<16xi32>
    %mul3A_2470 = arith.muli %max3A_2441, %mul3A_2469 : vector<16xi32>
    %add3A_2471 = arith.addi %mul3A_2456, %mul3A_2470 : vector<16xi32>
    %sub3A_2472 = arith.constant 1 : i32
    %sub3A_2473 = vector.broadcast %sub3A_2472 : i32 to vector<16xi32>
    %sub3A_2474 = arith.subi %min3A_2425, %sub3A_2473 : vector<16xi32>
    %add3A_2475 = arith.addi %add3A_2471, %sub3A_2474 : vector<16xi32>
    %sub3A_2476 = arith.constant 1 : i32
    %sub3A_2477 = vector.broadcast %sub3A_2476 : i32 to vector<16xi32>
    %sub3A_2478 = arith.subi %min3A_2399, %sub3A_2477 : vector<16xi32>
    %mul3A_2479 = arith.constant 128 : i32
    %mul3A_2480 = vector.broadcast %mul3A_2479 : i32 to vector<16xi32>
    %mul3A_2481 = arith.muli %sub3A_2478, %mul3A_2480 : vector<16xi32>
    %add3A_2482 = arith.addi %mul3A_2456, %mul3A_2481 : vector<16xi32>
    %add3A_2483 = arith.addi %add3A_2482, %max3A_2447 : vector<16xi32>
    %mul3A_2484 = arith.constant 128 : i32
    %mul3A_2485 = vector.broadcast %mul3A_2484 : i32 to vector<16xi32>
    %mul3A_2486 = arith.muli %max3A_2441, %mul3A_2485 : vector<16xi32>
    %add3A_2487 = arith.addi %mul3A_2456, %mul3A_2486 : vector<16xi32>
    %add3A_2488 = arith.addi %add3A_2487, %max3A_2447 : vector<16xi32>
    %broadcast_in_dim3A_2489 = arith.constant 2 : i32
    %broadcast_in_dim3A_2490 = vector.broadcast %broadcast_in_dim3A_2489 : i32 to vector<16xi32>
    %add3A_2491 = arith.constant 64 : i32
    %add3A_2492 = vector.broadcast %add3A_2491 : i32 to vector<16xi32>
    %add3A_2493 = arith.addi %iota3A, %add3A_2492 : vector<16xi32>
    tpu.vector_store_idx %arg6[%broadcast_in_dim3A_2490, %add3A_2493], %add3A_2467 : memref<5x128xi32, #tpu.memory_space<vmem>>[vector<16xi32>, vector<16xi32>], vector<16xi32>,
    %broadcast_in_dim3A_2494 = arith.constant 2 : i32
    %broadcast_in_dim3A_2495 = vector.broadcast %broadcast_in_dim3A_2494 : i32 to vector<16xi32>
    %add3A_2496 = arith.constant 80 : i32
    %add3A_2497 = vector.broadcast %add3A_2496 : i32 to vector<16xi32>
    %add3A_2498 = arith.addi %iota3A, %add3A_2497 : vector<16xi32>
    tpu.vector_store_idx %arg6[%broadcast_in_dim3A_2495, %add3A_2498], %add3A_2475 : memref<5x128xi32, #tpu.memory_space<vmem>>[vector<16xi32>, vector<16xi32>], vector<16xi32>,
    %broadcast_in_dim3A_2499 = arith.constant 2 : i32
    %broadcast_in_dim3A_2500 = vector.broadcast %broadcast_in_dim3A_2499 : i32 to vector<16xi32>
    %add3A_2501 = arith.constant 96 : i32
    %add3A_2502 = vector.broadcast %add3A_2501 : i32 to vector<16xi32>
    %add3A_2503 = arith.addi %iota3A, %add3A_2502 : vector<16xi32>
    tpu.vector_store_idx %arg6[%broadcast_in_dim3A_2500, %add3A_2503], %add3A_2483 : memref<5x128xi32, #tpu.memory_space<vmem>>[vector<16xi32>, vector<16xi32>], vector<16xi32>,
    %broadcast_in_dim3A_2504 = arith.constant 2 : i32
    %broadcast_in_dim3A_2505 = vector.broadcast %broadcast_in_dim3A_2504 : i32 to vector<16xi32>
    %add3A_2506 = arith.constant 112 : i32
    %add3A_2507 = vector.broadcast %add3A_2506 : i32 to vector<16xi32>
    %add3A_2508 = arith.addi %iota3A, %add3A_2507 : vector<16xi32>
    tpu.vector_store_idx %arg6[%broadcast_in_dim3A_2505, %add3A_2508], %add3A_2488 : memref<5x128xi32, #tpu.memory_space<vmem>>[vector<16xi32>, vector<16xi32>], vector<16xi32>,
    %sub3A_2509 = arith.subi %min3A_2399, %min3A_2384 : vector<16xi32>
    %sub3A_2510 = arith.subi %min3A_2425, %min3A_2410 : vector<16xi32>
    %mul3A_2511 = arith.muli %sub3A_2509, %sub3A_2510 : vector<16xi32>
    %convert_element_type3A_2512 = arith.sitofp %mul3A_2511 : vector<16xi32> to vector<16xf32>
    %gt3A_2513 = arith.cmpi sgt, %min3A_2399, %min3A_2384 : vector<16xi32>
    %gt3A_2514 = arith.cmpi sgt, %min3A_2425, %min3A_2410 : vector<16xi32>
    %and3A_2515 = arith.andi %gt3A_2513, %gt3A_2514 : vector<16xi1>
    %max3A_2516 = arith.constant 1.000000e+00 : f32
    %max3A_2517 = vector.broadcast %max3A_2516 : f32 to vector<16xf32>
    %max3A_2518 = arith.maximumf %convert_element_type3A_2512, %max3A_2517 : vector<16xf32>
    %div3A_2519 = arith.constant 1.000000e+00 : f32
    %div3A_2520 = vector.broadcast %div3A_2519 : f32 to vector<16xf32>
    %div3A_2521 = arith.divf %div3A_2520, %max3A_2518 : vector<16xf32>
    %jit3A_2522 = arith.constant 0.000000e+00 : f32
    %broadcast_in_dim3A_2523 = vector.broadcast %jit3A_2522 : f32 to vector<16xf32>
    %select_n3A_2524 = arith.select %and3A_2515, %div3A_2521, %broadcast_in_dim3A_2523 : vector<16xi1>, vector<16xf32>
    %mul3A_2525 = arith.constant 2.000000e+00 : f32
    %mul3A_2526 = vector.broadcast %mul3A_2525 : f32 to vector<16xf32>
    %mul3A_2527 = arith.mulf %mul3A_2526, %mul3A_1618 : vector<16xf32>
    %add3A_2528 = arith.addf %gather3A_1590, %mul3A_2527 : vector<16xf32>
    %convert_element_type3A_2529 = arith.fptosi %add3A_2528 : vector<16xf32> to vector<16xi32>
    %jit3A_2530 = arith.constant 0 : i32
    %jit3A_2531 = arith.constant 127 : i32
    %max3A_2532 = vector.broadcast %jit3A_2530 : i32 to vector<16xi32>
    %max3A_2533 = arith.maxsi %max3A_2532, %convert_element_type3A_2529 : vector<16xi32>
    %min3A_2534 = vector.broadcast %jit3A_2531 : i32 to vector<16xi32>
    %min3A_2535 = arith.minsi %min3A_2534, %max3A_2533 : vector<16xi32>
    %mul3A_2536 = arith.constant 3.000000e+00 : f32
    %mul3A_2537 = vector.broadcast %mul3A_2536 : f32 to vector<16xf32>
    %mul3A_2538 = arith.mulf %mul3A_2537, %mul3A_1618 : vector<16xf32>
    %add3A_2539 = arith.addf %gather3A_1590, %mul3A_2538 : vector<16xf32>
    %convert_element_type3A_2540 = arith.fptosi %add3A_2539 : vector<16xf32> to vector<16xi32>
    %convert_element_type3A_2541 = arith.sitofp %convert_element_type3A_2540 : vector<16xi32> to vector<16xf32>
    %gt3A_2542 = arith.cmpf ogt, %add3A_2539, %convert_element_type3A_2541 : vector<16xf32>
    %convert_element_type3A_2543 = arith.extui %gt3A_2542 : vector<16xi1> to vector<16xi32>
    %add3A_2544 = arith.addi %convert_element_type3A_2540, %convert_element_type3A_2543 : vector<16xi32>
    %jit3A_2545 = arith.constant 1 : i32
    %jit3A_2546 = arith.constant 128 : i32
    %max3A_2547 = vector.broadcast %jit3A_2545 : i32 to vector<16xi32>
    %max3A_2548 = arith.maxsi %max3A_2547, %add3A_2544 : vector<16xi32>
    %min3A_2549 = vector.broadcast %jit3A_2546 : i32 to vector<16xi32>
    %min3A_2550 = arith.minsi %min3A_2549, %max3A_2548 : vector<16xi32>
    %mul3A_2551 = arith.constant 0.000000e+00 : f32
    %mul3A_2552 = vector.broadcast %mul3A_2551 : f32 to vector<16xf32>
    %mul3A_2553 = arith.mulf %mul3A_2552, %mul3A_1611 : vector<16xf32>
    %add3A_2554 = arith.addf %gather3A_1583, %mul3A_2553 : vector<16xf32>
    %convert_element_type3A_2555 = arith.fptosi %add3A_2554 : vector<16xf32> to vector<16xi32>
    %jit3A_2556 = arith.constant 0 : i32
    %jit3A_2557 = arith.constant 127 : i32
    %max3A_2558 = vector.broadcast %jit3A_2556 : i32 to vector<16xi32>
    %max3A_2559 = arith.maxsi %max3A_2558, %convert_element_type3A_2555 : vector<16xi32>
    %min3A_2560 = vector.broadcast %jit3A_2557 : i32 to vector<16xi32>
    %min3A_2561 = arith.minsi %min3A_2560, %max3A_2559 : vector<16xi32>
    %mul3A_2562 = arith.constant 1.000000e+00 : f32
    %mul3A_2563 = vector.broadcast %mul3A_2562 : f32 to vector<16xf32>
    %mul3A_2564 = arith.mulf %mul3A_2563, %mul3A_1611 : vector<16xf32>
    %add3A_2565 = arith.addf %gather3A_1583, %mul3A_2564 : vector<16xf32>
    %convert_element_type3A_2566 = arith.fptosi %add3A_2565 : vector<16xf32> to vector<16xi32>
    %convert_element_type3A_2567 = arith.sitofp %convert_element_type3A_2566 : vector<16xi32> to vector<16xf32>
    %gt3A_2568 = arith.cmpf ogt, %add3A_2565, %convert_element_type3A_2567 : vector<16xf32>
    %convert_element_type3A_2569 = arith.extui %gt3A_2568 : vector<16xi1> to vector<16xi32>
    %add3A_2570 = arith.addi %convert_element_type3A_2566, %convert_element_type3A_2569 : vector<16xi32>
    %jit3A_2571 = arith.constant 1 : i32
    %jit3A_2572 = arith.constant 128 : i32
    %max3A_2573 = vector.broadcast %jit3A_2571 : i32 to vector<16xi32>
    %max3A_2574 = arith.maxsi %max3A_2573, %add3A_2570 : vector<16xi32>
    %min3A_2575 = vector.broadcast %jit3A_2572 : i32 to vector<16xi32>
    %min3A_2576 = arith.minsi %min3A_2575, %max3A_2574 : vector<16xi32>
    %gt3A_2577 = arith.constant 0 : i32
    %gt3A_2578 = vector.broadcast %gt3A_2577 : i32 to vector<16xi32>
    %gt3A_2579 = arith.cmpi sgt, %min3A_2535, %gt3A_2578 : vector<16xi32>
    %convert_element_type3A_2580 = arith.extui %gt3A_2579 : vector<16xi1> to vector<16xi32>
    %convert_element_type3A_2581 = arith.sitofp %convert_element_type3A_2580 : vector<16xi32> to vector<16xf32>
    %gt3A_2582 = arith.constant 0 : i32
    %gt3A_2583 = vector.broadcast %gt3A_2582 : i32 to vector<16xi32>
    %gt3A_2584 = arith.cmpi sgt, %min3A_2561, %gt3A_2583 : vector<16xi32>
    %convert_element_type3A_2585 = arith.extui %gt3A_2584 : vector<16xi1> to vector<16xi32>
    %convert_element_type3A_2586 = arith.sitofp %convert_element_type3A_2585 : vector<16xi32> to vector<16xf32>
    %sub3A_2587 = arith.constant 1 : i32
    %sub3A_2588 = vector.broadcast %sub3A_2587 : i32 to vector<16xi32>
    %sub3A_2589 = arith.subi %min3A_2535, %sub3A_2588 : vector<16xi32>
    %max3A_2590 = arith.constant 0 : i32
    %max3A_2591 = vector.broadcast %max3A_2590 : i32 to vector<16xi32>
    %max3A_2592 = arith.maxsi %sub3A_2589, %max3A_2591 : vector<16xi32>
    %sub3A_2593 = arith.constant 1 : i32
    %sub3A_2594 = vector.broadcast %sub3A_2593 : i32 to vector<16xi32>
    %sub3A_2595 = arith.subi %min3A_2561, %sub3A_2594 : vector<16xi32>
    %max3A_2596 = arith.constant 0 : i32
    %max3A_2597 = vector.broadcast %max3A_2596 : i32 to vector<16xi32>
    %max3A_2598 = arith.maxsi %sub3A_2595, %max3A_2597 : vector<16xi32>
    %mul3A_2599 = arith.constant 3 : i32
    %mul3A_2600 = vector.broadcast %mul3A_2599 : i32 to vector<16xi32>
    %mul3A_2601 = arith.muli %convert_element_type3A_1576, %mul3A_2600 : vector<16xi32>
    %add3A_2602 = arith.constant 2 : i32
    %add3A_2603 = vector.broadcast %add3A_2602 : i32 to vector<16xi32>
    %add3A_2604 = arith.addi %mul3A_2601, %add3A_2603 : vector<16xi32>
    %mul3A_2605 = arith.constant 16384 : i32
    %mul3A_2606 = vector.broadcast %mul3A_2605 : i32 to vector<16xi32>
    %mul3A_2607 = arith.muli %add3A_2604, %mul3A_2606 : vector<16xi32>
    %sub3A_2608 = arith.constant 1 : i32
    %sub3A_2609 = vector.broadcast %sub3A_2608 : i32 to vector<16xi32>
    %sub3A_2610 = arith.subi %min3A_2550, %sub3A_2609 : vector<16xi32>
    %mul3A_2611 = arith.constant 128 : i32
    %mul3A_2612 = vector.broadcast %mul3A_2611 : i32 to vector<16xi32>
    %mul3A_2613 = arith.muli %sub3A_2610, %mul3A_2612 : vector<16xi32>
    %add3A_2614 = arith.addi %mul3A_2607, %mul3A_2613 : vector<16xi32>
    %sub3A_2615 = arith.constant 1 : i32
    %sub3A_2616 = vector.broadcast %sub3A_2615 : i32 to vector<16xi32>
    %sub3A_2617 = arith.subi %min3A_2576, %sub3A_2616 : vector<16xi32>
    %add3A_2618 = arith.addi %add3A_2614, %sub3A_2617 : vector<16xi32>
    %mul3A_2619 = arith.constant 128 : i32
    %mul3A_2620 = vector.broadcast %mul3A_2619 : i32 to vector<16xi32>
    %mul3A_2621 = arith.muli %max3A_2592, %mul3A_2620 : vector<16xi32>
    %add3A_2622 = arith.addi %mul3A_2607, %mul3A_2621 : vector<16xi32>
    %sub3A_2623 = arith.constant 1 : i32
    %sub3A_2624 = vector.broadcast %sub3A_2623 : i32 to vector<16xi32>
    %sub3A_2625 = arith.subi %min3A_2576, %sub3A_2624 : vector<16xi32>
    %add3A_2626 = arith.addi %add3A_2622, %sub3A_2625 : vector<16xi32>
    %sub3A_2627 = arith.constant 1 : i32
    %sub3A_2628 = vector.broadcast %sub3A_2627 : i32 to vector<16xi32>
    %sub3A_2629 = arith.subi %min3A_2550, %sub3A_2628 : vector<16xi32>
    %mul3A_2630 = arith.constant 128 : i32
    %mul3A_2631 = vector.broadcast %mul3A_2630 : i32 to vector<16xi32>
    %mul3A_2632 = arith.muli %sub3A_2629, %mul3A_2631 : vector<16xi32>
    %add3A_2633 = arith.addi %mul3A_2607, %mul3A_2632 : vector<16xi32>
    %add3A_2634 = arith.addi %add3A_2633, %max3A_2598 : vector<16xi32>
    %mul3A_2635 = arith.constant 128 : i32
    %mul3A_2636 = vector.broadcast %mul3A_2635 : i32 to vector<16xi32>
    %mul3A_2637 = arith.muli %max3A_2592, %mul3A_2636 : vector<16xi32>
    %add3A_2638 = arith.addi %mul3A_2607, %mul3A_2637 : vector<16xi32>
    %add3A_2639 = arith.addi %add3A_2638, %max3A_2598 : vector<16xi32>
    %broadcast_in_dim3A_2640 = arith.constant 3 : i32
    %broadcast_in_dim3A_2641 = vector.broadcast %broadcast_in_dim3A_2640 : i32 to vector<16xi32>
    %add3A_2642 = arith.constant 0 : i32
    %add3A_2643 = vector.broadcast %add3A_2642 : i32 to vector<16xi32>
    %add3A_2644 = arith.addi %iota3A, %add3A_2643 : vector<16xi32>
    tpu.vector_store_idx %arg6[%broadcast_in_dim3A_2641, %add3A_2644], %add3A_2618 : memref<5x128xi32, #tpu.memory_space<vmem>>[vector<16xi32>, vector<16xi32>], vector<16xi32>,
    %broadcast_in_dim3A_2645 = arith.constant 3 : i32
    %broadcast_in_dim3A_2646 = vector.broadcast %broadcast_in_dim3A_2645 : i32 to vector<16xi32>
    %add3A_2647 = arith.constant 16 : i32
    %add3A_2648 = vector.broadcast %add3A_2647 : i32 to vector<16xi32>
    %add3A_2649 = arith.addi %iota3A, %add3A_2648 : vector<16xi32>
    tpu.vector_store_idx %arg6[%broadcast_in_dim3A_2646, %add3A_2649], %add3A_2626 : memref<5x128xi32, #tpu.memory_space<vmem>>[vector<16xi32>, vector<16xi32>], vector<16xi32>,
    %broadcast_in_dim3A_2650 = arith.constant 3 : i32
    %broadcast_in_dim3A_2651 = vector.broadcast %broadcast_in_dim3A_2650 : i32 to vector<16xi32>
    %add3A_2652 = arith.constant 32 : i32
    %add3A_2653 = vector.broadcast %add3A_2652 : i32 to vector<16xi32>
    %add3A_2654 = arith.addi %iota3A, %add3A_2653 : vector<16xi32>
    tpu.vector_store_idx %arg6[%broadcast_in_dim3A_2651, %add3A_2654], %add3A_2634 : memref<5x128xi32, #tpu.memory_space<vmem>>[vector<16xi32>, vector<16xi32>], vector<16xi32>,
    %broadcast_in_dim3A_2655 = arith.constant 3 : i32
    %broadcast_in_dim3A_2656 = vector.broadcast %broadcast_in_dim3A_2655 : i32 to vector<16xi32>
    %add3A_2657 = arith.constant 48 : i32
    %add3A_2658 = vector.broadcast %add3A_2657 : i32 to vector<16xi32>
    %add3A_2659 = arith.addi %iota3A, %add3A_2658 : vector<16xi32>
    tpu.vector_store_idx %arg6[%broadcast_in_dim3A_2656, %add3A_2659], %add3A_2639 : memref<5x128xi32, #tpu.memory_space<vmem>>[vector<16xi32>, vector<16xi32>], vector<16xi32>,
    %sub3A_2660 = arith.subi %min3A_2550, %min3A_2535 : vector<16xi32>
    %sub3A_2661 = arith.subi %min3A_2576, %min3A_2561 : vector<16xi32>
    %mul3A_2662 = arith.muli %sub3A_2660, %sub3A_2661 : vector<16xi32>
    %convert_element_type3A_2663 = arith.sitofp %mul3A_2662 : vector<16xi32> to vector<16xf32>
    %gt3A_2664 = arith.cmpi sgt, %min3A_2550, %min3A_2535 : vector<16xi32>
    %gt3A_2665 = arith.cmpi sgt, %min3A_2576, %min3A_2561 : vector<16xi32>
    %and3A_2666 = arith.andi %gt3A_2664, %gt3A_2665 : vector<16xi1>
    %max3A_2667 = arith.constant 1.000000e+00 : f32
    %max3A_2668 = vector.broadcast %max3A_2667 : f32 to vector<16xf32>
    %max3A_2669 = arith.maximumf %convert_element_type3A_2663, %max3A_2668 : vector<16xf32>
    %div3A_2670 = arith.constant 1.000000e+00 : f32
    %div3A_2671 = vector.broadcast %div3A_2670 : f32 to vector<16xf32>
    %div3A_2672 = arith.divf %div3A_2671, %max3A_2669 : vector<16xf32>
    %jit3A_2673 = arith.constant 0.000000e+00 : f32
    %broadcast_in_dim3A_2674 = vector.broadcast %jit3A_2673 : f32 to vector<16xf32>
    %select_n3A_2675 = arith.select %and3A_2666, %div3A_2672, %broadcast_in_dim3A_2674 : vector<16xi1>, vector<16xf32>
    %mul3A_2676 = arith.constant 2.000000e+00 : f32
    %mul3A_2677 = vector.broadcast %mul3A_2676 : f32 to vector<16xf32>
    %mul3A_2678 = arith.mulf %mul3A_2677, %mul3A_1618 : vector<16xf32>
    %add3A_2679 = arith.addf %gather3A_1590, %mul3A_2678 : vector<16xf32>
    %convert_element_type3A_2680 = arith.fptosi %add3A_2679 : vector<16xf32> to vector<16xi32>
    %jit3A_2681 = arith.constant 0 : i32
    %jit3A_2682 = arith.constant 127 : i32
    %max3A_2683 = vector.broadcast %jit3A_2681 : i32 to vector<16xi32>
    %max3A_2684 = arith.maxsi %max3A_2683, %convert_element_type3A_2680 : vector<16xi32>
    %min3A_2685 = vector.broadcast %jit3A_2682 : i32 to vector<16xi32>
    %min3A_2686 = arith.minsi %min3A_2685, %max3A_2684 : vector<16xi32>
    %mul3A_2687 = arith.constant 3.000000e+00 : f32
    %mul3A_2688 = vector.broadcast %mul3A_2687 : f32 to vector<16xf32>
    %mul3A_2689 = arith.mulf %mul3A_2688, %mul3A_1618 : vector<16xf32>
    %add3A_2690 = arith.addf %gather3A_1590, %mul3A_2689 : vector<16xf32>
    %convert_element_type3A_2691 = arith.fptosi %add3A_2690 : vector<16xf32> to vector<16xi32>
    %convert_element_type3A_2692 = arith.sitofp %convert_element_type3A_2691 : vector<16xi32> to vector<16xf32>
    %gt3A_2693 = arith.cmpf ogt, %add3A_2690, %convert_element_type3A_2692 : vector<16xf32>
    %convert_element_type3A_2694 = arith.extui %gt3A_2693 : vector<16xi1> to vector<16xi32>
    %add3A_2695 = arith.addi %convert_element_type3A_2691, %convert_element_type3A_2694 : vector<16xi32>
    %jit3A_2696 = arith.constant 1 : i32
    %jit3A_2697 = arith.constant 128 : i32
    %max3A_2698 = vector.broadcast %jit3A_2696 : i32 to vector<16xi32>
    %max3A_2699 = arith.maxsi %max3A_2698, %add3A_2695 : vector<16xi32>
    %min3A_2700 = vector.broadcast %jit3A_2697 : i32 to vector<16xi32>
    %min3A_2701 = arith.minsi %min3A_2700, %max3A_2699 : vector<16xi32>
    %mul3A_2702 = arith.constant 1.000000e+00 : f32
    %mul3A_2703 = vector.broadcast %mul3A_2702 : f32 to vector<16xf32>
    %mul3A_2704 = arith.mulf %mul3A_2703, %mul3A_1611 : vector<16xf32>
    %add3A_2705 = arith.addf %gather3A_1583, %mul3A_2704 : vector<16xf32>
    %convert_element_type3A_2706 = arith.fptosi %add3A_2705 : vector<16xf32> to vector<16xi32>
    %jit3A_2707 = arith.constant 0 : i32
    %jit3A_2708 = arith.constant 127 : i32
    %max3A_2709 = vector.broadcast %jit3A_2707 : i32 to vector<16xi32>
    %max3A_2710 = arith.maxsi %max3A_2709, %convert_element_type3A_2706 : vector<16xi32>
    %min3A_2711 = vector.broadcast %jit3A_2708 : i32 to vector<16xi32>
    %min3A_2712 = arith.minsi %min3A_2711, %max3A_2710 : vector<16xi32>
    %mul3A_2713 = arith.constant 2.000000e+00 : f32
    %mul3A_2714 = vector.broadcast %mul3A_2713 : f32 to vector<16xf32>
    %mul3A_2715 = arith.mulf %mul3A_2714, %mul3A_1611 : vector<16xf32>
    %add3A_2716 = arith.addf %gather3A_1583, %mul3A_2715 : vector<16xf32>
    %convert_element_type3A_2717 = arith.fptosi %add3A_2716 : vector<16xf32> to vector<16xi32>
    %convert_element_type3A_2718 = arith.sitofp %convert_element_type3A_2717 : vector<16xi32> to vector<16xf32>
    %gt3A_2719 = arith.cmpf ogt, %add3A_2716, %convert_element_type3A_2718 : vector<16xf32>
    %convert_element_type3A_2720 = arith.extui %gt3A_2719 : vector<16xi1> to vector<16xi32>
    %add3A_2721 = arith.addi %convert_element_type3A_2717, %convert_element_type3A_2720 : vector<16xi32>
    %jit3A_2722 = arith.constant 1 : i32
    %jit3A_2723 = arith.constant 128 : i32
    %max3A_2724 = vector.broadcast %jit3A_2722 : i32 to vector<16xi32>
    %max3A_2725 = arith.maxsi %max3A_2724, %add3A_2721 : vector<16xi32>
    %min3A_2726 = vector.broadcast %jit3A_2723 : i32 to vector<16xi32>
    %min3A_2727 = arith.minsi %min3A_2726, %max3A_2725 : vector<16xi32>
    %gt3A_2728 = arith.constant 0 : i32
    %gt3A_2729 = vector.broadcast %gt3A_2728 : i32 to vector<16xi32>
    %gt3A_2730 = arith.cmpi sgt, %min3A_2686, %gt3A_2729 : vector<16xi32>
    %convert_element_type3A_2731 = arith.extui %gt3A_2730 : vector<16xi1> to vector<16xi32>
    %convert_element_type3A_2732 = arith.sitofp %convert_element_type3A_2731 : vector<16xi32> to vector<16xf32>
    %gt3A_2733 = arith.constant 0 : i32
    %gt3A_2734 = vector.broadcast %gt3A_2733 : i32 to vector<16xi32>
    %gt3A_2735 = arith.cmpi sgt, %min3A_2712, %gt3A_2734 : vector<16xi32>
    %convert_element_type3A_2736 = arith.extui %gt3A_2735 : vector<16xi1> to vector<16xi32>
    %convert_element_type3A_2737 = arith.sitofp %convert_element_type3A_2736 : vector<16xi32> to vector<16xf32>
    %sub3A_2738 = arith.constant 1 : i32
    %sub3A_2739 = vector.broadcast %sub3A_2738 : i32 to vector<16xi32>
    %sub3A_2740 = arith.subi %min3A_2686, %sub3A_2739 : vector<16xi32>
    %max3A_2741 = arith.constant 0 : i32
    %max3A_2742 = vector.broadcast %max3A_2741 : i32 to vector<16xi32>
    %max3A_2743 = arith.maxsi %sub3A_2740, %max3A_2742 : vector<16xi32>
    %sub3A_2744 = arith.constant 1 : i32
    %sub3A_2745 = vector.broadcast %sub3A_2744 : i32 to vector<16xi32>
    %sub3A_2746 = arith.subi %min3A_2712, %sub3A_2745 : vector<16xi32>
    %max3A_2747 = arith.constant 0 : i32
    %max3A_2748 = vector.broadcast %max3A_2747 : i32 to vector<16xi32>
    %max3A_2749 = arith.maxsi %sub3A_2746, %max3A_2748 : vector<16xi32>
    %mul3A_2750 = arith.constant 3 : i32
    %mul3A_2751 = vector.broadcast %mul3A_2750 : i32 to vector<16xi32>
    %mul3A_2752 = arith.muli %convert_element_type3A_1576, %mul3A_2751 : vector<16xi32>
    %add3A_2753 = arith.constant 2 : i32
    %add3A_2754 = vector.broadcast %add3A_2753 : i32 to vector<16xi32>
    %add3A_2755 = arith.addi %mul3A_2752, %add3A_2754 : vector<16xi32>
    %mul3A_2756 = arith.constant 16384 : i32
    %mul3A_2757 = vector.broadcast %mul3A_2756 : i32 to vector<16xi32>
    %mul3A_2758 = arith.muli %add3A_2755, %mul3A_2757 : vector<16xi32>
    %sub3A_2759 = arith.constant 1 : i32
    %sub3A_2760 = vector.broadcast %sub3A_2759 : i32 to vector<16xi32>
    %sub3A_2761 = arith.subi %min3A_2701, %sub3A_2760 : vector<16xi32>
    %mul3A_2762 = arith.constant 128 : i32
    %mul3A_2763 = vector.broadcast %mul3A_2762 : i32 to vector<16xi32>
    %mul3A_2764 = arith.muli %sub3A_2761, %mul3A_2763 : vector<16xi32>
    %add3A_2765 = arith.addi %mul3A_2758, %mul3A_2764 : vector<16xi32>
    %sub3A_2766 = arith.constant 1 : i32
    %sub3A_2767 = vector.broadcast %sub3A_2766 : i32 to vector<16xi32>
    %sub3A_2768 = arith.subi %min3A_2727, %sub3A_2767 : vector<16xi32>
    %add3A_2769 = arith.addi %add3A_2765, %sub3A_2768 : vector<16xi32>
    %mul3A_2770 = arith.constant 128 : i32
    %mul3A_2771 = vector.broadcast %mul3A_2770 : i32 to vector<16xi32>
    %mul3A_2772 = arith.muli %max3A_2743, %mul3A_2771 : vector<16xi32>
    %add3A_2773 = arith.addi %mul3A_2758, %mul3A_2772 : vector<16xi32>
    %sub3A_2774 = arith.constant 1 : i32
    %sub3A_2775 = vector.broadcast %sub3A_2774 : i32 to vector<16xi32>
    %sub3A_2776 = arith.subi %min3A_2727, %sub3A_2775 : vector<16xi32>
    %add3A_2777 = arith.addi %add3A_2773, %sub3A_2776 : vector<16xi32>
    %sub3A_2778 = arith.constant 1 : i32
    %sub3A_2779 = vector.broadcast %sub3A_2778 : i32 to vector<16xi32>
    %sub3A_2780 = arith.subi %min3A_2701, %sub3A_2779 : vector<16xi32>
    %mul3A_2781 = arith.constant 128 : i32
    %mul3A_2782 = vector.broadcast %mul3A_2781 : i32 to vector<16xi32>
    %mul3A_2783 = arith.muli %sub3A_2780, %mul3A_2782 : vector<16xi32>
    %add3A_2784 = arith.addi %mul3A_2758, %mul3A_2783 : vector<16xi32>
    %add3A_2785 = arith.addi %add3A_2784, %max3A_2749 : vector<16xi32>
    %mul3A_2786 = arith.constant 128 : i32
    %mul3A_2787 = vector.broadcast %mul3A_2786 : i32 to vector<16xi32>
    %mul3A_2788 = arith.muli %max3A_2743, %mul3A_2787 : vector<16xi32>
    %add3A_2789 = arith.addi %mul3A_2758, %mul3A_2788 : vector<16xi32>
    %add3A_2790 = arith.addi %add3A_2789, %max3A_2749 : vector<16xi32>
    %broadcast_in_dim3A_2791 = arith.constant 3 : i32
    %broadcast_in_dim3A_2792 = vector.broadcast %broadcast_in_dim3A_2791 : i32 to vector<16xi32>
    %add3A_2793 = arith.constant 64 : i32
    %add3A_2794 = vector.broadcast %add3A_2793 : i32 to vector<16xi32>
    %add3A_2795 = arith.addi %iota3A, %add3A_2794 : vector<16xi32>
    tpu.vector_store_idx %arg6[%broadcast_in_dim3A_2792, %add3A_2795], %add3A_2769 : memref<5x128xi32, #tpu.memory_space<vmem>>[vector<16xi32>, vector<16xi32>], vector<16xi32>,
    %broadcast_in_dim3A_2796 = arith.constant 3 : i32
    %broadcast_in_dim3A_2797 = vector.broadcast %broadcast_in_dim3A_2796 : i32 to vector<16xi32>
    %add3A_2798 = arith.constant 80 : i32
    %add3A_2799 = vector.broadcast %add3A_2798 : i32 to vector<16xi32>
    %add3A_2800 = arith.addi %iota3A, %add3A_2799 : vector<16xi32>
    tpu.vector_store_idx %arg6[%broadcast_in_dim3A_2797, %add3A_2800], %add3A_2777 : memref<5x128xi32, #tpu.memory_space<vmem>>[vector<16xi32>, vector<16xi32>], vector<16xi32>,
    %broadcast_in_dim3A_2801 = arith.constant 3 : i32
    %broadcast_in_dim3A_2802 = vector.broadcast %broadcast_in_dim3A_2801 : i32 to vector<16xi32>
    %add3A_2803 = arith.constant 96 : i32
    %add3A_2804 = vector.broadcast %add3A_2803 : i32 to vector<16xi32>
    %add3A_2805 = arith.addi %iota3A, %add3A_2804 : vector<16xi32>
    tpu.vector_store_idx %arg6[%broadcast_in_dim3A_2802, %add3A_2805], %add3A_2785 : memref<5x128xi32, #tpu.memory_space<vmem>>[vector<16xi32>, vector<16xi32>], vector<16xi32>,
    %broadcast_in_dim3A_2806 = arith.constant 3 : i32
    %broadcast_in_dim3A_2807 = vector.broadcast %broadcast_in_dim3A_2806 : i32 to vector<16xi32>
    %add3A_2808 = arith.constant 112 : i32
    %add3A_2809 = vector.broadcast %add3A_2808 : i32 to vector<16xi32>
    %add3A_2810 = arith.addi %iota3A, %add3A_2809 : vector<16xi32>
    tpu.vector_store_idx %arg6[%broadcast_in_dim3A_2807, %add3A_2810], %add3A_2790 : memref<5x128xi32, #tpu.memory_space<vmem>>[vector<16xi32>, vector<16xi32>], vector<16xi32>,
    %sub3A_2811 = arith.subi %min3A_2701, %min3A_2686 : vector<16xi32>
    %sub3A_2812 = arith.subi %min3A_2727, %min3A_2712 : vector<16xi32>
    %mul3A_2813 = arith.muli %sub3A_2811, %sub3A_2812 : vector<16xi32>
    %convert_element_type3A_2814 = arith.sitofp %mul3A_2813 : vector<16xi32> to vector<16xf32>
    %gt3A_2815 = arith.cmpi sgt, %min3A_2701, %min3A_2686 : vector<16xi32>
    %gt3A_2816 = arith.cmpi sgt, %min3A_2727, %min3A_2712 : vector<16xi32>
    %and3A_2817 = arith.andi %gt3A_2815, %gt3A_2816 : vector<16xi1>
    %max3A_2818 = arith.constant 1.000000e+00 : f32
    %max3A_2819 = vector.broadcast %max3A_2818 : f32 to vector<16xf32>
    %max3A_2820 = arith.maximumf %convert_element_type3A_2814, %max3A_2819 : vector<16xf32>
    %div3A_2821 = arith.constant 1.000000e+00 : f32
    %div3A_2822 = vector.broadcast %div3A_2821 : f32 to vector<16xf32>
    %div3A_2823 = arith.divf %div3A_2822, %max3A_2820 : vector<16xf32>
    %jit3A_2824 = arith.constant 0.000000e+00 : f32
    %broadcast_in_dim3A_2825 = vector.broadcast %jit3A_2824 : f32 to vector<16xf32>
    %select_n3A_2826 = arith.select %and3A_2817, %div3A_2823, %broadcast_in_dim3A_2825 : vector<16xi1>, vector<16xf32>
    %mul3A_2827 = arith.constant 2.000000e+00 : f32
    %mul3A_2828 = vector.broadcast %mul3A_2827 : f32 to vector<16xf32>
    %mul3A_2829 = arith.mulf %mul3A_2828, %mul3A_1618 : vector<16xf32>
    %add3A_2830 = arith.addf %gather3A_1590, %mul3A_2829 : vector<16xf32>
    %convert_element_type3A_2831 = arith.fptosi %add3A_2830 : vector<16xf32> to vector<16xi32>
    %jit3A_2832 = arith.constant 0 : i32
    %jit3A_2833 = arith.constant 127 : i32
    %max3A_2834 = vector.broadcast %jit3A_2832 : i32 to vector<16xi32>
    %max3A_2835 = arith.maxsi %max3A_2834, %convert_element_type3A_2831 : vector<16xi32>
    %min3A_2836 = vector.broadcast %jit3A_2833 : i32 to vector<16xi32>
    %min3A_2837 = arith.minsi %min3A_2836, %max3A_2835 : vector<16xi32>
    %mul3A_2838 = arith.constant 3.000000e+00 : f32
    %mul3A_2839 = vector.broadcast %mul3A_2838 : f32 to vector<16xf32>
    %mul3A_2840 = arith.mulf %mul3A_2839, %mul3A_1618 : vector<16xf32>
    %add3A_2841 = arith.addf %gather3A_1590, %mul3A_2840 : vector<16xf32>
    %convert_element_type3A_2842 = arith.fptosi %add3A_2841 : vector<16xf32> to vector<16xi32>
    %convert_element_type3A_2843 = arith.sitofp %convert_element_type3A_2842 : vector<16xi32> to vector<16xf32>
    %gt3A_2844 = arith.cmpf ogt, %add3A_2841, %convert_element_type3A_2843 : vector<16xf32>
    %convert_element_type3A_2845 = arith.extui %gt3A_2844 : vector<16xi1> to vector<16xi32>
    %add3A_2846 = arith.addi %convert_element_type3A_2842, %convert_element_type3A_2845 : vector<16xi32>
    %jit3A_2847 = arith.constant 1 : i32
    %jit3A_2848 = arith.constant 128 : i32
    %max3A_2849 = vector.broadcast %jit3A_2847 : i32 to vector<16xi32>
    %max3A_2850 = arith.maxsi %max3A_2849, %add3A_2846 : vector<16xi32>
    %min3A_2851 = vector.broadcast %jit3A_2848 : i32 to vector<16xi32>
    %min3A_2852 = arith.minsi %min3A_2851, %max3A_2850 : vector<16xi32>
    %mul3A_2853 = arith.constant 2.000000e+00 : f32
    %mul3A_2854 = vector.broadcast %mul3A_2853 : f32 to vector<16xf32>
    %mul3A_2855 = arith.mulf %mul3A_2854, %mul3A_1611 : vector<16xf32>
    %add3A_2856 = arith.addf %gather3A_1583, %mul3A_2855 : vector<16xf32>
    %convert_element_type3A_2857 = arith.fptosi %add3A_2856 : vector<16xf32> to vector<16xi32>
    %jit3A_2858 = arith.constant 0 : i32
    %jit3A_2859 = arith.constant 127 : i32
    %max3A_2860 = vector.broadcast %jit3A_2858 : i32 to vector<16xi32>
    %max3A_2861 = arith.maxsi %max3A_2860, %convert_element_type3A_2857 : vector<16xi32>
    %min3A_2862 = vector.broadcast %jit3A_2859 : i32 to vector<16xi32>
    %min3A_2863 = arith.minsi %min3A_2862, %max3A_2861 : vector<16xi32>
    %mul3A_2864 = arith.constant 3.000000e+00 : f32
    %mul3A_2865 = vector.broadcast %mul3A_2864 : f32 to vector<16xf32>
    %mul3A_2866 = arith.mulf %mul3A_2865, %mul3A_1611 : vector<16xf32>
    %add3A_2867 = arith.addf %gather3A_1583, %mul3A_2866 : vector<16xf32>
    %convert_element_type3A_2868 = arith.fptosi %add3A_2867 : vector<16xf32> to vector<16xi32>
    %convert_element_type3A_2869 = arith.sitofp %convert_element_type3A_2868 : vector<16xi32> to vector<16xf32>
    %gt3A_2870 = arith.cmpf ogt, %add3A_2867, %convert_element_type3A_2869 : vector<16xf32>
    %convert_element_type3A_2871 = arith.extui %gt3A_2870 : vector<16xi1> to vector<16xi32>
    %add3A_2872 = arith.addi %convert_element_type3A_2868, %convert_element_type3A_2871 : vector<16xi32>
    %jit3A_2873 = arith.constant 1 : i32
    %jit3A_2874 = arith.constant 128 : i32
    %max3A_2875 = vector.broadcast %jit3A_2873 : i32 to vector<16xi32>
    %max3A_2876 = arith.maxsi %max3A_2875, %add3A_2872 : vector<16xi32>
    %min3A_2877 = vector.broadcast %jit3A_2874 : i32 to vector<16xi32>
    %min3A_2878 = arith.minsi %min3A_2877, %max3A_2876 : vector<16xi32>
    %gt3A_2879 = arith.constant 0 : i32
    %gt3A_2880 = vector.broadcast %gt3A_2879 : i32 to vector<16xi32>
    %gt3A_2881 = arith.cmpi sgt, %min3A_2837, %gt3A_2880 : vector<16xi32>
    %convert_element_type3A_2882 = arith.extui %gt3A_2881 : vector<16xi1> to vector<16xi32>
    %convert_element_type3A_2883 = arith.sitofp %convert_element_type3A_2882 : vector<16xi32> to vector<16xf32>
    %gt3A_2884 = arith.constant 0 : i32
    %gt3A_2885 = vector.broadcast %gt3A_2884 : i32 to vector<16xi32>
    %gt3A_2886 = arith.cmpi sgt, %min3A_2863, %gt3A_2885 : vector<16xi32>
    %convert_element_type3A_2887 = arith.extui %gt3A_2886 : vector<16xi1> to vector<16xi32>
    %convert_element_type3A_2888 = arith.sitofp %convert_element_type3A_2887 : vector<16xi32> to vector<16xf32>
    %sub3A_2889 = arith.constant 1 : i32
    %sub3A_2890 = vector.broadcast %sub3A_2889 : i32 to vector<16xi32>
    %sub3A_2891 = arith.subi %min3A_2837, %sub3A_2890 : vector<16xi32>
    %max3A_2892 = arith.constant 0 : i32
    %max3A_2893 = vector.broadcast %max3A_2892 : i32 to vector<16xi32>
    %max3A_2894 = arith.maxsi %sub3A_2891, %max3A_2893 : vector<16xi32>
    %sub3A_2895 = arith.constant 1 : i32
    %sub3A_2896 = vector.broadcast %sub3A_2895 : i32 to vector<16xi32>
    %sub3A_2897 = arith.subi %min3A_2863, %sub3A_2896 : vector<16xi32>
    %max3A_2898 = arith.constant 0 : i32
    %max3A_2899 = vector.broadcast %max3A_2898 : i32 to vector<16xi32>
    %max3A_2900 = arith.maxsi %sub3A_2897, %max3A_2899 : vector<16xi32>
    %mul3A_2901 = arith.constant 3 : i32
    %mul3A_2902 = vector.broadcast %mul3A_2901 : i32 to vector<16xi32>
    %mul3A_2903 = arith.muli %convert_element_type3A_1576, %mul3A_2902 : vector<16xi32>
    %add3A_2904 = arith.constant 2 : i32
    %add3A_2905 = vector.broadcast %add3A_2904 : i32 to vector<16xi32>
    %add3A_2906 = arith.addi %mul3A_2903, %add3A_2905 : vector<16xi32>
    %mul3A_2907 = arith.constant 16384 : i32
    %mul3A_2908 = vector.broadcast %mul3A_2907 : i32 to vector<16xi32>
    %mul3A_2909 = arith.muli %add3A_2906, %mul3A_2908 : vector<16xi32>
    %sub3A_2910 = arith.constant 1 : i32
    %sub3A_2911 = vector.broadcast %sub3A_2910 : i32 to vector<16xi32>
    %sub3A_2912 = arith.subi %min3A_2852, %sub3A_2911 : vector<16xi32>
    %mul3A_2913 = arith.constant 128 : i32
    %mul3A_2914 = vector.broadcast %mul3A_2913 : i32 to vector<16xi32>
    %mul3A_2915 = arith.muli %sub3A_2912, %mul3A_2914 : vector<16xi32>
    %add3A_2916 = arith.addi %mul3A_2909, %mul3A_2915 : vector<16xi32>
    %sub3A_2917 = arith.constant 1 : i32
    %sub3A_2918 = vector.broadcast %sub3A_2917 : i32 to vector<16xi32>
    %sub3A_2919 = arith.subi %min3A_2878, %sub3A_2918 : vector<16xi32>
    %add3A_2920 = arith.addi %add3A_2916, %sub3A_2919 : vector<16xi32>
    %mul3A_2921 = arith.constant 128 : i32
    %mul3A_2922 = vector.broadcast %mul3A_2921 : i32 to vector<16xi32>
    %mul3A_2923 = arith.muli %max3A_2894, %mul3A_2922 : vector<16xi32>
    %add3A_2924 = arith.addi %mul3A_2909, %mul3A_2923 : vector<16xi32>
    %sub3A_2925 = arith.constant 1 : i32
    %sub3A_2926 = vector.broadcast %sub3A_2925 : i32 to vector<16xi32>
    %sub3A_2927 = arith.subi %min3A_2878, %sub3A_2926 : vector<16xi32>
    %add3A_2928 = arith.addi %add3A_2924, %sub3A_2927 : vector<16xi32>
    %sub3A_2929 = arith.constant 1 : i32
    %sub3A_2930 = vector.broadcast %sub3A_2929 : i32 to vector<16xi32>
    %sub3A_2931 = arith.subi %min3A_2852, %sub3A_2930 : vector<16xi32>
    %mul3A_2932 = arith.constant 128 : i32
    %mul3A_2933 = vector.broadcast %mul3A_2932 : i32 to vector<16xi32>
    %mul3A_2934 = arith.muli %sub3A_2931, %mul3A_2933 : vector<16xi32>
    %add3A_2935 = arith.addi %mul3A_2909, %mul3A_2934 : vector<16xi32>
    %add3A_2936 = arith.addi %add3A_2935, %max3A_2900 : vector<16xi32>
    %mul3A_2937 = arith.constant 128 : i32
    %mul3A_2938 = vector.broadcast %mul3A_2937 : i32 to vector<16xi32>
    %mul3A_2939 = arith.muli %max3A_2894, %mul3A_2938 : vector<16xi32>
    %add3A_2940 = arith.addi %mul3A_2909, %mul3A_2939 : vector<16xi32>
    %add3A_2941 = arith.addi %add3A_2940, %max3A_2900 : vector<16xi32>
    %broadcast_in_dim3A_2942 = arith.constant 4 : i32
    %broadcast_in_dim3A_2943 = vector.broadcast %broadcast_in_dim3A_2942 : i32 to vector<16xi32>
    %add3A_2944 = arith.constant 0 : i32
    %add3A_2945 = vector.broadcast %add3A_2944 : i32 to vector<16xi32>
    %add3A_2946 = arith.addi %iota3A, %add3A_2945 : vector<16xi32>
    tpu.vector_store_idx %arg6[%broadcast_in_dim3A_2943, %add3A_2946], %add3A_2920 : memref<5x128xi32, #tpu.memory_space<vmem>>[vector<16xi32>, vector<16xi32>], vector<16xi32>,
    %broadcast_in_dim3A_2947 = arith.constant 4 : i32
    %broadcast_in_dim3A_2948 = vector.broadcast %broadcast_in_dim3A_2947 : i32 to vector<16xi32>
    %add3A_2949 = arith.constant 16 : i32
    %add3A_2950 = vector.broadcast %add3A_2949 : i32 to vector<16xi32>
    %add3A_2951 = arith.addi %iota3A, %add3A_2950 : vector<16xi32>
    tpu.vector_store_idx %arg6[%broadcast_in_dim3A_2948, %add3A_2951], %add3A_2928 : memref<5x128xi32, #tpu.memory_space<vmem>>[vector<16xi32>, vector<16xi32>], vector<16xi32>,
    %broadcast_in_dim3A_2952 = arith.constant 4 : i32
    %broadcast_in_dim3A_2953 = vector.broadcast %broadcast_in_dim3A_2952 : i32 to vector<16xi32>
    %add3A_2954 = arith.constant 32 : i32
    %add3A_2955 = vector.broadcast %add3A_2954 : i32 to vector<16xi32>
    %add3A_2956 = arith.addi %iota3A, %add3A_2955 : vector<16xi32>
    tpu.vector_store_idx %arg6[%broadcast_in_dim3A_2953, %add3A_2956], %add3A_2936 : memref<5x128xi32, #tpu.memory_space<vmem>>[vector<16xi32>, vector<16xi32>], vector<16xi32>,
    %broadcast_in_dim3A_2957 = arith.constant 4 : i32
    %broadcast_in_dim3A_2958 = vector.broadcast %broadcast_in_dim3A_2957 : i32 to vector<16xi32>
    %add3A_2959 = arith.constant 48 : i32
    %add3A_2960 = vector.broadcast %add3A_2959 : i32 to vector<16xi32>
    %add3A_2961 = arith.addi %iota3A, %add3A_2960 : vector<16xi32>
    tpu.vector_store_idx %arg6[%broadcast_in_dim3A_2958, %add3A_2961], %add3A_2941 : memref<5x128xi32, #tpu.memory_space<vmem>>[vector<16xi32>, vector<16xi32>], vector<16xi32>,
    %sub3A_2962 = arith.subi %min3A_2852, %min3A_2837 : vector<16xi32>
    %sub3A_2963 = arith.subi %min3A_2878, %min3A_2863 : vector<16xi32>
    %mul3A_2964 = arith.muli %sub3A_2962, %sub3A_2963 : vector<16xi32>
    %convert_element_type3A_2965 = arith.sitofp %mul3A_2964 : vector<16xi32> to vector<16xf32>
    %gt3A_2966 = arith.cmpi sgt, %min3A_2852, %min3A_2837 : vector<16xi32>
    %gt3A_2967 = arith.cmpi sgt, %min3A_2878, %min3A_2863 : vector<16xi32>
    %and3A_2968 = arith.andi %gt3A_2966, %gt3A_2967 : vector<16xi1>
    %max3A_2969 = arith.constant 1.000000e+00 : f32
    %max3A_2970 = vector.broadcast %max3A_2969 : f32 to vector<16xf32>
    %max3A_2971 = arith.maximumf %convert_element_type3A_2965, %max3A_2970 : vector<16xf32>
    %div3A_2972 = arith.constant 1.000000e+00 : f32
    %div3A_2973 = vector.broadcast %div3A_2972 : f32 to vector<16xf32>
    %div3A_2974 = arith.divf %div3A_2973, %max3A_2971 : vector<16xf32>
    %jit3A_2975 = arith.constant 0.000000e+00 : f32
    %broadcast_in_dim3A_2976 = vector.broadcast %jit3A_2975 : f32 to vector<16xf32>
    %select_n3A_2977 = arith.select %and3A_2968, %div3A_2974, %broadcast_in_dim3A_2976 : vector<16xi1>, vector<16xf32>
    %dma_start3A_2978 = arith.constant 0 : i32
    %dma_start3A_2979 = arith.constant 0 : i32
    %dma_start3A_2980 = arith.constant 0 : i32
    %dma_start3A_2981 = tpu.memref_slice %arg7[%dma_start3A_2979, %dma_start3A_2980] : memref<576x128xf32, #tpu.memory_space<vmem>> -> memref<128x128xf32, #tpu.memory_space<vmem>>
    %dma_start3A_2982 = arith.constant 0 : i32
    %dma_start3A_2983 = tpu.memref_slice %arg6[%dma_start3A_2978, %dma_start3A_2982] : memref<5x128xi32, #tpu.memory_space<vmem>> -> memref<1x128xi32, #tpu.memory_space<vmem>>
    %dma_start3A_2984 = tpu.memref_squeeze %dma_start3A_2983 : memref<1x128xi32, #tpu.memory_space<vmem>> -> memref<128xi32, #tpu.memory_space<vmem>>
    %dma_start3A_2985 = arith.constant 0 : i32
    %dma_start3A_2986 = arith.constant 0 : i32
    %dma_start3A_2987 = tpu.memref_slice %arg3[%dma_start3A_2985, %dma_start3A_2986] : memref<98304x128xf32, #tpu.memory_space<hbm>> -> memref<98304x128xf32, #tpu.memory_space<hbm>>
    tpu.enqueue_indirect_dma source(%dma_start3A_2987 : memref<98304x128xf32, #tpu.memory_space<hbm>>) target(%dma_start3A_2981 : memref<128x128xf32, #tpu.memory_space<vmem>>) offsets(%dma_start3A_2984 : memref<128xi32, #tpu.memory_space<vmem>>) semaphore(%arg9 : memref<!tpu.dma_semaphore, #tpu.memory_space<semaphore_mem>>)
    %dma_start3A_2988 = arith.constant 1 : i32
    %dma_start3A_2989 = arith.constant 128 : i32
    %dma_start3A_2990 = arith.constant 0 : i32
    %dma_start3A_2991 = tpu.memref_slice %arg7[%dma_start3A_2989, %dma_start3A_2990] : memref<576x128xf32, #tpu.memory_space<vmem>> -> memref<128x128xf32, #tpu.memory_space<vmem>>
    %dma_start3A_2992 = arith.constant 0 : i32
    %dma_start3A_2993 = tpu.memref_slice %arg6[%dma_start3A_2988, %dma_start3A_2992] : memref<5x128xi32, #tpu.memory_space<vmem>> -> memref<1x128xi32, #tpu.memory_space<vmem>>
    %dma_start3A_2994 = tpu.memref_squeeze %dma_start3A_2993 : memref<1x128xi32, #tpu.memory_space<vmem>> -> memref<128xi32, #tpu.memory_space<vmem>>
    %dma_start3A_2995 = arith.constant 0 : i32
    %dma_start3A_2996 = arith.constant 0 : i32
    %dma_start3A_2997 = tpu.memref_slice %arg3[%dma_start3A_2995, %dma_start3A_2996] : memref<98304x128xf32, #tpu.memory_space<hbm>> -> memref<98304x128xf32, #tpu.memory_space<hbm>>
    tpu.enqueue_indirect_dma source(%dma_start3A_2997 : memref<98304x128xf32, #tpu.memory_space<hbm>>) target(%dma_start3A_2991 : memref<128x128xf32, #tpu.memory_space<vmem>>) offsets(%dma_start3A_2994 : memref<128xi32, #tpu.memory_space<vmem>>) semaphore(%arg9 : memref<!tpu.dma_semaphore, #tpu.memory_space<semaphore_mem>>)
    %dma_start3A_2998 = arith.constant 2 : i32
    %dma_start3A_2999 = arith.constant 256 : i32
    %dma_start3A_3000 = arith.constant 0 : i32
    %dma_start3A_3001 = tpu.memref_slice %arg7[%dma_start3A_2999, %dma_start3A_3000] : memref<576x128xf32, #tpu.memory_space<vmem>> -> memref<128x128xf32, #tpu.memory_space<vmem>>
    %dma_start3A_3002 = arith.constant 0 : i32
    %dma_start3A_3003 = tpu.memref_slice %arg6[%dma_start3A_2998, %dma_start3A_3002] : memref<5x128xi32, #tpu.memory_space<vmem>> -> memref<1x128xi32, #tpu.memory_space<vmem>>
    %dma_start3A_3004 = tpu.memref_squeeze %dma_start3A_3003 : memref<1x128xi32, #tpu.memory_space<vmem>> -> memref<128xi32, #tpu.memory_space<vmem>>
    %dma_start3A_3005 = arith.constant 0 : i32
    %dma_start3A_3006 = arith.constant 0 : i32
    %dma_start3A_3007 = tpu.memref_slice %arg3[%dma_start3A_3005, %dma_start3A_3006] : memref<98304x128xf32, #tpu.memory_space<hbm>> -> memref<98304x128xf32, #tpu.memory_space<hbm>>
    tpu.enqueue_indirect_dma source(%dma_start3A_3007 : memref<98304x128xf32, #tpu.memory_space<hbm>>) target(%dma_start3A_3001 : memref<128x128xf32, #tpu.memory_space<vmem>>) offsets(%dma_start3A_3004 : memref<128xi32, #tpu.memory_space<vmem>>) semaphore(%arg9 : memref<!tpu.dma_semaphore, #tpu.memory_space<semaphore_mem>>)
    %dma_start3A_3008 = arith.constant 3 : i32
    %dma_start3A_3009 = arith.constant 384 : i32
    %dma_start3A_3010 = arith.constant 0 : i32
    %dma_start3A_3011 = tpu.memref_slice %arg7[%dma_start3A_3009, %dma_start3A_3010] : memref<576x128xf32, #tpu.memory_space<vmem>> -> memref<128x128xf32, #tpu.memory_space<vmem>>
    %dma_start3A_3012 = arith.constant 0 : i32
    %dma_start3A_3013 = tpu.memref_slice %arg6[%dma_start3A_3008, %dma_start3A_3012] : memref<5x128xi32, #tpu.memory_space<vmem>> -> memref<1x128xi32, #tpu.memory_space<vmem>>
    %dma_start3A_3014 = tpu.memref_squeeze %dma_start3A_3013 : memref<1x128xi32, #tpu.memory_space<vmem>> -> memref<128xi32, #tpu.memory_space<vmem>>
    %dma_start3A_3015 = arith.constant 0 : i32
    %dma_start3A_3016 = arith.constant 0 : i32
    %dma_start3A_3017 = tpu.memref_slice %arg3[%dma_start3A_3015, %dma_start3A_3016] : memref<98304x128xf32, #tpu.memory_space<hbm>> -> memref<98304x128xf32, #tpu.memory_space<hbm>>
    tpu.enqueue_indirect_dma source(%dma_start3A_3017 : memref<98304x128xf32, #tpu.memory_space<hbm>>) target(%dma_start3A_3011 : memref<128x128xf32, #tpu.memory_space<vmem>>) offsets(%dma_start3A_3014 : memref<128xi32, #tpu.memory_space<vmem>>) semaphore(%arg9 : memref<!tpu.dma_semaphore, #tpu.memory_space<semaphore_mem>>)
    %dma_start3A_3018 = arith.constant 4 : i32
    %dma_start3A_3019 = arith.constant 512 : i32
    %dma_start3A_3020 = arith.constant 0 : i32
    %dma_start3A_3021 = tpu.memref_slice %arg7[%dma_start3A_3019, %dma_start3A_3020] : memref<576x128xf32, #tpu.memory_space<vmem>> -> memref<64x128xf32, #tpu.memory_space<vmem>>
    %dma_start3A_3022 = arith.constant 0 : i32
    %dma_start3A_3023 = tpu.memref_slice %arg6[%dma_start3A_3018, %dma_start3A_3022] : memref<5x128xi32, #tpu.memory_space<vmem>> -> memref<1x64xi32, #tpu.memory_space<vmem>>
    %dma_start3A_3024 = tpu.memref_squeeze %dma_start3A_3023 : memref<1x64xi32, #tpu.memory_space<vmem>> -> memref<64xi32, #tpu.memory_space<vmem>>
    %dma_start3A_3025 = arith.constant 0 : i32
    %dma_start3A_3026 = arith.constant 0 : i32
    %dma_start3A_3027 = tpu.memref_slice %arg3[%dma_start3A_3025, %dma_start3A_3026] : memref<98304x128xf32, #tpu.memory_space<hbm>> -> memref<98304x128xf32, #tpu.memory_space<hbm>>
    tpu.enqueue_indirect_dma source(%dma_start3A_3027 : memref<98304x128xf32, #tpu.memory_space<hbm>>) target(%dma_start3A_3021 : memref<64x128xf32, #tpu.memory_space<vmem>>) offsets(%dma_start3A_3024 : memref<64xi32, #tpu.memory_space<vmem>>) semaphore(%arg9 : memref<!tpu.dma_semaphore, #tpu.memory_space<semaphore_mem>>)
    %dma_wait3A_3028 = arith.constant 0 : i32
    %dma_wait3A_3029 = arith.constant 0 : i32
    %dma_wait3A_3030 = arith.constant 0 : i32
    %dma_wait3A_3031 = tpu.memref_slice %arg7[%dma_wait3A_3029, %dma_wait3A_3030] : memref<576x128xf32, #tpu.memory_space<vmem>> -> memref<128x128xf32, #tpu.memory_space<vmem>>
    %dma_wait3A_3032 = arith.constant 0 : i32
    %dma_wait3A_3033 = tpu.memref_slice %arg6[%dma_wait3A_3028, %dma_wait3A_3032] : memref<5x128xi32, #tpu.memory_space<vmem>> -> memref<1x128xi32, #tpu.memory_space<vmem>>
    %dma_wait3A_3034 = tpu.memref_squeeze %dma_wait3A_3033 : memref<1x128xi32, #tpu.memory_space<vmem>> -> memref<128xi32, #tpu.memory_space<vmem>>
    %dma_wait3A_3035 = arith.constant 0 : i32
    %dma_wait3A_3036 = arith.constant 0 : i32
    %dma_wait3A_3037 = tpu.memref_slice %arg3[%dma_wait3A_3035, %dma_wait3A_3036] : memref<98304x128xf32, #tpu.memory_space<hbm>> -> memref<98304x128xf32, #tpu.memory_space<hbm>>
    tpu.wait_indirect_dma semaphore(%arg9 : memref<!tpu.dma_semaphore, #tpu.memory_space<semaphore_mem>>) src(%dma_wait3A_3037 : memref<98304x128xf32, #tpu.memory_space<hbm>>) dst(%dma_wait3A_3031 : memref<128x128xf32, #tpu.memory_space<vmem>>)
    %mul3A_3038 = arith.mulf %convert_element_type3A_1675, %convert_element_type3A_1680 : vector<16xf32>
    %scan3A_3039 = arith.constant 0 : i32
    %scan3A_3040 = arith.constant 0 : i32
    %scan3A_3041 = arith.constant 16 : i32
    %scan3A_3042 = arith.addi %scan3A_3040, %scan3A_3041 : i32
    %scan3A_3043 = arith.constant 1 : i32
    scf.for %scan3A_3145 = %scan3A_3040 to %scan3A_3042 step %scan3A_3043  : i32 {
      %broadcast_in_dim3A_3146 = vector.broadcast %scan3A_3145 : i32 to vector<16xi32>
      %broadcast_in_dim3A_3147 = vector.shape_cast %broadcast_in_dim3A_3146 : vector<16xi32> to vector<16x1xi32>
      %gather3A_3148 = vector.shape_cast %broadcast_in_dim3A_3147 : vector<16x1xi32> to vector<16xi32>
      %gather3A_3149 = tpu.dynamic_gather %convert_element_type3A_1675[%gather3A_3148] in [0] : vector<16xf32>, vector<16xi32> -> vector<16xf32>
      %broadcast_in_dim3A_3150 = vector.shape_cast %broadcast_in_dim3A_3146 : vector<16xi32> to vector<16x1xi32>
      %gather3A_3151 = vector.shape_cast %broadcast_in_dim3A_3150 : vector<16x1xi32> to vector<16xi32>
      %gather3A_3152 = tpu.dynamic_gather %convert_element_type3A_1680[%gather3A_3151] in [0] : vector<16xf32>, vector<16xi32> -> vector<16xf32>
      %mul3A_3153 = arith.mulf %gather3A_3149, %gather3A_3152 : vector<16xf32>
      %broadcast_in_dim3A_3154 = vector.shape_cast %broadcast_in_dim3A_3146 : vector<16xi32> to vector<16x1xi32>
      %gather3A_3155 = vector.shape_cast %broadcast_in_dim3A_3154 : vector<16x1xi32> to vector<16xi32>
      %gather3A_3156 = tpu.dynamic_gather %select_n3A_1769[%gather3A_3155] in [0] : vector<16xf32>, vector<16xi32> -> vector<16xf32>
      %add3A_3157 = arith.constant 16 : i32
      %add3A_3158 = arith.addi %add3A_3157, %scan3A_3145 : i32
      %mul3A_3159 = arith.constant 189 : i32
      %mul3A_3160 = arith.muli %add3A_3158, %mul3A_3159 : i32
      %add3A_3161 = arith.constant 0 : i32
      %add3A_3162 = arith.addi %mul3A_3160, %add3A_3161 : i32
      %add3A_3163 = arith.constant 0 : i32
      %add3A_3164 = arith.addi %add3A_3163, %scan3A_3145 : i32
      %get3A = arith.index_cast %add3A_3164 : i32 to index
      %get3A_3165 = arith.constant 0 : index
      %get3A_3166 = tpu.vector_load %arg7[%get3A, %get3A_3165] {strides = array<i32>} : memref<576x128xf32, #tpu.memory_space<vmem>>, vector<16xf32>,
      %add3A_3167 = arith.constant 16 : i32
      %add3A_3168 = arith.addi %add3A_3167, %scan3A_3145 : i32
      %get3A_3169 = arith.index_cast %add3A_3168 : i32 to index
      %get3A_3170 = arith.constant 0 : index
      %get3A_3171 = tpu.vector_load %arg7[%get3A_3169, %get3A_3170] {strides = array<i32>} : memref<576x128xf32, #tpu.memory_space<vmem>>, vector<16xf32>,
      %add3A_3172 = arith.constant 32 : i32
      %add3A_3173 = arith.addi %add3A_3172, %scan3A_3145 : i32
      %get3A_3174 = arith.index_cast %add3A_3173 : i32 to index
      %get3A_3175 = arith.constant 0 : index
      %get3A_3176 = tpu.vector_load %arg7[%get3A_3174, %get3A_3175] {strides = array<i32>} : memref<576x128xf32, #tpu.memory_space<vmem>>, vector<16xf32>,
      %add3A_3177 = arith.constant 48 : i32
      %add3A_3178 = arith.addi %add3A_3177, %scan3A_3145 : i32
      %get3A_3179 = arith.index_cast %add3A_3178 : i32 to index
      %get3A_3180 = arith.constant 0 : index
      %get3A_3181 = tpu.vector_load %arg7[%get3A_3179, %get3A_3180] {strides = array<i32>} : memref<576x128xf32, #tpu.memory_space<vmem>>, vector<16xf32>,
      %mul3A_3182 = arith.mulf %gather3A_3149, %get3A_3171 : vector<16xf32>
      %sub3A_3183 = arith.subf %get3A_3166, %mul3A_3182 : vector<16xf32>
      %mul3A_3184 = arith.mulf %gather3A_3152, %get3A_3176 : vector<16xf32>
      %sub3A_3185 = arith.subf %sub3A_3183, %mul3A_3184 : vector<16xf32>
      %mul3A_3186 = arith.mulf %mul3A_3153, %get3A_3181 : vector<16xf32>
      %add3A_3187 = arith.addf %sub3A_3185, %mul3A_3186 : vector<16xf32>
      %mul3A_3188 = arith.mulf %add3A_3187, %gather3A_3156 : vector<16xf32>
      %add3A_3189 = arith.constant 0 : i32
      %add3A_3190 = vector.broadcast %add3A_3189 : i32 to vector<16xi32>
      %add3A_3191 = arith.addi %add3A_3190, %iota3A : vector<16xi32>
      %mul3A_3192 = arith.constant 9 : i32
      %mul3A_3193 = vector.broadcast %mul3A_3192 : i32 to vector<16xi32>
      %mul3A_3194 = arith.muli %add3A_3191, %mul3A_3193 : vector<16xi32>
      %add3A_3195 = vector.broadcast %add3A_3162 : i32 to vector<16xi32>
      %add3A_3196 = arith.addi %add3A_3195, %mul3A_3194 : vector<16xi32>
      tpu.vector_store_idx %arg8[%add3A_3196], %mul3A_3188 : memref<6048xf32, #tpu.memory_space<vmem>>[vector<16xi32>], vector<16xf32>,
      %add3A_3197 = arith.constant 0 : i32
      %add3A_3198 = arith.addi %add3A_3197, %scan3A_3145 : i32
      %get3A_3199 = arith.index_cast %add3A_3198 : i32 to index
      %get3A_3200 = arith.constant 16 : index
      %get3A_3201 = tpu.vector_load %arg7[%get3A_3199, %get3A_3200] {strides = array<i32>} : memref<576x128xf32, #tpu.memory_space<vmem>>, vector<16xf32>,
      %add3A_3202 = arith.constant 16 : i32
      %add3A_3203 = arith.addi %add3A_3202, %scan3A_3145 : i32
      %get3A_3204 = arith.index_cast %add3A_3203 : i32 to index
      %get3A_3205 = arith.constant 16 : index
      %get3A_3206 = tpu.vector_load %arg7[%get3A_3204, %get3A_3205] {strides = array<i32>} : memref<576x128xf32, #tpu.memory_space<vmem>>, vector<16xf32>,
      %add3A_3207 = arith.constant 32 : i32
      %add3A_3208 = arith.addi %add3A_3207, %scan3A_3145 : i32
      %get3A_3209 = arith.index_cast %add3A_3208 : i32 to index
      %get3A_3210 = arith.constant 16 : index
      %get3A_3211 = tpu.vector_load %arg7[%get3A_3209, %get3A_3210] {strides = array<i32>} : memref<576x128xf32, #tpu.memory_space<vmem>>, vector<16xf32>,
      %add3A_3212 = arith.constant 48 : i32
      %add3A_3213 = arith.addi %add3A_3212, %scan3A_3145 : i32
      %get3A_3214 = arith.index_cast %add3A_3213 : i32 to index
      %get3A_3215 = arith.constant 16 : index
      %get3A_3216 = tpu.vector_load %arg7[%get3A_3214, %get3A_3215] {strides = array<i32>} : memref<576x128xf32, #tpu.memory_space<vmem>>, vector<16xf32>,
      %mul3A_3217 = arith.mulf %gather3A_3149, %get3A_3206 : vector<16xf32>
      %sub3A_3218 = arith.subf %get3A_3201, %mul3A_3217 : vector<16xf32>
      %mul3A_3219 = arith.mulf %gather3A_3152, %get3A_3211 : vector<16xf32>
      %sub3A_3220 = arith.subf %sub3A_3218, %mul3A_3219 : vector<16xf32>
      %mul3A_3221 = arith.mulf %mul3A_3153, %get3A_3216 : vector<16xf32>
      %add3A_3222 = arith.addf %sub3A_3220, %mul3A_3221 : vector<16xf32>
      %mul3A_3223 = arith.mulf %add3A_3222, %gather3A_3156 : vector<16xf32>
      %add3A_3224 = arith.constant 16 : i32
      %add3A_3225 = vector.broadcast %add3A_3224 : i32 to vector<16xi32>
      %add3A_3226 = arith.addi %add3A_3225, %iota3A : vector<16xi32>
      %mul3A_3227 = arith.constant 9 : i32
      %mul3A_3228 = vector.broadcast %mul3A_3227 : i32 to vector<16xi32>
      %mul3A_3229 = arith.muli %add3A_3226, %mul3A_3228 : vector<16xi32>
      %add3A_3230 = vector.broadcast %add3A_3162 : i32 to vector<16xi32>
      %add3A_3231 = arith.addi %add3A_3230, %mul3A_3229 : vector<16xi32>
      %lt3A = arith.constant 5 : i32
      %lt3A_3232 = vector.broadcast %lt3A : i32 to vector<16xi32>
      %lt3A_3233 = arith.cmpi slt, %iota3A, %lt3A_3232 : vector<16xi32>
      tpu.vector_store_idx %arg8[%add3A_3231], %mul3A_3223 masked %lt3A_3233 : memref<6048xf32, #tpu.memory_space<vmem>>[vector<16xi32>], vector<16xf32>, vector<16xi1>
    }
    %scan3A_3044 = arith.constant 16 : i32
    %mul3A_3045 = arith.mulf %convert_element_type3A_1826, %convert_element_type3A_1831 : vector<16xf32>
    %scan3A_3046 = arith.constant 0 : i32
    %scan3A_3047 = arith.constant 0 : i32
    %scan3A_3048 = arith.constant 16 : i32
    %scan3A_3049 = arith.addi %scan3A_3047, %scan3A_3048 : i32
    %scan3A_3050 = arith.constant 1 : i32
    scf.for %scan3A_3145 = %scan3A_3047 to %scan3A_3049 step %scan3A_3050  : i32 {
      %broadcast_in_dim3A_3146 = vector.broadcast %scan3A_3145 : i32 to vector<16xi32>
      %broadcast_in_dim3A_3147 = vector.shape_cast %broadcast_in_dim3A_3146 : vector<16xi32> to vector<16x1xi32>
      %gather3A_3148 = vector.shape_cast %broadcast_in_dim3A_3147 : vector<16x1xi32> to vector<16xi32>
      %gather3A_3149 = tpu.dynamic_gather %convert_element_type3A_1826[%gather3A_3148] in [0] : vector<16xf32>, vector<16xi32> -> vector<16xf32>
      %broadcast_in_dim3A_3150 = vector.shape_cast %broadcast_in_dim3A_3146 : vector<16xi32> to vector<16x1xi32>
      %gather3A_3151 = vector.shape_cast %broadcast_in_dim3A_3150 : vector<16x1xi32> to vector<16xi32>
      %gather3A_3152 = tpu.dynamic_gather %convert_element_type3A_1831[%gather3A_3151] in [0] : vector<16xf32>, vector<16xi32> -> vector<16xf32>
      %mul3A_3153 = arith.mulf %gather3A_3149, %gather3A_3152 : vector<16xf32>
      %broadcast_in_dim3A_3154 = vector.shape_cast %broadcast_in_dim3A_3146 : vector<16xi32> to vector<16x1xi32>
      %gather3A_3155 = vector.shape_cast %broadcast_in_dim3A_3154 : vector<16x1xi32> to vector<16xi32>
      %gather3A_3156 = tpu.dynamic_gather %select_n3A_1920[%gather3A_3155] in [0] : vector<16xf32>, vector<16xi32> -> vector<16xf32>
      %add3A_3157 = arith.constant 16 : i32
      %add3A_3158 = arith.addi %add3A_3157, %scan3A_3145 : i32
      %mul3A_3159 = arith.constant 189 : i32
      %mul3A_3160 = arith.muli %add3A_3158, %mul3A_3159 : i32
      %add3A_3161 = arith.constant 1 : i32
      %add3A_3162 = arith.addi %mul3A_3160, %add3A_3161 : i32
      %add3A_3163 = arith.constant 64 : i32
      %add3A_3164 = arith.addi %add3A_3163, %scan3A_3145 : i32
      %get3A = arith.index_cast %add3A_3164 : i32 to index
      %get3A_3165 = arith.constant 21 : index
      %get3A_3166 = tpu.vector_load %arg7[%get3A, %get3A_3165] {strides = array<i32>} : memref<576x128xf32, #tpu.memory_space<vmem>>, vector<16xf32>,
      %add3A_3167 = arith.constant 80 : i32
      %add3A_3168 = arith.addi %add3A_3167, %scan3A_3145 : i32
      %get3A_3169 = arith.index_cast %add3A_3168 : i32 to index
      %get3A_3170 = arith.constant 21 : index
      %get3A_3171 = tpu.vector_load %arg7[%get3A_3169, %get3A_3170] {strides = array<i32>} : memref<576x128xf32, #tpu.memory_space<vmem>>, vector<16xf32>,
      %add3A_3172 = arith.constant 96 : i32
      %add3A_3173 = arith.addi %add3A_3172, %scan3A_3145 : i32
      %get3A_3174 = arith.index_cast %add3A_3173 : i32 to index
      %get3A_3175 = arith.constant 21 : index
      %get3A_3176 = tpu.vector_load %arg7[%get3A_3174, %get3A_3175] {strides = array<i32>} : memref<576x128xf32, #tpu.memory_space<vmem>>, vector<16xf32>,
      %add3A_3177 = arith.constant 112 : i32
      %add3A_3178 = arith.addi %add3A_3177, %scan3A_3145 : i32
      %get3A_3179 = arith.index_cast %add3A_3178 : i32 to index
      %get3A_3180 = arith.constant 21 : index
      %get3A_3181 = tpu.vector_load %arg7[%get3A_3179, %get3A_3180] {strides = array<i32>} : memref<576x128xf32, #tpu.memory_space<vmem>>, vector<16xf32>,
      %mul3A_3182 = arith.mulf %gather3A_3149, %get3A_3171 : vector<16xf32>
      %sub3A_3183 = arith.subf %get3A_3166, %mul3A_3182 : vector<16xf32>
      %mul3A_3184 = arith.mulf %gather3A_3152, %get3A_3176 : vector<16xf32>
      %sub3A_3185 = arith.subf %sub3A_3183, %mul3A_3184 : vector<16xf32>
      %mul3A_3186 = arith.mulf %mul3A_3153, %get3A_3181 : vector<16xf32>
      %add3A_3187 = arith.addf %sub3A_3185, %mul3A_3186 : vector<16xf32>
      %mul3A_3188 = arith.mulf %add3A_3187, %gather3A_3156 : vector<16xf32>
      %add3A_3189 = arith.constant 0 : i32
      %add3A_3190 = vector.broadcast %add3A_3189 : i32 to vector<16xi32>
      %add3A_3191 = arith.addi %add3A_3190, %iota3A : vector<16xi32>
      %mul3A_3192 = arith.constant 9 : i32
      %mul3A_3193 = vector.broadcast %mul3A_3192 : i32 to vector<16xi32>
      %mul3A_3194 = arith.muli %add3A_3191, %mul3A_3193 : vector<16xi32>
      %add3A_3195 = vector.broadcast %add3A_3162 : i32 to vector<16xi32>
      %add3A_3196 = arith.addi %add3A_3195, %mul3A_3194 : vector<16xi32>
      tpu.vector_store_idx %arg8[%add3A_3196], %mul3A_3188 : memref<6048xf32, #tpu.memory_space<vmem>>[vector<16xi32>], vector<16xf32>,
      %add3A_3197 = arith.constant 64 : i32
      %add3A_3198 = arith.addi %add3A_3197, %scan3A_3145 : i32
      %get3A_3199 = arith.index_cast %add3A_3198 : i32 to index
      %get3A_3200 = arith.constant 37 : index
      %get3A_3201 = tpu.vector_load %arg7[%get3A_3199, %get3A_3200] {strides = array<i32>} : memref<576x128xf32, #tpu.memory_space<vmem>>, vector<16xf32>,
      %add3A_3202 = arith.constant 80 : i32
      %add3A_3203 = arith.addi %add3A_3202, %scan3A_3145 : i32
      %get3A_3204 = arith.index_cast %add3A_3203 : i32 to index
      %get3A_3205 = arith.constant 37 : index
      %get3A_3206 = tpu.vector_load %arg7[%get3A_3204, %get3A_3205] {strides = array<i32>} : memref<576x128xf32, #tpu.memory_space<vmem>>, vector<16xf32>,
      %add3A_3207 = arith.constant 96 : i32
      %add3A_3208 = arith.addi %add3A_3207, %scan3A_3145 : i32
      %get3A_3209 = arith.index_cast %add3A_3208 : i32 to index
      %get3A_3210 = arith.constant 37 : index
      %get3A_3211 = tpu.vector_load %arg7[%get3A_3209, %get3A_3210] {strides = array<i32>} : memref<576x128xf32, #tpu.memory_space<vmem>>, vector<16xf32>,
      %add3A_3212 = arith.constant 112 : i32
      %add3A_3213 = arith.addi %add3A_3212, %scan3A_3145 : i32
      %get3A_3214 = arith.index_cast %add3A_3213 : i32 to index
      %get3A_3215 = arith.constant 37 : index
      %get3A_3216 = tpu.vector_load %arg7[%get3A_3214, %get3A_3215] {strides = array<i32>} : memref<576x128xf32, #tpu.memory_space<vmem>>, vector<16xf32>,
      %mul3A_3217 = arith.mulf %gather3A_3149, %get3A_3206 : vector<16xf32>
      %sub3A_3218 = arith.subf %get3A_3201, %mul3A_3217 : vector<16xf32>
      %mul3A_3219 = arith.mulf %gather3A_3152, %get3A_3211 : vector<16xf32>
      %sub3A_3220 = arith.subf %sub3A_3218, %mul3A_3219 : vector<16xf32>
      %mul3A_3221 = arith.mulf %mul3A_3153, %get3A_3216 : vector<16xf32>
      %add3A_3222 = arith.addf %sub3A_3220, %mul3A_3221 : vector<16xf32>
      %mul3A_3223 = arith.mulf %add3A_3222, %gather3A_3156 : vector<16xf32>
      %add3A_3224 = arith.constant 16 : i32
      %add3A_3225 = vector.broadcast %add3A_3224 : i32 to vector<16xi32>
      %add3A_3226 = arith.addi %add3A_3225, %iota3A : vector<16xi32>
      %mul3A_3227 = arith.constant 9 : i32
      %mul3A_3228 = vector.broadcast %mul3A_3227 : i32 to vector<16xi32>
      %mul3A_3229 = arith.muli %add3A_3226, %mul3A_3228 : vector<16xi32>
      %add3A_3230 = vector.broadcast %add3A_3162 : i32 to vector<16xi32>
      %add3A_3231 = arith.addi %add3A_3230, %mul3A_3229 : vector<16xi32>
      %lt3A = arith.constant 5 : i32
      %lt3A_3232 = vector.broadcast %lt3A : i32 to vector<16xi32>
      %lt3A_3233 = arith.cmpi slt, %iota3A, %lt3A_3232 : vector<16xi32>
      tpu.vector_store_idx %arg8[%add3A_3231], %mul3A_3223 masked %lt3A_3233 : memref<6048xf32, #tpu.memory_space<vmem>>[vector<16xi32>], vector<16xf32>, vector<16xi1>
    }
    %scan3A_3051 = arith.constant 16 : i32
    %dma_wait3A_3052 = arith.constant 1 : i32
    %dma_wait3A_3053 = arith.constant 128 : i32
    %dma_wait3A_3054 = arith.constant 0 : i32
    %dma_wait3A_3055 = tpu.memref_slice %arg7[%dma_wait3A_3053, %dma_wait3A_3054] : memref<576x128xf32, #tpu.memory_space<vmem>> -> memref<128x128xf32, #tpu.memory_space<vmem>>
    %dma_wait3A_3056 = arith.constant 0 : i32
    %dma_wait3A_3057 = tpu.memref_slice %arg6[%dma_wait3A_3052, %dma_wait3A_3056] : memref<5x128xi32, #tpu.memory_space<vmem>> -> memref<1x128xi32, #tpu.memory_space<vmem>>
    %dma_wait3A_3058 = tpu.memref_squeeze %dma_wait3A_3057 : memref<1x128xi32, #tpu.memory_space<vmem>> -> memref<128xi32, #tpu.memory_space<vmem>>
    %dma_wait3A_3059 = arith.constant 0 : i32
    %dma_wait3A_3060 = arith.constant 0 : i32
    %dma_wait3A_3061 = tpu.memref_slice %arg3[%dma_wait3A_3059, %dma_wait3A_3060] : memref<98304x128xf32, #tpu.memory_space<hbm>> -> memref<98304x128xf32, #tpu.memory_space<hbm>>
    tpu.wait_indirect_dma semaphore(%arg9 : memref<!tpu.dma_semaphore, #tpu.memory_space<semaphore_mem>>) src(%dma_wait3A_3061 : memref<98304x128xf32, #tpu.memory_space<hbm>>) dst(%dma_wait3A_3055 : memref<128x128xf32, #tpu.memory_space<vmem>>)
    %mul3A_3062 = arith.mulf %convert_element_type3A_1977, %convert_element_type3A_1982 : vector<16xf32>
    %scan3A_3063 = arith.constant 0 : i32
    %scan3A_3064 = arith.constant 0 : i32
    %scan3A_3065 = arith.constant 16 : i32
    %scan3A_3066 = arith.addi %scan3A_3064, %scan3A_3065 : i32
    %scan3A_3067 = arith.constant 1 : i32
    scf.for %scan3A_3145 = %scan3A_3064 to %scan3A_3066 step %scan3A_3067  : i32 {
      %broadcast_in_dim3A_3146 = vector.broadcast %scan3A_3145 : i32 to vector<16xi32>
      %broadcast_in_dim3A_3147 = vector.shape_cast %broadcast_in_dim3A_3146 : vector<16xi32> to vector<16x1xi32>
      %gather3A_3148 = vector.shape_cast %broadcast_in_dim3A_3147 : vector<16x1xi32> to vector<16xi32>
      %gather3A_3149 = tpu.dynamic_gather %convert_element_type3A_1977[%gather3A_3148] in [0] : vector<16xf32>, vector<16xi32> -> vector<16xf32>
      %broadcast_in_dim3A_3150 = vector.shape_cast %broadcast_in_dim3A_3146 : vector<16xi32> to vector<16x1xi32>
      %gather3A_3151 = vector.shape_cast %broadcast_in_dim3A_3150 : vector<16x1xi32> to vector<16xi32>
      %gather3A_3152 = tpu.dynamic_gather %convert_element_type3A_1982[%gather3A_3151] in [0] : vector<16xf32>, vector<16xi32> -> vector<16xf32>
      %mul3A_3153 = arith.mulf %gather3A_3149, %gather3A_3152 : vector<16xf32>
      %broadcast_in_dim3A_3154 = vector.shape_cast %broadcast_in_dim3A_3146 : vector<16xi32> to vector<16x1xi32>
      %gather3A_3155 = vector.shape_cast %broadcast_in_dim3A_3154 : vector<16x1xi32> to vector<16xi32>
      %gather3A_3156 = tpu.dynamic_gather %select_n3A_2071[%gather3A_3155] in [0] : vector<16xf32>, vector<16xi32> -> vector<16xf32>
      %add3A_3157 = arith.constant 16 : i32
      %add3A_3158 = arith.addi %add3A_3157, %scan3A_3145 : i32
      %mul3A_3159 = arith.constant 189 : i32
      %mul3A_3160 = arith.muli %add3A_3158, %mul3A_3159 : i32
      %add3A_3161 = arith.constant 2 : i32
      %add3A_3162 = arith.addi %mul3A_3160, %add3A_3161 : i32
      %add3A_3163 = arith.constant 128 : i32
      %add3A_3164 = arith.addi %add3A_3163, %scan3A_3145 : i32
      %get3A = arith.index_cast %add3A_3164 : i32 to index
      %get3A_3165 = arith.constant 42 : index
      %get3A_3166 = tpu.vector_load %arg7[%get3A, %get3A_3165] {strides = array<i32>} : memref<576x128xf32, #tpu.memory_space<vmem>>, vector<16xf32>,
      %add3A_3167 = arith.constant 144 : i32
      %add3A_3168 = arith.addi %add3A_3167, %scan3A_3145 : i32
      %get3A_3169 = arith.index_cast %add3A_3168 : i32 to index
      %get3A_3170 = arith.constant 42 : index
      %get3A_3171 = tpu.vector_load %arg7[%get3A_3169, %get3A_3170] {strides = array<i32>} : memref<576x128xf32, #tpu.memory_space<vmem>>, vector<16xf32>,
      %add3A_3172 = arith.constant 160 : i32
      %add3A_3173 = arith.addi %add3A_3172, %scan3A_3145 : i32
      %get3A_3174 = arith.index_cast %add3A_3173 : i32 to index
      %get3A_3175 = arith.constant 42 : index
      %get3A_3176 = tpu.vector_load %arg7[%get3A_3174, %get3A_3175] {strides = array<i32>} : memref<576x128xf32, #tpu.memory_space<vmem>>, vector<16xf32>,
      %add3A_3177 = arith.constant 176 : i32
      %add3A_3178 = arith.addi %add3A_3177, %scan3A_3145 : i32
      %get3A_3179 = arith.index_cast %add3A_3178 : i32 to index
      %get3A_3180 = arith.constant 42 : index
      %get3A_3181 = tpu.vector_load %arg7[%get3A_3179, %get3A_3180] {strides = array<i32>} : memref<576x128xf32, #tpu.memory_space<vmem>>, vector<16xf32>,
      %mul3A_3182 = arith.mulf %gather3A_3149, %get3A_3171 : vector<16xf32>
      %sub3A_3183 = arith.subf %get3A_3166, %mul3A_3182 : vector<16xf32>
      %mul3A_3184 = arith.mulf %gather3A_3152, %get3A_3176 : vector<16xf32>
      %sub3A_3185 = arith.subf %sub3A_3183, %mul3A_3184 : vector<16xf32>
      %mul3A_3186 = arith.mulf %mul3A_3153, %get3A_3181 : vector<16xf32>
      %add3A_3187 = arith.addf %sub3A_3185, %mul3A_3186 : vector<16xf32>
      %mul3A_3188 = arith.mulf %add3A_3187, %gather3A_3156 : vector<16xf32>
      %add3A_3189 = arith.constant 0 : i32
      %add3A_3190 = vector.broadcast %add3A_3189 : i32 to vector<16xi32>
      %add3A_3191 = arith.addi %add3A_3190, %iota3A : vector<16xi32>
      %mul3A_3192 = arith.constant 9 : i32
      %mul3A_3193 = vector.broadcast %mul3A_3192 : i32 to vector<16xi32>
      %mul3A_3194 = arith.muli %add3A_3191, %mul3A_3193 : vector<16xi32>
      %add3A_3195 = vector.broadcast %add3A_3162 : i32 to vector<16xi32>
      %add3A_3196 = arith.addi %add3A_3195, %mul3A_3194 : vector<16xi32>
      tpu.vector_store_idx %arg8[%add3A_3196], %mul3A_3188 : memref<6048xf32, #tpu.memory_space<vmem>>[vector<16xi32>], vector<16xf32>,
      %add3A_3197 = arith.constant 128 : i32
      %add3A_3198 = arith.addi %add3A_3197, %scan3A_3145 : i32
      %get3A_3199 = arith.index_cast %add3A_3198 : i32 to index
      %get3A_3200 = arith.constant 58 : index
      %get3A_3201 = tpu.vector_load %arg7[%get3A_3199, %get3A_3200] {strides = array<i32>} : memref<576x128xf32, #tpu.memory_space<vmem>>, vector<16xf32>,
      %add3A_3202 = arith.constant 144 : i32
      %add3A_3203 = arith.addi %add3A_3202, %scan3A_3145 : i32
      %get3A_3204 = arith.index_cast %add3A_3203 : i32 to index
      %get3A_3205 = arith.constant 58 : index
      %get3A_3206 = tpu.vector_load %arg7[%get3A_3204, %get3A_3205] {strides = array<i32>} : memref<576x128xf32, #tpu.memory_space<vmem>>, vector<16xf32>,
      %add3A_3207 = arith.constant 160 : i32
      %add3A_3208 = arith.addi %add3A_3207, %scan3A_3145 : i32
      %get3A_3209 = arith.index_cast %add3A_3208 : i32 to index
      %get3A_3210 = arith.constant 58 : index
      %get3A_3211 = tpu.vector_load %arg7[%get3A_3209, %get3A_3210] {strides = array<i32>} : memref<576x128xf32, #tpu.memory_space<vmem>>, vector<16xf32>,
      %add3A_3212 = arith.constant 176 : i32
      %add3A_3213 = arith.addi %add3A_3212, %scan3A_3145 : i32
      %get3A_3214 = arith.index_cast %add3A_3213 : i32 to index
      %get3A_3215 = arith.constant 58 : index
      %get3A_3216 = tpu.vector_load %arg7[%get3A_3214, %get3A_3215] {strides = array<i32>} : memref<576x128xf32, #tpu.memory_space<vmem>>, vector<16xf32>,
      %mul3A_3217 = arith.mulf %gather3A_3149, %get3A_3206 : vector<16xf32>
      %sub3A_3218 = arith.subf %get3A_3201, %mul3A_3217 : vector<16xf32>
      %mul3A_3219 = arith.mulf %gather3A_3152, %get3A_3211 : vector<16xf32>
      %sub3A_3220 = arith.subf %sub3A_3218, %mul3A_3219 : vector<16xf32>
      %mul3A_3221 = arith.mulf %mul3A_3153, %get3A_3216 : vector<16xf32>
      %add3A_3222 = arith.addf %sub3A_3220, %mul3A_3221 : vector<16xf32>
      %mul3A_3223 = arith.mulf %add3A_3222, %gather3A_3156 : vector<16xf32>
      %add3A_3224 = arith.constant 16 : i32
      %add3A_3225 = vector.broadcast %add3A_3224 : i32 to vector<16xi32>
      %add3A_3226 = arith.addi %add3A_3225, %iota3A : vector<16xi32>
      %mul3A_3227 = arith.constant 9 : i32
      %mul3A_3228 = vector.broadcast %mul3A_3227 : i32 to vector<16xi32>
      %mul3A_3229 = arith.muli %add3A_3226, %mul3A_3228 : vector<16xi32>
      %add3A_3230 = vector.broadcast %add3A_3162 : i32 to vector<16xi32>
      %add3A_3231 = arith.addi %add3A_3230, %mul3A_3229 : vector<16xi32>
      %lt3A = arith.constant 5 : i32
      %lt3A_3232 = vector.broadcast %lt3A : i32 to vector<16xi32>
      %lt3A_3233 = arith.cmpi slt, %iota3A, %lt3A_3232 : vector<16xi32>
      tpu.vector_store_idx %arg8[%add3A_3231], %mul3A_3223 masked %lt3A_3233 : memref<6048xf32, #tpu.memory_space<vmem>>[vector<16xi32>], vector<16xf32>, vector<16xi1>
    }
    %scan3A_3068 = arith.constant 16 : i32
    %mul3A_3069 = arith.mulf %convert_element_type3A_2128, %convert_element_type3A_2133 : vector<16xf32>
    %scan3A_3070 = arith.constant 0 : i32
    %scan3A_3071 = arith.constant 0 : i32
    %scan3A_3072 = arith.constant 16 : i32
    %scan3A_3073 = arith.addi %scan3A_3071, %scan3A_3072 : i32
    %scan3A_3074 = arith.constant 1 : i32
    scf.for %scan3A_3145 = %scan3A_3071 to %scan3A_3073 step %scan3A_3074  : i32 {
      %broadcast_in_dim3A_3146 = vector.broadcast %scan3A_3145 : i32 to vector<16xi32>
      %broadcast_in_dim3A_3147 = vector.shape_cast %broadcast_in_dim3A_3146 : vector<16xi32> to vector<16x1xi32>
      %gather3A_3148 = vector.shape_cast %broadcast_in_dim3A_3147 : vector<16x1xi32> to vector<16xi32>
      %gather3A_3149 = tpu.dynamic_gather %convert_element_type3A_2128[%gather3A_3148] in [0] : vector<16xf32>, vector<16xi32> -> vector<16xf32>
      %broadcast_in_dim3A_3150 = vector.shape_cast %broadcast_in_dim3A_3146 : vector<16xi32> to vector<16x1xi32>
      %gather3A_3151 = vector.shape_cast %broadcast_in_dim3A_3150 : vector<16x1xi32> to vector<16xi32>
      %gather3A_3152 = tpu.dynamic_gather %convert_element_type3A_2133[%gather3A_3151] in [0] : vector<16xf32>, vector<16xi32> -> vector<16xf32>
      %mul3A_3153 = arith.mulf %gather3A_3149, %gather3A_3152 : vector<16xf32>
      %broadcast_in_dim3A_3154 = vector.shape_cast %broadcast_in_dim3A_3146 : vector<16xi32> to vector<16x1xi32>
      %gather3A_3155 = vector.shape_cast %broadcast_in_dim3A_3154 : vector<16x1xi32> to vector<16xi32>
      %gather3A_3156 = tpu.dynamic_gather %select_n3A_2222[%gather3A_3155] in [0] : vector<16xf32>, vector<16xi32> -> vector<16xf32>
      %add3A_3157 = arith.constant 16 : i32
      %add3A_3158 = arith.addi %add3A_3157, %scan3A_3145 : i32
      %mul3A_3159 = arith.constant 189 : i32
      %mul3A_3160 = arith.muli %add3A_3158, %mul3A_3159 : i32
      %add3A_3161 = arith.constant 3 : i32
      %add3A_3162 = arith.addi %mul3A_3160, %add3A_3161 : i32
      %add3A_3163 = arith.constant 192 : i32
      %add3A_3164 = arith.addi %add3A_3163, %scan3A_3145 : i32
      %get3A = arith.index_cast %add3A_3164 : i32 to index
      %get3A_3165 = arith.constant 0 : index
      %get3A_3166 = tpu.vector_load %arg7[%get3A, %get3A_3165] {strides = array<i32>} : memref<576x128xf32, #tpu.memory_space<vmem>>, vector<16xf32>,
      %add3A_3167 = arith.constant 208 : i32
      %add3A_3168 = arith.addi %add3A_3167, %scan3A_3145 : i32
      %get3A_3169 = arith.index_cast %add3A_3168 : i32 to index
      %get3A_3170 = arith.constant 0 : index
      %get3A_3171 = tpu.vector_load %arg7[%get3A_3169, %get3A_3170] {strides = array<i32>} : memref<576x128xf32, #tpu.memory_space<vmem>>, vector<16xf32>,
      %add3A_3172 = arith.constant 224 : i32
      %add3A_3173 = arith.addi %add3A_3172, %scan3A_3145 : i32
      %get3A_3174 = arith.index_cast %add3A_3173 : i32 to index
      %get3A_3175 = arith.constant 0 : index
      %get3A_3176 = tpu.vector_load %arg7[%get3A_3174, %get3A_3175] {strides = array<i32>} : memref<576x128xf32, #tpu.memory_space<vmem>>, vector<16xf32>,
      %add3A_3177 = arith.constant 240 : i32
      %add3A_3178 = arith.addi %add3A_3177, %scan3A_3145 : i32
      %get3A_3179 = arith.index_cast %add3A_3178 : i32 to index
      %get3A_3180 = arith.constant 0 : index
      %get3A_3181 = tpu.vector_load %arg7[%get3A_3179, %get3A_3180] {strides = array<i32>} : memref<576x128xf32, #tpu.memory_space<vmem>>, vector<16xf32>,
      %mul3A_3182 = arith.mulf %gather3A_3149, %get3A_3171 : vector<16xf32>
      %sub3A_3183 = arith.subf %get3A_3166, %mul3A_3182 : vector<16xf32>
      %mul3A_3184 = arith.mulf %gather3A_3152, %get3A_3176 : vector<16xf32>
      %sub3A_3185 = arith.subf %sub3A_3183, %mul3A_3184 : vector<16xf32>
      %mul3A_3186 = arith.mulf %mul3A_3153, %get3A_3181 : vector<16xf32>
      %add3A_3187 = arith.addf %sub3A_3185, %mul3A_3186 : vector<16xf32>
      %mul3A_3188 = arith.mulf %add3A_3187, %gather3A_3156 : vector<16xf32>
      %add3A_3189 = arith.constant 0 : i32
      %add3A_3190 = vector.broadcast %add3A_3189 : i32 to vector<16xi32>
      %add3A_3191 = arith.addi %add3A_3190, %iota3A : vector<16xi32>
      %mul3A_3192 = arith.constant 9 : i32
      %mul3A_3193 = vector.broadcast %mul3A_3192 : i32 to vector<16xi32>
      %mul3A_3194 = arith.muli %add3A_3191, %mul3A_3193 : vector<16xi32>
      %add3A_3195 = vector.broadcast %add3A_3162 : i32 to vector<16xi32>
      %add3A_3196 = arith.addi %add3A_3195, %mul3A_3194 : vector<16xi32>
      tpu.vector_store_idx %arg8[%add3A_3196], %mul3A_3188 : memref<6048xf32, #tpu.memory_space<vmem>>[vector<16xi32>], vector<16xf32>,
      %add3A_3197 = arith.constant 192 : i32
      %add3A_3198 = arith.addi %add3A_3197, %scan3A_3145 : i32
      %get3A_3199 = arith.index_cast %add3A_3198 : i32 to index
      %get3A_3200 = arith.constant 16 : index
      %get3A_3201 = tpu.vector_load %arg7[%get3A_3199, %get3A_3200] {strides = array<i32>} : memref<576x128xf32, #tpu.memory_space<vmem>>, vector<16xf32>,
      %add3A_3202 = arith.constant 208 : i32
      %add3A_3203 = arith.addi %add3A_3202, %scan3A_3145 : i32
      %get3A_3204 = arith.index_cast %add3A_3203 : i32 to index
      %get3A_3205 = arith.constant 16 : index
      %get3A_3206 = tpu.vector_load %arg7[%get3A_3204, %get3A_3205] {strides = array<i32>} : memref<576x128xf32, #tpu.memory_space<vmem>>, vector<16xf32>,
      %add3A_3207 = arith.constant 224 : i32
      %add3A_3208 = arith.addi %add3A_3207, %scan3A_3145 : i32
      %get3A_3209 = arith.index_cast %add3A_3208 : i32 to index
      %get3A_3210 = arith.constant 16 : index
      %get3A_3211 = tpu.vector_load %arg7[%get3A_3209, %get3A_3210] {strides = array<i32>} : memref<576x128xf32, #tpu.memory_space<vmem>>, vector<16xf32>,
      %add3A_3212 = arith.constant 240 : i32
      %add3A_3213 = arith.addi %add3A_3212, %scan3A_3145 : i32
      %get3A_3214 = arith.index_cast %add3A_3213 : i32 to index
      %get3A_3215 = arith.constant 16 : index
      %get3A_3216 = tpu.vector_load %arg7[%get3A_3214, %get3A_3215] {strides = array<i32>} : memref<576x128xf32, #tpu.memory_space<vmem>>, vector<16xf32>,
      %mul3A_3217 = arith.mulf %gather3A_3149, %get3A_3206 : vector<16xf32>
      %sub3A_3218 = arith.subf %get3A_3201, %mul3A_3217 : vector<16xf32>
      %mul3A_3219 = arith.mulf %gather3A_3152, %get3A_3211 : vector<16xf32>
      %sub3A_3220 = arith.subf %sub3A_3218, %mul3A_3219 : vector<16xf32>
      %mul3A_3221 = arith.mulf %mul3A_3153, %get3A_3216 : vector<16xf32>
      %add3A_3222 = arith.addf %sub3A_3220, %mul3A_3221 : vector<16xf32>
      %mul3A_3223 = arith.mulf %add3A_3222, %gather3A_3156 : vector<16xf32>
      %add3A_3224 = arith.constant 16 : i32
      %add3A_3225 = vector.broadcast %add3A_3224 : i32 to vector<16xi32>
      %add3A_3226 = arith.addi %add3A_3225, %iota3A : vector<16xi32>
      %mul3A_3227 = arith.constant 9 : i32
      %mul3A_3228 = vector.broadcast %mul3A_3227 : i32 to vector<16xi32>
      %mul3A_3229 = arith.muli %add3A_3226, %mul3A_3228 : vector<16xi32>
      %add3A_3230 = vector.broadcast %add3A_3162 : i32 to vector<16xi32>
      %add3A_3231 = arith.addi %add3A_3230, %mul3A_3229 : vector<16xi32>
      %lt3A = arith.constant 5 : i32
      %lt3A_3232 = vector.broadcast %lt3A : i32 to vector<16xi32>
      %lt3A_3233 = arith.cmpi slt, %iota3A, %lt3A_3232 : vector<16xi32>
      tpu.vector_store_idx %arg8[%add3A_3231], %mul3A_3223 masked %lt3A_3233 : memref<6048xf32, #tpu.memory_space<vmem>>[vector<16xi32>], vector<16xf32>, vector<16xi1>
    }
    %scan3A_3075 = arith.constant 16 : i32
    %dma_wait3A_3076 = arith.constant 2 : i32
    %dma_wait3A_3077 = arith.constant 256 : i32
    %dma_wait3A_3078 = arith.constant 0 : i32
    %dma_wait3A_3079 = tpu.memref_slice %arg7[%dma_wait3A_3077, %dma_wait3A_3078] : memref<576x128xf32, #tpu.memory_space<vmem>> -> memref<128x128xf32, #tpu.memory_space<vmem>>
    %dma_wait3A_3080 = arith.constant 0 : i32
    %dma_wait3A_3081 = tpu.memref_slice %arg6[%dma_wait3A_3076, %dma_wait3A_3080] : memref<5x128xi32, #tpu.memory_space<vmem>> -> memref<1x128xi32, #tpu.memory_space<vmem>>
    %dma_wait3A_3082 = tpu.memref_squeeze %dma_wait3A_3081 : memref<1x128xi32, #tpu.memory_space<vmem>> -> memref<128xi32, #tpu.memory_space<vmem>>
    %dma_wait3A_3083 = arith.constant 0 : i32
    %dma_wait3A_3084 = arith.constant 0 : i32
    %dma_wait3A_3085 = tpu.memref_slice %arg3[%dma_wait3A_3083, %dma_wait3A_3084] : memref<98304x128xf32, #tpu.memory_space<hbm>> -> memref<98304x128xf32, #tpu.memory_space<hbm>>
    tpu.wait_indirect_dma semaphore(%arg9 : memref<!tpu.dma_semaphore, #tpu.memory_space<semaphore_mem>>) src(%dma_wait3A_3085 : memref<98304x128xf32, #tpu.memory_space<hbm>>) dst(%dma_wait3A_3079 : memref<128x128xf32, #tpu.memory_space<vmem>>)
    %mul3A_3086 = arith.mulf %convert_element_type3A_2279, %convert_element_type3A_2284 : vector<16xf32>
    %scan3A_3087 = arith.constant 0 : i32
    %scan3A_3088 = arith.constant 0 : i32
    %scan3A_3089 = arith.constant 16 : i32
    %scan3A_3090 = arith.addi %scan3A_3088, %scan3A_3089 : i32
    %scan3A_3091 = arith.constant 1 : i32
    scf.for %scan3A_3145 = %scan3A_3088 to %scan3A_3090 step %scan3A_3091  : i32 {
      %broadcast_in_dim3A_3146 = vector.broadcast %scan3A_3145 : i32 to vector<16xi32>
      %broadcast_in_dim3A_3147 = vector.shape_cast %broadcast_in_dim3A_3146 : vector<16xi32> to vector<16x1xi32>
      %gather3A_3148 = vector.shape_cast %broadcast_in_dim3A_3147 : vector<16x1xi32> to vector<16xi32>
      %gather3A_3149 = tpu.dynamic_gather %convert_element_type3A_2279[%gather3A_3148] in [0] : vector<16xf32>, vector<16xi32> -> vector<16xf32>
      %broadcast_in_dim3A_3150 = vector.shape_cast %broadcast_in_dim3A_3146 : vector<16xi32> to vector<16x1xi32>
      %gather3A_3151 = vector.shape_cast %broadcast_in_dim3A_3150 : vector<16x1xi32> to vector<16xi32>
      %gather3A_3152 = tpu.dynamic_gather %convert_element_type3A_2284[%gather3A_3151] in [0] : vector<16xf32>, vector<16xi32> -> vector<16xf32>
      %mul3A_3153 = arith.mulf %gather3A_3149, %gather3A_3152 : vector<16xf32>
      %broadcast_in_dim3A_3154 = vector.shape_cast %broadcast_in_dim3A_3146 : vector<16xi32> to vector<16x1xi32>
      %gather3A_3155 = vector.shape_cast %broadcast_in_dim3A_3154 : vector<16x1xi32> to vector<16xi32>
      %gather3A_3156 = tpu.dynamic_gather %select_n3A_2373[%gather3A_3155] in [0] : vector<16xf32>, vector<16xi32> -> vector<16xf32>
      %add3A_3157 = arith.constant 16 : i32
      %add3A_3158 = arith.addi %add3A_3157, %scan3A_3145 : i32
      %mul3A_3159 = arith.constant 189 : i32
      %mul3A_3160 = arith.muli %add3A_3158, %mul3A_3159 : i32
      %add3A_3161 = arith.constant 4 : i32
      %add3A_3162 = arith.addi %mul3A_3160, %add3A_3161 : i32
      %add3A_3163 = arith.constant 256 : i32
      %add3A_3164 = arith.addi %add3A_3163, %scan3A_3145 : i32
      %get3A = arith.index_cast %add3A_3164 : i32 to index
      %get3A_3165 = arith.constant 21 : index
      %get3A_3166 = tpu.vector_load %arg7[%get3A, %get3A_3165] {strides = array<i32>} : memref<576x128xf32, #tpu.memory_space<vmem>>, vector<16xf32>,
      %add3A_3167 = arith.constant 272 : i32
      %add3A_3168 = arith.addi %add3A_3167, %scan3A_3145 : i32
      %get3A_3169 = arith.index_cast %add3A_3168 : i32 to index
      %get3A_3170 = arith.constant 21 : index
      %get3A_3171 = tpu.vector_load %arg7[%get3A_3169, %get3A_3170] {strides = array<i32>} : memref<576x128xf32, #tpu.memory_space<vmem>>, vector<16xf32>,
      %add3A_3172 = arith.constant 288 : i32
      %add3A_3173 = arith.addi %add3A_3172, %scan3A_3145 : i32
      %get3A_3174 = arith.index_cast %add3A_3173 : i32 to index
      %get3A_3175 = arith.constant 21 : index
      %get3A_3176 = tpu.vector_load %arg7[%get3A_3174, %get3A_3175] {strides = array<i32>} : memref<576x128xf32, #tpu.memory_space<vmem>>, vector<16xf32>,
      %add3A_3177 = arith.constant 304 : i32
      %add3A_3178 = arith.addi %add3A_3177, %scan3A_3145 : i32
      %get3A_3179 = arith.index_cast %add3A_3178 : i32 to index
      %get3A_3180 = arith.constant 21 : index
      %get3A_3181 = tpu.vector_load %arg7[%get3A_3179, %get3A_3180] {strides = array<i32>} : memref<576x128xf32, #tpu.memory_space<vmem>>, vector<16xf32>,
      %mul3A_3182 = arith.mulf %gather3A_3149, %get3A_3171 : vector<16xf32>
      %sub3A_3183 = arith.subf %get3A_3166, %mul3A_3182 : vector<16xf32>
      %mul3A_3184 = arith.mulf %gather3A_3152, %get3A_3176 : vector<16xf32>
      %sub3A_3185 = arith.subf %sub3A_3183, %mul3A_3184 : vector<16xf32>
      %mul3A_3186 = arith.mulf %mul3A_3153, %get3A_3181 : vector<16xf32>
      %add3A_3187 = arith.addf %sub3A_3185, %mul3A_3186 : vector<16xf32>
      %mul3A_3188 = arith.mulf %add3A_3187, %gather3A_3156 : vector<16xf32>
      %add3A_3189 = arith.constant 0 : i32
      %add3A_3190 = vector.broadcast %add3A_3189 : i32 to vector<16xi32>
      %add3A_3191 = arith.addi %add3A_3190, %iota3A : vector<16xi32>
      %mul3A_3192 = arith.constant 9 : i32
      %mul3A_3193 = vector.broadcast %mul3A_3192 : i32 to vector<16xi32>
      %mul3A_3194 = arith.muli %add3A_3191, %mul3A_3193 : vector<16xi32>
      %add3A_3195 = vector.broadcast %add3A_3162 : i32 to vector<16xi32>
      %add3A_3196 = arith.addi %add3A_3195, %mul3A_3194 : vector<16xi32>
      tpu.vector_store_idx %arg8[%add3A_3196], %mul3A_3188 : memref<6048xf32, #tpu.memory_space<vmem>>[vector<16xi32>], vector<16xf32>,
      %add3A_3197 = arith.constant 256 : i32
      %add3A_3198 = arith.addi %add3A_3197, %scan3A_3145 : i32
      %get3A_3199 = arith.index_cast %add3A_3198 : i32 to index
      %get3A_3200 = arith.constant 37 : index
      %get3A_3201 = tpu.vector_load %arg7[%get3A_3199, %get3A_3200] {strides = array<i32>} : memref<576x128xf32, #tpu.memory_space<vmem>>, vector<16xf32>,
      %add3A_3202 = arith.constant 272 : i32
      %add3A_3203 = arith.addi %add3A_3202, %scan3A_3145 : i32
      %get3A_3204 = arith.index_cast %add3A_3203 : i32 to index
      %get3A_3205 = arith.constant 37 : index
      %get3A_3206 = tpu.vector_load %arg7[%get3A_3204, %get3A_3205] {strides = array<i32>} : memref<576x128xf32, #tpu.memory_space<vmem>>, vector<16xf32>,
      %add3A_3207 = arith.constant 288 : i32
      %add3A_3208 = arith.addi %add3A_3207, %scan3A_3145 : i32
      %get3A_3209 = arith.index_cast %add3A_3208 : i32 to index
      %get3A_3210 = arith.constant 37 : index
      %get3A_3211 = tpu.vector_load %arg7[%get3A_3209, %get3A_3210] {strides = array<i32>} : memref<576x128xf32, #tpu.memory_space<vmem>>, vector<16xf32>,
      %add3A_3212 = arith.constant 304 : i32
      %add3A_3213 = arith.addi %add3A_3212, %scan3A_3145 : i32
      %get3A_3214 = arith.index_cast %add3A_3213 : i32 to index
      %get3A_3215 = arith.constant 37 : index
      %get3A_3216 = tpu.vector_load %arg7[%get3A_3214, %get3A_3215] {strides = array<i32>} : memref<576x128xf32, #tpu.memory_space<vmem>>, vector<16xf32>,
      %mul3A_3217 = arith.mulf %gather3A_3149, %get3A_3206 : vector<16xf32>
      %sub3A_3218 = arith.subf %get3A_3201, %mul3A_3217 : vector<16xf32>
      %mul3A_3219 = arith.mulf %gather3A_3152, %get3A_3211 : vector<16xf32>
      %sub3A_3220 = arith.subf %sub3A_3218, %mul3A_3219 : vector<16xf32>
      %mul3A_3221 = arith.mulf %mul3A_3153, %get3A_3216 : vector<16xf32>
      %add3A_3222 = arith.addf %sub3A_3220, %mul3A_3221 : vector<16xf32>
      %mul3A_3223 = arith.mulf %add3A_3222, %gather3A_3156 : vector<16xf32>
      %add3A_3224 = arith.constant 16 : i32
      %add3A_3225 = vector.broadcast %add3A_3224 : i32 to vector<16xi32>
      %add3A_3226 = arith.addi %add3A_3225, %iota3A : vector<16xi32>
      %mul3A_3227 = arith.constant 9 : i32
      %mul3A_3228 = vector.broadcast %mul3A_3227 : i32 to vector<16xi32>
      %mul3A_3229 = arith.muli %add3A_3226, %mul3A_3228 : vector<16xi32>
      %add3A_3230 = vector.broadcast %add3A_3162 : i32 to vector<16xi32>
      %add3A_3231 = arith.addi %add3A_3230, %mul3A_3229 : vector<16xi32>
      %lt3A = arith.constant 5 : i32
      %lt3A_3232 = vector.broadcast %lt3A : i32 to vector<16xi32>
      %lt3A_3233 = arith.cmpi slt, %iota3A, %lt3A_3232 : vector<16xi32>
      tpu.vector_store_idx %arg8[%add3A_3231], %mul3A_3223 masked %lt3A_3233 : memref<6048xf32, #tpu.memory_space<vmem>>[vector<16xi32>], vector<16xf32>, vector<16xi1>
    }
    %scan3A_3092 = arith.constant 16 : i32
    %mul3A_3093 = arith.mulf %convert_element_type3A_2430, %convert_element_type3A_2435 : vector<16xf32>
    %scan3A_3094 = arith.constant 0 : i32
    %scan3A_3095 = arith.constant 0 : i32
    %scan3A_3096 = arith.constant 16 : i32
    %scan3A_3097 = arith.addi %scan3A_3095, %scan3A_3096 : i32
    %scan3A_3098 = arith.constant 1 : i32
    scf.for %scan3A_3145 = %scan3A_3095 to %scan3A_3097 step %scan3A_3098  : i32 {
      %broadcast_in_dim3A_3146 = vector.broadcast %scan3A_3145 : i32 to vector<16xi32>
      %broadcast_in_dim3A_3147 = vector.shape_cast %broadcast_in_dim3A_3146 : vector<16xi32> to vector<16x1xi32>
      %gather3A_3148 = vector.shape_cast %broadcast_in_dim3A_3147 : vector<16x1xi32> to vector<16xi32>
      %gather3A_3149 = tpu.dynamic_gather %convert_element_type3A_2430[%gather3A_3148] in [0] : vector<16xf32>, vector<16xi32> -> vector<16xf32>
      %broadcast_in_dim3A_3150 = vector.shape_cast %broadcast_in_dim3A_3146 : vector<16xi32> to vector<16x1xi32>
      %gather3A_3151 = vector.shape_cast %broadcast_in_dim3A_3150 : vector<16x1xi32> to vector<16xi32>
      %gather3A_3152 = tpu.dynamic_gather %convert_element_type3A_2435[%gather3A_3151] in [0] : vector<16xf32>, vector<16xi32> -> vector<16xf32>
      %mul3A_3153 = arith.mulf %gather3A_3149, %gather3A_3152 : vector<16xf32>
      %broadcast_in_dim3A_3154 = vector.shape_cast %broadcast_in_dim3A_3146 : vector<16xi32> to vector<16x1xi32>
      %gather3A_3155 = vector.shape_cast %broadcast_in_dim3A_3154 : vector<16x1xi32> to vector<16xi32>
      %gather3A_3156 = tpu.dynamic_gather %select_n3A_2524[%gather3A_3155] in [0] : vector<16xf32>, vector<16xi32> -> vector<16xf32>
      %add3A_3157 = arith.constant 16 : i32
      %add3A_3158 = arith.addi %add3A_3157, %scan3A_3145 : i32
      %mul3A_3159 = arith.constant 189 : i32
      %mul3A_3160 = arith.muli %add3A_3158, %mul3A_3159 : i32
      %add3A_3161 = arith.constant 5 : i32
      %add3A_3162 = arith.addi %mul3A_3160, %add3A_3161 : i32
      %add3A_3163 = arith.constant 320 : i32
      %add3A_3164 = arith.addi %add3A_3163, %scan3A_3145 : i32
      %get3A = arith.index_cast %add3A_3164 : i32 to index
      %get3A_3165 = arith.constant 42 : index
      %get3A_3166 = tpu.vector_load %arg7[%get3A, %get3A_3165] {strides = array<i32>} : memref<576x128xf32, #tpu.memory_space<vmem>>, vector<16xf32>,
      %add3A_3167 = arith.constant 336 : i32
      %add3A_3168 = arith.addi %add3A_3167, %scan3A_3145 : i32
      %get3A_3169 = arith.index_cast %add3A_3168 : i32 to index
      %get3A_3170 = arith.constant 42 : index
      %get3A_3171 = tpu.vector_load %arg7[%get3A_3169, %get3A_3170] {strides = array<i32>} : memref<576x128xf32, #tpu.memory_space<vmem>>, vector<16xf32>,
      %add3A_3172 = arith.constant 352 : i32
      %add3A_3173 = arith.addi %add3A_3172, %scan3A_3145 : i32
      %get3A_3174 = arith.index_cast %add3A_3173 : i32 to index
      %get3A_3175 = arith.constant 42 : index
      %get3A_3176 = tpu.vector_load %arg7[%get3A_3174, %get3A_3175] {strides = array<i32>} : memref<576x128xf32, #tpu.memory_space<vmem>>, vector<16xf32>,
      %add3A_3177 = arith.constant 368 : i32
      %add3A_3178 = arith.addi %add3A_3177, %scan3A_3145 : i32
      %get3A_3179 = arith.index_cast %add3A_3178 : i32 to index
      %get3A_3180 = arith.constant 42 : index
      %get3A_3181 = tpu.vector_load %arg7[%get3A_3179, %get3A_3180] {strides = array<i32>} : memref<576x128xf32, #tpu.memory_space<vmem>>, vector<16xf32>,
      %mul3A_3182 = arith.mulf %gather3A_3149, %get3A_3171 : vector<16xf32>
      %sub3A_3183 = arith.subf %get3A_3166, %mul3A_3182 : vector<16xf32>
      %mul3A_3184 = arith.mulf %gather3A_3152, %get3A_3176 : vector<16xf32>
      %sub3A_3185 = arith.subf %sub3A_3183, %mul3A_3184 : vector<16xf32>
      %mul3A_3186 = arith.mulf %mul3A_3153, %get3A_3181 : vector<16xf32>
      %add3A_3187 = arith.addf %sub3A_3185, %mul3A_3186 : vector<16xf32>
      %mul3A_3188 = arith.mulf %add3A_3187, %gather3A_3156 : vector<16xf32>
      %add3A_3189 = arith.constant 0 : i32
      %add3A_3190 = vector.broadcast %add3A_3189 : i32 to vector<16xi32>
      %add3A_3191 = arith.addi %add3A_3190, %iota3A : vector<16xi32>
      %mul3A_3192 = arith.constant 9 : i32
      %mul3A_3193 = vector.broadcast %mul3A_3192 : i32 to vector<16xi32>
      %mul3A_3194 = arith.muli %add3A_3191, %mul3A_3193 : vector<16xi32>
      %add3A_3195 = vector.broadcast %add3A_3162 : i32 to vector<16xi32>
      %add3A_3196 = arith.addi %add3A_3195, %mul3A_3194 : vector<16xi32>
      tpu.vector_store_idx %arg8[%add3A_3196], %mul3A_3188 : memref<6048xf32, #tpu.memory_space<vmem>>[vector<16xi32>], vector<16xf32>,
      %add3A_3197 = arith.constant 320 : i32
      %add3A_3198 = arith.addi %add3A_3197, %scan3A_3145 : i32
      %get3A_3199 = arith.index_cast %add3A_3198 : i32 to index
      %get3A_3200 = arith.constant 58 : index
      %get3A_3201 = tpu.vector_load %arg7[%get3A_3199, %get3A_3200] {strides = array<i32>} : memref<576x128xf32, #tpu.memory_space<vmem>>, vector<16xf32>,
      %add3A_3202 = arith.constant 336 : i32
      %add3A_3203 = arith.addi %add3A_3202, %scan3A_3145 : i32
      %get3A_3204 = arith.index_cast %add3A_3203 : i32 to index
      %get3A_3205 = arith.constant 58 : index
      %get3A_3206 = tpu.vector_load %arg7[%get3A_3204, %get3A_3205] {strides = array<i32>} : memref<576x128xf32, #tpu.memory_space<vmem>>, vector<16xf32>,
      %add3A_3207 = arith.constant 352 : i32
      %add3A_3208 = arith.addi %add3A_3207, %scan3A_3145 : i32
      %get3A_3209 = arith.index_cast %add3A_3208 : i32 to index
      %get3A_3210 = arith.constant 58 : index
      %get3A_3211 = tpu.vector_load %arg7[%get3A_3209, %get3A_3210] {strides = array<i32>} : memref<576x128xf32, #tpu.memory_space<vmem>>, vector<16xf32>,
      %add3A_3212 = arith.constant 368 : i32
      %add3A_3213 = arith.addi %add3A_3212, %scan3A_3145 : i32
      %get3A_3214 = arith.index_cast %add3A_3213 : i32 to index
      %get3A_3215 = arith.constant 58 : index
      %get3A_3216 = tpu.vector_load %arg7[%get3A_3214, %get3A_3215] {strides = array<i32>} : memref<576x128xf32, #tpu.memory_space<vmem>>, vector<16xf32>,
      %mul3A_3217 = arith.mulf %gather3A_3149, %get3A_3206 : vector<16xf32>
      %sub3A_3218 = arith.subf %get3A_3201, %mul3A_3217 : vector<16xf32>
      %mul3A_3219 = arith.mulf %gather3A_3152, %get3A_3211 : vector<16xf32>
      %sub3A_3220 = arith.subf %sub3A_3218, %mul3A_3219 : vector<16xf32>
      %mul3A_3221 = arith.mulf %mul3A_3153, %get3A_3216 : vector<16xf32>
      %add3A_3222 = arith.addf %sub3A_3220, %mul3A_3221 : vector<16xf32>
      %mul3A_3223 = arith.mulf %add3A_3222, %gather3A_3156 : vector<16xf32>
      %add3A_3224 = arith.constant 16 : i32
      %add3A_3225 = vector.broadcast %add3A_3224 : i32 to vector<16xi32>
      %add3A_3226 = arith.addi %add3A_3225, %iota3A : vector<16xi32>
      %mul3A_3227 = arith.constant 9 : i32
      %mul3A_3228 = vector.broadcast %mul3A_3227 : i32 to vector<16xi32>
      %mul3A_3229 = arith.muli %add3A_3226, %mul3A_3228 : vector<16xi32>
      %add3A_3230 = vector.broadcast %add3A_3162 : i32 to vector<16xi32>
      %add3A_3231 = arith.addi %add3A_3230, %mul3A_3229 : vector<16xi32>
      %lt3A = arith.constant 5 : i32
      %lt3A_3232 = vector.broadcast %lt3A : i32 to vector<16xi32>
      %lt3A_3233 = arith.cmpi slt, %iota3A, %lt3A_3232 : vector<16xi32>
      tpu.vector_store_idx %arg8[%add3A_3231], %mul3A_3223 masked %lt3A_3233 : memref<6048xf32, #tpu.memory_space<vmem>>[vector<16xi32>], vector<16xf32>, vector<16xi1>
    }
    %scan3A_3099 = arith.constant 16 : i32
    %dma_wait3A_3100 = arith.constant 3 : i32
    %dma_wait3A_3101 = arith.constant 384 : i32
    %dma_wait3A_3102 = arith.constant 0 : i32
    %dma_wait3A_3103 = tpu.memref_slice %arg7[%dma_wait3A_3101, %dma_wait3A_3102] : memref<576x128xf32, #tpu.memory_space<vmem>> -> memref<128x128xf32, #tpu.memory_space<vmem>>
    %dma_wait3A_3104 = arith.constant 0 : i32
    %dma_wait3A_3105 = tpu.memref_slice %arg6[%dma_wait3A_3100, %dma_wait3A_3104] : memref<5x128xi32, #tpu.memory_space<vmem>> -> memref<1x128xi32, #tpu.memory_space<vmem>>
    %dma_wait3A_3106 = tpu.memref_squeeze %dma_wait3A_3105 : memref<1x128xi32, #tpu.memory_space<vmem>> -> memref<128xi32, #tpu.memory_space<vmem>>
    %dma_wait3A_3107 = arith.constant 0 : i32
    %dma_wait3A_3108 = arith.constant 0 : i32
    %dma_wait3A_3109 = tpu.memref_slice %arg3[%dma_wait3A_3107, %dma_wait3A_3108] : memref<98304x128xf32, #tpu.memory_space<hbm>> -> memref<98304x128xf32, #tpu.memory_space<hbm>>
    tpu.wait_indirect_dma semaphore(%arg9 : memref<!tpu.dma_semaphore, #tpu.memory_space<semaphore_mem>>) src(%dma_wait3A_3109 : memref<98304x128xf32, #tpu.memory_space<hbm>>) dst(%dma_wait3A_3103 : memref<128x128xf32, #tpu.memory_space<vmem>>)
    %mul3A_3110 = arith.mulf %convert_element_type3A_2581, %convert_element_type3A_2586 : vector<16xf32>
    %scan3A_3111 = arith.constant 0 : i32
    %scan3A_3112 = arith.constant 0 : i32
    %scan3A_3113 = arith.constant 16 : i32
    %scan3A_3114 = arith.addi %scan3A_3112, %scan3A_3113 : i32
    %scan3A_3115 = arith.constant 1 : i32
    scf.for %scan3A_3145 = %scan3A_3112 to %scan3A_3114 step %scan3A_3115  : i32 {
      %broadcast_in_dim3A_3146 = vector.broadcast %scan3A_3145 : i32 to vector<16xi32>
      %broadcast_in_dim3A_3147 = vector.shape_cast %broadcast_in_dim3A_3146 : vector<16xi32> to vector<16x1xi32>
      %gather3A_3148 = vector.shape_cast %broadcast_in_dim3A_3147 : vector<16x1xi32> to vector<16xi32>
      %gather3A_3149 = tpu.dynamic_gather %convert_element_type3A_2581[%gather3A_3148] in [0] : vector<16xf32>, vector<16xi32> -> vector<16xf32>
      %broadcast_in_dim3A_3150 = vector.shape_cast %broadcast_in_dim3A_3146 : vector<16xi32> to vector<16x1xi32>
      %gather3A_3151 = vector.shape_cast %broadcast_in_dim3A_3150 : vector<16x1xi32> to vector<16xi32>
      %gather3A_3152 = tpu.dynamic_gather %convert_element_type3A_2586[%gather3A_3151] in [0] : vector<16xf32>, vector<16xi32> -> vector<16xf32>
      %mul3A_3153 = arith.mulf %gather3A_3149, %gather3A_3152 : vector<16xf32>
      %broadcast_in_dim3A_3154 = vector.shape_cast %broadcast_in_dim3A_3146 : vector<16xi32> to vector<16x1xi32>
      %gather3A_3155 = vector.shape_cast %broadcast_in_dim3A_3154 : vector<16x1xi32> to vector<16xi32>
      %gather3A_3156 = tpu.dynamic_gather %select_n3A_2675[%gather3A_3155] in [0] : vector<16xf32>, vector<16xi32> -> vector<16xf32>
      %add3A_3157 = arith.constant 16 : i32
      %add3A_3158 = arith.addi %add3A_3157, %scan3A_3145 : i32
      %mul3A_3159 = arith.constant 189 : i32
      %mul3A_3160 = arith.muli %add3A_3158, %mul3A_3159 : i32
      %add3A_3161 = arith.constant 6 : i32
      %add3A_3162 = arith.addi %mul3A_3160, %add3A_3161 : i32
      %add3A_3163 = arith.constant 384 : i32
      %add3A_3164 = arith.addi %add3A_3163, %scan3A_3145 : i32
      %get3A = arith.index_cast %add3A_3164 : i32 to index
      %get3A_3165 = arith.constant 0 : index
      %get3A_3166 = tpu.vector_load %arg7[%get3A, %get3A_3165] {strides = array<i32>} : memref<576x128xf32, #tpu.memory_space<vmem>>, vector<16xf32>,
      %add3A_3167 = arith.constant 400 : i32
      %add3A_3168 = arith.addi %add3A_3167, %scan3A_3145 : i32
      %get3A_3169 = arith.index_cast %add3A_3168 : i32 to index
      %get3A_3170 = arith.constant 0 : index
      %get3A_3171 = tpu.vector_load %arg7[%get3A_3169, %get3A_3170] {strides = array<i32>} : memref<576x128xf32, #tpu.memory_space<vmem>>, vector<16xf32>,
      %add3A_3172 = arith.constant 416 : i32
      %add3A_3173 = arith.addi %add3A_3172, %scan3A_3145 : i32
      %get3A_3174 = arith.index_cast %add3A_3173 : i32 to index
      %get3A_3175 = arith.constant 0 : index
      %get3A_3176 = tpu.vector_load %arg7[%get3A_3174, %get3A_3175] {strides = array<i32>} : memref<576x128xf32, #tpu.memory_space<vmem>>, vector<16xf32>,
      %add3A_3177 = arith.constant 432 : i32
      %add3A_3178 = arith.addi %add3A_3177, %scan3A_3145 : i32
      %get3A_3179 = arith.index_cast %add3A_3178 : i32 to index
      %get3A_3180 = arith.constant 0 : index
      %get3A_3181 = tpu.vector_load %arg7[%get3A_3179, %get3A_3180] {strides = array<i32>} : memref<576x128xf32, #tpu.memory_space<vmem>>, vector<16xf32>,
      %mul3A_3182 = arith.mulf %gather3A_3149, %get3A_3171 : vector<16xf32>
      %sub3A_3183 = arith.subf %get3A_3166, %mul3A_3182 : vector<16xf32>
      %mul3A_3184 = arith.mulf %gather3A_3152, %get3A_3176 : vector<16xf32>
      %sub3A_3185 = arith.subf %sub3A_3183, %mul3A_3184 : vector<16xf32>
      %mul3A_3186 = arith.mulf %mul3A_3153, %get3A_3181 : vector<16xf32>
      %add3A_3187 = arith.addf %sub3A_3185, %mul3A_3186 : vector<16xf32>
      %mul3A_3188 = arith.mulf %add3A_3187, %gather3A_3156 : vector<16xf32>
      %add3A_3189 = arith.constant 0 : i32
      %add3A_3190 = vector.broadcast %add3A_3189 : i32 to vector<16xi32>
      %add3A_3191 = arith.addi %add3A_3190, %iota3A : vector<16xi32>
      %mul3A_3192 = arith.constant 9 : i32
      %mul3A_3193 = vector.broadcast %mul3A_3192 : i32 to vector<16xi32>
      %mul3A_3194 = arith.muli %add3A_3191, %mul3A_3193 : vector<16xi32>
      %add3A_3195 = vector.broadcast %add3A_3162 : i32 to vector<16xi32>
      %add3A_3196 = arith.addi %add3A_3195, %mul3A_3194 : vector<16xi32>
      tpu.vector_store_idx %arg8[%add3A_3196], %mul3A_3188 : memref<6048xf32, #tpu.memory_space<vmem>>[vector<16xi32>], vector<16xf32>,
      %add3A_3197 = arith.constant 384 : i32
      %add3A_3198 = arith.addi %add3A_3197, %scan3A_3145 : i32
      %get3A_3199 = arith.index_cast %add3A_3198 : i32 to index
      %get3A_3200 = arith.constant 16 : index
      %get3A_3201 = tpu.vector_load %arg7[%get3A_3199, %get3A_3200] {strides = array<i32>} : memref<576x128xf32, #tpu.memory_space<vmem>>, vector<16xf32>,
      %add3A_3202 = arith.constant 400 : i32
      %add3A_3203 = arith.addi %add3A_3202, %scan3A_3145 : i32
      %get3A_3204 = arith.index_cast %add3A_3203 : i32 to index
      %get3A_3205 = arith.constant 16 : index
      %get3A_3206 = tpu.vector_load %arg7[%get3A_3204, %get3A_3205] {strides = array<i32>} : memref<576x128xf32, #tpu.memory_space<vmem>>, vector<16xf32>,
      %add3A_3207 = arith.constant 416 : i32
      %add3A_3208 = arith.addi %add3A_3207, %scan3A_3145 : i32
      %get3A_3209 = arith.index_cast %add3A_3208 : i32 to index
      %get3A_3210 = arith.constant 16 : index
      %get3A_3211 = tpu.vector_load %arg7[%get3A_3209, %get3A_3210] {strides = array<i32>} : memref<576x128xf32, #tpu.memory_space<vmem>>, vector<16xf32>,
      %add3A_3212 = arith.constant 432 : i32
      %add3A_3213 = arith.addi %add3A_3212, %scan3A_3145 : i32
      %get3A_3214 = arith.index_cast %add3A_3213 : i32 to index
      %get3A_3215 = arith.constant 16 : index
      %get3A_3216 = tpu.vector_load %arg7[%get3A_3214, %get3A_3215] {strides = array<i32>} : memref<576x128xf32, #tpu.memory_space<vmem>>, vector<16xf32>,
      %mul3A_3217 = arith.mulf %gather3A_3149, %get3A_3206 : vector<16xf32>
      %sub3A_3218 = arith.subf %get3A_3201, %mul3A_3217 : vector<16xf32>
      %mul3A_3219 = arith.mulf %gather3A_3152, %get3A_3211 : vector<16xf32>
      %sub3A_3220 = arith.subf %sub3A_3218, %mul3A_3219 : vector<16xf32>
      %mul3A_3221 = arith.mulf %mul3A_3153, %get3A_3216 : vector<16xf32>
      %add3A_3222 = arith.addf %sub3A_3220, %mul3A_3221 : vector<16xf32>
      %mul3A_3223 = arith.mulf %add3A_3222, %gather3A_3156 : vector<16xf32>
      %add3A_3224 = arith.constant 16 : i32
      %add3A_3225 = vector.broadcast %add3A_3224 : i32 to vector<16xi32>
      %add3A_3226 = arith.addi %add3A_3225, %iota3A : vector<16xi32>
      %mul3A_3227 = arith.constant 9 : i32
      %mul3A_3228 = vector.broadcast %mul3A_3227 : i32 to vector<16xi32>
      %mul3A_3229 = arith.muli %add3A_3226, %mul3A_3228 : vector<16xi32>
      %add3A_3230 = vector.broadcast %add3A_3162 : i32 to vector<16xi32>
      %add3A_3231 = arith.addi %add3A_3230, %mul3A_3229 : vector<16xi32>
      %lt3A = arith.constant 5 : i32
      %lt3A_3232 = vector.broadcast %lt3A : i32 to vector<16xi32>
      %lt3A_3233 = arith.cmpi slt, %iota3A, %lt3A_3232 : vector<16xi32>
      tpu.vector_store_idx %arg8[%add3A_3231], %mul3A_3223 masked %lt3A_3233 : memref<6048xf32, #tpu.memory_space<vmem>>[vector<16xi32>], vector<16xf32>, vector<16xi1>
    }
    %scan3A_3116 = arith.constant 16 : i32
    %mul3A_3117 = arith.mulf %convert_element_type3A_2732, %convert_element_type3A_2737 : vector<16xf32>
    %scan3A_3118 = arith.constant 0 : i32
    %scan3A_3119 = arith.constant 0 : i32
    %scan3A_3120 = arith.constant 16 : i32
    %scan3A_3121 = arith.addi %scan3A_3119, %scan3A_3120 : i32
    %scan3A_3122 = arith.constant 1 : i32
    scf.for %scan3A_3145 = %scan3A_3119 to %scan3A_3121 step %scan3A_3122  : i32 {
      %broadcast_in_dim3A_3146 = vector.broadcast %scan3A_3145 : i32 to vector<16xi32>
      %broadcast_in_dim3A_3147 = vector.shape_cast %broadcast_in_dim3A_3146 : vector<16xi32> to vector<16x1xi32>
      %gather3A_3148 = vector.shape_cast %broadcast_in_dim3A_3147 : vector<16x1xi32> to vector<16xi32>
      %gather3A_3149 = tpu.dynamic_gather %convert_element_type3A_2732[%gather3A_3148] in [0] : vector<16xf32>, vector<16xi32> -> vector<16xf32>
      %broadcast_in_dim3A_3150 = vector.shape_cast %broadcast_in_dim3A_3146 : vector<16xi32> to vector<16x1xi32>
      %gather3A_3151 = vector.shape_cast %broadcast_in_dim3A_3150 : vector<16x1xi32> to vector<16xi32>
      %gather3A_3152 = tpu.dynamic_gather %convert_element_type3A_2737[%gather3A_3151] in [0] : vector<16xf32>, vector<16xi32> -> vector<16xf32>
      %mul3A_3153 = arith.mulf %gather3A_3149, %gather3A_3152 : vector<16xf32>
      %broadcast_in_dim3A_3154 = vector.shape_cast %broadcast_in_dim3A_3146 : vector<16xi32> to vector<16x1xi32>
      %gather3A_3155 = vector.shape_cast %broadcast_in_dim3A_3154 : vector<16x1xi32> to vector<16xi32>
      %gather3A_3156 = tpu.dynamic_gather %select_n3A_2826[%gather3A_3155] in [0] : vector<16xf32>, vector<16xi32> -> vector<16xf32>
      %add3A_3157 = arith.constant 16 : i32
      %add3A_3158 = arith.addi %add3A_3157, %scan3A_3145 : i32
      %mul3A_3159 = arith.constant 189 : i32
      %mul3A_3160 = arith.muli %add3A_3158, %mul3A_3159 : i32
      %add3A_3161 = arith.constant 7 : i32
      %add3A_3162 = arith.addi %mul3A_3160, %add3A_3161 : i32
      %add3A_3163 = arith.constant 448 : i32
      %add3A_3164 = arith.addi %add3A_3163, %scan3A_3145 : i32
      %get3A = arith.index_cast %add3A_3164 : i32 to index
      %get3A_3165 = arith.constant 21 : index
      %get3A_3166 = tpu.vector_load %arg7[%get3A, %get3A_3165] {strides = array<i32>} : memref<576x128xf32, #tpu.memory_space<vmem>>, vector<16xf32>,
      %add3A_3167 = arith.constant 464 : i32
      %add3A_3168 = arith.addi %add3A_3167, %scan3A_3145 : i32
      %get3A_3169 = arith.index_cast %add3A_3168 : i32 to index
      %get3A_3170 = arith.constant 21 : index
      %get3A_3171 = tpu.vector_load %arg7[%get3A_3169, %get3A_3170] {strides = array<i32>} : memref<576x128xf32, #tpu.memory_space<vmem>>, vector<16xf32>,
      %add3A_3172 = arith.constant 480 : i32
      %add3A_3173 = arith.addi %add3A_3172, %scan3A_3145 : i32
      %get3A_3174 = arith.index_cast %add3A_3173 : i32 to index
      %get3A_3175 = arith.constant 21 : index
      %get3A_3176 = tpu.vector_load %arg7[%get3A_3174, %get3A_3175] {strides = array<i32>} : memref<576x128xf32, #tpu.memory_space<vmem>>, vector<16xf32>,
      %add3A_3177 = arith.constant 496 : i32
      %add3A_3178 = arith.addi %add3A_3177, %scan3A_3145 : i32
      %get3A_3179 = arith.index_cast %add3A_3178 : i32 to index
      %get3A_3180 = arith.constant 21 : index
      %get3A_3181 = tpu.vector_load %arg7[%get3A_3179, %get3A_3180] {strides = array<i32>} : memref<576x128xf32, #tpu.memory_space<vmem>>, vector<16xf32>,
      %mul3A_3182 = arith.mulf %gather3A_3149, %get3A_3171 : vector<16xf32>
      %sub3A_3183 = arith.subf %get3A_3166, %mul3A_3182 : vector<16xf32>
      %mul3A_3184 = arith.mulf %gather3A_3152, %get3A_3176 : vector<16xf32>
      %sub3A_3185 = arith.subf %sub3A_3183, %mul3A_3184 : vector<16xf32>
      %mul3A_3186 = arith.mulf %mul3A_3153, %get3A_3181 : vector<16xf32>
      %add3A_3187 = arith.addf %sub3A_3185, %mul3A_3186 : vector<16xf32>
      %mul3A_3188 = arith.mulf %add3A_3187, %gather3A_3156 : vector<16xf32>
      %add3A_3189 = arith.constant 0 : i32
      %add3A_3190 = vector.broadcast %add3A_3189 : i32 to vector<16xi32>
      %add3A_3191 = arith.addi %add3A_3190, %iota3A : vector<16xi32>
      %mul3A_3192 = arith.constant 9 : i32
      %mul3A_3193 = vector.broadcast %mul3A_3192 : i32 to vector<16xi32>
      %mul3A_3194 = arith.muli %add3A_3191, %mul3A_3193 : vector<16xi32>
      %add3A_3195 = vector.broadcast %add3A_3162 : i32 to vector<16xi32>
      %add3A_3196 = arith.addi %add3A_3195, %mul3A_3194 : vector<16xi32>
      tpu.vector_store_idx %arg8[%add3A_3196], %mul3A_3188 : memref<6048xf32, #tpu.memory_space<vmem>>[vector<16xi32>], vector<16xf32>,
      %add3A_3197 = arith.constant 448 : i32
      %add3A_3198 = arith.addi %add3A_3197, %scan3A_3145 : i32
      %get3A_3199 = arith.index_cast %add3A_3198 : i32 to index
      %get3A_3200 = arith.constant 37 : index
      %get3A_3201 = tpu.vector_load %arg7[%get3A_3199, %get3A_3200] {strides = array<i32>} : memref<576x128xf32, #tpu.memory_space<vmem>>, vector<16xf32>,
      %add3A_3202 = arith.constant 464 : i32
      %add3A_3203 = arith.addi %add3A_3202, %scan3A_3145 : i32
      %get3A_3204 = arith.index_cast %add3A_3203 : i32 to index
      %get3A_3205 = arith.constant 37 : index
      %get3A_3206 = tpu.vector_load %arg7[%get3A_3204, %get3A_3205] {strides = array<i32>} : memref<576x128xf32, #tpu.memory_space<vmem>>, vector<16xf32>,
      %add3A_3207 = arith.constant 480 : i32
      %add3A_3208 = arith.addi %add3A_3207, %scan3A_3145 : i32
      %get3A_3209 = arith.index_cast %add3A_3208 : i32 to index
      %get3A_3210 = arith.constant 37 : index
      %get3A_3211 = tpu.vector_load %arg7[%get3A_3209, %get3A_3210] {strides = array<i32>} : memref<576x128xf32, #tpu.memory_space<vmem>>, vector<16xf32>,
      %add3A_3212 = arith.constant 496 : i32
      %add3A_3213 = arith.addi %add3A_3212, %scan3A_3145 : i32
      %get3A_3214 = arith.index_cast %add3A_3213 : i32 to index
      %get3A_3215 = arith.constant 37 : index
      %get3A_3216 = tpu.vector_load %arg7[%get3A_3214, %get3A_3215] {strides = array<i32>} : memref<576x128xf32, #tpu.memory_space<vmem>>, vector<16xf32>,
      %mul3A_3217 = arith.mulf %gather3A_3149, %get3A_3206 : vector<16xf32>
      %sub3A_3218 = arith.subf %get3A_3201, %mul3A_3217 : vector<16xf32>
      %mul3A_3219 = arith.mulf %gather3A_3152, %get3A_3211 : vector<16xf32>
      %sub3A_3220 = arith.subf %sub3A_3218, %mul3A_3219 : vector<16xf32>
      %mul3A_3221 = arith.mulf %mul3A_3153, %get3A_3216 : vector<16xf32>
      %add3A_3222 = arith.addf %sub3A_3220, %mul3A_3221 : vector<16xf32>
      %mul3A_3223 = arith.mulf %add3A_3222, %gather3A_3156 : vector<16xf32>
      %add3A_3224 = arith.constant 16 : i32
      %add3A_3225 = vector.broadcast %add3A_3224 : i32 to vector<16xi32>
      %add3A_3226 = arith.addi %add3A_3225, %iota3A : vector<16xi32>
      %mul3A_3227 = arith.constant 9 : i32
      %mul3A_3228 = vector.broadcast %mul3A_3227 : i32 to vector<16xi32>
      %mul3A_3229 = arith.muli %add3A_3226, %mul3A_3228 : vector<16xi32>
      %add3A_3230 = vector.broadcast %add3A_3162 : i32 to vector<16xi32>
      %add3A_3231 = arith.addi %add3A_3230, %mul3A_3229 : vector<16xi32>
      %lt3A = arith.constant 5 : i32
      %lt3A_3232 = vector.broadcast %lt3A : i32 to vector<16xi32>
      %lt3A_3233 = arith.cmpi slt, %iota3A, %lt3A_3232 : vector<16xi32>
      tpu.vector_store_idx %arg8[%add3A_3231], %mul3A_3223 masked %lt3A_3233 : memref<6048xf32, #tpu.memory_space<vmem>>[vector<16xi32>], vector<16xf32>, vector<16xi1>
    }
    %scan3A_3123 = arith.constant 16 : i32
    %dma_wait3A_3124 = arith.constant 4 : i32
    %dma_wait3A_3125 = arith.constant 512 : i32
    %dma_wait3A_3126 = arith.constant 0 : i32
    %dma_wait3A_3127 = tpu.memref_slice %arg7[%dma_wait3A_3125, %dma_wait3A_3126] : memref<576x128xf32, #tpu.memory_space<vmem>> -> memref<64x128xf32, #tpu.memory_space<vmem>>
    %dma_wait3A_3128 = arith.constant 0 : i32
    %dma_wait3A_3129 = tpu.memref_slice %arg6[%dma_wait3A_3124, %dma_wait3A_3128] : memref<5x128xi32, #tpu.memory_space<vmem>> -> memref<1x64xi32, #tpu.memory_space<vmem>>
    %dma_wait3A_3130 = tpu.memref_squeeze %dma_wait3A_3129 : memref<1x64xi32, #tpu.memory_space<vmem>> -> memref<64xi32, #tpu.memory_space<vmem>>
    %dma_wait3A_3131 = arith.constant 0 : i32
    %dma_wait3A_3132 = arith.constant 0 : i32
    %dma_wait3A_3133 = tpu.memref_slice %arg3[%dma_wait3A_3131, %dma_wait3A_3132] : memref<98304x128xf32, #tpu.memory_space<hbm>> -> memref<98304x128xf32, #tpu.memory_space<hbm>>
    tpu.wait_indirect_dma semaphore(%arg9 : memref<!tpu.dma_semaphore, #tpu.memory_space<semaphore_mem>>) src(%dma_wait3A_3133 : memref<98304x128xf32, #tpu.memory_space<hbm>>) dst(%dma_wait3A_3127 : memref<64x128xf32, #tpu.memory_space<vmem>>)
    %mul3A_3134 = arith.mulf %convert_element_type3A_2883, %convert_element_type3A_2888 : vector<16xf32>
    %scan3A_3135 = arith.constant 0 : i32
    %scan3A_3136 = arith.constant 0 : i32
    %scan3A_3137 = arith.constant 16 : i32
    %scan3A_3138 = arith.addi %scan3A_3136, %scan3A_3137 : i32
    %scan3A_3139 = arith.constant 1 : i32
    scf.for %scan3A_3145 = %scan3A_3136 to %scan3A_3138 step %scan3A_3139  : i32 {
      %broadcast_in_dim3A_3146 = vector.broadcast %scan3A_3145 : i32 to vector<16xi32>
      %broadcast_in_dim3A_3147 = vector.shape_cast %broadcast_in_dim3A_3146 : vector<16xi32> to vector<16x1xi32>
      %gather3A_3148 = vector.shape_cast %broadcast_in_dim3A_3147 : vector<16x1xi32> to vector<16xi32>
      %gather3A_3149 = tpu.dynamic_gather %convert_element_type3A_2883[%gather3A_3148] in [0] : vector<16xf32>, vector<16xi32> -> vector<16xf32>
      %broadcast_in_dim3A_3150 = vector.shape_cast %broadcast_in_dim3A_3146 : vector<16xi32> to vector<16x1xi32>
      %gather3A_3151 = vector.shape_cast %broadcast_in_dim3A_3150 : vector<16x1xi32> to vector<16xi32>
      %gather3A_3152 = tpu.dynamic_gather %convert_element_type3A_2888[%gather3A_3151] in [0] : vector<16xf32>, vector<16xi32> -> vector<16xf32>
      %mul3A_3153 = arith.mulf %gather3A_3149, %gather3A_3152 : vector<16xf32>
      %broadcast_in_dim3A_3154 = vector.shape_cast %broadcast_in_dim3A_3146 : vector<16xi32> to vector<16x1xi32>
      %gather3A_3155 = vector.shape_cast %broadcast_in_dim3A_3154 : vector<16x1xi32> to vector<16xi32>
      %gather3A_3156 = tpu.dynamic_gather %select_n3A_2977[%gather3A_3155] in [0] : vector<16xf32>, vector<16xi32> -> vector<16xf32>
      %add3A_3157 = arith.constant 16 : i32
      %add3A_3158 = arith.addi %add3A_3157, %scan3A_3145 : i32
      %mul3A_3159 = arith.constant 189 : i32
      %mul3A_3160 = arith.muli %add3A_3158, %mul3A_3159 : i32
      %add3A_3161 = arith.constant 8 : i32
      %add3A_3162 = arith.addi %mul3A_3160, %add3A_3161 : i32
      %add3A_3163 = arith.constant 512 : i32
      %add3A_3164 = arith.addi %add3A_3163, %scan3A_3145 : i32
      %get3A = arith.index_cast %add3A_3164 : i32 to index
      %get3A_3165 = arith.constant 42 : index
      %get3A_3166 = tpu.vector_load %arg7[%get3A, %get3A_3165] {strides = array<i32>} : memref<576x128xf32, #tpu.memory_space<vmem>>, vector<16xf32>,
      %add3A_3167 = arith.constant 528 : i32
      %add3A_3168 = arith.addi %add3A_3167, %scan3A_3145 : i32
      %get3A_3169 = arith.index_cast %add3A_3168 : i32 to index
      %get3A_3170 = arith.constant 42 : index
      %get3A_3171 = tpu.vector_load %arg7[%get3A_3169, %get3A_3170] {strides = array<i32>} : memref<576x128xf32, #tpu.memory_space<vmem>>, vector<16xf32>,
      %add3A_3172 = arith.constant 544 : i32
      %add3A_3173 = arith.addi %add3A_3172, %scan3A_3145 : i32
      %get3A_3174 = arith.index_cast %add3A_3173 : i32 to index
      %get3A_3175 = arith.constant 42 : index
      %get3A_3176 = tpu.vector_load %arg7[%get3A_3174, %get3A_3175] {strides = array<i32>} : memref<576x128xf32, #tpu.memory_space<vmem>>, vector<16xf32>,
      %add3A_3177 = arith.constant 560 : i32
      %add3A_3178 = arith.addi %add3A_3177, %scan3A_3145 : i32
      %get3A_3179 = arith.index_cast %add3A_3178 : i32 to index
      %get3A_3180 = arith.constant 42 : index
      %get3A_3181 = tpu.vector_load %arg7[%get3A_3179, %get3A_3180] {strides = array<i32>} : memref<576x128xf32, #tpu.memory_space<vmem>>, vector<16xf32>,
      %mul3A_3182 = arith.mulf %gather3A_3149, %get3A_3171 : vector<16xf32>
      %sub3A_3183 = arith.subf %get3A_3166, %mul3A_3182 : vector<16xf32>
      %mul3A_3184 = arith.mulf %gather3A_3152, %get3A_3176 : vector<16xf32>
      %sub3A_3185 = arith.subf %sub3A_3183, %mul3A_3184 : vector<16xf32>
      %mul3A_3186 = arith.mulf %mul3A_3153, %get3A_3181 : vector<16xf32>
      %add3A_3187 = arith.addf %sub3A_3185, %mul3A_3186 : vector<16xf32>
      %mul3A_3188 = arith.mulf %add3A_3187, %gather3A_3156 : vector<16xf32>
      %add3A_3189 = arith.constant 0 : i32
      %add3A_3190 = vector.broadcast %add3A_3189 : i32 to vector<16xi32>
      %add3A_3191 = arith.addi %add3A_3190, %iota3A : vector<16xi32>
      %mul3A_3192 = arith.constant 9 : i32
      %mul3A_3193 = vector.broadcast %mul3A_3192 : i32 to vector<16xi32>
      %mul3A_3194 = arith.muli %add3A_3191, %mul3A_3193 : vector<16xi32>
      %add3A_3195 = vector.broadcast %add3A_3162 : i32 to vector<16xi32>
      %add3A_3196 = arith.addi %add3A_3195, %mul3A_3194 : vector<16xi32>
      tpu.vector_store_idx %arg8[%add3A_3196], %mul3A_3188 : memref<6048xf32, #tpu.memory_space<vmem>>[vector<16xi32>], vector<16xf32>,
      %add3A_3197 = arith.constant 512 : i32
      %add3A_3198 = arith.addi %add3A_3197, %scan3A_3145 : i32
      %get3A_3199 = arith.index_cast %add3A_3198 : i32 to index
      %get3A_3200 = arith.constant 58 : index
      %get3A_3201 = tpu.vector_load %arg7[%get3A_3199, %get3A_3200] {strides = array<i32>} : memref<576x128xf32, #tpu.memory_space<vmem>>, vector<16xf32>,
      %add3A_3202 = arith.constant 528 : i32
      %add3A_3203 = arith.addi %add3A_3202, %scan3A_3145 : i32
      %get3A_3204 = arith.index_cast %add3A_3203 : i32 to index
      %get3A_3205 = arith.constant 58 : index
      %get3A_3206 = tpu.vector_load %arg7[%get3A_3204, %get3A_3205] {strides = array<i32>} : memref<576x128xf32, #tpu.memory_space<vmem>>, vector<16xf32>,
      %add3A_3207 = arith.constant 544 : i32
      %add3A_3208 = arith.addi %add3A_3207, %scan3A_3145 : i32
      %get3A_3209 = arith.index_cast %add3A_3208 : i32 to index
      %get3A_3210 = arith.constant 58 : index
      %get3A_3211 = tpu.vector_load %arg7[%get3A_3209, %get3A_3210] {strides = array<i32>} : memref<576x128xf32, #tpu.memory_space<vmem>>, vector<16xf32>,
      %add3A_3212 = arith.constant 560 : i32
      %add3A_3213 = arith.addi %add3A_3212, %scan3A_3145 : i32
      %get3A_3214 = arith.index_cast %add3A_3213 : i32 to index
      %get3A_3215 = arith.constant 58 : index
      %get3A_3216 = tpu.vector_load %arg7[%get3A_3214, %get3A_3215] {strides = array<i32>} : memref<576x128xf32, #tpu.memory_space<vmem>>, vector<16xf32>,
      %mul3A_3217 = arith.mulf %gather3A_3149, %get3A_3206 : vector<16xf32>
      %sub3A_3218 = arith.subf %get3A_3201, %mul3A_3217 : vector<16xf32>
      %mul3A_3219 = arith.mulf %gather3A_3152, %get3A_3211 : vector<16xf32>
      %sub3A_3220 = arith.subf %sub3A_3218, %mul3A_3219 : vector<16xf32>
      %mul3A_3221 = arith.mulf %mul3A_3153, %get3A_3216 : vector<16xf32>
      %add3A_3222 = arith.addf %sub3A_3220, %mul3A_3221 : vector<16xf32>
      %mul3A_3223 = arith.mulf %add3A_3222, %gather3A_3156 : vector<16xf32>
      %add3A_3224 = arith.constant 16 : i32
      %add3A_3225 = vector.broadcast %add3A_3224 : i32 to vector<16xi32>
      %add3A_3226 = arith.addi %add3A_3225, %iota3A : vector<16xi32>
      %mul3A_3227 = arith.constant 9 : i32
      %mul3A_3228 = vector.broadcast %mul3A_3227 : i32 to vector<16xi32>
      %mul3A_3229 = arith.muli %add3A_3226, %mul3A_3228 : vector<16xi32>
      %add3A_3230 = vector.broadcast %add3A_3162 : i32 to vector<16xi32>
      %add3A_3231 = arith.addi %add3A_3230, %mul3A_3229 : vector<16xi32>
      %lt3A = arith.constant 5 : i32
      %lt3A_3232 = vector.broadcast %lt3A : i32 to vector<16xi32>
      %lt3A_3233 = arith.cmpi slt, %iota3A, %lt3A_3232 : vector<16xi32>
      tpu.vector_store_idx %arg8[%add3A_3231], %mul3A_3223 masked %lt3A_3233 : memref<6048xf32, #tpu.memory_space<vmem>>[vector<16xi32>], vector<16xf32>, vector<16xi1>
    }
    %scan3A_3140 = arith.constant 16 : i32
    %mul3A_3141 = arith.constant 32 : i32
    %mul3A_3142 = arith.muli %add3A, %mul3A_3141 : i32
    %mul3A_3143 = arith.constant 189 : i32
    %mul3A_3144 = arith.muli %mul3A_3142, %mul3A_3143 : i32
    "tpu.region"() ({
      %run_scoped3A = tpu.sem_alloc : memref<!tpu.dma_semaphore, #tpu.memory_space<semaphore_mem>>
      %dma_start3A_3145 = tpu.memref_slice %arg4[%mul3A_3144] : memref<193536xf32, #tpu.memory_space<hbm>> -> memref<6048xf32, #tpu.memory_space<hbm>>
      %dma_start3A_3146 = tpu.memref_slice %arg4[%mul3A_3144] : memref<193536xf32, #tpu.memory_space<hbm>> -> memref<6048xf32, #tpu.memory_space<hbm>>
      tpu.enqueue_dma source(%arg8 : memref<6048xf32, #tpu.memory_space<vmem>>) target(%dma_start3A_3146 : memref<6048xf32, #tpu.memory_space<hbm>>) target_semaphore(%run_scoped3A : memref<!tpu.dma_semaphore, #tpu.memory_space<semaphore_mem>>)
      %dma_wait3A_3147 = tpu.memref_slice %arg4[%mul3A_3144] : memref<193536xf32, #tpu.memory_space<hbm>> -> memref<6048xf32, #tpu.memory_space<hbm>>
      %dma_wait3A_3148 = tpu.memref_slice %arg4[%mul3A_3144] : memref<193536xf32, #tpu.memory_space<hbm>> -> memref<6048xf32, #tpu.memory_space<hbm>>
      tpu.wait_dma2 semaphore(%run_scoped3A : memref<!tpu.dma_semaphore, #tpu.memory_space<semaphore_mem>>) src(%arg8 : memref<6048xf32, #tpu.memory_space<vmem>>) dst(%dma_wait3A_3148 : memref<6048xf32, #tpu.memory_space<hbm>>)
      tpu.yield
    }) : () -> ()
    return
  }
}

module attributes {stable_mosaic.version = 14 : i64} {
  func.func @_integral_body(%arg0: i32, %arg1: i32, %arg2: memref<1x63x128x128xf32, #tpu.memory_space<vmem>>, %arg3: memref<16384x128xf32, #tpu.memory_space<vmem>>) attributes {dimension_semantics = [#tpu.dimension_semantics<arbitrary>, #tpu.dimension_semantics<arbitrary>], iteration_bounds = array<i64: 2, 3>, scalar_prefetch = 0 : i64, scratch_operands = 0 : i64, tpu.core_type = #tpu.core_type<tc>, window_params = [{transform_indices = @transform_0, window_bounds = array<i64: 1, 63, 128, 128>}, {transform_indices = @transform_1, window_bounds = array<i64: 16384, 128>}]} {
    %get3A = arith.constant 0 : index
    %get3A_0 = arith.constant 0 : index
    %get3A_1 = arith.constant 0 : index
    %get3A_2 = arith.constant 0 : index
    %get3A_3 = vector.load %arg2[%get3A, %get3A_0, %get3A_1, %get3A_2] : memref<1x63x128x128xf32, #tpu.memory_space<vmem>>, vector<1x63x128x128xf32>
    %get3A_4 = vector.shape_cast %get3A_3 : vector<1x63x128x128xf32> to vector<63x128x128xf32>
    %iota3A = tpu.iota {dimensions = array<i32: 0>} : vector<128x128xi32>
    %iota3A_5 = tpu.iota {dimensions = array<i32: 1>} : vector<128x128xi32>
    %le3A = arith.cmpi sle, %iota3A_5, %iota3A : vector<128x128xi32>
    %convert_element_type3A = arith.extui %le3A : vector<128x128xi1> to vector<128x128xi32>
    %convert_element_type3A_6 = arith.sitofp %convert_element_type3A : vector<128x128xi32> to vector<128x128xf32>
    %dot_general3A = arith.constant dense<0.000000e+00> : vector<128x63x128xf32>
    %dot_general3A_7 = tpu.matmul %convert_element_type3A_6, %get3A_4, %dot_general3A {dimension_numbers = #tpu.dot_dimension_numbers<[1], [2], [0], [0, 1], [0, 0, 1, 0, 1, 1], [], []>, precision = #tpu.contract_precision<fp32>, transpose_lhs_hint = false} : vector<128x128xf32>, vector<63x128x128xf32>, vector<128x63x128xf32> -> vector<128x63x128xf32>
    %dot_general3A_8 = arith.constant dense<0.000000e+00> : vector<128x128x63xf32>
    %dot_general3A_9 = tpu.matmul %convert_element_type3A_6, %dot_general3A_7, %dot_general3A_8 {dimension_numbers = #tpu.dot_dimension_numbers<[1], [2], [0], [0, 1], [0, 0, 1, 0, 1, 1], [], []>, precision = #tpu.contract_precision<fp32>, transpose_lhs_hint = false} : vector<128x128xf32>, vector<128x63x128xf32>, vector<128x128x63xf32> -> vector<128x128x63xf32>
    %reshape3A = vector.shape_cast %dot_general3A_9 : vector<128x128x63xf32> to vector<16384x63xf32>
    %swap3A = arith.constant 0 : index
    %swap3A_10 = arith.constant 0 : index
    %swap3A_11 = vector.load %arg3[%swap3A, %swap3A_10] : memref<16384x128xf32, #tpu.memory_space<vmem>>, vector<16384x63xf32>
    tpu.vector_store %arg3[%swap3A, %swap3A_10], %reshape3A {strides = array<i32>} : memref<16384x128xf32, #tpu.memory_space<vmem>>, vector<16384x63xf32>,
    return
  }
  func.func @transform_0(%arg0: i32, %arg1: i32) -> (i32, i32, i32, i32) {
    %c0_i32 = arith.constant 0 : i32
    %c0_i32_0 = arith.constant 0 : i32
    %c0_i32_1 = arith.constant 0 : i32
    return %arg0, %arg1, %c0_i32, %c0_i32_0 : i32, i32, i32, i32
  }
  func.func @transform_1(%arg0: i32, %arg1: i32) -> (i32, i32) {
    %mul3A = arith.constant 3 : i32
    %mul3A_0 = arith.muli %arg0, %mul3A : i32
    %add3A = arith.addi %mul3A_0, %arg1 : i32
    %c0_i32 = arith.constant 0 : i32
    %c0_i32_1 = arith.constant 0 : i32
    return %add3A, %c0_i32 : i32, i32
  }
}

</mosaic_0001>

<sc_bundles>
// kernel: kernel.4.cloned.1.call-start
scs
__scs_entry_jumppad:
0x0: {  	(pc) =	sbr.rel $0x88, $3  }
0x1: {  	(tag) =	ssettag $0x0;
	lr =	simm.s32 $0x1  }
0x2: {  	[smem:$0x3F9F] =	sst lr;
	_ =	strace $0xD0000000  }
0x3: {  	_ = 	snop  }
0x4: {  	_ = 	snop  }
0x5: {  	_ = 	snop  }
0x6: {  	_ = 	snop  }
0x7: {  	_ = 	snop  }
__scs_overlays_trampoline_lowered:
0x8: {  	[smem:$0x3FAE] =	sst s0  }
0x9: {  	[smem:$0x3FAF] =	sst s1  }
0xa: {  	[smem:$0x3FB0] =	sst s2  }
0xb: {  	[smem:$0x3FB1] =	sst s3  }
0xc: {  	[smem:$0x3FB2] =	sst s4  }
0xd: {  	[smem:$0x3FB3] =	sst s5  }
0xe: {  	[smem:$0x3FB4] =	sst s6  }
0xf: {  	[smem:$0x3FB5] =	sst s7  }
0x10: {  	[smem:$0x3FB6] =	sst s8  }
0x11: {  	[smem:$0x3FB7] =	sst s9;
	s0 =	simm.s32 @!p0 $0x0  }
0x12: {  	s1 =	sld [smem:$0x3F9D];
	s0 =	simm.s32 @p0 $0x1  }
0x13: {  	[smem:$0x3FB8] =	sst s0;
	s0 =	simm.s32 @!p1 $0x0  }
0x14: {  	s2 =	sld [smem:$0x3F9C];
	s0 =	simm.s32 @p1 $0x1  }
0x15: {  	[smem:$0x3FB9] =	sst s0;
	s0 =	simm.s32 @!p2 $0x0  }
0x16: {  	s3 =	sld [smem:$0x3FDB];
	s0 =	simm.s32 @p2 $0x1  }
0x17: {  	s4 =	simm.s32 $0x1BF5;
	[smem:$0x3FBB] =	sst s0  }
0x18: {  	s0 =	sld [smem:$0x3F9E];
	_ =	swait.ge [sflag:s4], $0x0  }
0x19: {  	s7 =	sld [smem:$0x3F9F]  }
0x1a: {  	s8 =	sadd.s32 $0xFFFFE003, lr  }
0x1b: {  	s9 =	sadd.s32 $0xFFFFFEF7, lr;
	s5 =	simm.s32 $0xFFFFFFFF;
	p2 =	slt.u32 s8, $0xFFFFF086  }
0x1c: {  	p1 =	slt.u32 s9, $0xF7A;
	s5 =	simm.s32 @!p2 $0x0  }
0x1d: {  	s5 =	simm.s32 @p1 $0x1;
	p0 =	seq.s32 s7, s2  }
0x1e: {  	s7 =	smul.u32 @!p0 $0xF7A, s2;
	p2 =	seq.s32 @!p0 s5, $0x0  }
0x1f: {  	s9 =	smul.u32 $0xF7A, s1;
	s8 =	simm.s32 @!p0 $0x1BF5;
	p2 =	por !p2, p0  }
0x20: {  	[sflag:s8] =	ssyncset.s32 @!p0 $0xFFFFF086;
	s6 =	sadd.s32 @!p0 s3, s7;
	s7 =	simm.s32 @!p0 $0x108  }
0x21: {  	s3 =	sadd.s32 s3, s9;
	s6 =	sadd.s32 @!p0 $0x88, s6;
	s7 =	simm.s32 @p2 $0x1082  }
0x22: {  	[simem:s7], [sflag:s8] =	dma.local @!p0 [hbm:s6], $0xF7A  }
0x23: {  	s9 =	sor.u32 $0xD0000000, s2;
	s6 =	simm.s32 $0x108;
	_ =	swait.ge @!p0 [sflag:s8], $0x0  }
0x24: {  	s3 =	sadd.s32 $0x88, s3;
	s6 =	simm.s32 @!p1 $0x1082;
	[sflag:s4] =	ssyncset.s32 $0xFFFFF086  }
0x25: {  	[simem:s6], [sflag:s4] =	dma.local [hbm:s3], $0xF7A  }
0x26: {  	[smem:$0x3F9F] =	sst s1;
	(tag) =	ssettag s2;
	_ =	strace s9  }
0x27: {  	s1 =	sld [smem:$0x3FAF]  }
0x28: {  	s2 =	sld [smem:$0x3FB0]  }
0x29: {  	s4 =	sld [smem:$0x3FB2]  }
0x2a: {  	p0 =	seq.s32 s5, $0x0;
	s5 =	sld [smem:$0x3FB3]  }
0x2b: {  	s6 =	sld [smem:$0x3FB4]  }
0x2c: {  	s7 =	sld [smem:$0x3FB5]  }
0x2d: {  	s3 =	simm.s32 $0x108;
	s8 =	sld [smem:$0x3FB6]  }
0x2e: {  	s3 =	simm.s32 @!p0 $0x1082;
	s9 =	sld [smem:$0x3FB7]  }
0x2f: {  	lr =	sadd.s32 s0, s3;
	s0 =	sld [smem:$0x3FAE]  }
0x30: {  	s3 =	sld [smem:$0x3FB1]  }
0x31: {  	[smem:$0x3FBA] =	sst s10  }
0x32: {  	s10 =	sld [smem:$0x3FB8];
	_ =	sdelay $0x3  }
0x33: {  	p0 =	seq.s32 s10, $0x1;
	s10 =	sld [smem:$0x3FBA];
	_ =	sdelay $0x3  }
0x34: {  	[smem:$0x3FBA] =	sst s10  }
0x35: {  	s10 =	sld [smem:$0x3FB9];
	_ =	sdelay $0x3  }
0x36: {  	p1 =	seq.s32 s10, $0x1;
	s10 =	sld [smem:$0x3FBA];
	_ =	sdelay $0x3  }
0x37: {  	[smem:$0x3FBA] =	sst s10  }
0x38: {  	s10 =	sld [smem:$0x3FBB]  }
0x39: {  	_ = 	snop;
	(pc) =	sbr.ind lr, $3  }
0x3a: {  	_ = 	snop  }
0x3b: {  	_ = 	snop  }
0x3c: {  	p2 =	seq.s32 s10, $0x1;
	s10 =	sld [smem:$0x3FBA]  }
0x3d: {  	_ =	shalt  }
0x3e: {  	_ =	shalt  }
0x3f: {  	_ =	shalt  }
0x40: {  	_ =	shalt  }
0x41: {  	_ =	shalt  }
0x42: {  	_ =	shalt  }
0x43: {  	_ =	shalt  }
0x44: {  	_ =	shalt  }
0x45: {  	_ =	shalt  }
0x46: {  	_ =	shalt  }
0x47: {  	_ =	shalt  }
0x48: {  	_ =	shalt  }
0x49: {  	_ =	shalt  }
0x4a: {  	_ =	shalt  }
0x4b: {  	_ =	shalt  }
0x4c: {  	_ =	shalt  }
0x4d: {  	_ =	shalt  }
0x4e: {  	_ =	shalt  }
0x4f: {  	_ =	shalt  }
0x50: {  	_ =	shalt  }
0x51: {  	_ =	shalt  }
0x52: {  	_ =	shalt  }
0x53: {  	_ =	shalt  }
0x54: {  	_ =	shalt  }
0x55: {  	_ =	shalt  }
0x56: {  	_ =	shalt  }
0x57: {  	_ =	shalt  }
0x58: {  	_ =	shalt  }
0x59: {  	_ =	shalt  }
0x5a: {  	_ =	shalt  }
0x5b: {  	_ =	shalt  }
0x5c: {  	_ =	shalt  }
0x5d: {  	_ =	shalt  }
0x5e: {  	_ =	shalt  }
0x5f: {  	_ =	shalt  }
0x60: {  	_ =	shalt  }
0x61: {  	_ =	shalt  }
0x62: {  	_ =	shalt  }
0x63: {  	_ =	shalt  }
0x64: {  	_ =	shalt  }
0x65: {  	_ =	shalt  }
0x66: {  	_ =	shalt  }
0x67: {  	_ =	shalt  }
0x68: {  	_ =	shalt  }
0x69: {  	_ =	shalt  }
0x6a: {  	_ =	shalt  }
0x6b: {  	_ =	shalt  }
0x6c: {  	_ =	shalt  }
0x6d: {  	_ =	shalt  }
0x6e: {  	_ =	shalt  }
0x6f: {  	_ =	shalt  }
0x70: {  	_ =	shalt  }
0x71: {  	_ =	shalt  }
0x72: {  	_ =	shalt  }
0x73: {  	_ =	shalt  }
0x74: {  	_ =	shalt  }
0x75: {  	_ =	shalt  }
0x76: {  	_ =	shalt  }
0x77: {  	_ =	shalt  }
0x78: {  	_ =	shalt  }
0x79: {  	_ =	shalt  }
0x7a: {  	_ =	shalt  }
0x7b: {  	_ =	shalt  }
0x7c: {  	_ =	shalt  }
0x7d: {  	_ =	shalt  }
0x7e: {  	_ =	shalt  }
0x7f: {  	_ =	shalt  }
0x80: {  	_ =	shalt  }
0x81: {  	_ =	shalt  }
0x82: {  	_ =	shalt  }
0x83: {  	_ =	shalt  }
0x84: {  	_ =	shalt  }
0x85: {  	_ =	shalt  }
0x86: {  	_ =	shalt  }
0x87: {  	_ =	shalt  }
.Lfunc_end0:
.L_simem_size_0:
called_computation_lowered:
.L_overlay_start_0:
0x88: {  	s2 =	sld [smem:$0x3FD9]  }
0x89: {  	s3 =	sld [smem:$0x3FFE];
	_ =	sdelay $0x1  }
0x8a: {  	s1 =	srdreg.scid  }
0x8b: {  	s0 =	sand.u32 $0x1, s1  }
0x8c: {  	s17 =	sshll.u32 s0, $0xA;
	s2 =	sadd.s32 s3, s2  }
0x8d: {  	s2 =	sadd.s32 s2, s17  }
0x8e: {  	[smem:$0x3FC6] =	sst s2  }
0x8f: {  	_ = 	snop  }
0x90: {  	s2 =	sld [smem:$0x3FD0];
	(tm) =	ssettm $0x1  }
0x91: {  	s18 =	sld [smem:$0x3FFB];
	_ =	sdelay $0x3  }
0x92: {  	_ =	strace s18  }
0x93: {  	s3 =	sld [smem:$0x3FFC];
	_ =	sdelay $0x3  }
0x94: {  	_ =	strace s3  }
0x95: {  	s3 =	sld [smem:$0x3FFD];
	_ =	sdelay $0x3  }
0x96: {  	_ =	strace s3  }
0x97: {  	_ =	strace $0x8FFFFFFF  }
0x98: {  	s19 =	sld [smem:$0x3FDB];
	_ =	sdelay $0x1  }
0x99: {  	s4 =	simm.s32 $_scs_section_size  }
0x9a: {  	s5 =	simm.s32 $_size__tile_overlayer_lowered;
	s6 =	simm.s32 $_tile_overlayer_lowered  }
0x9b: {  	s22 =	simm.s32 $0x1BFF;
	s21 =	sshll.u32 s6, $0x1;
	s3 =	sadd.s32 s4, s19  }
0x9c: {  	s7 =	simm.s32 $0x0;
	s20 =	sshll.u32 s5, $0x1;
	s5 =	sadd.s32 s21, s3  }
0x9d: {  	[timem:s7], [sflag:s22] =	dma.local [hbm:s5], s20  }
0x9e: {  	_ =	swait.ge [sflag:s22], s20  }
0x9f: {  	s4 =	ssub.s32 $0x0, s20;
	[sflag:s22] =	ssyncset.done $0x0  }
0xa0: {  	[sflag:s22] =	ssyncadd.s32 s4;
	_ =	sdelay $0x1  }
0xa1: {  	s23 =	simm.s32 $0x1B8B  }
0xa2: {  	_ =	swait.ge [sflag:s23], $0x1  }
0xa3: {  	[sflag:s23] =	ssyncset.done $0x0  }
0xa4: {  	s25 =	simm.s32 $0x1B8E;
	s24 =	sld [smem:$0x3FFE];
	[sflag:s23] =	ssyncadd.s32 $0xFFFFFFFF  }
0xa5: {  	s26 =	simm.s32 $execute0_lowered;
	[smem:$0x3FD2] =	sst s25  }
0xa6: {  	s5 =	sshll.u32 s26, $0x1;
	_ =	strace $0x80000046;
	[dreg:$0x1] =	wrdreg $0xFFFFFFFF  }
0xa7: {  	s28 =	simm.s32 $_size_execute0_lowered;
	s3 =	sadd.s32 s3, s5;
	[dreg:$0x0] =	wrdreg $0x0  }
0xa8: {  	s5 =	sshll.u32 s28, $0x1;
	[dreg:$0x2] =	wrdreg s3  }
0xa9: {  	[dreg:$0x3] =	wrdreg s5  }
0xaa: {  	[dreg:$0x4] =	wrdreg $0xC0  }
0xab: {  	_ =	task [dreg:s7], $0x5FFFF  }
0xac: {  	[dreg:$0x1] =	wrdreg $0xFFFFFFFF  }
0xad: {  	[dreg:$0x0] =	wrdreg $0x60  }
0xae: {  	[dreg:$0x2] =	wrdreg s24  }
0xaf: {  	[dreg:$0x3] =	wrdreg s2  }
0xb0: {  	[dreg:$0x4] =	wrdreg $0x9  }
0xb1: {  	_ =	task.clear_ibuf [dreg:s7], $0x5FFFF;
	_ =	strace $0x90000046  }
0xb2: {  	s29 =	simm.s32 $0x9;
	_ =	strace $0x80000048  }
0xb3: {  	_ =	swait.ge [sflag:s29], $0x1  }
0xb4: {  	[sflag:s29] =	ssyncadd.s32 $0xFFFFFFFF  }
0xb5: {  	_ =	strace $0x90000048  }
0xb6: {  	_ =	sfence  }
0xb7: {  	s30 =	sld [smem:$0x0];
	_ =	sdelay $0x2  }
0xb8: {  	s31 =	sshll.u32 s1, $0xD;
	s1 =	sshrl.u32 s1, $0x2  }
0xb9: {  	s3 =	sand.u32 $0x4000, s31;
	s1 =	sadd.s32 s1, s30  }
0xba: {  	s0 =	sor.u32 s3, s0;
	s1 =	sshll.u32 s1, $0x11  }
0xbb: {  	s0 =	sor.u32 s1, s0  }
0xbc: {  	s0 =	sadd.s32 $0x8F2B, s0  }
0xbd: {  	[sflag:s0] =	ssyncadd.remote.s32 $0x1  }
0xbe: {  	_ =	sfence.sel $0xFFFF  }
0xbf: {  	[dreg:$0x0] =	wrdreg $0xFFFFFFFF;
	(pc) =	sbr.abs _section_cstart, $3  }
0xc0: {  	[dreg:$0x1] =	wrdreg $0xFFFFFFFF  }
0xc1: {  	_ =	task.clear_ibuf [dreg:s7], $0x2FFFF;
	_ =	strace $0x9FFFFFFF  }
0xc2: {  	(tm) =	ssettm $0x7FFFFFFF  }
0xc3: {  	_ =	shalt  }
tec
execute0_lowered:
.L_overlay_start_1:
0x0: {  	(tag) =	ssettag $0x1  }
0x1: {  	v0 =	vlaneseq.u32  }
0x2: {  	v1 =	vmul.u32 $0x5, v0  }
0x3: {  	v6 =	vimm.s32 $0x0;
	v7 =	vimm.s32 $0x1  }
0x4: {  	s3 =	rddreg [dreg:$0x0];
	s1 =	srdreg.scid;
	v14 =	vor.u32 $0x10, v0;
	v16 =	vor.u32 $0x90, v0;
	v2 =	vadd.s32 $0x1, v1  }
0x5: {  	s0 =	stileid.u32;
	s5 =	rddreg [dreg:$0x1];
	v17 =	vor.u32 $0xA0, v0;
	v18 =	vor.u32 $0xB0, v0;
	[tilespmem:$0x1FF50] =	vst v2;
	v2 =	vadd.s32 $0x2, v1  }
0x6: {  	s2 =	simm.s32 $0x0;
	s10 =	simm.s32 $0x500;
	s11 =	simm.s32 $0x180;
	v19 =	vor.u32 $0xC0, v0;
	v20 =	vor.u32 $0xD0, v0;
	[tilespmem:$0x1FF60] =	vst v2;
	v2 =	vadd.s32 $0x3, v1  }
0x7: {  	s12 =	simm.s32 $0x4500;
	s13 =	simm.s32 $0x200;
	s14 =	simm.s32 $0x8500;
	v21 =	vor.u32 $0xE0, v0;
	v22 =	vor.u32 $0xF0, v0;
	[tilespmem:$0x1FF70] =	vst v2;
	v2 =	vadd.s32 $0x4, v1  }
0x8: {  	s9 =	simm.s32 $0x80;
	s15 =	simm.s32 $0x280;
	s16 =	simm.s32 $0xC500;
	v23 =	vor.u32 $0x100, v0;
	v24 =	vor.u32 $0x110, v0;
	[tilespmem:$0x1FF80] =	vst v2;
	v2 =	vor.u32 $0x20, v0  }
0x9: {  	s17 =	simm.s32 $0x40;
	s18 =	simm.s32 $0x300;
	s19 =	simm.s32 $0x10500;
	v25 =	vor.u32 $0x120, v0;
	v26 =	vor.u32 $0x130, v0;
	[tilespmem:$0x1FF90] =	vst v2;
	v2 =	vor.u32 $0x30, v0  }
0xa: {  	s20 =	simm.s32 $0x1;
	s4 =	sand.u32 $0x1, s1;
	s6 =	sshll.u32 s0, $0x1;
	v27 =	vor.u32 $0x140, v0;
	v28 =	vor.u32 $0x150, v0;
	[tilespmem:$0x1FFA0] =	vst v2;
	v2 =	vor.u32 $0x40, v0  }
0xb: {  	s21 =	simm.s32 $0x12500;
	s22 =	simm.s32 $0x0;
	v29 =	vor.u32 $0x160, v0;
	v30 =	vor.u32 $0x170, v0;
	s6 =	sor.u32 s4, s6;
	[tilespmem:$0x1FFB0] =	vst v2;
	v2 =	vor.u32 $0x50, v0  }
0xc: {  	s1 =	rddreg [dreg:$0x2];
	v31 =	vor.u32 $0x180, v0;
	v32 =	vor.u32 $0x190, v0;
	s4 =	ssub.s32 $0x2, s4;
	s7 =	smul.u32 $0x14, s6;
	[tilespmem:$0x1FFC0] =	vst v2;
	v2 =	vor.u32 $0x60, v0  }
0xd: {  	[smem:$0x7FF] =	sst s2;
	v33 =	vor.u32 $0x1A0, v0;
	v34 =	vor.u32 $0x1B0, v0;
	s8 =	sshrl.u32 s4, $0x1;
	s6 =	smul.u32 $0x2F4, s6;
	[tilespmem:$0x1FFD0] =	vst v2;
	v2 =	vor.u32 $0x70, v0  }
0xe: {  	v35 =	vor.u32 $0x1C0, v0;
	v36 =	vor.u32 $0x1D0, v0;
	s8 =	ssub.s32 s4, s8;
	s7 =	sadd.s32 s7, s3;
	s3 =	sadd.s32 $0x800, s3;
	[tilespmem:$0x1FFE0] =	vst v2;
	v2 =	vor.u32 $0x80, v0  }
0xf: {  	v37 =	vor.u32 $0x1E0, v0;
	v38 =	vor.u32 $0x1F0, v0;
	v39 =	vor.u32 $0x200, v0;
	s5 =	sadd.s32 s5, s6;
	s6 =	smax.u32 s8, $0x1;
	s8 =	simm.s32 $0x100;
	[tilespmem:$0x1FFF0] =	vst v2  }
0x10: {  	v40 =	vor.u32 $0x210, v0;
	v41 =	vor.u32 $0x220, v0;
	v42 =	vor.u32 $0x230, v0;
	s4 =	sadd.s32 $0x400, s7;
	s7 =	simm.s32 $0x2;
	_ =	strace $0x80000047  }
.LBB2_1:
0x11: {  	[tilespmem:s2], [sflag:$0x2] =	stream.linear.gather [hbm4b:s4+s2], $0xA0, $0x38;
	[tilespmem:$0x13D00] =	vst v63  }
0x12: {  	_ =	swait.ge [sflag:s7], $0xA0  }
0x13: {  	v2 =	vld [tilespmem:$0x1FF60];
	_ =	sdelay $0x1  }
0x14: {  	v3 =	vld [tilespmem:$0x1FF50];
	_ =	sdelay $0x3  }
0x15: {  	[sflag:s7] =	ssyncset.done $0x0  }
0x16: {  	[sflag:s7] =	ssyncadd.s32 $0xFFFFFF60  }
0x17: {  	v48 =	vld.idx.msk [tilespmem:v2+s2+$0x0], $0xffff  }
0x18: {  	v2 =	vld [tilespmem:$0x1FF80]  }
0x19: {  	v45 =	vld.idx.msk [tilespmem:v3+s2+$0x0], $0xffff  }
0x1a: {  	v3 =	vld [tilespmem:$0x1FF70];
	_ =	sdelay $0x6  }
0x1b: {  	v2 =	vld.idx.msk [tilespmem:v2+s2+$0x0], $0xffff  }
0x1c: {  	v43 =	vld.idx.msk [tilespmem:v3+s2+$0x0], $0xffff;
	_ =	sdelay $0x3  }
0x1d: {  	v2 =	vsub.f32 v2, v48  }
0x1e: {  	v43 =	vsub.f32 v43, v45  }
0x1f: {  	v2 =	vmax.f32 v2, $1.000000000e+00  }
0x20: {  	v43 =	vmax.f32 v43, $1.000000000e+00;
	v49 =	vmul.f32 $3.333333430e-01, v2  }
0x21: {  	v2 =	vld.idx.msk [tilespmem:v1+s2+$0x0], $0xffff;
	v46 =	vmul.f32 $3.333333430e-01, v43  }
0x22: {  	v44 =	vmul.f32 $0.0e+00, v49;
	v59 =	vadd.f32 v49, v48  }
0x23: {  	v50 =	vmul.f32 $0.0e+00, v46;
	v61 =	vadd.f32 v46, v45;
	v55 =	vadd.f32 v46, v46  }
0x24: {  	v44 =	vadd.f32 v44, v48;
	v47 =	vtrunc.f32 v59  }
0x25: {  	v60 =	vadd.f32 v50, v45;
	v63 =	vtrunc.f32 v61;
	v55 =	vadd.f32 v55, v45  }
0x26: {  	v2 =	vtrunc.f32 v2;
	v52 =	vcvt.f32.s32 v47;
	vm0 =	vgt.f32 v59, v47  }
0x27: {  	v54 =	vcvt.f32.s32 v63;
	vm1 =	vgt.f32 v61, v63;
	v58 =	vtrunc.f32 v44  }
0x28: {  	v44 =	vsel vm0, $0x1, v6;
	v53 =	vcvt.f32.s32 v2;
	v62 =	vtrunc.f32 v60  }
0x29: {  	v47 =	vsel vm1, $0x1, v6;
	v11 =	vtrunc.f32 v55;
	v43 =	vcvt.f32.s32 v58  }
0x2a: {  	v44 =	vadd.s32 v52, v44;
	v51 =	vcvt.f32.s32 v62;
	v47 =	vadd.s32 v54, v47  }
0x2b: {  	vm0 =	vgt.s32 v44, $0x1;
	v53 =	vmul.u32 $0xC000, v53;
	vm3 =	vgt.s32 v43, $0x0  }
0x2c: {  	v44 =	vnsel vm0, $0x1, v44;
	vm5 =	vgt.s32 v51, $0x0;
	vm0 =	vgt.s32 v47, $0x1  }
0x2d: {  	v12 =	vld [tilespmem:$0x1FF90];
	v2 =	vnsel vm3, $0x0, v43;
	v9 =	vnsel vm5, $0x0, v51;
	v62 =	vnsel vm0, $0x1, v47  }
0x2e: {  	v58 =	vadd.s32 $0xFFFFFF80, v53;
	v43 =	vmin.u32 v2, $0x7F;
	v2 =	vmin.u32 v44, $0x80  }
0x2f: {  	v51 =	vmin.u32 v9, $0x7F;
	v47 =	vmin.u32 v62, $0x80;
	v10 =	vmax.u32 v43, $0x1  }
0x30: {  	v56 =	vmax.u32 v51, $0x1;
	v57 =	vshll.u32 v2, $0x7;
	v63 =	vadd.s32 $0xFFFFFFFF, v47  }
0x31: {  	v59 =	vsub.s32 v56, v7;
	v56 =	vadd.s32 v57, v58;
	v50 =	vshll.u32 v10, $0x7  }
0x32: {  	vm0 =	vgt.f32 v55, v11;
	v55 =	vadd.s32 v50, v58;
	v57 =	vadd.s32 v63, v56  }
0x33: {  	v3 =	vmul.f32 $3.000000000e+00, v46;
	v58 =	vadd.s32 v63, v55;
	[tilespmem:v0+s8+$0x0] =	vst.idx.msk $0xffff, v57  }
0x34: {  	v4 =	vor.u32 v59, v56;
	[tilespmem:v14+s8+$0x0] =	vst.idx.msk $0xffff, v58  }
0x35: {  	v3 =	vadd.f32 v3, v45;
	v61 =	vcvt.f32.s32 v11;
	[tilespmem:v12+s8+$0x0] =	vst.idx.msk $0xffff, v4;
	v12 =	vld [tilespmem:$0x1FFA0]  }
0x36: {  	vm2 =	vgt.s32 v54, $0x0;
	v9 =	vsel vm0, $0x1, v6  }
0x37: {  	v10 =	vnsel vm2, $0x0, v54;
	v50 =	vadd.s32 v61, v9;
	v9 =	vtrunc.f32 v3  }
0x38: {  	v60 =	vmin.u32 v10, $0x7F;
	vm0 =	vgt.s32 v50, $0x1;
	v10 =	vcvt.f32.s32 v9  }
0x39: {  	v50 =	vnsel vm0, $0x1, v50;
	vm0 =	vgt.f32 v3, v9;
	v3 =	vadd.f32 v49, v49  }
0x3a: {  	v57 =	vsel vm0, $0x1, v6  }
0x3b: {  	v10 =	vadd.s32 v10, v57;
	v3 =	vadd.f32 v3, v48  }
0x3c: {  	v45 =	vor.u32 v59, v55;
	vm1 =	vgt.s32 v10, $0x1  }
0x3d: {  	v58 =	vnsel vm1, $0x1, v10;
	v10 =	vtrunc.f32 v3;
	[tilespmem:v12+s8+$0x0] =	vst.idx.msk $0xffff, v45;
	v12 =	vld [tilespmem:$0x1FFB0]  }
0x3e: {  	vm1 =	vgt.f32 v3, v10;
	v3 =	vld [tilespmem:$0x1FFC0]  }
0x3f: {  	v13 =	vld [tilespmem:$0x1FFD0];
	_ =	sdelay $0x2  }
0x40: {  	v46 =	vmin.u32 v50, $0x80  }
0x41: {  	v5 =	vadd.s32 $0xFFFFFFFF, v46  }
0x42: {  	v11 =	vmax.u32 v60, $0x1;
	v54 =	vadd.s32 v5, v56  }
0x43: {  	v8 =	vsub.s32 v11, v7;
	v9 =	vadd.s32 v5, v55;
	[tilespmem:v12+s8+$0x0] =	vst.idx.msk $0xffff, v54  }
0x44: {  	v11 =	vor.u32 v8, v56;
	[tilespmem:v3+s8+$0x0] =	vst.idx.msk $0xffff, v9  }
0x45: {  	[tilespmem:v13+s8+$0x0] =	vst.idx.msk $0xffff, v11;
	v13 =	vld [tilespmem:$0x1FFE0];
	_ =	sdelay $0x6  }
0x46: {  	v4 =	vor.u32 v8, v55  }
0x47: {  	vm0 =	vgt.s32 v61, $0x0;
	[tilespmem:v13+s8+$0x0] =	vst.idx.msk $0xffff, v4;
	v13 =	vld [tilespmem:$0x1FFF0]  }
0x48: {  	v61 =	vnsel vm0, $0x0, v61  }
0x49: {  	v57 =	vmin.u32 v61, $0x7F;
	v61 =	vcvt.f32.s32 v10  }
0x4a: {  	vm4 =	vgt.s32 v52, $0x0;
	v10 =	vsel vm1, $0x1, v6  }
0x4b: {  	v52 =	vnsel vm4, $0x0, v52;
	v10 =	vadd.s32 v61, v10  }
0x4c: {  	vm1 =	vgt.s32 v10, $0x1;
	v45 =	vmin.u32 v58, $0x80;
	v3 =	vmax.u32 v57, $0x1  }
0x4d: {  	v54 =	vnsel vm1, $0x1, v10;
	v9 =	vadd.s32 $0xFFFFFFFF, v45;
	v3 =	vsub.s32 v3, v7  }
0x4e: {  	v12 =	vadd.s32 v9, v56;
	v11 =	vadd.s32 v9, v55;
	v10 =	vor.u32 v3, v55  }
0x4f: {  	v55 =	vmin.u32 v52, $0x7F;
	v4 =	vor.u32 v3, v56;
	v56 =	vmin.u32 v54, $0x80;
	[tilespmem:v13+s8+$0x0] =	vst.idx.msk $0xffff, v12  }
0x50: {  	v52 =	vor.u32 $0x3F80, v53;
	v12 =	vshll.u32 v56, $0x7;
	[tilespmem:v16+s8+$0x0] =	vst.idx.msk $0xffff, v11;
	v11 =	vmax.u32 v55, $0x1  }
0x51: {  	[tilespmem:v17+s8+$0x0] =	vst.idx.msk $0xffff, v4;
	v4 =	vadd.s32 v12, v52;
	v11 =	vshll.u32 v11, $0x7;
	v12 =	vmul.f32 $3.000000000e+00, v49  }
0x52: {  	[tilespmem:v18+s8+$0x0] =	vst.idx.msk $0xffff, v10;
	v10 =	vadd.s32 v63, v4;
	v11 =	vadd.s32 v11, v52  }
0x53: {  	v52 =	vadd.s32 v63, v11;
	[tilespmem:v19+s8+$0x0] =	vst.idx.msk $0xffff, v10;
	v10 =	vadd.f32 v12, v48  }
0x54: {  	v12 =	vor.u32 v59, v4;
	[tilespmem:v20+s8+$0x0] =	vst.idx.msk $0xffff, v52  }
0x55: {  	v52 =	vor.u32 v59, v11;
	[tilespmem:v21+s8+$0x0] =	vst.idx.msk $0xffff, v12;
	v12 =	vtrunc.f32 v10  }
0x56: {  	v48 =	vadd.s32 v5, v4;
	[tilespmem:v22+s8+$0x0] =	vst.idx.msk $0xffff, v52;
	v49 =	vcvt.f32.s32 v12;
	vm1 =	vgt.f32 v10, v12  }
0x57: {  	v52 =	vadd.s32 v11, v5;
	[tilespmem:v23+s8+$0x0] =	vst.idx.msk $0xffff, v48;
	v48 =	vsel vm1, $0x1, v6  }
0x58: {  	v53 =	vadd.s32 $0x7F80, v53;
	v12 =	vor.u32 v8, v4;
	[tilespmem:v24+s8+$0x0] =	vst.idx.msk $0xffff, v52;
	v48 =	vadd.s32 v49, v48  }
0x59: {  	vm1 =	vgt.s32 v61, $0x0;
	v52 =	vor.u32 v8, v11;
	[tilespmem:v25+s8+$0x0] =	vst.idx.msk $0xffff, v12;
	vm6 =	vgt.s32 v48, $0x1  }
0x5a: {  	v12 =	vadd.s32 v9, v4;
	[tilespmem:v26+s8+$0x0] =	vst.idx.msk $0xffff, v52;
	v52 =	vnsel vm1, $0x0, v61;
	v48 =	vnsel vm6, $0x1, v48  }
0x5b: {  	v10 =	vadd.s32 v11, v9;
	[tilespmem:v27+s8+$0x0] =	vst.idx.msk $0xffff, v12;
	v49 =	vmin.u32 v52, $0x7F;
	v52 =	vmin.u32 v48, $0x80  }
0x5c: {  	v4 =	vor.u32 v3, v4;
	[tilespmem:v28+s8+$0x0] =	vst.idx.msk $0xffff, v10;
	v61 =	vmax.u32 v49, $0x1;
	v12 =	vshll.u32 v52, $0x7  }
0x5d: {  	[tilespmem:v29+s8+$0x0] =	vst.idx.msk $0xffff, v4;
	v4 =	vor.u32 v3, v11;
	v11 =	vadd.s32 v12, v53;
	v10 =	vshll.u32 v61, $0x7  }
0x5e: {  	[tilespmem:v30+s8+$0x0] =	vst.idx.msk $0xffff, v4;
	v4 =	vadd.s32 v63, v11;
	v10 =	vadd.s32 v10, v53  }
0x5f: {  	v12 =	vadd.s32 v63, v10;
	[tilespmem:v31+s8+$0x0] =	vst.idx.msk $0xffff, v4  }
0x60: {  	v4 =	vor.u32 v59, v11;
	[tilespmem:v32+s8+$0x0] =	vst.idx.msk $0xffff, v12  }
0x61: {  	v12 =	vor.u32 v59, v10;
	[tilespmem:v33+s8+$0x0] =	vst.idx.msk $0xffff, v4  }
0x62: {  	v4 =	vadd.s32 v5, v11;
	[tilespmem:v34+s8+$0x0] =	vst.idx.msk $0xffff, v12  }
0x63: {  	v61 =	vsub.s32 v2, v43;
	v2 =	vadd.s32 v5, v10;
	[tilespmem:v35+s8+$0x0] =	vst.idx.msk $0xffff, v4  }
0x64: {  	v53 =	vsub.s32 v47, v51;
	v4 =	vor.u32 v8, v11;
	[tilespmem:v36+s8+$0x0] =	vst.idx.msk $0xffff, v2  }
0x65: {  	v5 =	vor.u32 v8, v10;
	v2 =	vmul.u32 v53, v61;
	[tilespmem:v37+s8+$0x0] =	vst.idx.msk $0xffff, v4  }
0x66: {  	v4 =	vadd.s32 v9, v11;
	[tilespmem:v38+s8+$0x0] =	vst.idx.msk $0xffff, v5  }
0x67: {  	v2 =	vcvt.s32.f32 v2;
	v5 =	vadd.s32 v9, v10;
	[tilespmem:v39+s8+$0x0] =	vst.idx.msk $0xffff, v4  }
0x68: {  	v4 =	vor.u32 v3, v11;
	[tilespmem:v40+s8+$0x0] =	vst.idx.msk $0xffff, v5  }
0x69: {  	v3 =	vor.u32 v3, v10;
	v2 =	vmax.f32 v2, $1.000000000e+00;
	[tilespmem:v41+s8+$0x0] =	vst.idx.msk $0xffff, v4  }
0x6a: {  	(erf) = vrcp.f32 v2;
	[tilespmem:v42+s8+$0x0] =	vst.idx.msk $0xffff, v3  }
0x6b: {  	[tilespmem:s10], [sflag:$0x1] =	stream.indirect.gather [hbm4b:s3+s9], $0x80, s8, s9, $0xb8;
	[tilespmem:$0x13D00] =	vst v63  }
0x6c: {  	_ = 	snop  }
0x6d: {  	[tilespmem:s12], [sflag:$0x1] =	stream.indirect.gather [hbm4b:s3+s9], $0x80, s11, s9, $0xb8;
	[tilespmem:$0x13D00] =	vst v63  }
0x6e: {  	_ = 	snop  }
0x6f: {  	[tilespmem:s14], [sflag:$0x1] =	stream.indirect.gather [hbm4b:s3+s9], $0x80, s13, s9, $0xb8;
	[tilespmem:$0x13D00] =	vst v63  }
0x70: {  	_ = 	snop  }
0x71: {  	[tilespmem:s16], [sflag:$0x1] =	stream.indirect.gather [hbm4b:s3+s9], $0x80, s15, s9, $0xb8;
	[tilespmem:$0x13D00] =	vst v63  }
0x72: {  	_ = 	snop  }
0x73: {  	v2 =	vpop (erf);
	[tilespmem:s19], [sflag:$0x1] =	stream.indirect.gather [hbm4b:s3+s17], $0x80, s18, s17, $0xb8;
	[tilespmem:$0x13D00] =	vst v63  }
0x74: {  	_ =	swait.ge [sflag:s20], $0x4000  }
0x75: {  	[sflag:s20] =	ssyncset.done $0x0  }
0x76: {  	s23 =	simm.s32 $0x1500;
	[sflag:s20] =	ssyncadd.s32 $0xFFFFC000  }
0x77: {  	v3 =	vld [tilespmem:s23+$0xFFFFF800]  }
0x78: {  	v4 =	vld [tilespmem:s23+$0x0]  }
0x79: {  	v59 =	vsel vm3, $0x3F800000, v6;
	v5 =	vmov s2;
	v8 =	vld [tilespmem:s23+$0xFFFFF000]  }
0x7a: {  	v9 =	vperm.xlane v59, v5  }
0x7b: {  	v47 =	vsel vm5, $0x3F800000, v6;
	v63 =	vld [tilespmem:s23+$0x800]  }
0x7c: {  	v11 =	vperm.xlane v47, v5;
	v3 =	vmul.f32 v3, v9;
	_ =	sdelay $0x1  }
0x7d: {  	v4 =	vmul.f32 v4, v11;
	v3 =	vsub.f32 v8, v3;
	v8 =	vmul.f32 v11, v9  }
0x7e: {  	vm5 =	vgt.u32 v44, v43;
	v43 =	vmul.u32 $0x9, v0;
	vm3 =	vgt.u32 v62, v51  }
0x7f: {  	vm6 =	vmand vm3, vm5;
	v3 =	vsub.f32 v3, v4;
	v4 =	vmul.f32 v63, v8  }
0x80: {  	v2 =	vnsel vm6, $0x0, v2;
	v63 =	vadd.s32 s2, v43  }
0x81: {  	v5 =	vperm.xlane v2, v5;
	v3 =	vadd.f32 v4, v3;
	_ =	sdelay $0x1  }
0x82: {  	v3 =	vmul.f32 v3, v5;
	_ =	sdelay $0x1  }
0x83: {  	[tilespmem:v63+s21+$0x0] =	vst.idx.msk $0xffff, v3  }
0x84: {  	v3 =	vld [tilespmem:s23+$0xFFFFF810]  }
0x85: {  	v4 =	vld [tilespmem:s23+$0x10]  }
0x86: {  	v10 =	vld [tilespmem:s23+$0xFFFFF010];
	_ =	sdelay $0x1  }
0x87: {  	v12 =	vld [tilespmem:s23+$0x810]  }
0x88: {  	v3 =	vmul.f32 v3, v9;
	_ =	sdelay $0x1  }
0x89: {  	v4 =	vmul.f32 v4, v11;
	v3 =	vsub.f32 v10, v3;
	_ =	sdelay $0x1  }
0x8a: {  	v44 =	vadd.s32 $0x90, v43;
	v3 =	vsub.f32 v3, v4;
	v4 =	vmul.f32 v12, v8  }
0x8b: {  	v62 =	vadd.s32 s2, v44  }
0x8c: {  	v3 =	vadd.f32 v4, v3;
	_ =	sdelay $0x1  }
0x8d: {  	s24 =	simm.s32 $0x1;
	s25 =	simm.s32 $0x0;
	v63 =	vmul.f32 v3, v5  }
.LBB2_2:
0x8e: {  	_ = 	snop  }
0x8f: {  	p0 =	sne.s32 s24, $0xF;
	s25 =	sadd.s32 $0xBD, s25;
	s23 =	sadd.s32 $0x80, s23;
	[tilespmem:v62+s21+$0x0] =	vst.idx.msk $0x1f, v63  }
0x90: {  	s26 =	smov.u32 s24;
	s24 =	sadd.s32 $0x1, s24;
	v3 =	vld [tilespmem:s23+$0xFFFFF800]  }
0x91: {  	v4 =	vld [tilespmem:s23+$0x0]  }
0x92: {  	v5 =	vmov s26;
	v8 =	vld [tilespmem:s23+$0xFFFFF000]  }
0x93: {  	v9 =	vperm.xlane v59, v5  }
0x94: {  	v10 =	vld [tilespmem:s23+$0x800]  }
0x95: {  	v11 =	vperm.xlane v47, v5;
	v3 =	vmul.f32 v3, v9;
	_ =	sdelay $0x1  }
0x96: {  	v12 =	vmul.f32 v11, v9;
	v4 =	vmul.f32 v4, v11;
	v3 =	vsub.f32 v8, v3;
	_ =	sdelay $0x1  }
0x97: {  	v3 =	vsub.f32 v3, v4;
	v4 =	vmul.f32 v10, v12  }
0x98: {  	v8 =	vadd.s32 s25, v43  }
0x99: {  	v5 =	vperm.xlane v2, v5;
	v3 =	vadd.f32 v4, v3;
	_ =	sdelay $0x1  }
0x9a: {  	v3 =	vmul.f32 v3, v5;
	_ =	sdelay $0x1  }
0x9b: {  	[tilespmem:v8+s21+$0x0] =	vst.idx.msk $0xffff, v3  }
0x9c: {  	v3 =	vld [tilespmem:s23+$0xFFFFF810]  }
0x9d: {  	v4 =	vld [tilespmem:s23+$0x10]  }
0x9e: {  	v8 =	vld [tilespmem:s23+$0xFFFFF010];
	_ =	sdelay $0x1  }
0x9f: {  	v10 =	vld [tilespmem:s23+$0x810]  }
0xa0: {  	v3 =	vmul.f32 v3, v9;
	_ =	sdelay $0x1  }
0xa1: {  	v4 =	vmul.f32 v4, v11;
	v3 =	vsub.f32 v8, v3;
	_ =	sdelay $0x1  }
.Ltmp0:
0xa2: {  	v3 =	vsub.f32 v3, v4;
	v4 =	vmul.f32 v10, v12;
	(pc) =	sbr.rel @p0 .LBB2_2-.Ltmp0, $3  }
0xa3: {  	v62 =	vadd.s32 s25, v44  }
0xa4: {  	v3 =	vadd.f32 v4, v3;
	_ =	sdelay $0x1  }
0xa5: {  	v63 =	vmul.f32 v3, v5  }
0xa6: {  	v51 =	vsub.s32 v46, v60  }
0xa7: {  	v2 =	vmul.u32 v51, v61;
	_ =	sdelay $0x1  }
0xa8: {  	v2 =	vcvt.s32.f32 v2;
	_ =	sdelay $0x1  }
0xa9: {  	s23 =	simm.s32 $0x3D25;
	[tilespmem:v62+s21+$0x0] =	vst.idx.msk $0x1f, v63;
	v2 =	vmax.f32 v2, $1.000000000e+00  }
0xaa: {  	(erf) = vrcp.f32 v2;
	v2 =	vld [tilespmem:s23+$0xFFFFEFF0]  }
0xab: {  	s24 =	simm.s32 $0x0;
	v3 =	vld [tilespmem:s23+$0xFFFFF7F0]  }
0xac: {  	v4 =	vmov s24;
	v5 =	vld [tilespmem:s23+$0xFFFFE7F0]  }
0xad: {  	v8 =	vperm.xlane v59, v4  }
0xae: {  	v46 =	vsel vm2, $0x3F800000, v6;
	v9 =	vld [tilespmem:s23+$0xFFFFFFF0]  }
0xaf: {  	v10 =	vperm.xlane v46, v4;
	v2 =	vmul.f32 v2, v8;
	_ =	sdelay $0x1  }
0xb0: {  	v3 =	vmul.f32 v3, v10;
	v2 =	vsub.f32 v5, v2;
	v5 =	vmul.f32 v10, v8  }
0xb1: {  	vm2 =	vgt.u32 v50, v60  }
0xb2: {  	s26 =	simm.s32 $0x1;
	vm6 =	vmand vm5, vm2;
	v11 =	vpop (erf);
	v3 =	vsub.f32 v2, v3;
	v9 =	vmul.f32 v9, v5  }
0xb3: {  	v62 =	vadd.s32 s26, v43;
	v2 =	vnsel vm6, $0x0, v11  }
0xb4: {  	v4 =	vperm.xlane v2, v4;
	v3 =	vadd.f32 v9, v3;
	_ =	sdelay $0x1  }
0xb5: {  	v3 =	vmul.f32 v3, v4;
	_ =	sdelay $0x1  }
0xb6: {  	[tilespmem:v62+s21+$0x0] =	vst.idx.msk $0xffff, v3  }
0xb7: {  	v3 =	vld [tilespmem:s23+$0xFFFFF000]  }
0xb8: {  	v63 =	vld [tilespmem:s23+$0xFFFFF800]  }
0xb9: {  	v11 =	vld [tilespmem:s23+$0xFFFFE800];
	_ =	sdelay $0x1  }
0xba: {  	v12 =	vld [tilespmem:s23+$0x0]  }
0xbb: {  	v3 =	vmul.f32 v3, v8;
	_ =	sdelay $0x1  }
0xbc: {  	v8 =	vmul.f32 v63, v10;
	v3 =	vsub.f32 v11, v3;
	_ =	sdelay $0x1  }
0xbd: {  	v5 =	vmul.f32 v12, v5;
	v3 =	vsub.f32 v3, v8  }
0xbe: {  	v60 =	vadd.s32 s26, v44  }
0xbf: {  	v3 =	vadd.f32 v5, v3;
	_ =	sdelay $0x1  }
0xc0: {  	s25 =	simm.s32 $0xBE;
	v62 =	vmul.f32 v3, v4  }
.LBB2_4:
0xc1: {  	_ = 	snop  }
0xc2: {  	p0 =	sne.s32 s25, $0xB14;
	s24 =	sadd.s32 $0x1, s24;
	s23 =	sadd.s32 $0x80, s23;
	[tilespmem:v60+s21+$0x0] =	vst.idx.msk $0x1f, v62  }
0xc3: {  	s26 =	smov.u32 s25;
	s25 =	sadd.s32 $0xBD, s25;
	v3 =	vld [tilespmem:s23+$0xFFFFEFF0]  }
0xc4: {  	v4 =	vld [tilespmem:s23+$0xFFFFF7F0]  }
0xc5: {  	v5 =	vmov s24;
	v8 =	vld [tilespmem:s23+$0xFFFFE7F0]  }
0xc6: {  	v9 =	vperm.xlane v59, v5  }
0xc7: {  	v10 =	vld [tilespmem:s23+$0xFFFFFFF0]  }
0xc8: {  	v11 =	vperm.xlane v46, v5;
	v3 =	vmul.f32 v3, v9;
	_ =	sdelay $0x1  }
0xc9: {  	v12 =	vmul.f32 v11, v9;
	v4 =	vmul.f32 v4, v11;
	v3 =	vsub.f32 v8, v3;
	_ =	sdelay $0x1  }
0xca: {  	v3 =	vsub.f32 v3, v4;
	v4 =	vmul.f32 v10, v12  }
0xcb: {  	v8 =	vadd.s32 s26, v43  }
0xcc: {  	v5 =	vperm.xlane v2, v5;
	v3 =	vadd.f32 v4, v3;
	_ =	sdelay $0x1  }
0xcd: {  	v3 =	vmul.f32 v3, v5;
	_ =	sdelay $0x1  }
0xce: {  	[tilespmem:v8+s21+$0x0] =	vst.idx.msk $0xffff, v3  }
0xcf: {  	v3 =	vld [tilespmem:s23+$0xFFFFF000]  }
0xd0: {  	v4 =	vld [tilespmem:s23+$0xFFFFF800]  }
0xd1: {  	v8 =	vld [tilespmem:s23+$0xFFFFE800];
	_ =	sdelay $0x1  }
0xd2: {  	v10 =	vld [tilespmem:s23+$0x0]  }
0xd3: {  	v3 =	vmul.f32 v3, v9;
	_ =	sdelay $0x1  }
0xd4: {  	v4 =	vmul.f32 v4, v11;
	v3 =	vsub.f32 v8, v3;
	_ =	sdelay $0x1  }
.Ltmp1:
0xd5: {  	v3 =	vsub.f32 v3, v4;
	v4 =	vmul.f32 v10, v12;
	(pc) =	sbr.rel @p0 .LBB2_4-.Ltmp1, $3  }
0xd6: {  	v60 =	vadd.s32 s26, v44  }
0xd7: {  	v3 =	vadd.f32 v4, v3;
	_ =	sdelay $0x1  }
0xd8: {  	v62 =	vmul.f32 v3, v5  }
0xd9: {  	v50 =	vsub.s32 v45, v57  }
0xda: {  	v2 =	vmul.u32 v50, v61;
	_ =	sdelay $0x1  }
0xdb: {  	v2 =	vcvt.s32.f32 v2;
	_ =	sdelay $0x1  }
0xdc: {  	v2 =	vmax.f32 v2, $1.000000000e+00  }
0xdd: {  	(erf) = vrcp.f32 v2;
	_ =	sdelay $0x8  }
0xde: {  	[tilespmem:v60+s21+$0x0] =	vst.idx.msk $0x1f, v62;
	v2 =	vpop (erf)  }
0xdf: {  	_ =	swait.ge [sflag:s20], $0x4000  }
0xe0: {  	[sflag:s20] =	ssyncset.done $0x0  }
0xe1: {  	s24 =	simm.s32 $0x0;
	[sflag:s20] =	ssyncadd.s32 $0xFFFFC000  }
0xe2: {  	v3 =	vld [tilespmem:s24+$0x4D2A]  }
0xe3: {  	s23 =	simm.s32 $0x0;
	v4 =	vld [tilespmem:s24+$0x552A]  }
0xe4: {  	v5 =	vmov s23;
	v8 =	vld [tilespmem:s24+$0x452A]  }
0xe5: {  	v9 =	vperm.xlane v59, v5  }
0xe6: {  	v45 =	vsel vm0, $0x3F800000, v6;
	v10 =	vld [tilespmem:s24+$0x5D2A]  }
0xe7: {  	v11 =	vperm.xlane v45, v5;
	v3 =	vmul.f32 v3, v9;
	_ =	sdelay $0x1  }
0xe8: {  	v4 =	vmul.f32 v4, v11;
	v3 =	vsub.f32 v8, v3;
	v8 =	vmul.f32 v11, v9  }
0xe9: {  	vm0 =	vgt.u32 v58, v57  }
0xea: {  	s26 =	simm.s32 $0x2;
	vm5 =	vmand vm5, vm0;
	v3 =	vsub.f32 v3, v4;
	v4 =	vmul.f32 v10, v8  }
0xeb: {  	v63 =	vadd.s32 s26, v43;
	v2 =	vnsel vm5, $0x0, v2  }
0xec: {  	v5 =	vperm.xlane v2, v5;
	v3 =	vadd.f32 v4, v3;
	_ =	sdelay $0x1  }
0xed: {  	v3 =	vmul.f32 v3, v5;
	_ =	sdelay $0x1  }
0xee: {  	[tilespmem:v63+s21+$0x0] =	vst.idx.msk $0xffff, v3  }
0xef: {  	v3 =	vld [tilespmem:s24+$0x4D3A]  }
0xf0: {  	v4 =	vld [tilespmem:s24+$0x553A]  }
0xf1: {  	v10 =	vld [tilespmem:s24+$0x453A];
	_ =	sdelay $0x1  }
0xf2: {  	v12 =	vld [tilespmem:s24+$0x5D3A]  }
0xf3: {  	v3 =	vmul.f32 v3, v9;
	_ =	sdelay $0x1  }
0xf4: {  	v4 =	vmul.f32 v4, v11;
	v3 =	vsub.f32 v10, v3;
	_ =	sdelay $0x1  }
0xf5: {  	v3 =	vsub.f32 v3, v4;
	v4 =	vmul.f32 v12, v8  }
0xf6: {  	v57 =	vadd.s32 s26, v44  }
0xf7: {  	v3 =	vadd.f32 v4, v3;
	_ =	sdelay $0x1  }
0xf8: {  	s25 =	simm.s32 $0x200;
	s28 =	simm.s32 $0x400;
	s24 =	simm.s32 $0xBF;
	v58 =	vmul.f32 v3, v5  }
.LBB2_6:
0xf9: {  	s29 =	sshra.s32 s25, $0x2  }
0xfa: {  	[tilespmem:v57+s21+$0x0] =	vst.idx.msk $0x1f, v58;
	s23 =	sadd.s32 $0x1, s23;
	s25 =	smov.u32 s28;
	s26 =	sadd.s32 $0x200, s28  }
0xfb: {  	p0 =	sne.s32 s28, $0x1E00;
	v3 =	vld [tilespmem:s29+$0x4D2A]  }
0xfc: {  	v4 =	vld [tilespmem:s29+$0x552A]  }
0xfd: {  	v5 =	vmov s23;
	v8 =	vld [tilespmem:s29+$0x452A]  }
0xfe: {  	v9 =	vperm.xlane v59, v5  }
0xff: {  	v10 =	vld [tilespmem:s29+$0x5D2A]  }
0x100: {  	v11 =	vperm.xlane v45, v5;
	v3 =	vmul.f32 v3, v9;
	_ =	sdelay $0x1  }
0x101: {  	v12 =	vmul.f32 v11, v9;
	v4 =	vmul.f32 v4, v11;
	v3 =	vsub.f32 v8, v3;
	_ =	sdelay $0x1  }
0x102: {  	v3 =	vsub.f32 v3, v4;
	v4 =	vmul.f32 v10, v12  }
0x103: {  	v8 =	vadd.s32 s24, v43  }
0x104: {  	v5 =	vperm.xlane v2, v5;
	v3 =	vadd.f32 v4, v3;
	_ =	sdelay $0x1  }
0x105: {  	v3 =	vmul.f32 v3, v5;
	_ =	sdelay $0x1  }
0x106: {  	[tilespmem:v8+s21+$0x0] =	vst.idx.msk $0xffff, v3  }
0x107: {  	v3 =	vld [tilespmem:s29+$0x4D3A]  }
0x108: {  	v4 =	vld [tilespmem:s29+$0x553A]  }
0x109: {  	v8 =	vld [tilespmem:s29+$0x453A]  }
0x10a: {  	v10 =	vld [tilespmem:s29+$0x5D3A];
	_ =	sdelay $0x1  }
0x10b: {  	v3 =	vmul.f32 v3, v9;
	_ =	sdelay $0x1  }
0x10c: {  	v4 =	vmul.f32 v4, v11;
	v3 =	vsub.f32 v8, v3;
	_ =	sdelay $0x1  }
0x10d: {  	v3 =	vsub.f32 v3, v4;
	v4 =	vmul.f32 v10, v12  }
.Ltmp2:
0x10e: {  	v57 =	vadd.s32 s24, v44;
	(pc) =	sbr.rel @p0 .LBB2_6-.Ltmp2, $3  }
0x10f: {  	v3 =	vadd.f32 v4, v3;
	_ =	sdelay $0x1  }
0x110: {  	v58 =	vmul.f32 v3, v5  }
0x111: {  	s28 =	smov.u32 s26;
	s24 =	sadd.s32 $0xBD, s24  }
0x112: {  	_ =	sdelay $0x3  }
0x113: {  	s25 =	sshra.s32 s25, $0x2;
	[tilespmem:v57+s21+$0x0] =	vst.idx.msk $0x1f, v58  }
0x114: {  	v3 =	vld [tilespmem:s25+$0x4D2A]  }
0x115: {  	s23 =	sadd.s32 $0x1, s23;
	v4 =	vld [tilespmem:s25+$0x552A]  }
0x116: {  	v5 =	vmov s23;
	v8 =	vld [tilespmem:s25+$0x452A]  }
0x117: {  	v9 =	vperm.xlane v59, v5  }
0x118: {  	v10 =	vld [tilespmem:s25+$0x5D2A]  }
0x119: {  	v11 =	vperm.xlane v45, v5;
	v3 =	vmul.f32 v3, v9;
	_ =	sdelay $0x1  }
0x11a: {  	v12 =	vmul.f32 v11, v9;
	v4 =	vmul.f32 v4, v11;
	v3 =	vsub.f32 v8, v3;
	_ =	sdelay $0x1  }
0x11b: {  	v3 =	vsub.f32 v3, v4;
	v4 =	vmul.f32 v10, v12  }
0x11c: {  	v8 =	vadd.s32 s24, v43  }
0x11d: {  	v2 =	vperm.xlane v2, v5;
	v3 =	vadd.f32 v4, v3;
	_ =	sdelay $0x1  }
0x11e: {  	v3 =	vmul.f32 v3, v2;
	_ =	sdelay $0x1  }
0x11f: {  	[tilespmem:v8+s21+$0x0] =	vst.idx.msk $0xffff, v3  }
0x120: {  	v3 =	vld [tilespmem:s25+$0x4D3A]  }
0x121: {  	v4 =	vld [tilespmem:s25+$0x553A]  }
0x122: {  	v5 =	vld [tilespmem:s25+$0x453A];
	_ =	sdelay $0x1  }
0x123: {  	v8 =	vld [tilespmem:s25+$0x5D3A]  }
0x124: {  	v3 =	vmul.f32 v3, v9;
	_ =	sdelay $0x1  }
0x125: {  	v4 =	vmul.f32 v4, v11;
	v3 =	vsub.f32 v5, v3;
	_ =	sdelay $0x1  }
0x126: {  	v3 =	vsub.f32 v3, v4;
	v4 =	vmul.f32 v8, v12  }
0x127: {  	v57 =	vsub.s32 v56, v55;
	v5 =	vadd.s32 s24, v44  }
0x128: {  	v3 =	vadd.f32 v4, v3;
	v4 =	vmul.u32 v53, v57;
	_ =	sdelay $0x1  }
0x129: {  	v2 =	vmul.f32 v3, v2;
	v3 =	vcvt.s32.f32 v4;
	_ =	sdelay $0x1  }
0x12a: {  	s31 =	simm.s32 $0x0;
	[tilespmem:v5+s21+$0x0] =	vst.idx.msk $0x1f, v2;
	v2 =	vmax.f32 v3, $1.000000000e+00  }
0x12b: {  	(erf) = vrcp.f32 v2;
	v2 =	vld [tilespmem:s31+$0x6D00]  }
0x12c: {  	s23 =	simm.s32 $0x0;
	v3 =	vld [tilespmem:s31+$0x7500]  }
0x12d: {  	v56 =	vsel vm4, $0x3F800000, v6;
	v4 =	vmov s23;
	v5 =	vld [tilespmem:s31+$0x6500]  }
0x12e: {  	v8 =	vperm.xlane v56, v4  }
0x12f: {  	v60 =	vld [tilespmem:s31+$0x7D00]  }
0x130: {  	v61 =	vperm.xlane v47, v4;
	v2 =	vmul.f32 v2, v8;
	_ =	sdelay $0x1  }
0x131: {  	v62 =	vmul.f32 v61, v8;
	v3 =	vmul.f32 v3, v61;
	v2 =	vsub.f32 v5, v2  }
0x132: {  	vm4 =	vgt.u32 v54, v55  }
0x133: {  	s26 =	simm.s32 $0x3;
	vm5 =	vmand vm3, vm4;
	v9 =	vmul.f32 v60, v62;
	v5 =	vpop (erf);
	v3 =	vsub.f32 v2, v3  }
0x134: {  	v2 =	vnsel vm5, $0x0, v5;
	v5 =	vadd.s32 s26, v43  }
0x135: {  	v4 =	vperm.xlane v2, v4;
	v3 =	vadd.f32 v9, v3;
	_ =	sdelay $0x1  }
0x136: {  	v3 =	vmul.f32 v3, v4;
	_ =	sdelay $0x1  }
0x137: {  	[tilespmem:v5+s21+$0x0] =	vst.idx.msk $0xffff, v3  }
0x138: {  	v3 =	vld [tilespmem:s31+$0x6D10]  }
0x139: {  	v5 =	vld [tilespmem:s31+$0x7510]  }
0x13a: {  	v63 =	vld [tilespmem:s31+$0x6510];
	_ =	sdelay $0x1  }
0x13b: {  	v12 =	vld [tilespmem:s31+$0x7D10]  }
0x13c: {  	v3 =	vmul.f32 v3, v8;
	_ =	sdelay $0x1  }
0x13d: {  	v5 =	vmul.f32 v5, v61;
	v3 =	vsub.f32 v63, v3;
	_ =	sdelay $0x1  }
0x13e: {  	v3 =	vsub.f32 v3, v5;
	v5 =	vmul.f32 v12, v62  }
0x13f: {  	v54 =	vadd.s32 s26, v44  }
0x140: {  	v3 =	vadd.f32 v5, v3;
	_ =	sdelay $0x1  }
0x141: {  	s28 =	simm.s32 $0x400;
	s25 =	simm.s32 $0x200;
	s24 =	simm.s32 $0xC0;
	v55 =	vmul.f32 v3, v4  }
.LBB2_8:
0x142: {  	s29 =	sshra.s32 s25, $0x2  }
0x143: {  	[tilespmem:v54+s21+$0x0] =	vst.idx.msk $0x1f, v55;
	s23 =	sadd.s32 $0x1, s23;
	s25 =	smov.u32 s28;
	s26 =	sadd.s32 $0x200, s28  }
0x144: {  	p0 =	sne.s32 s28, $0x1E00;
	v3 =	vld [tilespmem:s29+$0x6D00]  }
0x145: {  	v4 =	vld [tilespmem:s29+$0x7500]  }
0x146: {  	v5 =	vmov s23;
	v8 =	vld [tilespmem:s29+$0x6500]  }
0x147: {  	v9 =	vperm.xlane v56, v5  }
0x148: {  	v10 =	vld [tilespmem:s29+$0x7D00]  }
0x149: {  	v11 =	vperm.xlane v47, v5;
	v3 =	vmul.f32 v3, v9;
	_ =	sdelay $0x1  }
0x14a: {  	v12 =	vmul.f32 v11, v9;
	v4 =	vmul.f32 v4, v11;
	v3 =	vsub.f32 v8, v3;
	_ =	sdelay $0x1  }
0x14b: {  	v3 =	vsub.f32 v3, v4;
	v4 =	vmul.f32 v10, v12  }
0x14c: {  	v8 =	vadd.s32 s24, v43  }
0x14d: {  	v5 =	vperm.xlane v2, v5;
	v3 =	vadd.f32 v4, v3;
	_ =	sdelay $0x1  }
0x14e: {  	v3 =	vmul.f32 v3, v5;
	_ =	sdelay $0x1  }
0x14f: {  	[tilespmem:v8+s21+$0x0] =	vst.idx.msk $0xffff, v3  }
0x150: {  	v3 =	vld [tilespmem:s29+$0x6D10]  }
0x151: {  	v4 =	vld [tilespmem:s29+$0x7510]  }
0x152: {  	v8 =	vld [tilespmem:s29+$0x6510]  }
0x153: {  	v10 =	vld [tilespmem:s29+$0x7D10];
	_ =	sdelay $0x1  }
0x154: {  	v3 =	vmul.f32 v3, v9;
	_ =	sdelay $0x1  }
0x155: {  	v4 =	vmul.f32 v4, v11;
	v3 =	vsub.f32 v8, v3;
	_ =	sdelay $0x1  }
0x156: {  	v3 =	vsub.f32 v3, v4;
	v4 =	vmul.f32 v10, v12  }
.Ltmp3:
0x157: {  	v54 =	vadd.s32 s24, v44;
	(pc) =	sbr.rel @p0 .LBB2_8-.Ltmp3, $3  }
0x158: {  	v3 =	vadd.f32 v4, v3;
	_ =	sdelay $0x1  }
0x159: {  	v55 =	vmul.f32 v3, v5  }
0x15a: {  	s28 =	smov.u32 s26;
	s24 =	sadd.s32 $0xBD, s24  }
0x15b: {  	_ =	sdelay $0x3  }
0x15c: {  	s25 =	sshra.s32 s25, $0x2;
	[tilespmem:v54+s21+$0x0] =	vst.idx.msk $0x1f, v55  }
0x15d: {  	v3 =	vld [tilespmem:s25+$0x6D00]  }
0x15e: {  	s23 =	sadd.s32 $0x1, s23;
	v4 =	vld [tilespmem:s25+$0x7500]  }
0x15f: {  	v5 =	vmov s23;
	v8 =	vld [tilespmem:s25+$0x6500]  }
0x160: {  	v9 =	vperm.xlane v56, v5  }
0x161: {  	v10 =	vld [tilespmem:s25+$0x7D00]  }
0x162: {  	v11 =	vperm.xlane v47, v5;
	v3 =	vmul.f32 v3, v9;
	_ =	sdelay $0x1  }
0x163: {  	v12 =	vmul.f32 v11, v9;
	v4 =	vmul.f32 v4, v11;
	v3 =	vsub.f32 v8, v3;
	_ =	sdelay $0x1  }
0x164: {  	v3 =	vsub.f32 v3, v4;
	v4 =	vmul.f32 v10, v12  }
0x165: {  	v8 =	vadd.s32 s24, v43  }
0x166: {  	v2 =	vperm.xlane v2, v5;
	v3 =	vadd.f32 v4, v3;
	_ =	sdelay $0x1  }
0x167: {  	v3 =	vmul.f32 v3, v2;
	_ =	sdelay $0x1  }
0x168: {  	[tilespmem:v8+s21+$0x0] =	vst.idx.msk $0xffff, v3  }
0x169: {  	v3 =	vld [tilespmem:s25+$0x6D10]  }
0x16a: {  	v4 =	vld [tilespmem:s25+$0x7510]  }
0x16b: {  	v8 =	vld [tilespmem:s25+$0x6510]  }
0x16c: {  	v5 =	vmul.u32 v51, v57  }
0x16d: {  	v59 =	vld [tilespmem:s25+$0x7D10]  }
0x16e: {  	v5 =	vcvt.s32.f32 v5;
	v3 =	vmul.f32 v3, v9;
	_ =	sdelay $0x1  }
0x16f: {  	v5 =	vmax.f32 v5, $1.000000000e+00;
	v4 =	vmul.f32 v4, v11;
	v3 =	vsub.f32 v8, v3  }
0x170: {  	(erf) = vrcp.f32 v5  }
0x171: {  	v3 =	vsub.f32 v3, v4;
	v4 =	vmul.f32 v59, v12;
	_ =	sdelay $0x1  }
0x172: {  	v3 =	vadd.f32 v4, v3  }
0x173: {  	v5 =	vadd.s32 s24, v44  }
0x174: {  	v2 =	vmul.f32 v3, v2;
	_ =	sdelay $0x3  }
0x175: {  	[tilespmem:v5+s21+$0x0] =	vst.idx.msk $0x1f, v2;
	v2 =	vpop (erf)  }
0x176: {  	_ =	swait.ge [sflag:s20], $0x4000  }
0x177: {  	[sflag:s20] =	ssyncset.done $0x0  }
0x178: {  	s31 =	simm.s32 $0x0;
	[sflag:s20] =	ssyncadd.s32 $0xFFFFC000  }
0x179: {  	v3 =	vld [tilespmem:s31+$0x8D15]  }
0x17a: {  	s23 =	simm.s32 $0x0;
	v4 =	vld [tilespmem:s31+$0x9515]  }
0x17b: {  	v5 =	vmov s23;
	v8 =	vld [tilespmem:s31+$0x8515]  }
0x17c: {  	v60 =	vperm.xlane v56, v5  }
0x17d: {  	v61 =	vld [tilespmem:s31+$0x9D15]  }
0x17e: {  	v62 =	vperm.xlane v46, v5;
	v3 =	vmul.f32 v3, v60;
	_ =	sdelay $0x1  }
0x17f: {  	v12 =	vmul.f32 v62, v60;
	v4 =	vmul.f32 v4, v62;
	v3 =	vsub.f32 v8, v3;
	_ =	sdelay $0x1  }
0x180: {  	vm5 =	vmand vm2, vm4;
	s26 =	simm.s32 $0x4;
	v3 =	vsub.f32 v3, v4;
	v4 =	vmul.f32 v61, v12  }
0x181: {  	v2 =	vnsel vm5, $0x0, v2;
	v8 =	vadd.s32 s26, v43  }
0x182: {  	v5 =	vperm.xlane v2, v5;
	v3 =	vadd.f32 v4, v3;
	_ =	sdelay $0x1  }
0x183: {  	v3 =	vmul.f32 v3, v5;
	_ =	sdelay $0x1  }
0x184: {  	[tilespmem:v8+s21+$0x0] =	vst.idx.msk $0xffff, v3  }
0x185: {  	v3 =	vld [tilespmem:s31+$0x8D25]  }
0x186: {  	v4 =	vld [tilespmem:s31+$0x9525]  }
0x187: {  	v8 =	vld [tilespmem:s31+$0x8525];
	_ =	sdelay $0x1  }
0x188: {  	v63 =	vld [tilespmem:s31+$0x9D25]  }
0x189: {  	v3 =	vmul.f32 v3, v60;
	_ =	sdelay $0x1  }
0x18a: {  	v4 =	vmul.f32 v4, v62;
	v3 =	vsub.f32 v8, v3;
	_ =	sdelay $0x1  }
0x18b: {  	v3 =	vsub.f32 v3, v4;
	v4 =	vmul.f32 v63, v12  }
0x18c: {  	v54 =	vadd.s32 s26, v44  }
0x18d: {  	v3 =	vadd.f32 v4, v3;
	_ =	sdelay $0x1  }
0x18e: {  	s28 =	simm.s32 $0x400;
	s24 =	simm.s32 $0xC1;
	s25 =	simm.s32 $0x200;
	v55 =	vmul.f32 v3, v5  }
.LBB2_10:
0x18f: {  	s29 =	sshra.s32 s25, $0x2  }
0x190: {  	[tilespmem:v54+s21+$0x0] =	vst.idx.msk $0x1f, v55;
	s23 =	sadd.s32 $0x1, s23;
	s25 =	smov.u32 s28;
	s26 =	sadd.s32 $0x200, s28  }
0x191: {  	p0 =	sne.s32 s28, $0x1E00;
	v3 =	vld [tilespmem:s29+$0x8D15]  }
0x192: {  	v4 =	vld [tilespmem:s29+$0x9515]  }
0x193: {  	v5 =	vmov s23;
	v8 =	vld [tilespmem:s29+$0x8515]  }
0x194: {  	v9 =	vperm.xlane v56, v5  }
0x195: {  	v10 =	vld [tilespmem:s29+$0x9D15]  }
0x196: {  	v11 =	vperm.xlane v46, v5;
	v3 =	vmul.f32 v3, v9;
	_ =	sdelay $0x1  }
0x197: {  	v12 =	vmul.f32 v11, v9;
	v4 =	vmul.f32 v4, v11;
	v3 =	vsub.f32 v8, v3;
	_ =	sdelay $0x1  }
0x198: {  	v3 =	vsub.f32 v3, v4;
	v4 =	vmul.f32 v10, v12  }
0x199: {  	v8 =	vadd.s32 s24, v43  }
0x19a: {  	v5 =	vperm.xlane v2, v5;
	v3 =	vadd.f32 v4, v3;
	_ =	sdelay $0x1  }
0x19b: {  	v3 =	vmul.f32 v3, v5;
	_ =	sdelay $0x1  }
0x19c: {  	[tilespmem:v8+s21+$0x0] =	vst.idx.msk $0xffff, v3  }
0x19d: {  	v3 =	vld [tilespmem:s29+$0x8D25]  }
0x19e: {  	v4 =	vld [tilespmem:s29+$0x9525]  }
0x19f: {  	v8 =	vld [tilespmem:s29+$0x8525]  }
0x1a0: {  	v10 =	vld [tilespmem:s29+$0x9D25];
	_ =	sdelay $0x1  }
0x1a1: {  	v3 =	vmul.f32 v3, v9;
	_ =	sdelay $0x1  }
0x1a2: {  	v4 =	vmul.f32 v4, v11;
	v3 =	vsub.f32 v8, v3;
	_ =	sdelay $0x1  }
0x1a3: {  	v3 =	vsub.f32 v3, v4;
	v4 =	vmul.f32 v10, v12  }
.Ltmp4:
0x1a4: {  	v54 =	vadd.s32 s24, v44;
	(pc) =	sbr.rel @p0 .LBB2_10-.Ltmp4, $3  }
0x1a5: {  	v3 =	vadd.f32 v4, v3;
	_ =	sdelay $0x1  }
0x1a6: {  	v55 =	vmul.f32 v3, v5  }
0x1a7: {  	s28 =	smov.u32 s26;
	s24 =	sadd.s32 $0xBD, s24  }
0x1a8: {  	_ =	sdelay $0x3  }
0x1a9: {  	s25 =	sshra.s32 s25, $0x2;
	[tilespmem:v54+s21+$0x0] =	vst.idx.msk $0x1f, v55  }
0x1aa: {  	v3 =	vld [tilespmem:s25+$0x8D15]  }
0x1ab: {  	s23 =	sadd.s32 $0x1, s23;
	v4 =	vld [tilespmem:s25+$0x9515]  }
0x1ac: {  	v5 =	vmov s23;
	v8 =	vld [tilespmem:s25+$0x8515]  }
0x1ad: {  	v9 =	vperm.xlane v56, v5  }
0x1ae: {  	v10 =	vld [tilespmem:s25+$0x9D15]  }
0x1af: {  	v11 =	vperm.xlane v46, v5;
	v3 =	vmul.f32 v3, v9;
	_ =	sdelay $0x1  }
0x1b0: {  	v12 =	vmul.f32 v11, v9;
	v4 =	vmul.f32 v4, v11;
	v3 =	vsub.f32 v8, v3;
	_ =	sdelay $0x1  }
0x1b1: {  	v3 =	vsub.f32 v3, v4;
	v4 =	vmul.f32 v10, v12  }
0x1b2: {  	v8 =	vadd.s32 s24, v43  }
0x1b3: {  	v2 =	vperm.xlane v2, v5;
	v3 =	vadd.f32 v4, v3;
	_ =	sdelay $0x1  }
0x1b4: {  	v3 =	vmul.f32 v3, v2;
	_ =	sdelay $0x1  }
0x1b5: {  	[tilespmem:v8+s21+$0x0] =	vst.idx.msk $0xffff, v3  }
0x1b6: {  	v3 =	vld [tilespmem:s25+$0x8D25]  }
0x1b7: {  	v4 =	vld [tilespmem:s25+$0x9525]  }
0x1b8: {  	v5 =	vld [tilespmem:s25+$0x8525];
	_ =	sdelay $0x1  }
0x1b9: {  	v8 =	vld [tilespmem:s25+$0x9D25]  }
0x1ba: {  	v3 =	vmul.f32 v3, v9;
	_ =	sdelay $0x1  }
0x1bb: {  	v4 =	vmul.f32 v4, v11;
	v3 =	vsub.f32 v5, v3;
	_ =	sdelay $0x1  }
0x1bc: {  	v3 =	vsub.f32 v3, v4;
	v4 =	vmul.f32 v8, v12  }
0x1bd: {  	v5 =	vadd.s32 s24, v44  }
0x1be: {  	v3 =	vadd.f32 v4, v3;
	v4 =	vmul.u32 v50, v57;
	_ =	sdelay $0x1  }
0x1bf: {  	v2 =	vmul.f32 v3, v2;
	v3 =	vcvt.s32.f32 v4;
	_ =	sdelay $0x1  }
0x1c0: {  	s31 =	simm.s32 $0x0;
	[tilespmem:v5+s21+$0x0] =	vst.idx.msk $0x1f, v2;
	v2 =	vmax.f32 v3, $1.000000000e+00  }
0x1c1: {  	(erf) = vrcp.f32 v2;
	v2 =	vld [tilespmem:s31+$0xAD2A]  }
0x1c2: {  	s23 =	simm.s32 $0x0;
	v3 =	vld [tilespmem:s31+$0xB52A]  }
0x1c3: {  	v4 =	vmov s23;
	v5 =	vld [tilespmem:s31+$0xA52A]  }
0x1c4: {  	v8 =	vperm.xlane v56, v4  }
0x1c5: {  	v60 =	vld [tilespmem:s31+$0xBD2A]  }
0x1c6: {  	v61 =	vperm.xlane v45, v4;
	v2 =	vmul.f32 v2, v8;
	_ =	sdelay $0x1  }
0x1c7: {  	v62 =	vmul.f32 v61, v8;
	v3 =	vmul.f32 v3, v61;
	v2 =	vsub.f32 v5, v2;
	_ =	sdelay $0x1  }
0x1c8: {  	vm4 =	vmand vm0, vm4;
	s26 =	simm.s32 $0x5;
	v9 =	vmul.f32 v60, v62;
	v5 =	vpop (erf);
	v3 =	vsub.f32 v2, v3  }
0x1c9: {  	v2 =	vnsel vm4, $0x0, v5;
	v5 =	vadd.s32 s26, v43  }
0x1ca: {  	v4 =	vperm.xlane v2, v4;
	v3 =	vadd.f32 v9, v3;
	_ =	sdelay $0x1  }
0x1cb: {  	v3 =	vmul.f32 v3, v4;
	_ =	sdelay $0x1  }
0x1cc: {  	[tilespmem:v5+s21+$0x0] =	vst.idx.msk $0xffff, v3  }
0x1cd: {  	v3 =	vld [tilespmem:s31+$0xAD3A]  }
0x1ce: {  	v5 =	vld [tilespmem:s31+$0xB53A]  }
0x1cf: {  	v63 =	vld [tilespmem:s31+$0xA53A];
	_ =	sdelay $0x1  }
0x1d0: {  	v12 =	vld [tilespmem:s31+$0xBD3A]  }
0x1d1: {  	v3 =	vmul.f32 v3, v8;
	_ =	sdelay $0x1  }
0x1d2: {  	v5 =	vmul.f32 v5, v61;
	v3 =	vsub.f32 v63, v3;
	_ =	sdelay $0x1  }
0x1d3: {  	v3 =	vsub.f32 v3, v5;
	v5 =	vmul.f32 v12, v62  }
0x1d4: {  	v54 =	vadd.s32 s26, v44  }
0x1d5: {  	v3 =	vadd.f32 v5, v3;
	_ =	sdelay $0x1  }
0x1d6: {  	s28 =	simm.s32 $0x400;
	s25 =	simm.s32 $0x200;
	s24 =	simm.s32 $0xC2;
	v55 =	vmul.f32 v3, v4  }
.LBB2_12:
0x1d7: {  	s29 =	sshra.s32 s25, $0x2  }
0x1d8: {  	[tilespmem:v54+s21+$0x0] =	vst.idx.msk $0x1f, v55;
	s23 =	sadd.s32 $0x1, s23;
	s25 =	smov.u32 s28;
	s26 =	sadd.s32 $0x200, s28  }
0x1d9: {  	p0 =	sne.s32 s28, $0x1E00;
	v3 =	vld [tilespmem:s29+$0xAD2A]  }
0x1da: {  	v4 =	vld [tilespmem:s29+$0xB52A]  }
0x1db: {  	v5 =	vmov s23;
	v8 =	vld [tilespmem:s29+$0xA52A]  }
0x1dc: {  	v9 =	vperm.xlane v56, v5  }
0x1dd: {  	v10 =	vld [tilespmem:s29+$0xBD2A]  }
0x1de: {  	v11 =	vperm.xlane v45, v5;
	v3 =	vmul.f32 v3, v9;
	_ =	sdelay $0x1  }
0x1df: {  	v12 =	vmul.f32 v11, v9;
	v4 =	vmul.f32 v4, v11;
	v3 =	vsub.f32 v8, v3;
	_ =	sdelay $0x1  }
0x1e0: {  	v3 =	vsub.f32 v3, v4;
	v4 =	vmul.f32 v10, v12  }
0x1e1: {  	v8 =	vadd.s32 s24, v43  }
0x1e2: {  	v5 =	vperm.xlane v2, v5;
	v3 =	vadd.f32 v4, v3;
	_ =	sdelay $0x1  }
0x1e3: {  	v3 =	vmul.f32 v3, v5;
	_ =	sdelay $0x1  }
0x1e4: {  	[tilespmem:v8+s21+$0x0] =	vst.idx.msk $0xffff, v3  }
0x1e5: {  	v3 =	vld [tilespmem:s29+$0xAD3A]  }
0x1e6: {  	v4 =	vld [tilespmem:s29+$0xB53A]  }
0x1e7: {  	v8 =	vld [tilespmem:s29+$0xA53A]  }
0x1e8: {  	v10 =	vld [tilespmem:s29+$0xBD3A];
	_ =	sdelay $0x1  }
0x1e9: {  	v3 =	vmul.f32 v3, v9;
	_ =	sdelay $0x1  }
0x1ea: {  	v4 =	vmul.f32 v4, v11;
	v3 =	vsub.f32 v8, v3;
	_ =	sdelay $0x1  }
0x1eb: {  	v3 =	vsub.f32 v3, v4;
	v4 =	vmul.f32 v10, v12  }
.Ltmp5:
0x1ec: {  	v54 =	vadd.s32 s24, v44;
	(pc) =	sbr.rel @p0 .LBB2_12-.Ltmp5, $3  }
0x1ed: {  	v3 =	vadd.f32 v4, v3;
	_ =	sdelay $0x1  }
0x1ee: {  	v55 =	vmul.f32 v3, v5  }
0x1ef: {  	s28 =	smov.u32 s26;
	s24 =	sadd.s32 $0xBD, s24  }
0x1f0: {  	_ =	sdelay $0x3  }
0x1f1: {  	s25 =	sshra.s32 s25, $0x2;
	[tilespmem:v54+s21+$0x0] =	vst.idx.msk $0x1f, v55  }
0x1f2: {  	v3 =	vld [tilespmem:s25+$0xAD2A]  }
0x1f3: {  	s23 =	sadd.s32 $0x1, s23;
	v4 =	vld [tilespmem:s25+$0xB52A]  }
0x1f4: {  	v5 =	vmov s23;
	v8 =	vld [tilespmem:s25+$0xA52A]  }
0x1f5: {  	v9 =	vperm.xlane v56, v5  }
0x1f6: {  	v10 =	vld [tilespmem:s25+$0xBD2A]  }
0x1f7: {  	v11 =	vperm.xlane v45, v5;
	v3 =	vmul.f32 v3, v9;
	_ =	sdelay $0x1  }
0x1f8: {  	v12 =	vmul.f32 v11, v9;
	v4 =	vmul.f32 v4, v11;
	v3 =	vsub.f32 v8, v3;
	_ =	sdelay $0x1  }
0x1f9: {  	v3 =	vsub.f32 v3, v4;
	v4 =	vmul.f32 v10, v12  }
0x1fa: {  	v8 =	vadd.s32 s24, v43  }
0x1fb: {  	v2 =	vperm.xlane v2, v5;
	v3 =	vadd.f32 v4, v3;
	_ =	sdelay $0x1  }
0x1fc: {  	v3 =	vmul.f32 v3, v2;
	_ =	sdelay $0x1  }
0x1fd: {  	[tilespmem:v8+s21+$0x0] =	vst.idx.msk $0xffff, v3  }
0x1fe: {  	v3 =	vld [tilespmem:s25+$0xAD3A]  }
0x1ff: {  	v4 =	vld [tilespmem:s25+$0xB53A]  }
0x200: {  	v54 =	vsub.s32 v52, v49;
	v8 =	vld [tilespmem:s25+$0xA53A]  }
0x201: {  	v5 =	vmul.u32 v53, v54  }
0x202: {  	v59 =	vld [tilespmem:s25+$0xBD3A]  }
0x203: {  	v5 =	vcvt.s32.f32 v5;
	v3 =	vmul.f32 v3, v9;
	_ =	sdelay $0x1  }
0x204: {  	v5 =	vmax.f32 v5, $1.000000000e+00;
	v4 =	vmul.f32 v4, v11;
	v3 =	vsub.f32 v8, v3  }
0x205: {  	(erf) = vrcp.f32 v5  }
0x206: {  	v3 =	vsub.f32 v3, v4;
	v4 =	vmul.f32 v59, v12;
	_ =	sdelay $0x1  }
0x207: {  	v3 =	vadd.f32 v4, v3  }
0x208: {  	v5 =	vadd.s32 s24, v44  }
0x209: {  	v2 =	vmul.f32 v3, v2;
	_ =	sdelay $0x3  }
0x20a: {  	[tilespmem:v5+s21+$0x0] =	vst.idx.msk $0x1f, v2;
	v2 =	vpop (erf)  }
0x20b: {  	_ =	swait.ge [sflag:s20], $0x4000  }
0x20c: {  	[sflag:s20] =	ssyncset.done $0x0  }
0x20d: {  	s31 =	simm.s32 $0x0;
	[sflag:s20] =	ssyncadd.s32 $0xFFFFC000  }
0x20e: {  	v3 =	vld [tilespmem:s31+$0xCD00]  }
0x20f: {  	s23 =	simm.s32 $0x0;
	v4 =	vld [tilespmem:s31+$0xD500]  }
0x210: {  	v52 =	vsel vm1, $0x3F800000, v6;
	v5 =	vmov s23;
	v8 =	vld [tilespmem:s31+$0xC500]  }
0x211: {  	v60 =	vperm.xlane v52, v5  }
0x212: {  	v61 =	vld [tilespmem:s31+$0xDD00]  }
0x213: {  	v62 =	vperm.xlane v47, v5;
	v3 =	vmul.f32 v3, v60;
	_ =	sdelay $0x1  }
0x214: {  	v12 =	vmul.f32 v62, v60;
	v4 =	vmul.f32 v4, v62;
	v3 =	vsub.f32 v8, v3  }
0x215: {  	vm1 =	vgt.u32 v48, v49  }
0x216: {  	s26 =	simm.s32 $0x6;
	vm3 =	vmand vm3, vm1;
	v3 =	vsub.f32 v3, v4;
	v4 =	vmul.f32 v61, v12  }
0x217: {  	v2 =	vnsel vm3, $0x0, v2;
	v8 =	vadd.s32 s26, v43  }
0x218: {  	v5 =	vperm.xlane v2, v5;
	v3 =	vadd.f32 v4, v3;
	_ =	sdelay $0x1  }
0x219: {  	v3 =	vmul.f32 v3, v5;
	_ =	sdelay $0x1  }
0x21a: {  	[tilespmem:v8+s21+$0x0] =	vst.idx.msk $0xffff, v3  }
0x21b: {  	v3 =	vld [tilespmem:s31+$0xCD10]  }
0x21c: {  	v4 =	vld [tilespmem:s31+$0xD510]  }
0x21d: {  	v8 =	vld [tilespmem:s31+$0xC510];
	_ =	sdelay $0x1  }
0x21e: {  	v63 =	vld [tilespmem:s31+$0xDD10]  }
0x21f: {  	v3 =	vmul.f32 v3, v60;
	_ =	sdelay $0x1  }
0x220: {  	v4 =	vmul.f32 v4, v62;
	v3 =	vsub.f32 v8, v3;
	_ =	sdelay $0x1  }
0x221: {  	v3 =	vsub.f32 v3, v4;
	v4 =	vmul.f32 v63, v12  }
0x222: {  	v48 =	vadd.s32 s26, v44  }
0x223: {  	v3 =	vadd.f32 v4, v3;
	_ =	sdelay $0x1  }
0x224: {  	s28 =	simm.s32 $0x400;
	s24 =	simm.s32 $0xC3;
	s25 =	simm.s32 $0x200;
	v49 =	vmul.f32 v3, v5  }
.LBB2_14:
0x225: {  	s29 =	sshra.s32 s25, $0x2  }
0x226: {  	[tilespmem:v48+s21+$0x0] =	vst.idx.msk $0x1f, v49;
	s23 =	sadd.s32 $0x1, s23;
	s25 =	smov.u32 s28;
	s26 =	sadd.s32 $0x200, s28  }
0x227: {  	p0 =	sne.s32 s28, $0x1E00;
	v3 =	vld [tilespmem:s29+$0xCD00]  }
0x228: {  	v4 =	vld [tilespmem:s29+$0xD500]  }
0x229: {  	v5 =	vmov s23;
	v8 =	vld [tilespmem:s29+$0xC500]  }
0x22a: {  	v9 =	vperm.xlane v52, v5  }
0x22b: {  	v10 =	vld [tilespmem:s29+$0xDD00]  }
0x22c: {  	v11 =	vperm.xlane v47, v5;
	v3 =	vmul.f32 v3, v9;
	_ =	sdelay $0x1  }
0x22d: {  	v12 =	vmul.f32 v11, v9;
	v4 =	vmul.f32 v4, v11;
	v3 =	vsub.f32 v8, v3;
	_ =	sdelay $0x1  }
0x22e: {  	v3 =	vsub.f32 v3, v4;
	v4 =	vmul.f32 v10, v12  }
0x22f: {  	v8 =	vadd.s32 s24, v43  }
0x230: {  	v5 =	vperm.xlane v2, v5;
	v3 =	vadd.f32 v4, v3;
	_ =	sdelay $0x1  }
0x231: {  	v3 =	vmul.f32 v3, v5;
	_ =	sdelay $0x1  }
0x232: {  	[tilespmem:v8+s21+$0x0] =	vst.idx.msk $0xffff, v3  }
0x233: {  	v3 =	vld [tilespmem:s29+$0xCD10]  }
0x234: {  	v4 =	vld [tilespmem:s29+$0xD510]  }
0x235: {  	v8 =	vld [tilespmem:s29+$0xC510]  }
0x236: {  	v10 =	vld [tilespmem:s29+$0xDD10];
	_ =	sdelay $0x1  }
0x237: {  	v3 =	vmul.f32 v3, v9;
	_ =	sdelay $0x1  }
0x238: {  	v4 =	vmul.f32 v4, v11;
	v3 =	vsub.f32 v8, v3;
	_ =	sdelay $0x1  }
0x239: {  	v3 =	vsub.f32 v3, v4;
	v4 =	vmul.f32 v10, v12  }
.Ltmp6:
0x23a: {  	v48 =	vadd.s32 s24, v44;
	(pc) =	sbr.rel @p0 .LBB2_14-.Ltmp6, $3  }
0x23b: {  	v3 =	vadd.f32 v4, v3;
	_ =	sdelay $0x1  }
0x23c: {  	v49 =	vmul.f32 v3, v5  }
0x23d: {  	s28 =	smov.u32 s26;
	s24 =	sadd.s32 $0xBD, s24  }
0x23e: {  	_ =	sdelay $0x3  }
0x23f: {  	s25 =	sshra.s32 s25, $0x2;
	[tilespmem:v48+s21+$0x0] =	vst.idx.msk $0x1f, v49  }
0x240: {  	v3 =	vld [tilespmem:s25+$0xCD00]  }
0x241: {  	s23 =	sadd.s32 $0x1, s23;
	v4 =	vld [tilespmem:s25+$0xD500]  }
0x242: {  	v5 =	vmov s23;
	v8 =	vld [tilespmem:s25+$0xC500]  }
0x243: {  	v9 =	vperm.xlane v52, v5  }
0x244: {  	v10 =	vld [tilespmem:s25+$0xDD00]  }
0x245: {  	v11 =	vperm.xlane v47, v5;
	v3 =	vmul.f32 v3, v9;
	_ =	sdelay $0x1  }
0x246: {  	v12 =	vmul.f32 v11, v9;
	v4 =	vmul.f32 v4, v11;
	v3 =	vsub.f32 v8, v3;
	_ =	sdelay $0x1  }
0x247: {  	v3 =	vsub.f32 v3, v4;
	v4 =	vmul.f32 v10, v12  }
0x248: {  	v8 =	vadd.s32 s24, v43  }
0x249: {  	v2 =	vperm.xlane v2, v5;
	v3 =	vadd.f32 v4, v3;
	_ =	sdelay $0x1  }
0x24a: {  	v3 =	vmul.f32 v3, v2;
	_ =	sdelay $0x1  }
0x24b: {  	[tilespmem:v8+s21+$0x0] =	vst.idx.msk $0xffff, v3  }
0x24c: {  	v3 =	vld [tilespmem:s25+$0xCD10]  }
0x24d: {  	v4 =	vld [tilespmem:s25+$0xD510]  }
0x24e: {  	v5 =	vld [tilespmem:s25+$0xC510];
	_ =	sdelay $0x1  }
0x24f: {  	v8 =	vld [tilespmem:s25+$0xDD10]  }
0x250: {  	v3 =	vmul.f32 v3, v9;
	_ =	sdelay $0x1  }
0x251: {  	v4 =	vmul.f32 v4, v11;
	v3 =	vsub.f32 v5, v3;
	_ =	sdelay $0x1  }
0x252: {  	v3 =	vsub.f32 v3, v4;
	v4 =	vmul.f32 v8, v12  }
0x253: {  	v5 =	vadd.s32 s24, v44  }
0x254: {  	v3 =	vadd.f32 v4, v3;
	v4 =	vmul.u32 v51, v54;
	_ =	sdelay $0x1  }
0x255: {  	v2 =	vmul.f32 v3, v2;
	v3 =	vcvt.s32.f32 v4;
	_ =	sdelay $0x1  }
0x256: {  	s31 =	simm.s32 $0x0;
	[tilespmem:v5+s21+$0x0] =	vst.idx.msk $0x1f, v2;
	v2 =	vmax.f32 v3, $1.000000000e+00  }
0x257: {  	(erf) = vrcp.f32 v2;
	v2 =	vld [tilespmem:s31+$0xED15]  }
0x258: {  	s23 =	simm.s32 $0x0;
	v3 =	vld [tilespmem:s31+$0xF515]  }
0x259: {  	v4 =	vmov s23;
	v5 =	vld [tilespmem:s31+$0xE515]  }
0x25a: {  	v8 =	vperm.xlane v52, v4  }
0x25b: {  	v60 =	vld [tilespmem:s31+$0xFD15]  }
0x25c: {  	v61 =	vperm.xlane v46, v4;
	v2 =	vmul.f32 v2, v8;
	_ =	sdelay $0x1  }
0x25d: {  	v62 =	vmul.f32 v61, v8;
	v3 =	vmul.f32 v3, v61;
	v2 =	vsub.f32 v5, v2;
	_ =	sdelay $0x1  }
0x25e: {  	vm2 =	vmand vm2, vm1;
	s26 =	simm.s32 $0x7;
	v9 =	vmul.f32 v60, v62;
	v5 =	vpop (erf);
	v3 =	vsub.f32 v2, v3  }
0x25f: {  	v2 =	vnsel vm2, $0x0, v5;
	v5 =	vadd.s32 s26, v43  }
0x260: {  	v4 =	vperm.xlane v2, v4;
	v3 =	vadd.f32 v9, v3;
	_ =	sdelay $0x1  }
0x261: {  	v3 =	vmul.f32 v3, v4;
	_ =	sdelay $0x1  }
0x262: {  	[tilespmem:v5+s21+$0x0] =	vst.idx.msk $0xffff, v3  }
0x263: {  	v3 =	vld [tilespmem:s31+$0xED25]  }
0x264: {  	v5 =	vld [tilespmem:s31+$0xF525]  }
0x265: {  	v63 =	vld [tilespmem:s31+$0xE525];
	_ =	sdelay $0x1  }
0x266: {  	v12 =	vld [tilespmem:s31+$0xFD25]  }
0x267: {  	v3 =	vmul.f32 v3, v8;
	_ =	sdelay $0x1  }
0x268: {  	v5 =	vmul.f32 v5, v61;
	v3 =	vsub.f32 v63, v3;
	_ =	sdelay $0x1  }
0x269: {  	v3 =	vsub.f32 v3, v5;
	v5 =	vmul.f32 v12, v62  }
0x26a: {  	v47 =	vadd.s32 s26, v44  }
0x26b: {  	v3 =	vadd.f32 v5, v3;
	_ =	sdelay $0x1  }
0x26c: {  	s28 =	simm.s32 $0x400;
	s25 =	simm.s32 $0x200;
	s24 =	simm.s32 $0xC4;
	v48 =	vmul.f32 v3, v4  }
.LBB2_16:
0x26d: {  	s29 =	sshra.s32 s25, $0x2  }
0x26e: {  	[tilespmem:v47+s21+$0x0] =	vst.idx.msk $0x1f, v48;
	s23 =	sadd.s32 $0x1, s23;
	s25 =	smov.u32 s28;
	s26 =	sadd.s32 $0x200, s28  }
0x26f: {  	p0 =	sne.s32 s28, $0x1E00;
	v3 =	vld [tilespmem:s29+$0xED15]  }
0x270: {  	v4 =	vld [tilespmem:s29+$0xF515]  }
0x271: {  	v5 =	vmov s23;
	v8 =	vld [tilespmem:s29+$0xE515]  }
0x272: {  	v9 =	vperm.xlane v52, v5  }
0x273: {  	v10 =	vld [tilespmem:s29+$0xFD15]  }
0x274: {  	v11 =	vperm.xlane v46, v5;
	v3 =	vmul.f32 v3, v9;
	_ =	sdelay $0x1  }
0x275: {  	v12 =	vmul.f32 v11, v9;
	v4 =	vmul.f32 v4, v11;
	v3 =	vsub.f32 v8, v3;
	_ =	sdelay $0x1  }
0x276: {  	v3 =	vsub.f32 v3, v4;
	v4 =	vmul.f32 v10, v12  }
0x277: {  	v8 =	vadd.s32 s24, v43  }
0x278: {  	v5 =	vperm.xlane v2, v5;
	v3 =	vadd.f32 v4, v3;
	_ =	sdelay $0x1  }
0x279: {  	v3 =	vmul.f32 v3, v5;
	_ =	sdelay $0x1  }
0x27a: {  	[tilespmem:v8+s21+$0x0] =	vst.idx.msk $0xffff, v3  }
0x27b: {  	v3 =	vld [tilespmem:s29+$0xED25]  }
0x27c: {  	v4 =	vld [tilespmem:s29+$0xF525]  }
0x27d: {  	v8 =	vld [tilespmem:s29+$0xE525]  }
0x27e: {  	v10 =	vld [tilespmem:s29+$0xFD25];
	_ =	sdelay $0x1  }
0x27f: {  	v3 =	vmul.f32 v3, v9;
	_ =	sdelay $0x1  }
0x280: {  	v4 =	vmul.f32 v4, v11;
	v3 =	vsub.f32 v8, v3;
	_ =	sdelay $0x1  }
0x281: {  	v3 =	vsub.f32 v3, v4;
	v4 =	vmul.f32 v10, v12  }
.Ltmp7:
0x282: {  	v47 =	vadd.s32 s24, v44;
	(pc) =	sbr.rel @p0 .LBB2_16-.Ltmp7, $3  }
0x283: {  	v3 =	vadd.f32 v4, v3;
	_ =	sdelay $0x1  }
0x284: {  	v48 =	vmul.f32 v3, v5  }
0x285: {  	s28 =	smov.u32 s26;
	s24 =	sadd.s32 $0xBD, s24  }
0x286: {  	_ =	sdelay $0x3  }
0x287: {  	s25 =	sshra.s32 s25, $0x2;
	[tilespmem:v47+s21+$0x0] =	vst.idx.msk $0x1f, v48  }
0x288: {  	v3 =	vld [tilespmem:s25+$0xED15]  }
0x289: {  	s23 =	sadd.s32 $0x1, s23;
	v4 =	vld [tilespmem:s25+$0xF515]  }
0x28a: {  	v5 =	vmov s23;
	v8 =	vld [tilespmem:s25+$0xE515]  }
0x28b: {  	v9 =	vperm.xlane v52, v5  }
0x28c: {  	v10 =	vld [tilespmem:s25+$0xFD15]  }
0x28d: {  	v11 =	vperm.xlane v46, v5;
	v3 =	vmul.f32 v3, v9;
	_ =	sdelay $0x1  }
0x28e: {  	v12 =	vmul.f32 v11, v9;
	v4 =	vmul.f32 v4, v11;
	v3 =	vsub.f32 v8, v3;
	_ =	sdelay $0x1  }
0x28f: {  	v3 =	vsub.f32 v3, v4;
	v4 =	vmul.f32 v10, v12  }
0x290: {  	v8 =	vadd.s32 s24, v43  }
0x291: {  	v2 =	vperm.xlane v2, v5;
	v3 =	vadd.f32 v4, v3;
	_ =	sdelay $0x1  }
0x292: {  	v3 =	vmul.f32 v3, v2;
	_ =	sdelay $0x1  }
0x293: {  	[tilespmem:v8+s21+$0x0] =	vst.idx.msk $0xffff, v3  }
0x294: {  	v3 =	vld [tilespmem:s25+$0xED25]  }
0x295: {  	v4 =	vld [tilespmem:s25+$0xF525]  }
0x296: {  	v8 =	vld [tilespmem:s25+$0xE525]  }
0x297: {  	v5 =	vmul.u32 v50, v54  }
0x298: {  	v59 =	vld [tilespmem:s25+$0xFD25]  }
0x299: {  	v5 =	vcvt.s32.f32 v5;
	v3 =	vmul.f32 v3, v9;
	_ =	sdelay $0x1  }
0x29a: {  	v5 =	vmax.f32 v5, $1.000000000e+00;
	v4 =	vmul.f32 v4, v11;
	v3 =	vsub.f32 v8, v3  }
0x29b: {  	(erf) = vrcp.f32 v5  }
0x29c: {  	v3 =	vsub.f32 v3, v4;
	v4 =	vmul.f32 v59, v12;
	_ =	sdelay $0x1  }
0x29d: {  	v3 =	vadd.f32 v4, v3  }
0x29e: {  	v5 =	vadd.s32 s24, v44  }
0x29f: {  	v2 =	vmul.f32 v3, v2;
	_ =	sdelay $0x3  }
0x2a0: {  	[tilespmem:v5+s21+$0x0] =	vst.idx.msk $0x1f, v2;
	v2 =	vpop (erf)  }
0x2a1: {  	_ =	swait.ge [sflag:s20], $0x2000  }
0x2a2: {  	[sflag:s20] =	ssyncset.done $0x0  }
0x2a3: {  	s31 =	simm.s32 $0x0;
	[sflag:s20] =	ssyncadd.s32 $0xFFFFE000  }
0x2a4: {  	v3 =	vld [tilespmem:s31+$0x10D2A]  }
0x2a5: {  	s23 =	simm.s32 $0x0;
	v4 =	vld [tilespmem:s31+$0x1152A]  }
0x2a6: {  	v5 =	vmov s23;
	v8 =	vld [tilespmem:s31+$0x1052A]  }
0x2a7: {  	v60 =	vperm.xlane v52, v5  }
0x2a8: {  	v61 =	vld [tilespmem:s31+$0x11D2A]  }
0x2a9: {  	v62 =	vperm.xlane v45, v5;
	v3 =	vmul.f32 v3, v60;
	_ =	sdelay $0x1  }
0x2aa: {  	v12 =	vmul.f32 v62, v60;
	v4 =	vmul.f32 v4, v62;
	v3 =	vsub.f32 v8, v3;
	_ =	sdelay $0x1  }
0x2ab: {  	vm0 =	vmand vm0, vm1;
	s26 =	simm.s32 $0x8;
	v3 =	vsub.f32 v3, v4;
	v4 =	vmul.f32 v61, v12  }
0x2ac: {  	v2 =	vnsel vm0, $0x0, v2;
	v8 =	vadd.s32 s26, v43  }
0x2ad: {  	v5 =	vperm.xlane v2, v5;
	v3 =	vadd.f32 v4, v3;
	_ =	sdelay $0x1  }
0x2ae: {  	v3 =	vmul.f32 v3, v5;
	_ =	sdelay $0x1  }
0x2af: {  	[tilespmem:v8+s21+$0x0] =	vst.idx.msk $0xffff, v3  }
0x2b0: {  	v3 =	vld [tilespmem:s31+$0x10D3A]  }
0x2b1: {  	v4 =	vld [tilespmem:s31+$0x1153A]  }
0x2b2: {  	v8 =	vld [tilespmem:s31+$0x1053A];
	_ =	sdelay $0x1  }
0x2b3: {  	v63 =	vld [tilespmem:s31+$0x11D3A]  }
0x2b4: {  	v3 =	vmul.f32 v3, v60;
	_ =	sdelay $0x1  }
0x2b5: {  	v4 =	vmul.f32 v4, v62;
	v3 =	vsub.f32 v8, v3;
	_ =	sdelay $0x1  }
0x2b6: {  	v3 =	vsub.f32 v3, v4;
	v4 =	vmul.f32 v63, v12  }
0x2b7: {  	v46 =	vadd.s32 s26, v44  }
0x2b8: {  	v3 =	vadd.f32 v4, v3;
	_ =	sdelay $0x1  }
0x2b9: {  	s28 =	simm.s32 $0x400;
	s24 =	simm.s32 $0xC5;
	s25 =	simm.s32 $0x200;
	v47 =	vmul.f32 v3, v5  }
.LBB2_18:
0x2ba: {  	s29 =	sshra.s32 s25, $0x2  }
0x2bb: {  	[tilespmem:v46+s21+$0x0] =	vst.idx.msk $0x1f, v47;
	s23 =	sadd.s32 $0x1, s23;
	s25 =	smov.u32 s28;
	s26 =	sadd.s32 $0x200, s28  }
0x2bc: {  	p0 =	sne.s32 s28, $0x1E00;
	v3 =	vld [tilespmem:s29+$0x10D2A]  }
0x2bd: {  	v4 =	vld [tilespmem:s29+$0x1152A]  }
0x2be: {  	v5 =	vmov s23;
	v8 =	vld [tilespmem:s29+$0x1052A]  }
0x2bf: {  	v9 =	vperm.xlane v52, v5  }
0x2c0: {  	v10 =	vld [tilespmem:s29+$0x11D2A]  }
0x2c1: {  	v11 =	vperm.xlane v45, v5;
	v3 =	vmul.f32 v3, v9;
	_ =	sdelay $0x1  }
0x2c2: {  	v12 =	vmul.f32 v11, v9;
	v4 =	vmul.f32 v4, v11;
	v3 =	vsub.f32 v8, v3;
	_ =	sdelay $0x1  }
0x2c3: {  	v3 =	vsub.f32 v3, v4;
	v4 =	vmul.f32 v10, v12  }
0x2c4: {  	v8 =	vadd.s32 s24, v43  }
0x2c5: {  	v5 =	vperm.xlane v2, v5;
	v3 =	vadd.f32 v4, v3;
	_ =	sdelay $0x1  }
0x2c6: {  	v3 =	vmul.f32 v3, v5;
	_ =	sdelay $0x1  }
0x2c7: {  	[tilespmem:v8+s21+$0x0] =	vst.idx.msk $0xffff, v3  }
0x2c8: {  	v3 =	vld [tilespmem:s29+$0x10D3A]  }
0x2c9: {  	v4 =	vld [tilespmem:s29+$0x1153A]  }
0x2ca: {  	v8 =	vld [tilespmem:s29+$0x1053A]  }
0x2cb: {  	v10 =	vld [tilespmem:s29+$0x11D3A];
	_ =	sdelay $0x1  }
0x2cc: {  	v3 =	vmul.f32 v3, v9;
	_ =	sdelay $0x1  }
0x2cd: {  	v4 =	vmul.f32 v4, v11;
	v3 =	vsub.f32 v8, v3;
	_ =	sdelay $0x1  }
0x2ce: {  	v3 =	vsub.f32 v3, v4;
	v4 =	vmul.f32 v10, v12  }
.Ltmp8:
0x2cf: {  	v46 =	vadd.s32 s24, v44;
	(pc) =	sbr.rel @p0 .LBB2_18-.Ltmp8, $3  }
0x2d0: {  	v3 =	vadd.f32 v4, v3;
	_ =	sdelay $0x1  }
0x2d1: {  	v47 =	vmul.f32 v3, v5  }
0x2d2: {  	s28 =	smov.u32 s26;
	s24 =	sadd.s32 $0xBD, s24  }
0x2d3: {  	_ =	sdelay $0x3  }
0x2d4: {  	s25 =	sshra.s32 s25, $0x2;
	[tilespmem:v46+s21+$0x0] =	vst.idx.msk $0x1f, v47  }
0x2d5: {  	v3 =	vld [tilespmem:s25+$0x10D2A]  }
0x2d6: {  	s23 =	sadd.s32 $0x1, s23;
	v4 =	vld [tilespmem:s25+$0x1152A]  }
0x2d7: {  	v5 =	vmov s23;
	v8 =	vld [tilespmem:s25+$0x1052A]  }
0x2d8: {  	v9 =	vperm.xlane v52, v5  }
0x2d9: {  	v10 =	vld [tilespmem:s25+$0x11D2A]  }
0x2da: {  	v11 =	vperm.xlane v45, v5;
	v3 =	vmul.f32 v3, v9;
	_ =	sdelay $0x1  }
0x2db: {  	v12 =	vmul.f32 v11, v9;
	v4 =	vmul.f32 v4, v11;
	v3 =	vsub.f32 v8, v3;
	_ =	sdelay $0x1  }
0x2dc: {  	v3 =	vsub.f32 v3, v4;
	v4 =	vmul.f32 v10, v12  }
0x2dd: {  	v8 =	vadd.s32 s24, v43  }
0x2de: {  	v2 =	vperm.xlane v2, v5;
	v3 =	vadd.f32 v4, v3;
	_ =	sdelay $0x1  }
0x2df: {  	v3 =	vmul.f32 v3, v2;
	_ =	sdelay $0x1  }
0x2e0: {  	[tilespmem:v8+s21+$0x0] =	vst.idx.msk $0xffff, v3  }
0x2e1: {  	v3 =	vld [tilespmem:s25+$0x10D3A]  }
0x2e2: {  	v4 =	vld [tilespmem:s25+$0x1153A]  }
0x2e3: {  	v5 =	vld [tilespmem:s25+$0x1053A];
	_ =	sdelay $0x1  }
0x2e4: {  	v8 =	vld [tilespmem:s25+$0x11D3A]  }
0x2e5: {  	v3 =	vmul.f32 v3, v9;
	_ =	sdelay $0x1  }
0x2e6: {  	v4 =	vmul.f32 v4, v11;
	v3 =	vsub.f32 v5, v3;
	_ =	sdelay $0x1  }
0x2e7: {  	v3 =	vsub.f32 v3, v4;
	v4 =	vmul.f32 v8, v12  }
0x2e8: {  	v5 =	vadd.s32 s24, v44  }
0x2e9: {  	v3 =	vadd.f32 v4, v3;
	v4 =	vadd.s32 $0x52, v1  }
0x2ea: {  	v8 =	vadd.s32 $0x54, v1  }
0x2eb: {  	v2 =	vmul.f32 v3, v2;
	_ =	sdelay $0x1  }
0x2ec: {  	s23 =	simm.s32 $0x0;
	[tilespmem:v5+s21+$0x0] =	vst.idx.msk $0x1f, v2  }
0x2ed: {  	v2 =	vadd.s32 $0x51, v1;
	v48 =	vld.idx.msk [tilespmem:v4+s23+$0x0], $0xffff  }
0x2ee: {  	v3 =	vld.idx.msk [tilespmem:v8+s23+$0x0], $0xffff;
	v4 =	vadd.s32 $0x53, v1;
	_ =	sdelay $0x3  }
0x2ef: {  	v5 =	vadd.s32 $0x50, v1;
	v8 =	vld.idx.msk [tilespmem:v2+s23+$0x0], $0xffff  }
0x2f0: {  	v2 =	vsub.f32 v3, v48;
	v3 =	vld.idx.msk [tilespmem:v4+s23+$0x0], $0xffff;
	_ =	sdelay $0x1  }
0x2f1: {  	v2 =	vmax.f32 v2, $1.000000000e+00  }
0x2f2: {  	v4 =	vmul.f32 $3.333333430e-01, v2  }
0x2f3: {  	v2 =	vld.idx.msk [tilespmem:v5+s23+$0x0], $0xffff  }
0x2f4: {  	v5 =	vmul.f32 $0.0e+00, v4;
	v3 =	vsub.f32 v3, v8  }
0x2f5: {  	v54 =	vadd.f32 v4, v48  }
0x2f6: {  	v5 =	vadd.f32 v5, v48;
	v3 =	vmax.f32 v3, $1.000000000e+00  }
0x2f7: {  	v55 =	vtrunc.f32 v54;
	v3 =	vmul.f32 $3.333333430e-01, v3  }
0x2f8: {  	v2 =	vtrunc.f32 v2;
	v5 =	vtrunc.f32 v5  }
0x2f9: {  	vm0 =	vgt.f32 v54, v55;
	v5 =	vcvt.f32.s32 v5;
	v56 =	vmul.f32 $0.0e+00, v3  }
0x2fa: {  	v12 =	vcvt.f32.s32 v55;
	v9 =	vsel vm0, $0x1, v6;
	v58 =	vadd.f32 v3, v8  }
0x2fb: {  	v59 =	vcvt.f32.s32 v2;
	vm3 =	vgt.s32 v5, $0x0;
	v57 =	vadd.f32 v56, v8  }
0x2fc: {  	v55 =	vtrunc.f32 v58;
	v2 =	vnsel vm3, $0x0, v5;
	v5 =	vadd.s32 v12, v9  }
0x2fd: {  	v46 =	vcvt.f32.s32 v55;
	vm1 =	vgt.f32 v58, v55;
	v54 =	vtrunc.f32 v57  }
0x2fe: {  	v51 =	vmin.u32 v2, $0x7F;
	v2 =	vsel vm1, $0x1, v6;
	v9 =	vcvt.f32.s32 v54  }
0x2ff: {  	v56 =	vadd.f32 v3, v3;
	vm0 =	vgt.s32 v5, $0x1;
	v2 =	vadd.s32 v46, v2  }
0x300: {  	v62 =	vnsel vm0, $0x1, v5;
	vm0 =	vgt.s32 v2, $0x1;
	vm5 =	vgt.s32 v9, $0x0  }
0x301: {  	v57 =	vmax.u32 v51, $0x1;
	v2 =	vnsel vm0, $0x1, v2;
	v5 =	vnsel vm5, $0x0, v9  }
0x302: {  	v9 =	vadd.f32 v56, v8;
	v63 =	vmin.u32 v5, $0x7F;
	v5 =	vmul.u32 $0xC000, v59  }
0x303: {  	v47 =	vmin.u32 v62, $0x80;
	v10 =	vshll.u32 v57, $0x7;
	v53 =	vmin.u32 v2, $0x80  }
0x304: {  	v59 =	vshll.u32 v47, $0x7;
	v60 =	vtrunc.f32 v9;
	v49 =	vadd.s32 $0xFFFFFF80, v5  }
0x305: {  	vm0 =	vgt.f32 v9, v60;
	v9 =	vadd.s32 $0xFFFFFFFF, v53;
	v52 =	vadd.s32 v59, v49  }
0x306: {  	v10 =	vadd.s32 v10, v49;
	v49 =	vadd.s32 v9, v52  }
0x307: {  	v55 =	vadd.s32 v9, v10;
	[tilespmem:v0+s8+$0x0] =	vst.idx.msk $0xffff, v49  }
0x308: {  	v15 =	vmov v14;
	[tilespmem:v14+s8+$0x0] =	vst.idx.msk $0xffff, v55;
	v14 =	vld [tilespmem:$0x1FF90];
	_ =	sdelay $0x4  }
0x309: {  	v58 =	vmax.u32 v63, $0x1  }
0x30a: {  	v11 =	vsub.s32 v58, v7  }
0x30b: {  	v3 =	vmul.f32 $3.000000000e+00, v3;
	v56 =	vor.u32 v11, v52  }
0x30c: {  	v54 =	vcvt.f32.s32 v60;
	[tilespmem:v14+s8+$0x0] =	vst.idx.msk $0xffff, v56;
	v14 =	vld [tilespmem:$0x1FFA0]  }
0x30d: {  	v3 =	vadd.f32 v3, v8;
	v45 =	vsel vm0, $0x1, v6  }
0x30e: {  	v45 =	vadd.s32 v54, v45  }
0x30f: {  	v57 =	vtrunc.f32 v3;
	vm0 =	vgt.s32 v45, $0x1  }
0x310: {  	v50 =	vnsel vm0, $0x1, v45;
	vm0 =	vgt.f32 v3, v57;
	v3 =	vadd.f32 v4, v4  }
0x311: {  	v58 =	vcvt.f32.s32 v57  }
0x312: {  	v57 =	vsel vm0, $0x1, v6;
	v3 =	vadd.f32 v3, v48  }
0x313: {  	v8 =	vor.u32 v11, v10;
	v55 =	vadd.s32 v58, v57  }
0x314: {  	vm0 =	vgt.s32 v54, $0x0;
	vm1 =	vgt.s32 v55, $0x1;
	[tilespmem:v14+s8+$0x0] =	vst.idx.msk $0xffff, v8;
	v8 =	vtrunc.f32 v3;
	v14 =	vld [tilespmem:$0x1FFB0]  }
0x315: {  	v54 =	vnsel vm0, $0x0, v54;
	v58 =	vnsel vm1, $0x1, v55;
	vm1 =	vgt.f32 v3, v8;
	v3 =	vld [tilespmem:$0x1FFC0]  }
0x316: {  	v57 =	vmin.u32 v54, $0x7F;
	v54 =	vld [tilespmem:$0x1FFD0]  }
0x317: {  	vm2 =	vgt.s32 v46, $0x0  }
0x318: {  	v46 =	vnsel vm2, $0x0, v46  }
0x319: {  	v60 =	vmin.u32 v46, $0x7F;
	v46 =	vmin.u32 v50, $0x80  }
0x31a: {  	v59 =	vadd.s32 $0xFFFFFFFF, v46  }
0x31b: {  	v61 =	vmax.u32 v60, $0x1;
	v45 =	vadd.s32 v59, v52  }
0x31c: {  	v13 =	vsub.s32 v61, v7;
	v49 =	vadd.s32 v59, v10;
	[tilespmem:v14+s8+$0x0] =	vst.idx.msk $0xffff, v45  }
0x31d: {  	v61 =	vor.u32 v13, v52;
	[tilespmem:v3+s8+$0x0] =	vst.idx.msk $0xffff, v49  }
0x31e: {  	[tilespmem:v54+s8+$0x0] =	vst.idx.msk $0xffff, v61;
	v54 =	vld [tilespmem:$0x1FFE0];
	_ =	sdelay $0x6  }
0x31f: {  	v56 =	vor.u32 v13, v10  }
0x320: {  	[tilespmem:v54+s8+$0x0] =	vst.idx.msk $0xffff, v56;
	v56 =	vld [tilespmem:$0x1FFF0];
	_ =	sdelay $0x2  }
0x321: {  	vm4 =	vgt.s32 v12, $0x0;
	v14 =	vcvt.f32.s32 v8  }
0x322: {  	v12 =	vnsel vm4, $0x0, v12;
	v4 =	vmul.f32 $3.000000000e+00, v4;
	v49 =	vsel vm1, $0x1, v6  }
0x323: {  	v45 =	vmin.u32 v58, $0x80;
	v3 =	vmax.u32 v57, $0x1;
	v49 =	vadd.s32 v14, v49  }
0x324: {  	v8 =	vadd.s32 $0xFFFFFFFF, v45;
	v3 =	vsub.s32 v3, v7;
	vm1 =	vgt.s32 v49, $0x1  }
0x325: {  	v55 =	vadd.s32 v8, v52;
	v61 =	vadd.s32 v8, v10;
	v54 =	vnsel vm1, $0x1, v49  }
0x326: {  	v52 =	vor.u32 v3, v52;
	[tilespmem:v56+s8+$0x0] =	vst.idx.msk $0xffff, v55;
	v55 =	vmin.u32 v12, $0x7F;
	v56 =	vmin.u32 v54, $0x80  }
0x327: {  	[tilespmem:v16+s8+$0x0] =	vst.idx.msk $0xffff, v61;
	v12 =	vmax.u32 v55, $0x1;
	v49 =	vshll.u32 v56, $0x7;
	v61 =	vor.u32 $0x3F80, v5  }
0x328: {  	v10 =	vor.u32 v3, v10;
	[tilespmem:v17+s8+$0x0] =	vst.idx.msk $0xffff, v52;
	v49 =	vadd.s32 v49, v61;
	v12 =	vshll.u32 v12, $0x7  }
0x329: {  	[tilespmem:v18+s8+$0x0] =	vst.idx.msk $0xffff, v10;
	v10 =	vadd.s32 v9, v49;
	v12 =	vadd.s32 v12, v61  }
0x32a: {  	v4 =	vadd.f32 v4, v48;
	v52 =	vadd.s32 v9, v12;
	[tilespmem:v19+s8+$0x0] =	vst.idx.msk $0xffff, v10  }
0x32b: {  	v61 =	vor.u32 v11, v49;
	[tilespmem:v20+s8+$0x0] =	vst.idx.msk $0xffff, v52  }
0x32c: {  	v10 =	vtrunc.f32 v4;
	v52 =	vor.u32 v11, v12;
	[tilespmem:v21+s8+$0x0] =	vst.idx.msk $0xffff, v61  }
0x32d: {  	vm1 =	vgt.f32 v4, v10;
	v61 =	vadd.s32 v59, v49;
	[tilespmem:v22+s8+$0x0] =	vst.idx.msk $0xffff, v52;
	v52 =	vcvt.f32.s32 v10  }
0x32e: {  	v4 =	vadd.s32 v12, v59;
	[tilespmem:v23+s8+$0x0] =	vst.idx.msk $0xffff, v61;
	v61 =	vsel vm1, $0x1, v6  }
0x32f: {  	v10 =	vor.u32 v13, v49;
	vm1 =	vgt.s32 v14, $0x0;
	[tilespmem:v24+s8+$0x0] =	vst.idx.msk $0xffff, v4;
	v48 =	vadd.s32 v52, v61  }
0x330: {  	v4 =	vor.u32 v13, v12;
	v52 =	vadd.s32 v8, v49;
	[tilespmem:v25+s8+$0x0] =	vst.idx.msk $0xffff, v10;
	vm6 =	vgt.s32 v48, $0x1  }
0x331: {  	v14 =	vnsel vm1, $0x0, v14;
	v61 =	vor.u32 v3, v49;
	[tilespmem:v26+s8+$0x0] =	vst.idx.msk $0xffff, v4;
	v48 =	vnsel vm6, $0x1, v48  }
0x332: {  	v49 =	vmin.u32 v14, $0x7F;
	v4 =	vadd.s32 v12, v8;
	[tilespmem:v27+s8+$0x0] =	vst.idx.msk $0xffff, v52;
	v52 =	vmin.u32 v48, $0x80  }
0x333: {  	v5 =	vadd.s32 $0x7F80, v5;
	[tilespmem:v28+s8+$0x0] =	vst.idx.msk $0xffff, v4;
	v4 =	vmax.u32 v49, $0x1;
	v10 =	vshll.u32 v52, $0x7  }
0x334: {  	v12 =	vor.u32 v3, v12;
	[tilespmem:v29+s8+$0x0] =	vst.idx.msk $0xffff, v61;
	v10 =	vadd.s32 v10, v5;
	v4 =	vshll.u32 v4, $0x7  }
0x335: {  	[tilespmem:v30+s8+$0x0] =	vst.idx.msk $0xffff, v12;
	v12 =	vadd.s32 v9, v10;
	v4 =	vadd.s32 v4, v5  }
0x336: {  	v5 =	vadd.s32 v9, v4;
	[tilespmem:v31+s8+$0x0] =	vst.idx.msk $0xffff, v12  }
0x337: {  	v61 =	vor.u32 v11, v10;
	[tilespmem:v32+s8+$0x0] =	vst.idx.msk $0xffff, v5  }
0x338: {  	v5 =	vor.u32 v11, v4;
	[tilespmem:v33+s8+$0x0] =	vst.idx.msk $0xffff, v61  }
0x339: {  	[tilespmem:v34+s8+$0x0] =	vst.idx.msk $0xffff, v5;
	v5 =	vadd.s32 v59, v10  }
0x33a: {  	v53 =	vsub.s32 v53, v63;
	v59 =	vadd.s32 v59, v4;
	[tilespmem:v35+s8+$0x0] =	vst.idx.msk $0xffff, v5  }
0x33b: {  	v61 =	vsub.s32 v47, v51;
	v5 =	vor.u32 v13, v10;
	[tilespmem:v36+s8+$0x0] =	vst.idx.msk $0xffff, v59  }
0x33c: {  	v47 =	vmul.u32 v53, v61;
	v59 =	vor.u32 v13, v4;
	[tilespmem:v37+s8+$0x0] =	vst.idx.msk $0xffff, v5  }
0x33d: {  	v5 =	vadd.s32 v8, v10;
	[tilespmem:v38+s8+$0x0] =	vst.idx.msk $0xffff, v59  }
0x33e: {  	v9 =	vcvt.s32.f32 v47;
	v8 =	vadd.s32 v8, v4;
	[tilespmem:v39+s8+$0x0] =	vst.idx.msk $0xffff, v5  }
0x33f: {  	v5 =	vor.u32 v3, v10;
	[tilespmem:v40+s8+$0x0] =	vst.idx.msk $0xffff, v8  }
0x340: {  	v3 =	vor.u32 v3, v4;
	v8 =	vmax.f32 v9, $1.000000000e+00;
	[tilespmem:v41+s8+$0x0] =	vst.idx.msk $0xffff, v5  }
0x341: {  	(erf) = vrcp.f32 v8;
	[tilespmem:v42+s8+$0x0] =	vst.idx.msk $0xffff, v3  }
0x342: {  	[tilespmem:s10], [sflag:$0x1] =	stream.indirect.gather [hbm4b:s3+s9], $0x80, s8, s9, $0xb8;
	[tilespmem:$0x13D00] =	vst v63  }
0x343: {  	_ = 	snop  }
0x344: {  	[tilespmem:s12], [sflag:$0x1] =	stream.indirect.gather [hbm4b:s3+s9], $0x80, s11, s9, $0xb8;
	[tilespmem:$0x13D00] =	vst v63  }
0x345: {  	_ = 	snop  }
0x346: {  	[tilespmem:s14], [sflag:$0x1] =	stream.indirect.gather [hbm4b:s3+s9], $0x80, s13, s9, $0xb8;
	[tilespmem:$0x13D00] =	vst v63  }
0x347: {  	_ = 	snop  }
0x348: {  	[tilespmem:s16], [sflag:$0x1] =	stream.indirect.gather [hbm4b:s3+s9], $0x80, s15, s9, $0xb8;
	[tilespmem:$0x13D00] =	vst v63  }
0x349: {  	_ = 	snop  }
0x34a: {  	v3 =	vpop (erf);
	[tilespmem:s19], [sflag:$0x1] =	stream.indirect.gather [hbm4b:s3+s17], $0x80, s18, s17, $0xb8;
	[tilespmem:$0x13D00] =	vst v63  }
0x34b: {  	_ =	swait.ge [sflag:s20], $0x4000  }
0x34c: {  	[sflag:s20] =	ssyncset.done $0x0  }
0x34d: {  	s24 =	simm.s32 $0xD10;
	[sflag:s20] =	ssyncadd.s32 $0xFFFFC000  }
0x34e: {  	v4 =	vld [tilespmem:s24+$0xFFFFFFF0]  }
0x34f: {  	v5 =	vld [tilespmem:s24+$0x7F0]  }
0x350: {  	v59 =	vsel vm3, $0x3F800000, v6;
	v8 =	vmov s23;
	v9 =	vld [tilespmem:s24+$0xFFFFF7F0]  }
0x351: {  	v10 =	vperm.xlane v59, v8  }
0x352: {  	v47 =	vsel vm5, $0x3F800000, v6;
	v11 =	vld [tilespmem:s24+$0xFF0]  }
0x353: {  	v12 =	vperm.xlane v47, v8;
	v4 =	vmul.f32 v4, v10;
	_ =	sdelay $0x1  }
0x354: {  	v5 =	vmul.f32 v5, v12;
	v4 =	vsub.f32 v9, v4;
	v9 =	vmul.f32 v12, v10  }
0x355: {  	vm5 =	vgt.u32 v62, v51;
	vm3 =	vgt.u32 v2, v63  }
0x356: {  	s26 =	simm.s32 $0xBD0;
	vm6 =	vmand vm3, vm5;
	v4 =	vsub.f32 v4, v5;
	v5 =	vmul.f32 v11, v9  }
0x357: {  	v2 =	vnsel vm6, $0x0, v3;
	v3 =	vadd.s32 s26, v43  }
0x358: {  	v8 =	vperm.xlane v2, v8;
	v4 =	vadd.f32 v5, v4;
	_ =	sdelay $0x1  }
0x359: {  	v4 =	vmul.f32 v4, v8;
	_ =	sdelay $0x1  }
0x35a: {  	[tilespmem:v3+s21+$0x0] =	vst.idx.msk $0xffff, v4  }
0x35b: {  	v3 =	vld [tilespmem:s24+$0x0]  }
0x35c: {  	v4 =	vld [tilespmem:s24+$0x800]  }
0x35d: {  	v5 =	vld [tilespmem:s24+$0xFFFFF800];
	_ =	sdelay $0x1  }
0x35e: {  	v63 =	vld [tilespmem:s24+$0x1000]  }
0x35f: {  	v3 =	vmul.f32 v3, v10;
	_ =	sdelay $0x1  }
0x360: {  	v4 =	vmul.f32 v4, v12;
	v3 =	vsub.f32 v5, v3;
	_ =	sdelay $0x1  }
0x361: {  	v3 =	vsub.f32 v3, v4;
	v4 =	vmul.f32 v63, v9  }
0x362: {  	v62 =	vadd.s32 s26, v44  }
0x363: {  	v3 =	vadd.f32 v4, v3;
	_ =	sdelay $0x1  }
0x364: {  	s25 =	simm.s32 $0xC8D;
	v63 =	vmul.f32 v3, v8  }
.LBB2_20:
0x365: {  	_ = 	snop  }
0x366: {  	p0 =	sne.s32 s25, $0x16E3;
	s23 =	sadd.s32 $0x1, s23;
	s24 =	sadd.s32 $0x80, s24;
	[tilespmem:v62+s21+$0x0] =	vst.idx.msk $0x1f, v63  }
0x367: {  	s26 =	smov.u32 s25;
	s25 =	sadd.s32 $0xBD, s25;
	v3 =	vld [tilespmem:s24+$0xFFFFFFF0]  }
0x368: {  	v4 =	vld [tilespmem:s24+$0x7F0]  }
0x369: {  	v5 =	vmov s23;
	v8 =	vld [tilespmem:s24+$0xFFFFF7F0]  }
0x36a: {  	v9 =	vperm.xlane v59, v5  }
0x36b: {  	v10 =	vld [tilespmem:s24+$0xFF0]  }
0x36c: {  	v11 =	vperm.xlane v47, v5;
	v3 =	vmul.f32 v3, v9;
	_ =	sdelay $0x1  }
0x36d: {  	v12 =	vmul.f32 v11, v9;
	v4 =	vmul.f32 v4, v11;
	v3 =	vsub.f32 v8, v3;
	_ =	sdelay $0x1  }
0x36e: {  	v3 =	vsub.f32 v3, v4;
	v4 =	vmul.f32 v10, v12  }
0x36f: {  	v8 =	vadd.s32 s26, v43  }
0x370: {  	v5 =	vperm.xlane v2, v5;
	v3 =	vadd.f32 v4, v3;
	_ =	sdelay $0x1  }
0x371: {  	v3 =	vmul.f32 v3, v5;
	_ =	sdelay $0x1  }
0x372: {  	[tilespmem:v8+s21+$0x0] =	vst.idx.msk $0xffff, v3  }
0x373: {  	v3 =	vld [tilespmem:s24+$0x0]  }
0x374: {  	v4 =	vld [tilespmem:s24+$0x800]  }
0x375: {  	v8 =	vld [tilespmem:s24+$0xFFFFF800];
	_ =	sdelay $0x1  }
0x376: {  	v10 =	vld [tilespmem:s24+$0x1000]  }
0x377: {  	v3 =	vmul.f32 v3, v9;
	_ =	sdelay $0x1  }
0x378: {  	v4 =	vmul.f32 v4, v11;
	v3 =	vsub.f32 v8, v3;
	_ =	sdelay $0x1  }
.Ltmp9:
0x379: {  	v3 =	vsub.f32 v3, v4;
	v4 =	vmul.f32 v10, v12;
	(pc) =	sbr.rel @p0 .LBB2_20-.Ltmp9, $3  }
0x37a: {  	v62 =	vadd.s32 s26, v44  }
0x37b: {  	v3 =	vadd.f32 v4, v3;
	_ =	sdelay $0x1  }
0x37c: {  	v63 =	vmul.f32 v3, v5  }
0x37d: {  	v51 =	vsub.s32 v46, v60  }
0x37e: {  	v2 =	vmul.u32 v51, v61;
	_ =	sdelay $0x1  }
0x37f: {  	v2 =	vcvt.s32.f32 v2;
	_ =	sdelay $0x1  }
0x380: {  	s23 =	simm.s32 $0x3D25;
	[tilespmem:v62+s21+$0x0] =	vst.idx.msk $0x1f, v63;
	v2 =	vmax.f32 v2, $1.000000000e+00  }
0x381: {  	(erf) = vrcp.f32 v2;
	v2 =	vld [tilespmem:s23+$0xFFFFEFF0]  }
0x382: {  	s24 =	simm.s32 $0x0;
	v3 =	vld [tilespmem:s23+$0xFFFFF7F0]  }
0x383: {  	v4 =	vmov s24;
	v5 =	vld [tilespmem:s23+$0xFFFFE7F0]  }
0x384: {  	v8 =	vperm.xlane v59, v4  }
0x385: {  	v46 =	vsel vm2, $0x3F800000, v6;
	v9 =	vld [tilespmem:s23+$0xFFFFFFF0]  }
0x386: {  	v10 =	vperm.xlane v46, v4;
	v2 =	vmul.f32 v2, v8;
	_ =	sdelay $0x1  }
0x387: {  	v3 =	vmul.f32 v3, v10;
	v2 =	vsub.f32 v5, v2;
	v5 =	vmul.f32 v10, v8  }
0x388: {  	vm2 =	vgt.u32 v50, v60  }
0x389: {  	s26 =	simm.s32 $0xBD1;
	vm6 =	vmand vm5, vm2;
	v11 =	vpop (erf);
	v3 =	vsub.f32 v2, v3;
	v9 =	vmul.f32 v9, v5  }
0x38a: {  	v62 =	vadd.s32 s26, v43;
	v2 =	vnsel vm6, $0x0, v11  }
0x38b: {  	v4 =	vperm.xlane v2, v4;
	v3 =	vadd.f32 v9, v3;
	_ =	sdelay $0x1  }
0x38c: {  	v3 =	vmul.f32 v3, v4;
	_ =	sdelay $0x1  }
0x38d: {  	[tilespmem:v62+s21+$0x0] =	vst.idx.msk $0xffff, v3  }
0x38e: {  	v3 =	vld [tilespmem:s23+$0xFFFFF000]  }
0x38f: {  	v63 =	vld [tilespmem:s23+$0xFFFFF800]  }
0x390: {  	v11 =	vld [tilespmem:s23+$0xFFFFE800];
	_ =	sdelay $0x1  }
0x391: {  	v12 =	vld [tilespmem:s23+$0x0]  }
0x392: {  	v3 =	vmul.f32 v3, v8;
	_ =	sdelay $0x1  }
0x393: {  	v8 =	vmul.f32 v63, v10;
	v3 =	vsub.f32 v11, v3;
	_ =	sdelay $0x1  }
0x394: {  	v5 =	vmul.f32 v12, v5;
	v3 =	vsub.f32 v3, v8  }
0x395: {  	v60 =	vadd.s32 s26, v44  }
0x396: {  	v3 =	vadd.f32 v5, v3;
	_ =	sdelay $0x1  }
0x397: {  	s25 =	simm.s32 $0xC8E;
	v62 =	vmul.f32 v3, v4  }
.LBB2_22:
0x398: {  	_ = 	snop  }
0x399: {  	p0 =	sne.s32 s25, $0x16E4;
	s24 =	sadd.s32 $0x1, s24;
	s23 =	sadd.s32 $0x80, s23;
	[tilespmem:v60+s21+$0x0] =	vst.idx.msk $0x1f, v62  }
0x39a: {  	s26 =	smov.u32 s25;
	s25 =	sadd.s32 $0xBD, s25;
	v3 =	vld [tilespmem:s23+$0xFFFFEFF0]  }
0x39b: {  	v4 =	vld [tilespmem:s23+$0xFFFFF7F0]  }
0x39c: {  	v5 =	vmov s24;
	v8 =	vld [tilespmem:s23+$0xFFFFE7F0]  }
0x39d: {  	v9 =	vperm.xlane v59, v5  }
0x39e: {  	v10 =	vld [tilespmem:s23+$0xFFFFFFF0]  }
0x39f: {  	v11 =	vperm.xlane v46, v5;
	v3 =	vmul.f32 v3, v9;
	_ =	sdelay $0x1  }
0x3a0: {  	v12 =	vmul.f32 v11, v9;
	v4 =	vmul.f32 v4, v11;
	v3 =	vsub.f32 v8, v3;
	_ =	sdelay $0x1  }
0x3a1: {  	v3 =	vsub.f32 v3, v4;
	v4 =	vmul.f32 v10, v12  }
0x3a2: {  	v8 =	vadd.s32 s26, v43  }
0x3a3: {  	v5 =	vperm.xlane v2, v5;
	v3 =	vadd.f32 v4, v3;
	_ =	sdelay $0x1  }
0x3a4: {  	v3 =	vmul.f32 v3, v5;
	_ =	sdelay $0x1  }
0x3a5: {  	[tilespmem:v8+s21+$0x0] =	vst.idx.msk $0xffff, v3  }
0x3a6: {  	v3 =	vld [tilespmem:s23+$0xFFFFF000]  }
0x3a7: {  	v4 =	vld [tilespmem:s23+$0xFFFFF800]  }
0x3a8: {  	v8 =	vld [tilespmem:s23+$0xFFFFE800];
	_ =	sdelay $0x1  }
0x3a9: {  	v10 =	vld [tilespmem:s23+$0x0]  }
0x3aa: {  	v3 =	vmul.f32 v3, v9;
	_ =	sdelay $0x1  }
0x3ab: {  	v4 =	vmul.f32 v4, v11;
	v3 =	vsub.f32 v8, v3;
	_ =	sdelay $0x1  }
.Ltmp10:
0x3ac: {  	v3 =	vsub.f32 v3, v4;
	v4 =	vmul.f32 v10, v12;
	(pc) =	sbr.rel @p0 .LBB2_22-.Ltmp10, $3  }
0x3ad: {  	v60 =	vadd.s32 s26, v44  }
0x3ae: {  	v3 =	vadd.f32 v4, v3;
	_ =	sdelay $0x1  }
0x3af: {  	v62 =	vmul.f32 v3, v5  }
0x3b0: {  	v50 =	vsub.s32 v45, v57  }
0x3b1: {  	v2 =	vmul.u32 v50, v61;
	_ =	sdelay $0x1  }
0x3b2: {  	v2 =	vcvt.s32.f32 v2;
	_ =	sdelay $0x1  }
0x3b3: {  	v2 =	vmax.f32 v2, $1.000000000e+00  }
0x3b4: {  	(erf) = vrcp.f32 v2;
	_ =	sdelay $0x8  }
0x3b5: {  	[tilespmem:v60+s21+$0x0] =	vst.idx.msk $0x1f, v62;
	v2 =	vpop (erf)  }
0x3b6: {  	_ =	swait.ge [sflag:s20], $0x4000  }
0x3b7: {  	[sflag:s20] =	ssyncset.done $0x0  }
0x3b8: {  	s24 =	simm.s32 $0x0;
	[sflag:s20] =	ssyncadd.s32 $0xFFFFC000  }
0x3b9: {  	v3 =	vld [tilespmem:s24+$0x4D2A]  }
0x3ba: {  	s23 =	simm.s32 $0x0;
	v4 =	vld [tilespmem:s24+$0x552A]  }
0x3bb: {  	v5 =	vmov s23;
	v8 =	vld [tilespmem:s24+$0x452A]  }
0x3bc: {  	v9 =	vperm.xlane v59, v5  }
0x3bd: {  	v45 =	vsel vm0, $0x3F800000, v6;
	v10 =	vld [tilespmem:s24+$0x5D2A]  }
0x3be: {  	v11 =	vperm.xlane v45, v5;
	v3 =	vmul.f32 v3, v9;
	_ =	sdelay $0x1  }
0x3bf: {  	v4 =	vmul.f32 v4, v11;
	v3 =	vsub.f32 v8, v3;
	v8 =	vmul.f32 v11, v9  }
0x3c0: {  	vm0 =	vgt.u32 v58, v57  }
0x3c1: {  	s26 =	simm.s32 $0xBD2;
	vm5 =	vmand vm5, vm0;
	v3 =	vsub.f32 v3, v4;
	v4 =	vmul.f32 v10, v8  }
0x3c2: {  	v63 =	vadd.s32 s26, v43;
	v2 =	vnsel vm5, $0x0, v2  }
0x3c3: {  	v5 =	vperm.xlane v2, v5;
	v3 =	vadd.f32 v4, v3;
	_ =	sdelay $0x1  }
0x3c4: {  	v3 =	vmul.f32 v3, v5;
	_ =	sdelay $0x1  }
0x3c5: {  	[tilespmem:v63+s21+$0x0] =	vst.idx.msk $0xffff, v3  }
0x3c6: {  	v3 =	vld [tilespmem:s24+$0x4D3A]  }
0x3c7: {  	v4 =	vld [tilespmem:s24+$0x553A]  }
0x3c8: {  	v10 =	vld [tilespmem:s24+$0x453A];
	_ =	sdelay $0x1  }
0x3c9: {  	v12 =	vld [tilespmem:s24+$0x5D3A]  }
0x3ca: {  	v3 =	vmul.f32 v3, v9;
	_ =	sdelay $0x1  }
0x3cb: {  	v4 =	vmul.f32 v4, v11;
	v3 =	vsub.f32 v10, v3;
	_ =	sdelay $0x1  }
0x3cc: {  	v3 =	vsub.f32 v3, v4;
	v4 =	vmul.f32 v12, v8  }
0x3cd: {  	v57 =	vadd.s32 s26, v44  }
0x3ce: {  	v3 =	vadd.f32 v4, v3;
	_ =	sdelay $0x1  }
0x3cf: {  	s25 =	simm.s32 $0x200;
	s28 =	simm.s32 $0x400;
	v14 =	vmov v15;
	s24 =	simm.s32 $0xC8F;
	v58 =	vmul.f32 v3, v5  }
.LBB2_24:
0x3d0: {  	s29 =	sshra.s32 s25, $0x2  }
0x3d1: {  	[tilespmem:v57+s21+$0x0] =	vst.idx.msk $0x1f, v58;
	s23 =	sadd.s32 $0x1, s23;
	s25 =	smov.u32 s28;
	s26 =	sadd.s32 $0x200, s28  }
0x3d2: {  	p0 =	sne.s32 s28, $0x1E00;
	v3 =	vld [tilespmem:s29+$0x4D2A]  }
0x3d3: {  	v4 =	vld [tilespmem:s29+$0x552A]  }
0x3d4: {  	v5 =	vmov s23;
	v8 =	vld [tilespmem:s29+$0x452A]  }
0x3d5: {  	v9 =	vperm.xlane v59, v5  }
0x3d6: {  	v10 =	vld [tilespmem:s29+$0x5D2A]  }
0x3d7: {  	v11 =	vperm.xlane v45, v5;
	v3 =	vmul.f32 v3, v9;
	_ =	sdelay $0x1  }
0x3d8: {  	v12 =	vmul.f32 v11, v9;
	v4 =	vmul.f32 v4, v11;
	v3 =	vsub.f32 v8, v3;
	_ =	sdelay $0x1  }
0x3d9: {  	v3 =	vsub.f32 v3, v4;
	v4 =	vmul.f32 v10, v12  }
0x3da: {  	v8 =	vadd.s32 s24, v43  }
0x3db: {  	v5 =	vperm.xlane v2, v5;
	v3 =	vadd.f32 v4, v3;
	_ =	sdelay $0x1  }
0x3dc: {  	v3 =	vmul.f32 v3, v5;
	_ =	sdelay $0x1  }
0x3dd: {  	[tilespmem:v8+s21+$0x0] =	vst.idx.msk $0xffff, v3  }
0x3de: {  	v3 =	vld [tilespmem:s29+$0x4D3A]  }
0x3df: {  	v4 =	vld [tilespmem:s29+$0x553A]  }
0x3e0: {  	v8 =	vld [tilespmem:s29+$0x453A]  }
0x3e1: {  	v10 =	vld [tilespmem:s29+$0x5D3A];
	_ =	sdelay $0x1  }
0x3e2: {  	v3 =	vmul.f32 v3, v9;
	_ =	sdelay $0x1  }
0x3e3: {  	v4 =	vmul.f32 v4, v11;
	v3 =	vsub.f32 v8, v3;
	_ =	sdelay $0x1  }
0x3e4: {  	v3 =	vsub.f32 v3, v4;
	v4 =	vmul.f32 v10, v12  }
.Ltmp11:
0x3e5: {  	v57 =	vadd.s32 s24, v44;
	(pc) =	sbr.rel @p0 .LBB2_24-.Ltmp11, $3  }
0x3e6: {  	v3 =	vadd.f32 v4, v3;
	_ =	sdelay $0x1  }
0x3e7: {  	v58 =	vmul.f32 v3, v5  }
0x3e8: {  	s28 =	smov.u32 s26;
	s24 =	sadd.s32 $0xBD, s24  }
0x3e9: {  	_ =	sdelay $0x3  }
0x3ea: {  	s25 =	sshra.s32 s25, $0x2;
	[tilespmem:v57+s21+$0x0] =	vst.idx.msk $0x1f, v58  }
0x3eb: {  	v3 =	vld [tilespmem:s25+$0x4D2A]  }
0x3ec: {  	s23 =	sadd.s32 $0x1, s23;
	v4 =	vld [tilespmem:s25+$0x552A]  }
0x3ed: {  	v5 =	vmov s23;
	v8 =	vld [tilespmem:s25+$0x452A]  }
0x3ee: {  	v9 =	vperm.xlane v59, v5  }
0x3ef: {  	v10 =	vld [tilespmem:s25+$0x5D2A]  }
0x3f0: {  	v11 =	vperm.xlane v45, v5;
	v3 =	vmul.f32 v3, v9;
	_ =	sdelay $0x1  }
0x3f1: {  	v12 =	vmul.f32 v11, v9;
	v4 =	vmul.f32 v4, v11;
	v3 =	vsub.f32 v8, v3;
	_ =	sdelay $0x1  }
0x3f2: {  	v3 =	vsub.f32 v3, v4;
	v4 =	vmul.f32 v10, v12  }
0x3f3: {  	v8 =	vadd.s32 s24, v43  }
0x3f4: {  	v2 =	vperm.xlane v2, v5;
	v3 =	vadd.f32 v4, v3;
	_ =	sdelay $0x1  }
0x3f5: {  	v3 =	vmul.f32 v3, v2;
	_ =	sdelay $0x1  }
0x3f6: {  	[tilespmem:v8+s21+$0x0] =	vst.idx.msk $0xffff, v3  }
0x3f7: {  	v3 =	vld [tilespmem:s25+$0x4D3A]  }
0x3f8: {  	v4 =	vld [tilespmem:s25+$0x553A]  }
0x3f9: {  	v5 =	vld [tilespmem:s25+$0x453A];
	_ =	sdelay $0x1  }
0x3fa: {  	v8 =	vld [tilespmem:s25+$0x5D3A]  }
0x3fb: {  	v3 =	vmul.f32 v3, v9;
	_ =	sdelay $0x1  }
0x3fc: {  	v4 =	vmul.f32 v4, v11;
	v3 =	vsub.f32 v5, v3;
	_ =	sdelay $0x1  }
0x3fd: {  	v3 =	vsub.f32 v3, v4;
	v4 =	vmul.f32 v8, v12  }
0x3fe: {  	v57 =	vsub.s32 v56, v55;
	v5 =	vadd.s32 s24, v44  }
0x3ff: {  	v3 =	vadd.f32 v4, v3;
	v4 =	vmul.u32 v53, v57;
	_ =	sdelay $0x1  }
0x400: {  	v2 =	vmul.f32 v3, v2;
	v3 =	vcvt.s32.f32 v4;
	_ =	sdelay $0x1  }
0x401: {  	s31 =	simm.s32 $0x0;
	[tilespmem:v5+s21+$0x0] =	vst.idx.msk $0x1f, v2;
	v2 =	vmax.f32 v3, $1.000000000e+00  }
0x402: {  	(erf) = vrcp.f32 v2;
	v2 =	vld [tilespmem:s31+$0x6D00]  }
0x403: {  	s23 =	simm.s32 $0x0;
	v3 =	vld [tilespmem:s31+$0x7500]  }
0x404: {  	v56 =	vsel vm4, $0x3F800000, v6;
	v4 =	vmov s23;
	v5 =	vld [tilespmem:s31+$0x6500]  }
0x405: {  	v8 =	vperm.xlane v56, v4  }
0x406: {  	v60 =	vld [tilespmem:s31+$0x7D00]  }
0x407: {  	v61 =	vperm.xlane v47, v4;
	v2 =	vmul.f32 v2, v8;
	_ =	sdelay $0x1  }
0x408: {  	v62 =	vmul.f32 v61, v8;
	v3 =	vmul.f32 v3, v61;
	v2 =	vsub.f32 v5, v2  }
0x409: {  	vm4 =	vgt.u32 v54, v55  }
0x40a: {  	s26 =	simm.s32 $0xBD3;
	vm5 =	vmand vm3, vm4;
	v9 =	vmul.f32 v60, v62;
	v5 =	vpop (erf);
	v3 =	vsub.f32 v2, v3  }
0x40b: {  	v2 =	vnsel vm5, $0x0, v5;
	v5 =	vadd.s32 s26, v43  }
0x40c: {  	v4 =	vperm.xlane v2, v4;
	v3 =	vadd.f32 v9, v3;
	_ =	sdelay $0x1  }
0x40d: {  	v3 =	vmul.f32 v3, v4;
	_ =	sdelay $0x1  }
0x40e: {  	[tilespmem:v5+s21+$0x0] =	vst.idx.msk $0xffff, v3  }
0x40f: {  	v3 =	vld [tilespmem:s31+$0x6D10]  }
0x410: {  	v5 =	vld [tilespmem:s31+$0x7510]  }
0x411: {  	v63 =	vld [tilespmem:s31+$0x6510];
	_ =	sdelay $0x1  }
0x412: {  	v12 =	vld [tilespmem:s31+$0x7D10]  }
0x413: {  	v3 =	vmul.f32 v3, v8;
	_ =	sdelay $0x1  }
0x414: {  	v5 =	vmul.f32 v5, v61;
	v3 =	vsub.f32 v63, v3;
	_ =	sdelay $0x1  }
0x415: {  	v3 =	vsub.f32 v3, v5;
	v5 =	vmul.f32 v12, v62  }
0x416: {  	v54 =	vadd.s32 s26, v44  }
0x417: {  	v3 =	vadd.f32 v5, v3;
	_ =	sdelay $0x1  }
0x418: {  	s28 =	simm.s32 $0x400;
	s25 =	simm.s32 $0x200;
	s24 =	simm.s32 $0xC90;
	v55 =	vmul.f32 v3, v4  }
.LBB2_26:
0x419: {  	s29 =	sshra.s32 s25, $0x2  }
0x41a: {  	[tilespmem:v54+s21+$0x0] =	vst.idx.msk $0x1f, v55;
	s23 =	sadd.s32 $0x1, s23;
	s25 =	smov.u32 s28;
	s26 =	sadd.s32 $0x200, s28  }
0x41b: {  	p0 =	sne.s32 s28, $0x1E00;
	v3 =	vld [tilespmem:s29+$0x6D00]  }
0x41c: {  	v4 =	vld [tilespmem:s29+$0x7500]  }
0x41d: {  	v5 =	vmov s23;
	v8 =	vld [tilespmem:s29+$0x6500]  }
0x41e: {  	v9 =	vperm.xlane v56, v5  }
0x41f: {  	v10 =	vld [tilespmem:s29+$0x7D00]  }
0x420: {  	v11 =	vperm.xlane v47, v5;
	v3 =	vmul.f32 v3, v9;
	_ =	sdelay $0x1  }
0x421: {  	v12 =	vmul.f32 v11, v9;
	v4 =	vmul.f32 v4, v11;
	v3 =	vsub.f32 v8, v3;
	_ =	sdelay $0x1  }
0x422: {  	v3 =	vsub.f32 v3, v4;
	v4 =	vmul.f32 v10, v12  }
0x423: {  	v8 =	vadd.s32 s24, v43  }
0x424: {  	v5 =	vperm.xlane v2, v5;
	v3 =	vadd.f32 v4, v3;
	_ =	sdelay $0x1  }
0x425: {  	v3 =	vmul.f32 v3, v5;
	_ =	sdelay $0x1  }
0x426: {  	[tilespmem:v8+s21+$0x0] =	vst.idx.msk $0xffff, v3  }
0x427: {  	v3 =	vld [tilespmem:s29+$0x6D10]  }
0x428: {  	v4 =	vld [tilespmem:s29+$0x7510]  }
0x429: {  	v8 =	vld [tilespmem:s29+$0x6510]  }
0x42a: {  	v10 =	vld [tilespmem:s29+$0x7D10];
	_ =	sdelay $0x1  }
0x42b: {  	v3 =	vmul.f32 v3, v9;
	_ =	sdelay $0x1  }
0x42c: {  	v4 =	vmul.f32 v4, v11;
	v3 =	vsub.f32 v8, v3;
	_ =	sdelay $0x1  }
0x42d: {  	v3 =	vsub.f32 v3, v4;
	v4 =	vmul.f32 v10, v12  }
.Ltmp12:
0x42e: {  	v54 =	vadd.s32 s24, v44;
	(pc) =	sbr.rel @p0 .LBB2_26-.Ltmp12, $3  }
0x42f: {  	v3 =	vadd.f32 v4, v3;
	_ =	sdelay $0x1  }
0x430: {  	v55 =	vmul.f32 v3, v5  }
0x431: {  	s28 =	smov.u32 s26;
	s24 =	sadd.s32 $0xBD, s24  }
0x432: {  	_ =	sdelay $0x3  }
0x433: {  	s25 =	sshra.s32 s25, $0x2;
	[tilespmem:v54+s21+$0x0] =	vst.idx.msk $0x1f, v55  }
0x434: {  	v3 =	vld [tilespmem:s25+$0x6D00]  }
0x435: {  	s23 =	sadd.s32 $0x1, s23;
	v4 =	vld [tilespmem:s25+$0x7500]  }
0x436: {  	v5 =	vmov s23;
	v8 =	vld [tilespmem:s25+$0x6500]  }
0x437: {  	v9 =	vperm.xlane v56, v5  }
0x438: {  	v10 =	vld [tilespmem:s25+$0x7D00]  }
0x439: {  	v11 =	vperm.xlane v47, v5;
	v3 =	vmul.f32 v3, v9;
	_ =	sdelay $0x1  }
0x43a: {  	v12 =	vmul.f32 v11, v9;
	v4 =	vmul.f32 v4, v11;
	v3 =	vsub.f32 v8, v3;
	_ =	sdelay $0x1  }
0x43b: {  	v3 =	vsub.f32 v3, v4;
	v4 =	vmul.f32 v10, v12  }
0x43c: {  	v8 =	vadd.s32 s24, v43  }
0x43d: {  	v2 =	vperm.xlane v2, v5;
	v3 =	vadd.f32 v4, v3;
	_ =	sdelay $0x1  }
0x43e: {  	v3 =	vmul.f32 v3, v2;
	_ =	sdelay $0x1  }
0x43f: {  	[tilespmem:v8+s21+$0x0] =	vst.idx.msk $0xffff, v3  }
0x440: {  	v3 =	vld [tilespmem:s25+$0x6D10]  }
0x441: {  	v4 =	vld [tilespmem:s25+$0x7510]  }
0x442: {  	v8 =	vld [tilespmem:s25+$0x6510]  }
0x443: {  	v5 =	vmul.u32 v51, v57  }
0x444: {  	v59 =	vld [tilespmem:s25+$0x7D10]  }
0x445: {  	v5 =	vcvt.s32.f32 v5;
	v3 =	vmul.f32 v3, v9;
	_ =	sdelay $0x1  }
0x446: {  	v5 =	vmax.f32 v5, $1.000000000e+00;
	v4 =	vmul.f32 v4, v11;
	v3 =	vsub.f32 v8, v3  }
0x447: {  	(erf) = vrcp.f32 v5  }
0x448: {  	v3 =	vsub.f32 v3, v4;
	v4 =	vmul.f32 v59, v12;
	_ =	sdelay $0x1  }
0x449: {  	v3 =	vadd.f32 v4, v3  }
0x44a: {  	v5 =	vadd.s32 s24, v44  }
0x44b: {  	v2 =	vmul.f32 v3, v2;
	_ =	sdelay $0x3  }
0x44c: {  	[tilespmem:v5+s21+$0x0] =	vst.idx.msk $0x1f, v2;
	v2 =	vpop (erf)  }
0x44d: {  	_ =	swait.ge [sflag:s20], $0x4000  }
0x44e: {  	[sflag:s20] =	ssyncset.done $0x0  }
0x44f: {  	s31 =	simm.s32 $0x0;
	[sflag:s20] =	ssyncadd.s32 $0xFFFFC000  }
0x450: {  	v3 =	vld [tilespmem:s31+$0x8D15]  }
0x451: {  	s23 =	simm.s32 $0x0;
	v4 =	vld [tilespmem:s31+$0x9515]  }
0x452: {  	v5 =	vmov s23;
	v8 =	vld [tilespmem:s31+$0x8515]  }
0x453: {  	v60 =	vperm.xlane v56, v5  }
0x454: {  	v61 =	vld [tilespmem:s31+$0x9D15]  }
0x455: {  	v62 =	vperm.xlane v46, v5;
	v3 =	vmul.f32 v3, v60;
	_ =	sdelay $0x1  }
0x456: {  	v12 =	vmul.f32 v62, v60;
	v4 =	vmul.f32 v4, v62;
	v3 =	vsub.f32 v8, v3;
	_ =	sdelay $0x1  }
0x457: {  	vm5 =	vmand vm2, vm4;
	s26 =	simm.s32 $0xBD4;
	v3 =	vsub.f32 v3, v4;
	v4 =	vmul.f32 v61, v12  }
0x458: {  	v2 =	vnsel vm5, $0x0, v2;
	v8 =	vadd.s32 s26, v43  }
0x459: {  	v5 =	vperm.xlane v2, v5;
	v3 =	vadd.f32 v4, v3;
	_ =	sdelay $0x1  }
0x45a: {  	v3 =	vmul.f32 v3, v5;
	_ =	sdelay $0x1  }
0x45b: {  	[tilespmem:v8+s21+$0x0] =	vst.idx.msk $0xffff, v3  }
0x45c: {  	v3 =	vld [tilespmem:s31+$0x8D25]  }
0x45d: {  	v4 =	vld [tilespmem:s31+$0x9525]  }
0x45e: {  	v8 =	vld [tilespmem:s31+$0x8525];
	_ =	sdelay $0x1  }
0x45f: {  	v63 =	vld [tilespmem:s31+$0x9D25]  }
0x460: {  	v3 =	vmul.f32 v3, v60;
	_ =	sdelay $0x1  }
0x461: {  	v4 =	vmul.f32 v4, v62;
	v3 =	vsub.f32 v8, v3;
	_ =	sdelay $0x1  }
0x462: {  	v3 =	vsub.f32 v3, v4;
	v4 =	vmul.f32 v63, v12  }
0x463: {  	v54 =	vadd.s32 s26, v44  }
0x464: {  	v3 =	vadd.f32 v4, v3;
	_ =	sdelay $0x1  }
0x465: {  	s28 =	simm.s32 $0x400;
	s24 =	simm.s32 $0xC91;
	s25 =	simm.s32 $0x200;
	v55 =	vmul.f32 v3, v5  }
.LBB2_28:
0x466: {  	s29 =	sshra.s32 s25, $0x2  }
0x467: {  	[tilespmem:v54+s21+$0x0] =	vst.idx.msk $0x1f, v55;
	s23 =	sadd.s32 $0x1, s23;
	s25 =	smov.u32 s28;
	s26 =	sadd.s32 $0x200, s28  }
0x468: {  	p0 =	sne.s32 s28, $0x1E00;
	v3 =	vld [tilespmem:s29+$0x8D15]  }
0x469: {  	v4 =	vld [tilespmem:s29+$0x9515]  }
0x46a: {  	v5 =	vmov s23;
	v8 =	vld [tilespmem:s29+$0x8515]  }
0x46b: {  	v9 =	vperm.xlane v56, v5  }
0x46c: {  	v10 =	vld [tilespmem:s29+$0x9D15]  }
0x46d: {  	v11 =	vperm.xlane v46, v5;
	v3 =	vmul.f32 v3, v9;
	_ =	sdelay $0x1  }
0x46e: {  	v12 =	vmul.f32 v11, v9;
	v4 =	vmul.f32 v4, v11;
	v3 =	vsub.f32 v8, v3;
	_ =	sdelay $0x1  }
0x46f: {  	v3 =	vsub.f32 v3, v4;
	v4 =	vmul.f32 v10, v12  }
0x470: {  	v8 =	vadd.s32 s24, v43  }
0x471: {  	v5 =	vperm.xlane v2, v5;
	v3 =	vadd.f32 v4, v3;
	_ =	sdelay $0x1  }
0x472: {  	v3 =	vmul.f32 v3, v5;
	_ =	sdelay $0x1  }
0x473: {  	[tilespmem:v8+s21+$0x0] =	vst.idx.msk $0xffff, v3  }
0x474: {  	v3 =	vld [tilespmem:s29+$0x8D25]  }
0x475: {  	v4 =	vld [tilespmem:s29+$0x9525]  }
0x476: {  	v8 =	vld [tilespmem:s29+$0x8525]  }
0x477: {  	v10 =	vld [tilespmem:s29+$0x9D25];
	_ =	sdelay $0x1  }
0x478: {  	v3 =	vmul.f32 v3, v9;
	_ =	sdelay $0x1  }
0x479: {  	v4 =	vmul.f32 v4, v11;
	v3 =	vsub.f32 v8, v3;
	_ =	sdelay $0x1  }
0x47a: {  	v3 =	vsub.f32 v3, v4;
	v4 =	vmul.f32 v10, v12  }
.Ltmp13:
0x47b: {  	v54 =	vadd.s32 s24, v44;
	(pc) =	sbr.rel @p0 .LBB2_28-.Ltmp13, $3  }
0x47c: {  	v3 =	vadd.f32 v4, v3;
	_ =	sdelay $0x1  }
0x47d: {  	v55 =	vmul.f32 v3, v5  }
0x47e: {  	s28 =	smov.u32 s26;
	s24 =	sadd.s32 $0xBD, s24  }
0x47f: {  	_ =	sdelay $0x3  }
0x480: {  	s25 =	sshra.s32 s25, $0x2;
	[tilespmem:v54+s21+$0x0] =	vst.idx.msk $0x1f, v55  }
0x481: {  	v3 =	vld [tilespmem:s25+$0x8D15]  }
0x482: {  	s23 =	sadd.s32 $0x1, s23;
	v4 =	vld [tilespmem:s25+$0x9515]  }
0x483: {  	v5 =	vmov s23;
	v8 =	vld [tilespmem:s25+$0x8515]  }
0x484: {  	v9 =	vperm.xlane v56, v5  }
0x485: {  	v10 =	vld [tilespmem:s25+$0x9D15]  }
0x486: {  	v11 =	vperm.xlane v46, v5;
	v3 =	vmul.f32 v3, v9;
	_ =	sdelay $0x1  }
0x487: {  	v12 =	vmul.f32 v11, v9;
	v4 =	vmul.f32 v4, v11;
	v3 =	vsub.f32 v8, v3;
	_ =	sdelay $0x1  }
0x488: {  	v3 =	vsub.f32 v3, v4;
	v4 =	vmul.f32 v10, v12  }
0x489: {  	v8 =	vadd.s32 s24, v43  }
0x48a: {  	v2 =	vperm.xlane v2, v5;
	v3 =	vadd.f32 v4, v3;
	_ =	sdelay $0x1  }
0x48b: {  	v3 =	vmul.f32 v3, v2;
	_ =	sdelay $0x1  }
0x48c: {  	[tilespmem:v8+s21+$0x0] =	vst.idx.msk $0xffff, v3  }
0x48d: {  	v3 =	vld [tilespmem:s25+$0x8D25]  }
0x48e: {  	v4 =	vld [tilespmem:s25+$0x9525]  }
0x48f: {  	v5 =	vld [tilespmem:s25+$0x8525];
	_ =	sdelay $0x1  }
0x490: {  	v8 =	vld [tilespmem:s25+$0x9D25]  }
0x491: {  	v3 =	vmul.f32 v3, v9;
	_ =	sdelay $0x1  }
0x492: {  	v4 =	vmul.f32 v4, v11;
	v3 =	vsub.f32 v5, v3;
	_ =	sdelay $0x1  }
0x493: {  	v3 =	vsub.f32 v3, v4;
	v4 =	vmul.f32 v8, v12  }
0x494: {  	v5 =	vadd.s32 s24, v44  }
0x495: {  	v3 =	vadd.f32 v4, v3;
	v4 =	vmul.u32 v50, v57;
	_ =	sdelay $0x1  }
0x496: {  	v2 =	vmul.f32 v3, v2;
	v3 =	vcvt.s32.f32 v4;
	_ =	sdelay $0x1  }
0x497: {  	s31 =	simm.s32 $0x0;
	[tilespmem:v5+s21+$0x0] =	vst.idx.msk $0x1f, v2;
	v2 =	vmax.f32 v3, $1.000000000e+00  }
0x498: {  	(erf) = vrcp.f32 v2;
	v2 =	vld [tilespmem:s31+$0xAD2A]  }
0x499: {  	s23 =	simm.s32 $0x0;
	v3 =	vld [tilespmem:s31+$0xB52A]  }
0x49a: {  	v4 =	vmov s23;
	v5 =	vld [tilespmem:s31+$0xA52A]  }
0x49b: {  	v8 =	vperm.xlane v56, v4  }
0x49c: {  	v60 =	vld [tilespmem:s31+$0xBD2A]  }
0x49d: {  	v61 =	vperm.xlane v45, v4;
	v2 =	vmul.f32 v2, v8;
	_ =	sdelay $0x1  }
0x49e: {  	v62 =	vmul.f32 v61, v8;
	v3 =	vmul.f32 v3, v61;
	v2 =	vsub.f32 v5, v2;
	_ =	sdelay $0x1  }
0x49f: {  	vm4 =	vmand vm0, vm4;
	s26 =	simm.s32 $0xBD5;
	v9 =	vmul.f32 v60, v62;
	v5 =	vpop (erf);
	v3 =	vsub.f32 v2, v3  }
0x4a0: {  	v2 =	vnsel vm4, $0x0, v5;
	v5 =	vadd.s32 s26, v43  }
0x4a1: {  	v4 =	vperm.xlane v2, v4;
	v3 =	vadd.f32 v9, v3;
	_ =	sdelay $0x1  }
0x4a2: {  	v3 =	vmul.f32 v3, v4;
	_ =	sdelay $0x1  }
0x4a3: {  	[tilespmem:v5+s21+$0x0] =	vst.idx.msk $0xffff, v3  }
0x4a4: {  	v3 =	vld [tilespmem:s31+$0xAD3A]  }
0x4a5: {  	v5 =	vld [tilespmem:s31+$0xB53A]  }
0x4a6: {  	v63 =	vld [tilespmem:s31+$0xA53A];
	_ =	sdelay $0x1  }
0x4a7: {  	v12 =	vld [tilespmem:s31+$0xBD3A]  }
0x4a8: {  	v3 =	vmul.f32 v3, v8;
	_ =	sdelay $0x1  }
0x4a9: {  	v5 =	vmul.f32 v5, v61;
	v3 =	vsub.f32 v63, v3;
	_ =	sdelay $0x1  }
0x4aa: {  	v3 =	vsub.f32 v3, v5;
	v5 =	vmul.f32 v12, v62  }
0x4ab: {  	v54 =	vadd.s32 s26, v44  }
0x4ac: {  	v3 =	vadd.f32 v5, v3;
	_ =	sdelay $0x1  }
0x4ad: {  	s28 =	simm.s32 $0x400;
	s25 =	simm.s32 $0x200;
	s24 =	simm.s32 $0xC92;
	v55 =	vmul.f32 v3, v4  }
.LBB2_30:
0x4ae: {  	s29 =	sshra.s32 s25, $0x2  }
0x4af: {  	[tilespmem:v54+s21+$0x0] =	vst.idx.msk $0x1f, v55;
	s23 =	sadd.s32 $0x1, s23;
	s25 =	smov.u32 s28;
	s26 =	sadd.s32 $0x200, s28  }
0x4b0: {  	p0 =	sne.s32 s28, $0x1E00;
	v3 =	vld [tilespmem:s29+$0xAD2A]  }
0x4b1: {  	v4 =	vld [tilespmem:s29+$0xB52A]  }
0x4b2: {  	v5 =	vmov s23;
	v8 =	vld [tilespmem:s29+$0xA52A]  }
0x4b3: {  	v9 =	vperm.xlane v56, v5  }
0x4b4: {  	v10 =	vld [tilespmem:s29+$0xBD2A]  }
0x4b5: {  	v11 =	vperm.xlane v45, v5;
	v3 =	vmul.f32 v3, v9;
	_ =	sdelay $0x1  }
0x4b6: {  	v12 =	vmul.f32 v11, v9;
	v4 =	vmul.f32 v4, v11;
	v3 =	vsub.f32 v8, v3;
	_ =	sdelay $0x1  }
0x4b7: {  	v3 =	vsub.f32 v3, v4;
	v4 =	vmul.f32 v10, v12  }
0x4b8: {  	v8 =	vadd.s32 s24, v43  }
0x4b9: {  	v5 =	vperm.xlane v2, v5;
	v3 =	vadd.f32 v4, v3;
	_ =	sdelay $0x1  }
0x4ba: {  	v3 =	vmul.f32 v3, v5;
	_ =	sdelay $0x1  }
0x4bb: {  	[tilespmem:v8+s21+$0x0] =	vst.idx.msk $0xffff, v3  }
0x4bc: {  	v3 =	vld [tilespmem:s29+$0xAD3A]  }
0x4bd: {  	v4 =	vld [tilespmem:s29+$0xB53A]  }
0x4be: {  	v8 =	vld [tilespmem:s29+$0xA53A]  }
0x4bf: {  	v10 =	vld [tilespmem:s29+$0xBD3A];
	_ =	sdelay $0x1  }
0x4c0: {  	v3 =	vmul.f32 v3, v9;
	_ =	sdelay $0x1  }
0x4c1: {  	v4 =	vmul.f32 v4, v11;
	v3 =	vsub.f32 v8, v3;
	_ =	sdelay $0x1  }
0x4c2: {  	v3 =	vsub.f32 v3, v4;
	v4 =	vmul.f32 v10, v12  }
.Ltmp14:
0x4c3: {  	v54 =	vadd.s32 s24, v44;
	(pc) =	sbr.rel @p0 .LBB2_30-.Ltmp14, $3  }
0x4c4: {  	v3 =	vadd.f32 v4, v3;
	_ =	sdelay $0x1  }
0x4c5: {  	v55 =	vmul.f32 v3, v5  }
0x4c6: {  	s28 =	smov.u32 s26;
	s24 =	sadd.s32 $0xBD, s24  }
0x4c7: {  	_ =	sdelay $0x3  }
0x4c8: {  	s25 =	sshra.s32 s25, $0x2;
	[tilespmem:v54+s21+$0x0] =	vst.idx.msk $0x1f, v55  }
0x4c9: {  	v3 =	vld [tilespmem:s25+$0xAD2A]  }
0x4ca: {  	s23 =	sadd.s32 $0x1, s23;
	v4 =	vld [tilespmem:s25+$0xB52A]  }
0x4cb: {  	v5 =	vmov s23;
	v8 =	vld [tilespmem:s25+$0xA52A]  }
0x4cc: {  	v9 =	vperm.xlane v56, v5  }
0x4cd: {  	v10 =	vld [tilespmem:s25+$0xBD2A]  }
0x4ce: {  	v11 =	vperm.xlane v45, v5;
	v3 =	vmul.f32 v3, v9;
	_ =	sdelay $0x1  }
0x4cf: {  	v12 =	vmul.f32 v11, v9;
	v4 =	vmul.f32 v4, v11;
	v3 =	vsub.f32 v8, v3;
	_ =	sdelay $0x1  }
0x4d0: {  	v3 =	vsub.f32 v3, v4;
	v4 =	vmul.f32 v10, v12  }
0x4d1: {  	v8 =	vadd.s32 s24, v43  }
0x4d2: {  	v2 =	vperm.xlane v2, v5;
	v3 =	vadd.f32 v4, v3;
	_ =	sdelay $0x1  }
0x4d3: {  	v3 =	vmul.f32 v3, v2;
	_ =	sdelay $0x1  }
0x4d4: {  	[tilespmem:v8+s21+$0x0] =	vst.idx.msk $0xffff, v3  }
0x4d5: {  	v3 =	vld [tilespmem:s25+$0xAD3A]  }
0x4d6: {  	v4 =	vld [tilespmem:s25+$0xB53A]  }
0x4d7: {  	v54 =	vsub.s32 v52, v49;
	v8 =	vld [tilespmem:s25+$0xA53A]  }
0x4d8: {  	v5 =	vmul.u32 v53, v54  }
0x4d9: {  	v59 =	vld [tilespmem:s25+$0xBD3A]  }
0x4da: {  	v5 =	vcvt.s32.f32 v5;
	v3 =	vmul.f32 v3, v9;
	_ =	sdelay $0x1  }
0x4db: {  	v5 =	vmax.f32 v5, $1.000000000e+00;
	v4 =	vmul.f32 v4, v11;
	v3 =	vsub.f32 v8, v3  }
0x4dc: {  	(erf) = vrcp.f32 v5  }
0x4dd: {  	v3 =	vsub.f32 v3, v4;
	v4 =	vmul.f32 v59, v12;
	_ =	sdelay $0x1  }
0x4de: {  	v3 =	vadd.f32 v4, v3  }
0x4df: {  	v5 =	vadd.s32 s24, v44  }
0x4e0: {  	v2 =	vmul.f32 v3, v2;
	_ =	sdelay $0x3  }
0x4e1: {  	[tilespmem:v5+s21+$0x0] =	vst.idx.msk $0x1f, v2;
	v2 =	vpop (erf)  }
0x4e2: {  	_ =	swait.ge [sflag:s20], $0x4000  }
0x4e3: {  	[sflag:s20] =	ssyncset.done $0x0  }
0x4e4: {  	s31 =	simm.s32 $0x0;
	[sflag:s20] =	ssyncadd.s32 $0xFFFFC000  }
0x4e5: {  	v3 =	vld [tilespmem:s31+$0xCD00]  }
0x4e6: {  	s23 =	simm.s32 $0x0;
	v4 =	vld [tilespmem:s31+$0xD500]  }
0x4e7: {  	v52 =	vsel vm1, $0x3F800000, v6;
	v5 =	vmov s23;
	v8 =	vld [tilespmem:s31+$0xC500]  }
0x4e8: {  	v60 =	vperm.xlane v52, v5  }
0x4e9: {  	v61 =	vld [tilespmem:s31+$0xDD00]  }
0x4ea: {  	v62 =	vperm.xlane v47, v5;
	v3 =	vmul.f32 v3, v60;
	_ =	sdelay $0x1  }
0x4eb: {  	v12 =	vmul.f32 v62, v60;
	v4 =	vmul.f32 v4, v62;
	v3 =	vsub.f32 v8, v3  }
0x4ec: {  	vm1 =	vgt.u32 v48, v49  }
0x4ed: {  	s26 =	simm.s32 $0xBD6;
	vm3 =	vmand vm3, vm1;
	v3 =	vsub.f32 v3, v4;
	v4 =	vmul.f32 v61, v12  }
0x4ee: {  	v2 =	vnsel vm3, $0x0, v2;
	v8 =	vadd.s32 s26, v43  }
0x4ef: {  	v5 =	vperm.xlane v2, v5;
	v3 =	vadd.f32 v4, v3;
	_ =	sdelay $0x1  }
0x4f0: {  	v3 =	vmul.f32 v3, v5;
	_ =	sdelay $0x1  }
0x4f1: {  	[tilespmem:v8+s21+$0x0] =	vst.idx.msk $0xffff, v3  }
0x4f2: {  	v3 =	vld [tilespmem:s31+$0xCD10]  }
0x4f3: {  	v4 =	vld [tilespmem:s31+$0xD510]  }
0x4f4: {  	v8 =	vld [tilespmem:s31+$0xC510];
	_ =	sdelay $0x1  }
0x4f5: {  	v63 =	vld [tilespmem:s31+$0xDD10]  }
0x4f6: {  	v3 =	vmul.f32 v3, v60;
	_ =	sdelay $0x1  }
0x4f7: {  	v4 =	vmul.f32 v4, v62;
	v3 =	vsub.f32 v8, v3;
	_ =	sdelay $0x1  }
0x4f8: {  	v3 =	vsub.f32 v3, v4;
	v4 =	vmul.f32 v63, v12  }
0x4f9: {  	v48 =	vadd.s32 s26, v44  }
0x4fa: {  	v3 =	vadd.f32 v4, v3;
	_ =	sdelay $0x1  }
0x4fb: {  	s28 =	simm.s32 $0x400;
	s24 =	simm.s32 $0xC93;
	s25 =	simm.s32 $0x200;
	v49 =	vmul.f32 v3, v5  }
.LBB2_32:
0x4fc: {  	s29 =	sshra.s32 s25, $0x2  }
0x4fd: {  	[tilespmem:v48+s21+$0x0] =	vst.idx.msk $0x1f, v49;
	s23 =	sadd.s32 $0x1, s23;
	s25 =	smov.u32 s28;
	s26 =	sadd.s32 $0x200, s28  }
0x4fe: {  	p0 =	sne.s32 s28, $0x1E00;
	v3 =	vld [tilespmem:s29+$0xCD00]  }
0x4ff: {  	v4 =	vld [tilespmem:s29+$0xD500]  }
0x500: {  	v5 =	vmov s23;
	v8 =	vld [tilespmem:s29+$0xC500]  }
0x501: {  	v9 =	vperm.xlane v52, v5  }
0x502: {  	v10 =	vld [tilespmem:s29+$0xDD00]  }
0x503: {  	v11 =	vperm.xlane v47, v5;
	v3 =	vmul.f32 v3, v9;
	_ =	sdelay $0x1  }
0x504: {  	v12 =	vmul.f32 v11, v9;
	v4 =	vmul.f32 v4, v11;
	v3 =	vsub.f32 v8, v3;
	_ =	sdelay $0x1  }
0x505: {  	v3 =	vsub.f32 v3, v4;
	v4 =	vmul.f32 v10, v12  }
0x506: {  	v8 =	vadd.s32 s24, v43  }
0x507: {  	v5 =	vperm.xlane v2, v5;
	v3 =	vadd.f32 v4, v3;
	_ =	sdelay $0x1  }
0x508: {  	v3 =	vmul.f32 v3, v5;
	_ =	sdelay $0x1  }
0x509: {  	[tilespmem:v8+s21+$0x0] =	vst.idx.msk $0xffff, v3  }
0x50a: {  	v3 =	vld [tilespmem:s29+$0xCD10]  }
0x50b: {  	v4 =	vld [tilespmem:s29+$0xD510]  }
0x50c: {  	v8 =	vld [tilespmem:s29+$0xC510]  }
0x50d: {  	v10 =	vld [tilespmem:s29+$0xDD10];
	_ =	sdelay $0x1  }
0x50e: {  	v3 =	vmul.f32 v3, v9;
	_ =	sdelay $0x1  }
0x50f: {  	v4 =	vmul.f32 v4, v11;
	v3 =	vsub.f32 v8, v3;
	_ =	sdelay $0x1  }
0x510: {  	v3 =	vsub.f32 v3, v4;
	v4 =	vmul.f32 v10, v12  }
.Ltmp15:
0x511: {  	v48 =	vadd.s32 s24, v44;
	(pc) =	sbr.rel @p0 .LBB2_32-.Ltmp15, $3  }
0x512: {  	v3 =	vadd.f32 v4, v3;
	_ =	sdelay $0x1  }
0x513: {  	v49 =	vmul.f32 v3, v5  }
0x514: {  	s28 =	smov.u32 s26;
	s24 =	sadd.s32 $0xBD, s24  }
0x515: {  	_ =	sdelay $0x3  }
0x516: {  	s25 =	sshra.s32 s25, $0x2;
	[tilespmem:v48+s21+$0x0] =	vst.idx.msk $0x1f, v49  }
0x517: {  	v3 =	vld [tilespmem:s25+$0xCD00]  }
0x518: {  	s23 =	sadd.s32 $0x1, s23;
	v4 =	vld [tilespmem:s25+$0xD500]  }
0x519: {  	v5 =	vmov s23;
	v8 =	vld [tilespmem:s25+$0xC500]  }
0x51a: {  	v9 =	vperm.xlane v52, v5  }
0x51b: {  	v10 =	vld [tilespmem:s25+$0xDD00]  }
0x51c: {  	v11 =	vperm.xlane v47, v5;
	v3 =	vmul.f32 v3, v9;
	_ =	sdelay $0x1  }
0x51d: {  	v12 =	vmul.f32 v11, v9;
	v4 =	vmul.f32 v4, v11;
	v3 =	vsub.f32 v8, v3;
	_ =	sdelay $0x1  }
0x51e: {  	v3 =	vsub.f32 v3, v4;
	v4 =	vmul.f32 v10, v12  }
0x51f: {  	v8 =	vadd.s32 s24, v43  }
0x520: {  	v2 =	vperm.xlane v2, v5;
	v3 =	vadd.f32 v4, v3;
	_ =	sdelay $0x1  }
0x521: {  	v3 =	vmul.f32 v3, v2;
	_ =	sdelay $0x1  }
0x522: {  	[tilespmem:v8+s21+$0x0] =	vst.idx.msk $0xffff, v3  }
0x523: {  	v3 =	vld [tilespmem:s25+$0xCD10]  }
0x524: {  	v4 =	vld [tilespmem:s25+$0xD510]  }
0x525: {  	v5 =	vld [tilespmem:s25+$0xC510];
	_ =	sdelay $0x1  }
0x526: {  	v8 =	vld [tilespmem:s25+$0xDD10]  }
0x527: {  	v3 =	vmul.f32 v3, v9;
	_ =	sdelay $0x1  }
0x528: {  	v4 =	vmul.f32 v4, v11;
	v3 =	vsub.f32 v5, v3;
	_ =	sdelay $0x1  }
0x529: {  	v3 =	vsub.f32 v3, v4;
	v4 =	vmul.f32 v8, v12  }
0x52a: {  	v5 =	vadd.s32 s24, v44  }
0x52b: {  	v3 =	vadd.f32 v4, v3;
	v4 =	vmul.u32 v51, v54;
	_ =	sdelay $0x1  }
0x52c: {  	v2 =	vmul.f32 v3, v2;
	v3 =	vcvt.s32.f32 v4;
	_ =	sdelay $0x1  }
0x52d: {  	s31 =	simm.s32 $0x0;
	[tilespmem:v5+s21+$0x0] =	vst.idx.msk $0x1f, v2;
	v2 =	vmax.f32 v3, $1.000000000e+00  }
0x52e: {  	(erf) = vrcp.f32 v2;
	v2 =	vld [tilespmem:s31+$0xED15]  }
0x52f: {  	s23 =	simm.s32 $0x0;
	v3 =	vld [tilespmem:s31+$0xF515]  }
0x530: {  	v4 =	vmov s23;
	v5 =	vld [tilespmem:s31+$0xE515]  }
0x531: {  	v8 =	vperm.xlane v52, v4  }
0x532: {  	v60 =	vld [tilespmem:s31+$0xFD15]  }
0x533: {  	v61 =	vperm.xlane v46, v4;
	v2 =	vmul.f32 v2, v8;
	_ =	sdelay $0x1  }
0x534: {  	v62 =	vmul.f32 v61, v8;
	v3 =	vmul.f32 v3, v61;
	v2 =	vsub.f32 v5, v2;
	_ =	sdelay $0x1  }
0x535: {  	vm2 =	vmand vm2, vm1;
	s26 =	simm.s32 $0xBD7;
	v9 =	vmul.f32 v60, v62;
	v5 =	vpop (erf);
	v3 =	vsub.f32 v2, v3  }
0x536: {  	v2 =	vnsel vm2, $0x0, v5;
	v5 =	vadd.s32 s26, v43  }
0x537: {  	v4 =	vperm.xlane v2, v4;
	v3 =	vadd.f32 v9, v3;
	_ =	sdelay $0x1  }
0x538: {  	v3 =	vmul.f32 v3, v4;
	_ =	sdelay $0x1  }
0x539: {  	[tilespmem:v5+s21+$0x0] =	vst.idx.msk $0xffff, v3  }
0x53a: {  	v3 =	vld [tilespmem:s31+$0xED25]  }
0x53b: {  	v5 =	vld [tilespmem:s31+$0xF525]  }
0x53c: {  	v63 =	vld [tilespmem:s31+$0xE525];
	_ =	sdelay $0x1  }
0x53d: {  	v12 =	vld [tilespmem:s31+$0xFD25]  }
0x53e: {  	v3 =	vmul.f32 v3, v8;
	_ =	sdelay $0x1  }
0x53f: {  	v5 =	vmul.f32 v5, v61;
	v3 =	vsub.f32 v63, v3;
	_ =	sdelay $0x1  }
0x540: {  	v3 =	vsub.f32 v3, v5;
	v5 =	vmul.f32 v12, v62  }
0x541: {  	v47 =	vadd.s32 s26, v44  }
0x542: {  	v3 =	vadd.f32 v5, v3;
	_ =	sdelay $0x1  }
0x543: {  	s28 =	simm.s32 $0x400;
	s25 =	simm.s32 $0x200;
	s24 =	simm.s32 $0xC94;
	v48 =	vmul.f32 v3, v4  }
.LBB2_34:
0x544: {  	s29 =	sshra.s32 s25, $0x2  }
0x545: {  	[tilespmem:v47+s21+$0x0] =	vst.idx.msk $0x1f, v48;
	s23 =	sadd.s32 $0x1, s23;
	s25 =	smov.u32 s28;
	s26 =	sadd.s32 $0x200, s28  }
0x546: {  	p0 =	sne.s32 s28, $0x1E00;
	v3 =	vld [tilespmem:s29+$0xED15]  }
0x547: {  	v4 =	vld [tilespmem:s29+$0xF515]  }
0x548: {  	v5 =	vmov s23;
	v8 =	vld [tilespmem:s29+$0xE515]  }
0x549: {  	v9 =	vperm.xlane v52, v5  }
0x54a: {  	v10 =	vld [tilespmem:s29+$0xFD15]  }
0x54b: {  	v11 =	vperm.xlane v46, v5;
	v3 =	vmul.f32 v3, v9;
	_ =	sdelay $0x1  }
0x54c: {  	v12 =	vmul.f32 v11, v9;
	v4 =	vmul.f32 v4, v11;
	v3 =	vsub.f32 v8, v3;
	_ =	sdelay $0x1  }
0x54d: {  	v3 =	vsub.f32 v3, v4;
	v4 =	vmul.f32 v10, v12  }
0x54e: {  	v8 =	vadd.s32 s24, v43  }
0x54f: {  	v5 =	vperm.xlane v2, v5;
	v3 =	vadd.f32 v4, v3;
	_ =	sdelay $0x1  }
0x550: {  	v3 =	vmul.f32 v3, v5;
	_ =	sdelay $0x1  }
0x551: {  	[tilespmem:v8+s21+$0x0] =	vst.idx.msk $0xffff, v3  }
0x552: {  	v3 =	vld [tilespmem:s29+$0xED25]  }
0x553: {  	v4 =	vld [tilespmem:s29+$0xF525]  }
0x554: {  	v8 =	vld [tilespmem:s29+$0xE525]  }
0x555: {  	v10 =	vld [tilespmem:s29+$0xFD25];
	_ =	sdelay $0x1  }
0x556: {  	v3 =	vmul.f32 v3, v9;
	_ =	sdelay $0x1  }
0x557: {  	v4 =	vmul.f32 v4, v11;
	v3 =	vsub.f32 v8, v3;
	_ =	sdelay $0x1  }
0x558: {  	v3 =	vsub.f32 v3, v4;
	v4 =	vmul.f32 v10, v12  }
.Ltmp16:
0x559: {  	v47 =	vadd.s32 s24, v44;
	(pc) =	sbr.rel @p0 .LBB2_34-.Ltmp16, $3  }
0x55a: {  	v3 =	vadd.f32 v4, v3;
	_ =	sdelay $0x1  }
0x55b: {  	v48 =	vmul.f32 v3, v5  }
0x55c: {  	s28 =	smov.u32 s26;
	s24 =	sadd.s32 $0xBD, s24  }
0x55d: {  	_ =	sdelay $0x3  }
0x55e: {  	s25 =	sshra.s32 s25, $0x2;
	[tilespmem:v47+s21+$0x0] =	vst.idx.msk $0x1f, v48  }
0x55f: {  	v3 =	vld [tilespmem:s25+$0xED15]  }
0x560: {  	s23 =	sadd.s32 $0x1, s23;
	v4 =	vld [tilespmem:s25+$0xF515]  }
0x561: {  	v5 =	vmov s23;
	v8 =	vld [tilespmem:s25+$0xE515]  }
0x562: {  	v9 =	vperm.xlane v52, v5  }
0x563: {  	v10 =	vld [tilespmem:s25+$0xFD15]  }
0x564: {  	v11 =	vperm.xlane v46, v5;
	v3 =	vmul.f32 v3, v9;
	_ =	sdelay $0x1  }
0x565: {  	v12 =	vmul.f32 v11, v9;
	v4 =	vmul.f32 v4, v11;
	v3 =	vsub.f32 v8, v3;
	_ =	sdelay $0x1  }
0x566: {  	v3 =	vsub.f32 v3, v4;
	v4 =	vmul.f32 v10, v12  }
0x567: {  	v8 =	vadd.s32 s24, v43  }
0x568: {  	v2 =	vperm.xlane v2, v5;
	v3 =	vadd.f32 v4, v3;
	_ =	sdelay $0x1  }
0x569: {  	v3 =	vmul.f32 v3, v2;
	_ =	sdelay $0x1  }
0x56a: {  	[tilespmem:v8+s21+$0x0] =	vst.idx.msk $0xffff, v3  }
0x56b: {  	v3 =	vld [tilespmem:s25+$0xED25]  }
0x56c: {  	v4 =	vld [tilespmem:s25+$0xF525]  }
0x56d: {  	v8 =	vld [tilespmem:s25+$0xE525]  }
0x56e: {  	v5 =	vmul.u32 v50, v54  }
0x56f: {  	v59 =	vld [tilespmem:s25+$0xFD25]  }
0x570: {  	v5 =	vcvt.s32.f32 v5;
	v3 =	vmul.f32 v3, v9;
	_ =	sdelay $0x1  }
0x571: {  	v5 =	vmax.f32 v5, $1.000000000e+00;
	v4 =	vmul.f32 v4, v11;
	v3 =	vsub.f32 v8, v3  }
0x572: {  	(erf) = vrcp.f32 v5  }
0x573: {  	v3 =	vsub.f32 v3, v4;
	v4 =	vmul.f32 v59, v12;
	_ =	sdelay $0x1  }
0x574: {  	v3 =	vadd.f32 v4, v3  }
0x575: {  	v5 =	vadd.s32 s24, v44  }
0x576: {  	v2 =	vmul.f32 v3, v2;
	_ =	sdelay $0x3  }
0x577: {  	[tilespmem:v5+s21+$0x0] =	vst.idx.msk $0x1f, v2;
	v2 =	vpop (erf)  }
0x578: {  	_ =	swait.ge [sflag:s20], $0x2000  }
0x579: {  	[sflag:s20] =	ssyncset.done $0x0  }
0x57a: {  	s31 =	simm.s32 $0x0;
	[sflag:s20] =	ssyncadd.s32 $0xFFFFE000  }
0x57b: {  	v3 =	vld [tilespmem:s31+$0x10D2A]  }
0x57c: {  	s23 =	simm.s32 $0x0;
	v4 =	vld [tilespmem:s31+$0x1152A]  }
0x57d: {  	v5 =	vmov s23;
	v8 =	vld [tilespmem:s31+$0x1052A]  }
0x57e: {  	v60 =	vperm.xlane v52, v5  }
0x57f: {  	v61 =	vld [tilespmem:s31+$0x11D2A]  }
0x580: {  	v62 =	vperm.xlane v45, v5;
	v3 =	vmul.f32 v3, v60;
	_ =	sdelay $0x1  }
0x581: {  	v12 =	vmul.f32 v62, v60;
	v4 =	vmul.f32 v4, v62;
	v3 =	vsub.f32 v8, v3;
	_ =	sdelay $0x1  }
0x582: {  	vm0 =	vmand vm0, vm1;
	s26 =	simm.s32 $0xBD8;
	v3 =	vsub.f32 v3, v4;
	v4 =	vmul.f32 v61, v12  }
0x583: {  	v2 =	vnsel vm0, $0x0, v2;
	v8 =	vadd.s32 s26, v43  }
0x584: {  	v5 =	vperm.xlane v2, v5;
	v3 =	vadd.f32 v4, v3;
	_ =	sdelay $0x1  }
0x585: {  	v3 =	vmul.f32 v3, v5;
	_ =	sdelay $0x1  }
0x586: {  	[tilespmem:v8+s21+$0x0] =	vst.idx.msk $0xffff, v3  }
0x587: {  	v3 =	vld [tilespmem:s31+$0x10D3A]  }
0x588: {  	v4 =	vld [tilespmem:s31+$0x1153A]  }
0x589: {  	v8 =	vld [tilespmem:s31+$0x1053A];
	_ =	sdelay $0x1  }
0x58a: {  	v63 =	vld [tilespmem:s31+$0x11D3A]  }
0x58b: {  	v3 =	vmul.f32 v3, v60;
	_ =	sdelay $0x1  }
0x58c: {  	v4 =	vmul.f32 v4, v62;
	v3 =	vsub.f32 v8, v3;
	_ =	sdelay $0x1  }
0x58d: {  	v3 =	vsub.f32 v3, v4;
	v4 =	vmul.f32 v63, v12  }
0x58e: {  	v46 =	vadd.s32 s26, v44  }
0x58f: {  	v3 =	vadd.f32 v4, v3;
	_ =	sdelay $0x1  }
0x590: {  	s28 =	simm.s32 $0x400;
	s24 =	simm.s32 $0xC95;
	s25 =	simm.s32 $0x200;
	v47 =	vmul.f32 v3, v5  }
.LBB2_36:
0x591: {  	s29 =	sshra.s32 s25, $0x2  }
0x592: {  	[tilespmem:v46+s21+$0x0] =	vst.idx.msk $0x1f, v47;
	s23 =	sadd.s32 $0x1, s23;
	s25 =	smov.u32 s28;
	s26 =	sadd.s32 $0x200, s28  }
0x593: {  	p0 =	sne.s32 s28, $0x1E00;
	v3 =	vld [tilespmem:s29+$0x10D2A]  }
0x594: {  	v4 =	vld [tilespmem:s29+$0x1152A]  }
0x595: {  	v5 =	vmov s23;
	v8 =	vld [tilespmem:s29+$0x1052A]  }
0x596: {  	v9 =	vperm.xlane v52, v5  }
0x597: {  	v10 =	vld [tilespmem:s29+$0x11D2A]  }
0x598: {  	v11 =	vperm.xlane v45, v5;
	v3 =	vmul.f32 v3, v9;
	_ =	sdelay $0x1  }
0x599: {  	v12 =	vmul.f32 v11, v9;
	v4 =	vmul.f32 v4, v11;
	v3 =	vsub.f32 v8, v3;
	_ =	sdelay $0x1  }
0x59a: {  	v3 =	vsub.f32 v3, v4;
	v4 =	vmul.f32 v10, v12  }
0x59b: {  	v8 =	vadd.s32 s24, v43  }
0x59c: {  	v5 =	vperm.xlane v2, v5;
	v3 =	vadd.f32 v4, v3;
	_ =	sdelay $0x1  }
0x59d: {  	v3 =	vmul.f32 v3, v5;
	_ =	sdelay $0x1  }
0x59e: {  	[tilespmem:v8+s21+$0x0] =	vst.idx.msk $0xffff, v3  }
0x59f: {  	v3 =	vld [tilespmem:s29+$0x10D3A]  }
0x5a0: {  	v4 =	vld [tilespmem:s29+$0x1153A]  }
0x5a1: {  	v8 =	vld [tilespmem:s29+$0x1053A]  }
0x5a2: {  	v10 =	vld [tilespmem:s29+$0x11D3A];
	_ =	sdelay $0x1  }
0x5a3: {  	v3 =	vmul.f32 v3, v9;
	_ =	sdelay $0x1  }
0x5a4: {  	v4 =	vmul.f32 v4, v11;
	v3 =	vsub.f32 v8, v3;
	_ =	sdelay $0x1  }
0x5a5: {  	v3 =	vsub.f32 v3, v4;
	v4 =	vmul.f32 v10, v12  }
.Ltmp17:
0x5a6: {  	v46 =	vadd.s32 s24, v44;
	(pc) =	sbr.rel @p0 .LBB2_36-.Ltmp17, $3  }
0x5a7: {  	v3 =	vadd.f32 v4, v3;
	_ =	sdelay $0x1  }
0x5a8: {  	v47 =	vmul.f32 v3, v5  }
0x5a9: {  	s28 =	smov.u32 s26;
	s24 =	sadd.s32 $0xBD, s24  }
0x5aa: {  	_ =	sdelay $0x3  }
0x5ab: {  	s25 =	sshra.s32 s25, $0x2;
	[tilespmem:v46+s21+$0x0] =	vst.idx.msk $0x1f, v47  }
0x5ac: {  	v3 =	vld [tilespmem:s25+$0x10D2A]  }
0x5ad: {  	s23 =	sadd.s32 $0x1, s23;
	v4 =	vld [tilespmem:s25+$0x1152A]  }
0x5ae: {  	v5 =	vmov s23;
	v8 =	vld [tilespmem:s25+$0x1052A]  }
0x5af: {  	v9 =	vperm.xlane v52, v5  }
0x5b0: {  	v10 =	vld [tilespmem:s25+$0x11D2A]  }
0x5b1: {  	v11 =	vperm.xlane v45, v5;
	v3 =	vmul.f32 v3, v9;
	_ =	sdelay $0x1  }
0x5b2: {  	v12 =	vmul.f32 v11, v9;
	v4 =	vmul.f32 v4, v11;
	v3 =	vsub.f32 v8, v3;
	_ =	sdelay $0x1  }
0x5b3: {  	v3 =	vsub.f32 v3, v4;
	v4 =	vmul.f32 v10, v12  }
0x5b4: {  	v8 =	vadd.s32 s24, v43  }
0x5b5: {  	v2 =	vperm.xlane v2, v5;
	v3 =	vadd.f32 v4, v3;
	_ =	sdelay $0x1  }
0x5b6: {  	v3 =	vmul.f32 v3, v2;
	_ =	sdelay $0x1  }
0x5b7: {  	[tilespmem:v8+s21+$0x0] =	vst.idx.msk $0xffff, v3  }
0x5b8: {  	v3 =	vld [tilespmem:s25+$0x10D3A]  }
0x5b9: {  	v4 =	vld [tilespmem:s25+$0x1153A]  }
0x5ba: {  	v5 =	vld [tilespmem:s25+$0x1053A];
	_ =	sdelay $0x1  }
0x5bb: {  	v8 =	vld [tilespmem:s25+$0x11D3A]  }
0x5bc: {  	v3 =	vmul.f32 v3, v9;
	_ =	sdelay $0x1  }
0x5bd: {  	v4 =	vmul.f32 v4, v11;
	v3 =	vsub.f32 v5, v3;
	_ =	sdelay $0x1  }
0x5be: {  	v3 =	vsub.f32 v3, v4;
	v4 =	vmul.f32 v8, v12  }
0x5bf: {  	v5 =	vadd.s32 s24, v44  }
0x5c0: {  	v3 =	vadd.f32 v4, v3;
	_ =	sdelay $0x1  }
0x5c1: {  	s22 =	sadd.s32 $0x1, s22;
	v2 =	vmul.f32 v3, v2  }
0x5c2: {  	p0 =	sne.s32 s22, s6  }
.Ltmp18:
0x5c3: {  	[tilespmem:v5+s21+$0x0] =	vst.idx.msk $0x1f, v2;
	(pc) =	sbr.rel @p0 .LBB2_1-.Ltmp18, $4  }
0x5c4: {  	[hbm4b:s5+s2] =	stream.linear.scatter [tilespmem:s21], [sflag:$0x2], $0x17A0, $0x38;
	[tilespmem:$0x13D00] =	vst v63  }
0x5c5: {  	_ =	swait.ge [sflag:s7], $0x17A0  }
0x5c6: {  	[sflag:s7] =	ssyncset.done $0x0  }
0x5c7: {  	[sflag:s7] =	ssyncadd.s32 $0xFFFFE860  }
0x5c8: {  	_ =	sfence.sel $0x180000  }
0x5c9: {  	[bflag:$0x0] =	sbarrier.arrive $0xFFFF  }
0x5ca: {  	p0 =	sne.s32 s0, $0x0;
	_ =	strace $0x90000047  }
0x5cb: {  	s0 =	sadd.s32 @!p0 $0x100000, s1;
	[bflag:$0x2] =	sbarrier.arrive $0xFFFF  }
0x5cc: {  	[sflag:s0] =	ssyncadd.tile.s32 @!p0 $0x1;
	_ =	shalt  }
.Lfunc_end2:
_tile_overlayer_lowered:
.L_overlay_start_2:
0x5cd: {  	(tag) =	ssettag $0x2  }
0x5ce: {  	s0 =	rddreg [dreg:$0x0];
	s2 =	stileid.u32  }
0x5cf: {  	s1 =	rddreg [dreg:$0x1];
	p0 =	sne.s32 s2, $0x0  }
0x5d0: {  	s3 =	rddreg [dreg:$0x2];
	[bflag:$0x3] =	sbarrier.arrive $0xFFFF;
	s2 =	simm.s32 @!p0 $0x1C02  }
0x5d1: {  	[timem:s3], [sflag:s2] =	dma.local @!p0 [hbm:s0], s1  }
0x5d2: {  	s0 =	simm.s32 @!p0 $0x2  }
0x5d3: {  	_ =	swait.ge @!p0 [sflag:s0], s1  }
0x5d4: {  	s1 =	ssub.s32 @!p0 $0x0, s1;
	[sflag:s0] =	ssyncset.done @!p0 $0x0  }
0x5d5: {  	[sflag:s0] =	ssyncadd.s32 @!p0 s1  }
0x5d6: {  	[bflag:$0x3] =	sbarrier.arrive $0xFFFF  }
0x5d7: {  	_ =	shalt  }

</sc_bundles>
